<compile_context>
chip_gen: v7x
topology: tpu7x:2x2x1
jax: 0.10.2.dev20260603
libtpu: 0.0.44.dev20260713+nightly
codegen_flags: <defaults>
</compile_context>

<pallas_src>
import functools

import jax
import jax.numpy as jnp
from jax import lax
from jax.experimental import pallas as pl
from jax.experimental.pallas import tpu as pltpu
from jax.experimental.pallas import tpu_sc as plsc

NC = 2
NS = 16
CH = 64


def _segsum_kernel(np_rows, d, rows_per_tile, src_base, dst_base):
    npt = np_rows // NS
    mesh = plsc.VectorSubcoreMesh(core_axis_name="c", subcore_axis_name="s")

    NB = 5

    @functools.partial(
        pl.kernel,
        out_type=[jax.ShapeDtypeStruct((np_rows, d), jnp.float32),
                  jax.ShapeDtypeStruct((np_rows, d), jnp.float32)],
        mesh=mesh,
        scratch_types=[
            pltpu.VMEM((2, 8, CH), jnp.int32),
            pltpu.VMEM((2, 8, CH), jnp.int32),
            pltpu.VMEM((NB, CH, d), jnp.float32),
            pltpu.VMEM_SHARED((np_rows, d), jnp.float32),
            pltpu.SemaphoreType.DMA,
            pltpu.SemaphoreType.DMA,
            pltpu.SemaphoreType.DMA,
        ],
    )
    def seg(t0_hbm, t1_hbm, src2_hbm, dst2_hbm, zeros_hbm,
            out0_hbm, out1_hbm, src_v, dst_v, rows_v, accum,
            sem_g, sem_s, sem_i):
        cid = lax.axis_index("c")
        sid = lax.axis_index("s")
        pltpu.sync_copy(zeros_hbm, accum.at[pl.ds(sid * npt, npt)])
        plsc.subcore_barrier()

        ngroups = rows_per_tile // 8
        src0 = src_base(cid, sid)
        dst0 = dst_base(cid, sid)

        def run(table_hbm):
            pltpu.sync_copy(src2_hbm.at[pl.ds(src0, 8)], src_v.at[0])
            pltpu.sync_copy(dst2_hbm.at[pl.ds(dst0, 8)], dst_v.at[0])

            def body(j, carry):
                cur = lax.rem(j, 2)
                jn = jnp.minimum(j + 1, ngroups - 1)
                st_s = pltpu.async_copy(
                    src2_hbm.at[pl.ds(src0 + jn * 8, 8)],
                    src_v.at[1 - cur], sem_i)
                st_d = pltpu.async_copy(
                    dst2_hbm.at[pl.ds(dst0 + jn * 8, 8)],
                    dst_v.at[1 - cur], sem_i)
                gat = [pltpu.async_copy(table_hbm.at[src_v.at[cur, g]],
                                        rows_v.at[g], sem_g)
                       for g in range(NB - 1)]
                sca = []
                for g in range(8):
                    gat[g].wait()
                    sca.append(pltpu.async_copy(rows_v.at[g % NB],
                                                accum.at[dst_v.at[cur, g]],
                                                sem_s, add=True))
                    nxt = g + NB - 1
                    if nxt < 8:
                        if nxt >= NB:
                            sca[nxt - NB].wait()
                        gat.append(
                            pltpu.async_copy(table_hbm.at[src_v.at[cur, nxt]],
                                             rows_v.at[nxt % NB], sem_g))
                for g in range(max(0, 8 - NB), 8):
                    sca[g].wait()
                st_s.wait()
                st_d.wait()
                return carry

            lax.fori_loop(0, ngroups, body, 0)

        @pl.when(cid == 0)
        def _():
            run(t0_hbm)

        @pl.when(cid == 1)
        def _():
            run(t1_hbm)

        plsc.subcore_barrier()

        @pl.when(cid == 0)
        def _():
            pltpu.sync_copy(accum.at[pl.ds(sid * npt, npt)],
                            out0_hbm.at[pl.ds(sid * npt, npt)])

        @pl.when(cid == 1)
        def _():
            pltpu.sync_copy(accum.at[pl.ds(sid * npt, npt)],
                            out1_hbm.at[pl.ds(sid * npt, npt)])

    return seg


def _tc_gates(ax_ref, ah_ref, h_ref, wxru_ref, whru_ref, bru_ref,
              hna_ref, u_ref):
    z = jnp.dot(ax_ref[...], wxru_ref[...], preferred_element_type=jnp.float32)
    z = z + jnp.dot(ah_ref[...], whru_ref[...],
                    preferred_element_type=jnp.float32)
    ru = jax.nn.sigmoid(z + bru_ref[...])
    d = h_ref.shape[1]
    hna_ref[...] = ru[:, :d] * h_ref[...]
    u_ref[...] = ru[:, d:]


def _tc_out(ax_ref, b0_ref, b1_ref, h_ref, u_ref, wcx_ref, wch_ref, bc_ref,
            out_ref):
    b = b0_ref[...] + b1_ref[...]
    z = jnp.dot(ax_ref[...], wcx_ref[...], preferred_element_type=jnp.float32)
    z = z + jnp.dot(b, wch_ref[...], preferred_element_type=jnp.float32)
    c = jax.nn.sigmoid(z + bc_ref[...])
    u = u_ref[...]
    out_ref[...] = u * h_ref[...] + (1.0 - u) * c


def kernel(x, h, edge_index, W_r, b_r, W_u, b_u, W_c, b_c,
           r_bias, u_bias, c_bias):
    n, d_in = x.shape
    d_out = h.shape[1]
    e = edge_index.shape[1]
    src = edge_index[0]
    dst = edge_index[1]

    quant = CH * NS * NC * 8
    e_pad = -(-e // quant) * quant
    npad = e_pad - e
    np_rows = -(-n // (NS * 8)) * (NS * 8)
    pad_src = jnp.arange(npad, dtype=jnp.int32) % n
    pad_dst = n + jnp.arange(npad, dtype=jnp.int32) % (np_rows - n)

    srcs2 = jnp.concatenate([src, pad_src]).reshape(-1, CH)
    dst2 = jnp.concatenate([dst, pad_dst]).reshape(-1, CH)
    zeros = jnp.zeros((np_rows // NS, d_out), jnp.float32)

    rows = e_pad // CH
    rpt1 = rows // NS
    seg1 = _segsum_kernel(
        np_rows, d_out, rpt1,
        src_base=lambda cid, sid: sid * rpt1,
        dst_base=lambda cid, sid: sid * rpt1,
    )
    a_x, a_h = seg1(x, h, srcs2, dst2, zeros)

    w_ru = jnp.concatenate([W_r, W_u], axis=1)
    wx_ru = w_ru[:d_in]
    wh_ru = w_ru[d_in:]
    b_ru = jnp.concatenate([b_r + r_bias, b_u + u_bias]).reshape(1, -1)
    wc_x = W_c[:d_in]
    wc_h = W_c[d_in:]
    b_cc = (b_c + c_bias).reshape(1, -1)

    br = 2000
    grid = (n // br,)
    row_spec = pl.BlockSpec((br, d_out), lambda i: (i, 0))
    full = lambda s: pl.BlockSpec(s, lambda i: (0, 0))
    h_, u = pl.pallas_call(
        _tc_gates,
        grid=grid,
        in_specs=[row_spec, row_spec, row_spec,
                  full((d_in, 2 * d_out)), full((d_out, 2 * d_out)),
                  full((1, 2 * d_out))],
        out_specs=[row_spec, row_spec],
        out_shape=[jax.ShapeDtypeStruct((n, d_out), jnp.float32)] * 2,
    )(a_x, a_h, h, wx_ru, wh_ru, b_ru)

    rpt2 = rows // (NC * NS)
    seg2 = _segsum_kernel(
        np_rows, d_out, rpt2,
        src_base=lambda cid, sid: (cid * NS + sid) * rpt2,
        dst_base=lambda cid, sid: (cid * NS + sid) * rpt2,
    )
    b0, b1 = seg2(h_, h_, srcs2, dst2, zeros)

    new_h = pl.pallas_call(
        _tc_out,
        grid=grid,
        in_specs=[row_spec, row_spec, row_spec, row_spec, row_spec,
                  full((d_in, d_out)), full((d_out, d_out)),
                  full((1, d_out))],
        out_specs=row_spec,
        out_shape=jax.ShapeDtypeStruct((n, d_out), jnp.float32),
    )(a_x, b0, b1, h, u, wc_x, wc_h, b_cc)
    return new_h

# --- scband reference (transcript-rebuilt; emitter-appended) ---
"""Pipeline reference for scband-graph-grucell-11828339933448 (READ-ONLY COPY).

The authoritative reference and input builder live on the scoring server;
editing this copy changes nothing except your own understanding.
"""

import jax, jax.numpy as jnp
import numpy as np

N = 10000
E = 320000
D_IN = 128
D_OUT = 128


def _graph_conv(edge_index, feat, W, b):
    # sum-aggregation message passing followed by a linear projection
    src = edge_index[0]
    dst = edge_index[1]
    msgs = jnp.take(feat, src, axis=0)
    agg = jax.ops.segment_sum(msgs, dst, num_segments=N)
    return agg @ W + b


def setup_inputs(seed: int = 0) -> dict:
    key = jax.random.key(seed)
    ks = jax.random.split(key, 12)
    x = jax.random.normal(ks[0], (N, D_IN), dtype=jnp.float32)
    h = jax.random.normal(ks[1], (N, D_OUT), dtype=jnp.float32)
    edge_index = jax.random.randint(ks[2], (2, E), 0, N, dtype=jnp.int32)
    d_cat = D_IN + D_OUT
    scale = 1.0 / np.sqrt(d_cat)
    W_r = jax.random.normal(ks[3], (d_cat, D_OUT), dtype=jnp.float32) * scale
    b_r = jnp.zeros((D_OUT,), dtype=jnp.float32)
    W_u = jax.random.normal(ks[4], (d_cat, D_OUT), dtype=jnp.float32) * scale
    b_u = jnp.zeros((D_OUT,), dtype=jnp.float32)
    W_c = jax.random.normal(ks[5], (d_cat, D_OUT), dtype=jnp.float32) * scale
    b_c = jnp.zeros((D_OUT,), dtype=jnp.float32)
    r_bias = jax.random.uniform(ks[6], (D_OUT,), dtype=jnp.float32)
    u_bias = jax.random.uniform(ks[7], (D_OUT,), dtype=jnp.float32)
    c_bias = jax.random.uniform(ks[8], (D_OUT,), dtype=jnp.float32)
    return {"x": x, "h": h, "edge_index": edge_index,
            "W_r": W_r, "b_r": b_r, "W_u": W_u, "b_u": b_u,
            "W_c": W_c, "b_c": b_c,
            "r_bias": r_bias, "u_bias": u_bias, "c_bias": c_bias}


def reference(x, h, edge_index, W_r, b_r, W_u, b_u, W_c, b_c, r_bias, u_bias, c_bias):
    xh = jnp.concatenate([x, h], axis=1)
    r = jax.nn.sigmoid(_graph_conv(edge_index, xh, W_r, b_r) + r_bias)
    u = jax.nn.sigmoid(_graph_conv(edge_index, xh, W_u, b_u) + u_bias)
    h_ = r * h
    xh_ = jnp.concatenate([x, h_], axis=1)
    c = jax.nn.sigmoid(_graph_conv(edge_index, xh_, W_c, b_c) + c_bias)
    new_h = u * h + (1.0 - u) * c
    return new_h

if __name__ == "__main__":
    import jax
    _d = setup_inputs()
    print(jax.jit(kernel)(*tuple(_d.values())))

</pallas_src>

<mosaic_0001>
#map = affine_map<(d0, d1) -> (0, 0)>
module attributes {stable_mosaic.version = 14 : i64} {
  func.func @seg(%arg0: i32, %arg1: i32, %arg2: memref<10000x128xf32, #tpu.memory_space<hbm>>, %arg3: memref<10000x128xf32, #tpu.memory_space<hbm>>, %arg4: memref<5120x64xi32, #tpu.memory_space<hbm>>, %arg5: memref<5120x64xi32, #tpu.memory_space<hbm>>, %arg6: memref<632x128xf32, #tpu.memory_space<hbm>>, %arg7: memref<10112x128xf32, #tpu.memory_space<hbm>>, %arg8: memref<10112x128xf32, #tpu.memory_space<hbm>>, %arg9: memref<2x8x64xi32, #tpu.memory_space<vmem>>, %arg10: memref<2x8x64xi32, #tpu.memory_space<vmem>>, %arg11: memref<5x64x128xf32, #tpu.memory_space<vmem>>, %arg12: memref<10112x128xf32, #tpu.memory_space<vmem_shared>>, %arg13: memref<!tpu.dma_semaphore, #tpu.memory_space<semaphore_mem>>, %arg14: memref<!tpu.dma_semaphore, #tpu.memory_space<semaphore_mem>>, %arg15: memref<!tpu.dma_semaphore, #tpu.memory_space<semaphore_mem>>) attributes {dimension_semantics = [#tpu.dimension_semantics<core_parallel>, #tpu.dimension_semantics<subcore_parallel>], iteration_bounds = array<i64: 2, 16>, scalar_prefetch = 0 : i64, scratch_operands = 7 : i64, tpu.core_type = #tpu.core_type<sc_vector_subcore>, window_params = [{transform_indices = #map}, {transform_indices = #map}, {transform_indices = #map}, {transform_indices = #map}, {transform_indices = #map}, {transform_indices = #map}, {transform_indices = #map}]} {
    %mul3A = arith.constant 632 : i32
    %mul3A_0 = arith.muli %arg1, %mul3A : i32
    "tpu.region"() ({
      %run_scoped3A = tpu.sem_alloc : memref<!tpu.dma_semaphore, #tpu.memory_space<semaphore_mem>>
      %dma_start3A = arith.constant 0 : i32
      %dma_start3A_23 = tpu.memref_slice %arg12[%mul3A_0, %dma_start3A] : memref<10112x128xf32, #tpu.memory_space<vmem_shared>> -> memref<632x128xf32, #tpu.memory_space<vmem_shared>>
      tpu.enqueue_dma source(%arg6 : memref<632x128xf32, #tpu.memory_space<hbm>>) target(%dma_start3A_23 : memref<632x128xf32, #tpu.memory_space<vmem_shared>>) target_semaphore(%run_scoped3A : memref<!tpu.dma_semaphore, #tpu.memory_space<semaphore_mem>>)
      %dma_wait3A = arith.constant 0 : i32
      %dma_wait3A_24 = tpu.memref_slice %arg12[%mul3A_0, %dma_wait3A] : memref<10112x128xf32, #tpu.memory_space<vmem_shared>> -> memref<632x128xf32, #tpu.memory_space<vmem_shared>>
      tpu.wait_dma2 semaphore(%run_scoped3A : memref<!tpu.dma_semaphore, #tpu.memory_space<semaphore_mem>>) src(%arg6 : memref<632x128xf32, #tpu.memory_space<hbm>>) dst(%dma_wait3A_24 : memref<632x128xf32, #tpu.memory_space<vmem_shared>>)
      tpu.yield
    }) : () -> ()
    %barrier3A = arith.constant 0 : index
    tpu.barrier barrier_id(%barrier3A)
    %mul3A_1 = arith.constant 320 : i32
    %mul3A_2 = arith.muli %arg1, %mul3A_1 : i32
    %mul3A_3 = arith.constant 320 : i32
    %mul3A_4 = arith.muli %arg1, %mul3A_3 : i32
    %eq3A = arith.constant 0 : i32
    %eq3A_5 = arith.cmpi eq, %arg0, %eq3A : i32
    %convert_element_type3A = arith.extui %eq3A_5 : i1 to i32
    %cond3A = arith.constant 0 : i32
    %cond3A_6 = arith.cmpi ne, %convert_element_type3A, %cond3A : i32
    scf.if %cond3A_6 {
      %run_scoped3A = arith.constant 0 : i32
      "tpu.region"() ({
        %run_scoped3A_29 = tpu.sem_alloc : memref<!tpu.dma_semaphore, #tpu.memory_space<semaphore_mem>>
        %dma_start3A = arith.constant 0 : i32
        %dma_start3A_30 = arith.constant 0 : i32
        %dma_start3A_31 = tpu.memref_slice %arg9[%run_scoped3A, %dma_start3A, %dma_start3A_30] : memref<2x8x64xi32, #tpu.memory_space<vmem>> -> memref<1x8x64xi32, #tpu.memory_space<vmem>>
        %dma_start3A_32 = tpu.memref_squeeze %dma_start3A_31 : memref<1x8x64xi32, #tpu.memory_space<vmem>> -> memref<8x64xi32, #tpu.memory_space<vmem>>
        %dma_start3A_33 = arith.constant 0 : i32
        %dma_start3A_34 = tpu.memref_slice %arg4[%mul3A_2, %dma_start3A_33] : memref<5120x64xi32, #tpu.memory_space<hbm>> -> memref<8x64xi32, #tpu.memory_space<hbm>>
        %dma_start3A_35 = arith.constant 0 : i32
        %dma_start3A_36 = arith.constant 0 : i32
        %dma_start3A_37 = tpu.memref_slice %arg9[%run_scoped3A, %dma_start3A_35, %dma_start3A_36] : memref<2x8x64xi32, #tpu.memory_space<vmem>> -> memref<1x8x64xi32, #tpu.memory_space<vmem>>
        %dma_start3A_38 = tpu.memref_squeeze %dma_start3A_37 : memref<1x8x64xi32, #tpu.memory_space<vmem>> -> memref<8x64xi32, #tpu.memory_space<vmem>>
        %dma_start3A_39 = arith.constant 0 : i32
        %dma_start3A_40 = tpu.memref_slice %arg4[%mul3A_2, %dma_start3A_39] : memref<5120x64xi32, #tpu.memory_space<hbm>> -> memref<8x64xi32, #tpu.memory_space<hbm>>
        tpu.enqueue_dma source(%dma_start3A_40 : memref<8x64xi32, #tpu.memory_space<hbm>>) target(%dma_start3A_38 : memref<8x64xi32, #tpu.memory_space<vmem>>) target_semaphore(%run_scoped3A_29 : memref<!tpu.dma_semaphore, #tpu.memory_space<semaphore_mem>>)
        %dma_wait3A = arith.constant 0 : i32
        %dma_wait3A_41 = arith.constant 0 : i32
        %dma_wait3A_42 = tpu.memref_slice %arg9[%run_scoped3A, %dma_wait3A, %dma_wait3A_41] : memref<2x8x64xi32, #tpu.memory_space<vmem>> -> memref<1x8x64xi32, #tpu.memory_space<vmem>>
        %dma_wait3A_43 = tpu.memref_squeeze %dma_wait3A_42 : memref<1x8x64xi32, #tpu.memory_space<vmem>> -> memref<8x64xi32, #tpu.memory_space<vmem>>
        %dma_wait3A_44 = arith.constant 0 : i32
        %dma_wait3A_45 = tpu.memref_slice %arg4[%mul3A_2, %dma_wait3A_44] : memref<5120x64xi32, #tpu.memory_space<hbm>> -> memref<8x64xi32, #tpu.memory_space<hbm>>
        %dma_wait3A_46 = arith.constant 0 : i32
        %dma_wait3A_47 = arith.constant 0 : i32
        %dma_wait3A_48 = tpu.memref_slice %arg9[%run_scoped3A, %dma_wait3A_46, %dma_wait3A_47] : memref<2x8x64xi32, #tpu.memory_space<vmem>> -> memref<1x8x64xi32, #tpu.memory_space<vmem>>
        %dma_wait3A_49 = tpu.memref_squeeze %dma_wait3A_48 : memref<1x8x64xi32, #tpu.memory_space<vmem>> -> memref<8x64xi32, #tpu.memory_space<vmem>>
        %dma_wait3A_50 = arith.constant 0 : i32
        %dma_wait3A_51 = tpu.memref_slice %arg4[%mul3A_2, %dma_wait3A_50] : memref<5120x64xi32, #tpu.memory_space<hbm>> -> memref<8x64xi32, #tpu.memory_space<hbm>>
        tpu.wait_dma2 semaphore(%run_scoped3A_29 : memref<!tpu.dma_semaphore, #tpu.memory_space<semaphore_mem>>) src(%dma_wait3A_51 : memref<8x64xi32, #tpu.memory_space<hbm>>) dst(%dma_wait3A_49 : memref<8x64xi32, #tpu.memory_space<vmem>>)
        tpu.yield
      }) : () -> ()
      %run_scoped3A_23 = arith.constant 0 : i32
      "tpu.region"() ({
        %run_scoped3A_29 = tpu.sem_alloc : memref<!tpu.dma_semaphore, #tpu.memory_space<semaphore_mem>>
        %dma_start3A = arith.constant 0 : i32
        %dma_start3A_30 = arith.constant 0 : i32
        %dma_start3A_31 = tpu.memref_slice %arg10[%run_scoped3A_23, %dma_start3A, %dma_start3A_30] : memref<2x8x64xi32, #tpu.memory_space<vmem>> -> memref<1x8x64xi32, #tpu.memory_space<vmem>>
        %dma_start3A_32 = tpu.memref_squeeze %dma_start3A_31 : memref<1x8x64xi32, #tpu.memory_space<vmem>> -> memref<8x64xi32, #tpu.memory_space<vmem>>
        %dma_start3A_33 = arith.constant 0 : i32
        %dma_start3A_34 = tpu.memref_slice %arg5[%mul3A_4, %dma_start3A_33] : memref<5120x64xi32, #tpu.memory_space<hbm>> -> memref<8x64xi32, #tpu.memory_space<hbm>>
        %dma_start3A_35 = arith.constant 0 : i32
        %dma_start3A_36 = arith.constant 0 : i32
        %dma_start3A_37 = tpu.memref_slice %arg10[%run_scoped3A_23, %dma_start3A_35, %dma_start3A_36] : memref<2x8x64xi32, #tpu.memory_space<vmem>> -> memref<1x8x64xi32, #tpu.memory_space<vmem>>
        %dma_start3A_38 = tpu.memref_squeeze %dma_start3A_37 : memref<1x8x64xi32, #tpu.memory_space<vmem>> -> memref<8x64xi32, #tpu.memory_space<vmem>>
        %dma_start3A_39 = arith.constant 0 : i32
        %dma_start3A_40 = tpu.memref_slice %arg5[%mul3A_4, %dma_start3A_39] : memref<5120x64xi32, #tpu.memory_space<hbm>> -> memref<8x64xi32, #tpu.memory_space<hbm>>
        tpu.enqueue_dma source(%dma_start3A_40 : memref<8x64xi32, #tpu.memory_space<hbm>>) target(%dma_start3A_38 : memref<8x64xi32, #tpu.memory_space<vmem>>) target_semaphore(%run_scoped3A_29 : memref<!tpu.dma_semaphore, #tpu.memory_space<semaphore_mem>>)
        %dma_wait3A = arith.constant 0 : i32
        %dma_wait3A_41 = arith.constant 0 : i32
        %dma_wait3A_42 = tpu.memref_slice %arg10[%run_scoped3A_23, %dma_wait3A, %dma_wait3A_41] : memref<2x8x64xi32, #tpu.memory_space<vmem>> -> memref<1x8x64xi32, #tpu.memory_space<vmem>>
        %dma_wait3A_43 = tpu.memref_squeeze %dma_wait3A_42 : memref<1x8x64xi32, #tpu.memory_space<vmem>> -> memref<8x64xi32, #tpu.memory_space<vmem>>
        %dma_wait3A_44 = arith.constant 0 : i32
        %dma_wait3A_45 = tpu.memref_slice %arg5[%mul3A_4, %dma_wait3A_44] : memref<5120x64xi32, #tpu.memory_space<hbm>> -> memref<8x64xi32, #tpu.memory_space<hbm>>
        %dma_wait3A_46 = arith.constant 0 : i32
        %dma_wait3A_47 = arith.constant 0 : i32
        %dma_wait3A_48 = tpu.memref_slice %arg10[%run_scoped3A_23, %dma_wait3A_46, %dma_wait3A_47] : memref<2x8x64xi32, #tpu.memory_space<vmem>> -> memref<1x8x64xi32, #tpu.memory_space<vmem>>
        %dma_wait3A_49 = tpu.memref_squeeze %dma_wait3A_48 : memref<1x8x64xi32, #tpu.memory_space<vmem>> -> memref<8x64xi32, #tpu.memory_space<vmem>>
        %dma_wait3A_50 = arith.constant 0 : i32
        %dma_wait3A_51 = tpu.memref_slice %arg5[%mul3A_4, %dma_wait3A_50] : memref<5120x64xi32, #tpu.memory_space<hbm>> -> memref<8x64xi32, #tpu.memory_space<hbm>>
        tpu.wait_dma2 semaphore(%run_scoped3A_29 : memref<!tpu.dma_semaphore, #tpu.memory_space<semaphore_mem>>) src(%dma_wait3A_51 : memref<8x64xi32, #tpu.memory_space<hbm>>) dst(%dma_wait3A_49 : memref<8x64xi32, #tpu.memory_space<vmem>>)
        tpu.yield
      }) : () -> ()
      %scan3A = arith.constant 0 : i32
      %scan3A_24 = arith.constant 0 : i32
      %scan3A_25 = arith.constant 40 : i32
      %scan3A_26 = arith.addi %scan3A_24, %scan3A_25 : i32
      %scan3A_27 = arith.constant 1 : i32
      scf.for %scan3A_29 = %scan3A_24 to %scan3A_26 step %scan3A_27  : i32 {
        %rem3A = arith.constant 2 : i32
        %rem3A_30 = arith.remsi %scan3A_29, %rem3A : i32
        %add3A = arith.constant 1 : i32
        %add3A_31 = arith.addi %scan3A_29, %add3A : i32
        %min3A = arith.constant 39 : i32
        %min3A_32 = arith.minsi %add3A_31, %min3A : i32
        %mul3A_33 = arith.constant 8 : i32
        %mul3A_34 = arith.muli %min3A_32, %mul3A_33 : i32
        %add3A_35 = arith.addi %mul3A_2, %mul3A_34 : i32
        %sub3A = arith.constant 1 : i32
        %sub3A_36 = arith.subi %sub3A, %rem3A_30 : i32
        %dma_start3A = arith.constant 0 : i32
        %dma_start3A_37 = arith.constant 0 : i32
        %dma_start3A_38 = tpu.memref_slice %arg9[%sub3A_36, %dma_start3A, %dma_start3A_37] : memref<2x8x64xi32, #tpu.memory_space<vmem>> -> memref<1x8x64xi32, #tpu.memory_space<vmem>>
        %dma_start3A_39 = tpu.memref_squeeze %dma_start3A_38 : memref<1x8x64xi32, #tpu.memory_space<vmem>> -> memref<8x64xi32, #tpu.memory_space<vmem>>
        %dma_start3A_40 = arith.constant 0 : i32
        %dma_start3A_41 = tpu.memref_slice %arg4[%add3A_35, %dma_start3A_40] : memref<5120x64xi32, #tpu.memory_space<hbm>> -> memref<8x64xi32, #tpu.memory_space<hbm>>
        %dma_start3A_42 = arith.constant 0 : i32
        %dma_start3A_43 = arith.constant 0 : i32
        %dma_start3A_44 = tpu.memref_slice %arg9[%sub3A_36, %dma_start3A_42, %dma_start3A_43] : memref<2x8x64xi32, #tpu.memory_space<vmem>> -> memref<1x8x64xi32, #tpu.memory_space<vmem>>
        %dma_start3A_45 = tpu.memref_squeeze %dma_start3A_44 : memref<1x8x64xi32, #tpu.memory_space<vmem>> -> memref<8x64xi32, #tpu.memory_space<vmem>>
        %dma_start3A_46 = arith.constant 0 : i32
        %dma_start3A_47 = tpu.memref_slice %arg4[%add3A_35, %dma_start3A_46] : memref<5120x64xi32, #tpu.memory_space<hbm>> -> memref<8x64xi32, #tpu.memory_space<hbm>>
        tpu.enqueue_dma source(%dma_start3A_47 : memref<8x64xi32, #tpu.memory_space<hbm>>) target(%dma_start3A_45 : memref<8x64xi32, #tpu.memory_space<vmem>>) target_semaphore(%arg15 : memref<!tpu.dma_semaphore, #tpu.memory_space<semaphore_mem>>)
        %mul3A_48 = arith.constant 8 : i32
        %mul3A_49 = arith.muli %min3A_32, %mul3A_48 : i32
        %add3A_50 = arith.addi %mul3A_4, %mul3A_49 : i32
        %sub3A_51 = arith.constant 1 : i32
        %sub3A_52 = arith.subi %sub3A_51, %rem3A_30 : i32
        %dma_start3A_53 = arith.constant 0 : i32
        %dma_start3A_54 = arith.constant 0 : i32
        %dma_start3A_55 = tpu.memref_slice %arg10[%sub3A_52, %dma_start3A_53, %dma_start3A_54] : memref<2x8x64xi32, #tpu.memory_space<vmem>> -> memref<1x8x64xi32, #tpu.memory_space<vmem>>
        %dma_start3A_56 = tpu.memref_squeeze %dma_start3A_55 : memref<1x8x64xi32, #tpu.memory_space<vmem>> -> memref<8x64xi32, #tpu.memory_space<vmem>>
        %dma_start3A_57 = arith.constant 0 : i32
        %dma_start3A_58 = tpu.memref_slice %arg5[%add3A_50, %dma_start3A_57] : memref<5120x64xi32, #tpu.memory_space<hbm>> -> memref<8x64xi32, #tpu.memory_space<hbm>>
        %dma_start3A_59 = arith.constant 0 : i32
        %dma_start3A_60 = arith.constant 0 : i32
        %dma_start3A_61 = tpu.memref_slice %arg10[%sub3A_52, %dma_start3A_59, %dma_start3A_60] : memref<2x8x64xi32, #tpu.memory_space<vmem>> -> memref<1x8x64xi32, #tpu.memory_space<vmem>>
        %dma_start3A_62 = tpu.memref_squeeze %dma_start3A_61 : memref<1x8x64xi32, #tpu.memory_space<vmem>> -> memref<8x64xi32, #tpu.memory_space<vmem>>
        %dma_start3A_63 = arith.constant 0 : i32
        %dma_start3A_64 = tpu.memref_slice %arg5[%add3A_50, %dma_start3A_63] : memref<5120x64xi32, #tpu.memory_space<hbm>> -> memref<8x64xi32, #tpu.memory_space<hbm>>
        tpu.enqueue_dma source(%dma_start3A_64 : memref<8x64xi32, #tpu.memory_space<hbm>>) target(%dma_start3A_62 : memref<8x64xi32, #tpu.memory_space<vmem>>) target_semaphore(%arg15 : memref<!tpu.dma_semaphore, #tpu.memory_space<semaphore_mem>>)
        %dma_start3A_65 = arith.constant 0 : i32
        %dma_start3A_66 = arith.constant 0 : i32
        %dma_start3A_67 = arith.constant 0 : i32
        %dma_start3A_68 = arith.constant 0 : i32
        %dma_start3A_69 = tpu.memref_slice %arg11[%dma_start3A_66, %dma_start3A_67, %dma_start3A_68] : memref<5x64x128xf32, #tpu.memory_space<vmem>> -> memref<1x64x128xf32, #tpu.memory_space<vmem>>
        %dma_start3A_70 = tpu.memref_squeeze %dma_start3A_69 : memref<1x64x128xf32, #tpu.memory_space<vmem>> -> memref<64x128xf32, #tpu.memory_space<vmem>>
        %dma_start3A_71 = arith.constant 0 : i32
        %dma_start3A_72 = tpu.memref_slice %arg9[%rem3A_30, %dma_start3A_65, %dma_start3A_71] : memref<2x8x64xi32, #tpu.memory_space<vmem>> -> memref<1x1x64xi32, #tpu.memory_space<vmem>>
        %dma_start3A_73 = tpu.memref_squeeze %dma_start3A_72 : memref<1x1x64xi32, #tpu.memory_space<vmem>> -> memref<64xi32, #tpu.memory_space<vmem>>
        %dma_start3A_74 = arith.constant 0 : i32
        %dma_start3A_75 = arith.constant 0 : i32
        %dma_start3A_76 = tpu.memref_slice %arg2[%dma_start3A_74, %dma_start3A_75] : memref<10000x128xf32, #tpu.memory_space<hbm>> -> memref<10000x128xf32, #tpu.memory_space<hbm>>
        tpu.enqueue_indirect_dma source(%dma_start3A_76 : memref<10000x128xf32, #tpu.memory_space<hbm>>) target(%dma_start3A_70 : memref<64x128xf32, #tpu.memory_space<vmem>>) offsets(%dma_start3A_73 : memref<64xi32, #tpu.memory_space<vmem>>) semaphore(%arg13 : memref<!tpu.dma_semaphore, #tpu.memory_space<semaphore_mem>>)
        %dma_start3A_77 = arith.constant 1 : i32
        %dma_start3A_78 = arith.constant 1 : i32
        %dma_start3A_79 = arith.constant 0 : i32
        %dma_start3A_80 = arith.constant 0 : i32
        %dma_start3A_81 = tpu.memref_slice %arg11[%dma_start3A_78, %dma_start3A_79, %dma_start3A_80] : memref<5x64x128xf32, #tpu.memory_space<vmem>> -> memref<1x64x128xf32, #tpu.memory_space<vmem>>
        %dma_start3A_82 = tpu.memref_squeeze %dma_start3A_81 : memref<1x64x128xf32, #tpu.memory_space<vmem>> -> memref<64x128xf32, #tpu.memory_space<vmem>>
        %dma_start3A_83 = arith.constant 0 : i32
        %dma_start3A_84 = tpu.memref_slice %arg9[%rem3A_30, %dma_start3A_77, %dma_start3A_83] : memref<2x8x64xi32, #tpu.memory_space<vmem>> -> memref<1x1x64xi32, #tpu.memory_space<vmem>>
        %dma_start3A_85 = tpu.memref_squeeze %dma_start3A_84 : memref<1x1x64xi32, #tpu.memory_space<vmem>> -> memref<64xi32, #tpu.memory_space<vmem>>
        %dma_start3A_86 = arith.constant 0 : i32
        %dma_start3A_87 = arith.constant 0 : i32
        %dma_start3A_88 = tpu.memref_slice %arg2[%dma_start3A_86, %dma_start3A_87] : memref<10000x128xf32, #tpu.memory_space<hbm>> -> memref<10000x128xf32, #tpu.memory_space<hbm>>
        tpu.enqueue_indirect_dma source(%dma_start3A_88 : memref<10000x128xf32, #tpu.memory_space<hbm>>) target(%dma_start3A_82 : memref<64x128xf32, #tpu.memory_space<vmem>>) offsets(%dma_start3A_85 : memref<64xi32, #tpu.memory_space<vmem>>) semaphore(%arg13 : memref<!tpu.dma_semaphore, #tpu.memory_space<semaphore_mem>>)
        %dma_start3A_89 = arith.constant 2 : i32
        %dma_start3A_90 = arith.constant 2 : i32
        %dma_start3A_91 = arith.constant 0 : i32
        %dma_start3A_92 = arith.constant 0 : i32
        %dma_start3A_93 = tpu.memref_slice %arg11[%dma_start3A_90, %dma_start3A_91, %dma_start3A_92] : memref<5x64x128xf32, #tpu.memory_space<vmem>> -> memref<1x64x128xf32, #tpu.memory_space<vmem>>
        %dma_start3A_94 = tpu.memref_squeeze %dma_start3A_93 : memref<1x64x128xf32, #tpu.memory_space<vmem>> -> memref<64x128xf32, #tpu.memory_space<vmem>>
        %dma_start3A_95 = arith.constant 0 : i32
        %dma_start3A_96 = tpu.memref_slice %arg9[%rem3A_30, %dma_start3A_89, %dma_start3A_95] : memref<2x8x64xi32, #tpu.memory_space<vmem>> -> memref<1x1x64xi32, #tpu.memory_space<vmem>>
        %dma_start3A_97 = tpu.memref_squeeze %dma_start3A_96 : memref<1x1x64xi32, #tpu.memory_space<vmem>> -> memref<64xi32, #tpu.memory_space<vmem>>
        %dma_start3A_98 = arith.constant 0 : i32
        %dma_start3A_99 = arith.constant 0 : i32
        %dma_start3A_100 = tpu.memref_slice %arg2[%dma_start3A_98, %dma_start3A_99] : memref<10000x128xf32, #tpu.memory_space<hbm>> -> memref<10000x128xf32, #tpu.memory_space<hbm>>
        tpu.enqueue_indirect_dma source(%dma_start3A_100 : memref<10000x128xf32, #tpu.memory_space<hbm>>) target(%dma_start3A_94 : memref<64x128xf32, #tpu.memory_space<vmem>>) offsets(%dma_start3A_97 : memref<64xi32, #tpu.memory_space<vmem>>) semaphore(%arg13 : memref<!tpu.dma_semaphore, #tpu.memory_space<semaphore_mem>>)
        %dma_start3A_101 = arith.constant 3 : i32
        %dma_start3A_102 = arith.constant 3 : i32
        %dma_start3A_103 = arith.constant 0 : i32
        %dma_start3A_104 = arith.constant 0 : i32
        %dma_start3A_105 = tpu.memref_slice %arg11[%dma_start3A_102, %dma_start3A_103, %dma_start3A_104] : memref<5x64x128xf32, #tpu.memory_space<vmem>> -> memref<1x64x128xf32, #tpu.memory_space<vmem>>
        %dma_start3A_106 = tpu.memref_squeeze %dma_start3A_105 : memref<1x64x128xf32, #tpu.memory_space<vmem>> -> memref<64x128xf32, #tpu.memory_space<vmem>>
        %dma_start3A_107 = arith.constant 0 : i32
        %dma_start3A_108 = tpu.memref_slice %arg9[%rem3A_30, %dma_start3A_101, %dma_start3A_107] : memref<2x8x64xi32, #tpu.memory_space<vmem>> -> memref<1x1x64xi32, #tpu.memory_space<vmem>>
        %dma_start3A_109 = tpu.memref_squeeze %dma_start3A_108 : memref<1x1x64xi32, #tpu.memory_space<vmem>> -> memref<64xi32, #tpu.memory_space<vmem>>
        %dma_start3A_110 = arith.constant 0 : i32
        %dma_start3A_111 = arith.constant 0 : i32
        %dma_start3A_112 = tpu.memref_slice %arg2[%dma_start3A_110, %dma_start3A_111] : memref<10000x128xf32, #tpu.memory_space<hbm>> -> memref<10000x128xf32, #tpu.memory_space<hbm>>
        tpu.enqueue_indirect_dma source(%dma_start3A_112 : memref<10000x128xf32, #tpu.memory_space<hbm>>) target(%dma_start3A_106 : memref<64x128xf32, #tpu.memory_space<vmem>>) offsets(%dma_start3A_109 : memref<64xi32, #tpu.memory_space<vmem>>) semaphore(%arg13 : memref<!tpu.dma_semaphore, #tpu.memory_space<semaphore_mem>>)
        %dma_wait3A = arith.constant 0 : i32
        %dma_wait3A_113 = arith.constant 0 : i32
        %dma_wait3A_114 = arith.constant 0 : i32
        %dma_wait3A_115 = arith.constant 0 : i32
        %dma_wait3A_116 = tpu.memref_slice %arg11[%dma_wait3A_113, %dma_wait3A_114, %dma_wait3A_115] : memref<5x64x128xf32, #tpu.memory_space<vmem>> -> memref<1x64x128xf32, #tpu.memory_space<vmem>>
        %dma_wait3A_117 = tpu.memref_squeeze %dma_wait3A_116 : memref<1x64x128xf32, #tpu.memory_space<vmem>> -> memref<64x128xf32, #tpu.memory_space<vmem>>
        %dma_wait3A_118 = arith.constant 0 : i32
        %dma_wait3A_119 = tpu.memref_slice %arg9[%rem3A_30, %dma_wait3A, %dma_wait3A_118] : memref<2x8x64xi32, #tpu.memory_space<vmem>> -> memref<1x1x64xi32, #tpu.memory_space<vmem>>
        %dma_wait3A_120 = tpu.memref_squeeze %dma_wait3A_119 : memref<1x1x64xi32, #tpu.memory_space<vmem>> -> memref<64xi32, #tpu.memory_space<vmem>>
        %dma_wait3A_121 = arith.constant 0 : i32
        %dma_wait3A_122 = arith.constant 0 : i32
        %dma_wait3A_123 = tpu.memref_slice %arg2[%dma_wait3A_121, %dma_wait3A_122] : memref<10000x128xf32, #tpu.memory_space<hbm>> -> memref<10000x128xf32, #tpu.memory_space<hbm>>
        tpu.wait_indirect_dma semaphore(%arg13 : memref<!tpu.dma_semaphore, #tpu.memory_space<semaphore_mem>>) src(%dma_wait3A_123 : memref<10000x128xf32, #tpu.memory_space<hbm>>) dst(%dma_wait3A_117 : memref<64x128xf32, #tpu.memory_space<vmem>>)
        %dma_start3A_124 = arith.constant 0 : i32
        %dma_start3A_125 = arith.constant 0 : i32
        %dma_start3A_126 = arith.constant 0 : i32
        %dma_start3A_127 = arith.constant 0 : i32
        %dma_start3A_128 = tpu.memref_slice %arg11[%dma_start3A_124, %dma_start3A_126, %dma_start3A_127] : memref<5x64x128xf32, #tpu.memory_space<vmem>> -> memref<1x64x128xf32, #tpu.memory_space<vmem>>
        %dma_start3A_129 = tpu.memref_squeeze %dma_start3A_128 : memref<1x64x128xf32, #tpu.memory_space<vmem>> -> memref<64x128xf32, #tpu.memory_space<vmem>>
        %dma_start3A_130 = arith.constant 0 : i32
        %dma_start3A_131 = tpu.memref_slice %arg10[%rem3A_30, %dma_start3A_125, %dma_start3A_130] : memref<2x8x64xi32, #tpu.memory_space<vmem>> -> memref<1x1x64xi32, #tpu.memory_space<vmem>>
        %dma_start3A_132 = tpu.memref_squeeze %dma_start3A_131 : memref<1x1x64xi32, #tpu.memory_space<vmem>> -> memref<64xi32, #tpu.memory_space<vmem>>
        %dma_start3A_133 = arith.constant 0 : i32
        %dma_start3A_134 = arith.constant 0 : i32
        %dma_start3A_135 = tpu.memref_slice %arg12[%dma_start3A_133, %dma_start3A_134] : memref<10112x128xf32, #tpu.memory_space<vmem_shared>> -> memref<10112x128xf32, #tpu.memory_space<vmem_shared>>
        tpu.enqueue_indirect_dma source(%dma_start3A_129 : memref<64x128xf32, #tpu.memory_space<vmem>>) target(%dma_start3A_135 : memref<10112x128xf32, #tpu.memory_space<vmem_shared>>) offsets(%dma_start3A_132 : memref<64xi32, #tpu.memory_space<vmem>>) semaphore(%arg14 : memref<!tpu.dma_semaphore, #tpu.memory_space<semaphore_mem>>) {add = true}
        %dma_start3A_136 = arith.constant 4 : i32
        %dma_start3A_137 = arith.constant 4 : i32
        %dma_start3A_138 = arith.constant 0 : i32
        %dma_start3A_139 = arith.constant 0 : i32
        %dma_start3A_140 = tpu.memref_slice %arg11[%dma_start3A_137, %dma_start3A_138, %dma_start3A_139] : memref<5x64x128xf32, #tpu.memory_space<vmem>> -> memref<1x64x128xf32, #tpu.memory_space<vmem>>
        %dma_start3A_141 = tpu.memref_squeeze %dma_start3A_140 : memref<1x64x128xf32, #tpu.memory_space<vmem>> -> memref<64x128xf32, #tpu.memory_space<vmem>>
        %dma_start3A_142 = arith.constant 0 : i32
        %dma_start3A_143 = tpu.memref_slice %arg9[%rem3A_30, %dma_start3A_136, %dma_start3A_142] : memref<2x8x64xi32, #tpu.memory_space<vmem>> -> memref<1x1x64xi32, #tpu.memory_space<vmem>>
        %dma_start3A_144 = tpu.memref_squeeze %dma_start3A_143 : memref<1x1x64xi32, #tpu.memory_space<vmem>> -> memref<64xi32, #tpu.memory_space<vmem>>
        %dma_start3A_145 = arith.constant 0 : i32
        %dma_start3A_146 = arith.constant 0 : i32
        %dma_start3A_147 = tpu.memref_slice %arg2[%dma_start3A_145, %dma_start3A_146] : memref<10000x128xf32, #tpu.memory_space<hbm>> -> memref<10000x128xf32, #tpu.memory_space<hbm>>
        tpu.enqueue_indirect_dma source(%dma_start3A_147 : memref<10000x128xf32, #tpu.memory_space<hbm>>) target(%dma_start3A_141 : memref<64x128xf32, #tpu.memory_space<vmem>>) offsets(%dma_start3A_144 : memref<64xi32, #tpu.memory_space<vmem>>) semaphore(%arg13 : memref<!tpu.dma_semaphore, #tpu.memory_space<semaphore_mem>>)
        %dma_wait3A_148 = arith.constant 1 : i32
        %dma_wait3A_149 = arith.constant 1 : i32
        %dma_wait3A_150 = arith.constant 0 : i32
        %dma_wait3A_151 = arith.constant 0 : i32
        %dma_wait3A_152 = tpu.memref_slice %arg11[%dma_wait3A_149, %dma_wait3A_150, %dma_wait3A_151] : memref<5x64x128xf32, #tpu.memory_space<vmem>> -> memref<1x64x128xf32, #tpu.memory_space<vmem>>
        %dma_wait3A_153 = tpu.memref_squeeze %dma_wait3A_152 : memref<1x64x128xf32, #tpu.memory_space<vmem>> -> memref<64x128xf32, #tpu.memory_space<vmem>>
        %dma_wait3A_154 = arith.constant 0 : i32
        %dma_wait3A_155 = tpu.memref_slice %arg9[%rem3A_30, %dma_wait3A_148, %dma_wait3A_154] : memref<2x8x64xi32, #tpu.memory_space<vmem>> -> memref<1x1x64xi32, #tpu.memory_space<vmem>>
        %dma_wait3A_156 = tpu.memref_squeeze %dma_wait3A_155 : memref<1x1x64xi32, #tpu.memory_space<vmem>> -> memref<64xi32, #tpu.memory_space<vmem>>
        %dma_wait3A_157 = arith.constant 0 : i32
        %dma_wait3A_158 = arith.constant 0 : i32
        %dma_wait3A_159 = tpu.memref_slice %arg2[%dma_wait3A_157, %dma_wait3A_158] : memref<10000x128xf32, #tpu.memory_space<hbm>> -> memref<10000x128xf32, #tpu.memory_space<hbm>>
        tpu.wait_indirect_dma semaphore(%arg13 : memref<!tpu.dma_semaphore, #tpu.memory_space<semaphore_mem>>) src(%dma_wait3A_159 : memref<10000x128xf32, #tpu.memory_space<hbm>>) dst(%dma_wait3A_153 : memref<64x128xf32, #tpu.memory_space<vmem>>)
        %dma_start3A_160 = arith.constant 1 : i32
        %dma_start3A_161 = arith.constant 1 : i32
        %dma_start3A_162 = arith.constant 0 : i32
        %dma_start3A_163 = arith.constant 0 : i32
        %dma_start3A_164 = tpu.memref_slice %arg11[%dma_start3A_160, %dma_start3A_162, %dma_start3A_163] : memref<5x64x128xf32, #tpu.memory_space<vmem>> -> memref<1x64x128xf32, #tpu.memory_space<vmem>>
        %dma_start3A_165 = tpu.memref_squeeze %dma_start3A_164 : memref<1x64x128xf32, #tpu.memory_space<vmem>> -> memref<64x128xf32, #tpu.memory_space<vmem>>
        %dma_start3A_166 = arith.constant 0 : i32
        %dma_start3A_167 = tpu.memref_slice %arg10[%rem3A_30, %dma_start3A_161, %dma_start3A_166] : memref<2x8x64xi32, #tpu.memory_space<vmem>> -> memref<1x1x64xi32, #tpu.memory_space<vmem>>
        %dma_start3A_168 = tpu.memref_squeeze %dma_start3A_167 : memref<1x1x64xi32, #tpu.memory_space<vmem>> -> memref<64xi32, #tpu.memory_space<vmem>>
        %dma_start3A_169 = arith.constant 0 : i32
        %dma_start3A_170 = arith.constant 0 : i32
        %dma_start3A_171 = tpu.memref_slice %arg12[%dma_start3A_169, %dma_start3A_170] : memref<10112x128xf32, #tpu.memory_space<vmem_shared>> -> memref<10112x128xf32, #tpu.memory_space<vmem_shared>>
        tpu.enqueue_indirect_dma source(%dma_start3A_165 : memref<64x128xf32, #tpu.memory_space<vmem>>) target(%dma_start3A_171 : memref<10112x128xf32, #tpu.memory_space<vmem_shared>>) offsets(%dma_start3A_168 : memref<64xi32, #tpu.memory_space<vmem>>) semaphore(%arg14 : memref<!tpu.dma_semaphore, #tpu.memory_space<semaphore_mem>>) {add = true}
        %dma_wait3A_172 = arith.constant 0 : i32
        %dma_wait3A_173 = arith.constant 0 : i32
        %dma_wait3A_174 = arith.constant 0 : i32
        %dma_wait3A_175 = arith.constant 0 : i32
        %dma_wait3A_176 = tpu.memref_slice %arg11[%dma_wait3A_172, %dma_wait3A_174, %dma_wait3A_175] : memref<5x64x128xf32, #tpu.memory_space<vmem>> -> memref<1x64x128xf32, #tpu.memory_space<vmem>>
        %dma_wait3A_177 = tpu.memref_squeeze %dma_wait3A_176 : memref<1x64x128xf32, #tpu.memory_space<vmem>> -> memref<64x128xf32, #tpu.memory_space<vmem>>
        %dma_wait3A_178 = arith.constant 0 : i32
        %dma_wait3A_179 = tpu.memref_slice %arg10[%rem3A_30, %dma_wait3A_173, %dma_wait3A_178] : memref<2x8x64xi32, #tpu.memory_space<vmem>> -> memref<1x1x64xi32, #tpu.memory_space<vmem>>
        %dma_wait3A_180 = tpu.memref_squeeze %dma_wait3A_179 : memref<1x1x64xi32, #tpu.memory_space<vmem>> -> memref<64xi32, #tpu.memory_space<vmem>>
        %dma_wait3A_181 = arith.constant 0 : i32
        %dma_wait3A_182 = arith.constant 0 : i32
        %dma_wait3A_183 = tpu.memref_slice %arg12[%dma_wait3A_181, %dma_wait3A_182] : memref<10112x128xf32, #tpu.memory_space<vmem_shared>> -> memref<10112x128xf32, #tpu.memory_space<vmem_shared>>
        tpu.wait_indirect_dma semaphore(%arg14 : memref<!tpu.dma_semaphore, #tpu.memory_space<semaphore_mem>>) src(%dma_wait3A_177 : memref<64x128xf32, #tpu.memory_space<vmem>>) dst(%dma_wait3A_183 : memref<10112x128xf32, #tpu.memory_space<vmem_shared>>)
        %dma_start3A_184 = arith.constant 5 : i32
        %dma_start3A_185 = arith.constant 0 : i32
        %dma_start3A_186 = arith.constant 0 : i32
        %dma_start3A_187 = arith.constant 0 : i32
        %dma_start3A_188 = tpu.memref_slice %arg11[%dma_start3A_185, %dma_start3A_186, %dma_start3A_187] : memref<5x64x128xf32, #tpu.memory_space<vmem>> -> memref<1x64x128xf32, #tpu.memory_space<vmem>>
        %dma_start3A_189 = tpu.memref_squeeze %dma_start3A_188 : memref<1x64x128xf32, #tpu.memory_space<vmem>> -> memref<64x128xf32, #tpu.memory_space<vmem>>
        %dma_start3A_190 = arith.constant 0 : i32
        %dma_start3A_191 = tpu.memref_slice %arg9[%rem3A_30, %dma_start3A_184, %dma_start3A_190] : memref<2x8x64xi32, #tpu.memory_space<vmem>> -> memref<1x1x64xi32, #tpu.memory_space<vmem>>
        %dma_start3A_192 = tpu.memref_squeeze %dma_start3A_191 : memref<1x1x64xi32, #tpu.memory_space<vmem>> -> memref<64xi32, #tpu.memory_space<vmem>>
        %dma_start3A_193 = arith.constant 0 : i32
        %dma_start3A_194 = arith.constant 0 : i32
        %dma_start3A_195 = tpu.memref_slice %arg2[%dma_start3A_193, %dma_start3A_194] : memref<10000x128xf32, #tpu.memory_space<hbm>> -> memref<10000x128xf32, #tpu.memory_space<hbm>>
        tpu.enqueue_indirect_dma source(%dma_start3A_195 : memref<10000x128xf32, #tpu.memory_space<hbm>>) target(%dma_start3A_189 : memref<64x128xf32, #tpu.memory_space<vmem>>) offsets(%dma_start3A_192 : memref<64xi32, #tpu.memory_space<vmem>>) semaphore(%arg13 : memref<!tpu.dma_semaphore, #tpu.memory_space<semaphore_mem>>)
        %dma_wait3A_196 = arith.constant 2 : i32
        %dma_wait3A_197 = arith.constant 2 : i32
        %dma_wait3A_198 = arith.constant 0 : i32
        %dma_wait3A_199 = arith.constant 0 : i32
        %dma_wait3A_200 = tpu.memref_slice %arg11[%dma_wait3A_197, %dma_wait3A_198, %dma_wait3A_199] : memref<5x64x128xf32, #tpu.memory_space<vmem>> -> memref<1x64x128xf32, #tpu.memory_space<vmem>>
        %dma_wait3A_201 = tpu.memref_squeeze %dma_wait3A_200 : memref<1x64x128xf32, #tpu.memory_space<vmem>> -> memref<64x128xf32, #tpu.memory_space<vmem>>
        %dma_wait3A_202 = arith.constant 0 : i32
        %dma_wait3A_203 = tpu.memref_slice %arg9[%rem3A_30, %dma_wait3A_196, %dma_wait3A_202] : memref<2x8x64xi32, #tpu.memory_space<vmem>> -> memref<1x1x64xi32, #tpu.memory_space<vmem>>
        %dma_wait3A_204 = tpu.memref_squeeze %dma_wait3A_203 : memref<1x1x64xi32, #tpu.memory_space<vmem>> -> memref<64xi32, #tpu.memory_space<vmem>>
        %dma_wait3A_205 = arith.constant 0 : i32
        %dma_wait3A_206 = arith.constant 0 : i32
        %dma_wait3A_207 = tpu.memref_slice %arg2[%dma_wait3A_205, %dma_wait3A_206] : memref<10000x128xf32, #tpu.memory_space<hbm>> -> memref<10000x128xf32, #tpu.memory_space<hbm>>
        tpu.wait_indirect_dma semaphore(%arg13 : memref<!tpu.dma_semaphore, #tpu.memory_space<semaphore_mem>>) src(%dma_wait3A_207 : memref<10000x128xf32, #tpu.memory_space<hbm>>) dst(%dma_wait3A_201 : memref<64x128xf32, #tpu.memory_space<vmem>>)
        %dma_start3A_208 = arith.constant 2 : i32
        %dma_start3A_209 = arith.constant 2 : i32
        %dma_start3A_210 = arith.constant 0 : i32
        %dma_start3A_211 = arith.constant 0 : i32
        %dma_start3A_212 = tpu.memref_slice %arg11[%dma_start3A_208, %dma_start3A_210, %dma_start3A_211] : memref<5x64x128xf32, #tpu.memory_space<vmem>> -> memref<1x64x128xf32, #tpu.memory_space<vmem>>
        %dma_start3A_213 = tpu.memref_squeeze %dma_start3A_212 : memref<1x64x128xf32, #tpu.memory_space<vmem>> -> memref<64x128xf32, #tpu.memory_space<vmem>>
        %dma_start3A_214 = arith.constant 0 : i32
        %dma_start3A_215 = tpu.memref_slice %arg10[%rem3A_30, %dma_start3A_209, %dma_start3A_214] : memref<2x8x64xi32, #tpu.memory_space<vmem>> -> memref<1x1x64xi32, #tpu.memory_space<vmem>>
        %dma_start3A_216 = tpu.memref_squeeze %dma_start3A_215 : memref<1x1x64xi32, #tpu.memory_space<vmem>> -> memref<64xi32, #tpu.memory_space<vmem>>
        %dma_start3A_217 = arith.constant 0 : i32
        %dma_start3A_218 = arith.constant 0 : i32
        %dma_start3A_219 = tpu.memref_slice %arg12[%dma_start3A_217, %dma_start3A_218] : memref<10112x128xf32, #tpu.memory_space<vmem_shared>> -> memref<10112x128xf32, #tpu.memory_space<vmem_shared>>
        tpu.enqueue_indirect_dma source(%dma_start3A_213 : memref<64x128xf32, #tpu.memory_space<vmem>>) target(%dma_start3A_219 : memref<10112x128xf32, #tpu.memory_space<vmem_shared>>) offsets(%dma_start3A_216 : memref<64xi32, #tpu.memory_space<vmem>>) semaphore(%arg14 : memref<!tpu.dma_semaphore, #tpu.memory_space<semaphore_mem>>) {add = true}
        %dma_wait3A_220 = arith.constant 1 : i32
        %dma_wait3A_221 = arith.constant 1 : i32
        %dma_wait3A_222 = arith.constant 0 : i32
        %dma_wait3A_223 = arith.constant 0 : i32
        %dma_wait3A_224 = tpu.memref_slice %arg11[%dma_wait3A_220, %dma_wait3A_222, %dma_wait3A_223] : memref<5x64x128xf32, #tpu.memory_space<vmem>> -> memref<1x64x128xf32, #tpu.memory_space<vmem>>
        %dma_wait3A_225 = tpu.memref_squeeze %dma_wait3A_224 : memref<1x64x128xf32, #tpu.memory_space<vmem>> -> memref<64x128xf32, #tpu.memory_space<vmem>>
        %dma_wait3A_226 = arith.constant 0 : i32
        %dma_wait3A_227 = tpu.memref_slice %arg10[%rem3A_30, %dma_wait3A_221, %dma_wait3A_226] : memref<2x8x64xi32, #tpu.memory_space<vmem>> -> memref<1x1x64xi32, #tpu.memory_space<vmem>>
        %dma_wait3A_228 = tpu.memref_squeeze %dma_wait3A_227 : memref<1x1x64xi32, #tpu.memory_space<vmem>> -> memref<64xi32, #tpu.memory_space<vmem>>
        %dma_wait3A_229 = arith.constant 0 : i32
        %dma_wait3A_230 = arith.constant 0 : i32
        %dma_wait3A_231 = tpu.memref_slice %arg12[%dma_wait3A_229, %dma_wait3A_230] : memref<10112x128xf32, #tpu.memory_space<vmem_shared>> -> memref<10112x128xf32, #tpu.memory_space<vmem_shared>>
        tpu.wait_indirect_dma semaphore(%arg14 : memref<!tpu.dma_semaphore, #tpu.memory_space<semaphore_mem>>) src(%dma_wait3A_225 : memref<64x128xf32, #tpu.memory_space<vmem>>) dst(%dma_wait3A_231 : memref<10112x128xf32, #tpu.memory_space<vmem_shared>>)
        %dma_start3A_232 = arith.constant 6 : i32
        %dma_start3A_233 = arith.constant 1 : i32
        %dma_start3A_234 = arith.constant 0 : i32
        %dma_start3A_235 = arith.constant 0 : i32
        %dma_start3A_236 = tpu.memref_slice %arg11[%dma_start3A_233, %dma_start3A_234, %dma_start3A_235] : memref<5x64x128xf32, #tpu.memory_space<vmem>> -> memref<1x64x128xf32, #tpu.memory_space<vmem>>
        %dma_start3A_237 = tpu.memref_squeeze %dma_start3A_236 : memref<1x64x128xf32, #tpu.memory_space<vmem>> -> memref<64x128xf32, #tpu.memory_space<vmem>>
        %dma_start3A_238 = arith.constant 0 : i32
        %dma_start3A_239 = tpu.memref_slice %arg9[%rem3A_30, %dma_start3A_232, %dma_start3A_238] : memref<2x8x64xi32, #tpu.memory_space<vmem>> -> memref<1x1x64xi32, #tpu.memory_space<vmem>>
        %dma_start3A_240 = tpu.memref_squeeze %dma_start3A_239 : memref<1x1x64xi32, #tpu.memory_space<vmem>> -> memref<64xi32, #tpu.memory_space<vmem>>
        %dma_start3A_241 = arith.constant 0 : i32
        %dma_start3A_242 = arith.constant 0 : i32
        %dma_start3A_243 = tpu.memref_slice %arg2[%dma_start3A_241, %dma_start3A_242] : memref<10000x128xf32, #tpu.memory_space<hbm>> -> memref<10000x128xf32, #tpu.memory_space<hbm>>
        tpu.enqueue_indirect_dma source(%dma_start3A_243 : memref<10000x128xf32, #tpu.memory_space<hbm>>) target(%dma_start3A_237 : memref<64x128xf32, #tpu.memory_space<vmem>>) offsets(%dma_start3A_240 : memref<64xi32, #tpu.memory_space<vmem>>) semaphore(%arg13 : memref<!tpu.dma_semaphore, #tpu.memory_space<semaphore_mem>>)
        %dma_wait3A_244 = arith.constant 3 : i32
        %dma_wait3A_245 = arith.constant 3 : i32
        %dma_wait3A_246 = arith.constant 0 : i32
        %dma_wait3A_247 = arith.constant 0 : i32
        %dma_wait3A_248 = tpu.memref_slice %arg11[%dma_wait3A_245, %dma_wait3A_246, %dma_wait3A_247] : memref<5x64x128xf32, #tpu.memory_space<vmem>> -> memref<1x64x128xf32, #tpu.memory_space<vmem>>
        %dma_wait3A_249 = tpu.memref_squeeze %dma_wait3A_248 : memref<1x64x128xf32, #tpu.memory_space<vmem>> -> memref<64x128xf32, #tpu.memory_space<vmem>>
        %dma_wait3A_250 = arith.constant 0 : i32
        %dma_wait3A_251 = tpu.memref_slice %arg9[%rem3A_30, %dma_wait3A_244, %dma_wait3A_250] : memref<2x8x64xi32, #tpu.memory_space<vmem>> -> memref<1x1x64xi32, #tpu.memory_space<vmem>>
        %dma_wait3A_252 = tpu.memref_squeeze %dma_wait3A_251 : memref<1x1x64xi32, #tpu.memory_space<vmem>> -> memref<64xi32, #tpu.memory_space<vmem>>
        %dma_wait3A_253 = arith.constant 0 : i32
        %dma_wait3A_254 = arith.constant 0 : i32
        %dma_wait3A_255 = tpu.memref_slice %arg2[%dma_wait3A_253, %dma_wait3A_254] : memref<10000x128xf32, #tpu.memory_space<hbm>> -> memref<10000x128xf32, #tpu.memory_space<hbm>>
        tpu.wait_indirect_dma semaphore(%arg13 : memref<!tpu.dma_semaphore, #tpu.memory_space<semaphore_mem>>) src(%dma_wait3A_255 : memref<10000x128xf32, #tpu.memory_space<hbm>>) dst(%dma_wait3A_249 : memref<64x128xf32, #tpu.memory_space<vmem>>)
        %dma_start3A_256 = arith.constant 3 : i32
        %dma_start3A_257 = arith.constant 3 : i32
        %dma_start3A_258 = arith.constant 0 : i32
        %dma_start3A_259 = arith.constant 0 : i32
        %dma_start3A_260 = tpu.memref_slice %arg11[%dma_start3A_256, %dma_start3A_258, %dma_start3A_259] : memref<5x64x128xf32, #tpu.memory_space<vmem>> -> memref<1x64x128xf32, #tpu.memory_space<vmem>>
        %dma_start3A_261 = tpu.memref_squeeze %dma_start3A_260 : memref<1x64x128xf32, #tpu.memory_space<vmem>> -> memref<64x128xf32, #tpu.memory_space<vmem>>
        %dma_start3A_262 = arith.constant 0 : i32
        %dma_start3A_263 = tpu.memref_slice %arg10[%rem3A_30, %dma_start3A_257, %dma_start3A_262] : memref<2x8x64xi32, #tpu.memory_space<vmem>> -> memref<1x1x64xi32, #tpu.memory_space<vmem>>
        %dma_start3A_264 = tpu.memref_squeeze %dma_start3A_263 : memref<1x1x64xi32, #tpu.memory_space<vmem>> -> memref<64xi32, #tpu.memory_space<vmem>>
        %dma_start3A_265 = arith.constant 0 : i32
        %dma_start3A_266 = arith.constant 0 : i32
        %dma_start3A_267 = tpu.memref_slice %arg12[%dma_start3A_265, %dma_start3A_266] : memref<10112x128xf32, #tpu.memory_space<vmem_shared>> -> memref<10112x128xf32, #tpu.memory_space<vmem_shared>>
        tpu.enqueue_indirect_dma source(%dma_start3A_261 : memref<64x128xf32, #tpu.memory_space<vmem>>) target(%dma_start3A_267 : memref<10112x128xf32, #tpu.memory_space<vmem_shared>>) offsets(%dma_start3A_264 : memref<64xi32, #tpu.memory_space<vmem>>) semaphore(%arg14 : memref<!tpu.dma_semaphore, #tpu.memory_space<semaphore_mem>>) {add = true}
        %dma_wait3A_268 = arith.constant 2 : i32
        %dma_wait3A_269 = arith.constant 2 : i32
        %dma_wait3A_270 = arith.constant 0 : i32
        %dma_wait3A_271 = arith.constant 0 : i32
        %dma_wait3A_272 = tpu.memref_slice %arg11[%dma_wait3A_268, %dma_wait3A_270, %dma_wait3A_271] : memref<5x64x128xf32, #tpu.memory_space<vmem>> -> memref<1x64x128xf32, #tpu.memory_space<vmem>>
        %dma_wait3A_273 = tpu.memref_squeeze %dma_wait3A_272 : memref<1x64x128xf32, #tpu.memory_space<vmem>> -> memref<64x128xf32, #tpu.memory_space<vmem>>
        %dma_wait3A_274 = arith.constant 0 : i32
        %dma_wait3A_275 = tpu.memref_slice %arg10[%rem3A_30, %dma_wait3A_269, %dma_wait3A_274] : memref<2x8x64xi32, #tpu.memory_space<vmem>> -> memref<1x1x64xi32, #tpu.memory_space<vmem>>
        %dma_wait3A_276 = tpu.memref_squeeze %dma_wait3A_275 : memref<1x1x64xi32, #tpu.memory_space<vmem>> -> memref<64xi32, #tpu.memory_space<vmem>>
        %dma_wait3A_277 = arith.constant 0 : i32
        %dma_wait3A_278 = arith.constant 0 : i32
        %dma_wait3A_279 = tpu.memref_slice %arg12[%dma_wait3A_277, %dma_wait3A_278] : memref<10112x128xf32, #tpu.memory_space<vmem_shared>> -> memref<10112x128xf32, #tpu.memory_space<vmem_shared>>
        tpu.wait_indirect_dma semaphore(%arg14 : memref<!tpu.dma_semaphore, #tpu.memory_space<semaphore_mem>>) src(%dma_wait3A_273 : memref<64x128xf32, #tpu.memory_space<vmem>>) dst(%dma_wait3A_279 : memref<10112x128xf32, #tpu.memory_space<vmem_shared>>)
        %dma_start3A_280 = arith.constant 7 : i32
        %dma_start3A_281 = arith.constant 2 : i32
        %dma_start3A_282 = arith.constant 0 : i32
        %dma_start3A_283 = arith.constant 0 : i32
        %dma_start3A_284 = tpu.memref_slice %arg11[%dma_start3A_281, %dma_start3A_282, %dma_start3A_283] : memref<5x64x128xf32, #tpu.memory_space<vmem>> -> memref<1x64x128xf32, #tpu.memory_space<vmem>>
        %dma_start3A_285 = tpu.memref_squeeze %dma_start3A_284 : memref<1x64x128xf32, #tpu.memory_space<vmem>> -> memref<64x128xf32, #tpu.memory_space<vmem>>
        %dma_start3A_286 = arith.constant 0 : i32
        %dma_start3A_287 = tpu.memref_slice %arg9[%rem3A_30, %dma_start3A_280, %dma_start3A_286] : memref<2x8x64xi32, #tpu.memory_space<vmem>> -> memref<1x1x64xi32, #tpu.memory_space<vmem>>
        %dma_start3A_288 = tpu.memref_squeeze %dma_start3A_287 : memref<1x1x64xi32, #tpu.memory_space<vmem>> -> memref<64xi32, #tpu.memory_space<vmem>>
        %dma_start3A_289 = arith.constant 0 : i32
        %dma_start3A_290 = arith.constant 0 : i32
        %dma_start3A_291 = tpu.memref_slice %arg2[%dma_start3A_289, %dma_start3A_290] : memref<10000x128xf32, #tpu.memory_space<hbm>> -> memref<10000x128xf32, #tpu.memory_space<hbm>>
        tpu.enqueue_indirect_dma source(%dma_start3A_291 : memref<10000x128xf32, #tpu.memory_space<hbm>>) target(%dma_start3A_285 : memref<64x128xf32, #tpu.memory_space<vmem>>) offsets(%dma_start3A_288 : memref<64xi32, #tpu.memory_space<vmem>>) semaphore(%arg13 : memref<!tpu.dma_semaphore, #tpu.memory_space<semaphore_mem>>)
        %dma_wait3A_292 = arith.constant 4 : i32
        %dma_wait3A_293 = arith.constant 4 : i32
        %dma_wait3A_294 = arith.constant 0 : i32
        %dma_wait3A_295 = arith.constant 0 : i32
        %dma_wait3A_296 = tpu.memref_slice %arg11[%dma_wait3A_293, %dma_wait3A_294, %dma_wait3A_295] : memref<5x64x128xf32, #tpu.memory_space<vmem>> -> memref<1x64x128xf32, #tpu.memory_space<vmem>>
        %dma_wait3A_297 = tpu.memref_squeeze %dma_wait3A_296 : memref<1x64x128xf32, #tpu.memory_space<vmem>> -> memref<64x128xf32, #tpu.memory_space<vmem>>
        %dma_wait3A_298 = arith.constant 0 : i32
        %dma_wait3A_299 = tpu.memref_slice %arg9[%rem3A_30, %dma_wait3A_292, %dma_wait3A_298] : memref<2x8x64xi32, #tpu.memory_space<vmem>> -> memref<1x1x64xi32, #tpu.memory_space<vmem>>
        %dma_wait3A_300 = tpu.memref_squeeze %dma_wait3A_299 : memref<1x1x64xi32, #tpu.memory_space<vmem>> -> memref<64xi32, #tpu.memory_space<vmem>>
        %dma_wait3A_301 = arith.constant 0 : i32
        %dma_wait3A_302 = arith.constant 0 : i32
        %dma_wait3A_303 = tpu.memref_slice %arg2[%dma_wait3A_301, %dma_wait3A_302] : memref<10000x128xf32, #tpu.memory_space<hbm>> -> memref<10000x128xf32, #tpu.memory_space<hbm>>
        tpu.wait_indirect_dma semaphore(%arg13 : memref<!tpu.dma_semaphore, #tpu.memory_space<semaphore_mem>>) src(%dma_wait3A_303 : memref<10000x128xf32, #tpu.memory_space<hbm>>) dst(%dma_wait3A_297 : memref<64x128xf32, #tpu.memory_space<vmem>>)
        %dma_start3A_304 = arith.constant 4 : i32
        %dma_start3A_305 = arith.constant 4 : i32
        %dma_start3A_306 = arith.constant 0 : i32
        %dma_start3A_307 = arith.constant 0 : i32
        %dma_start3A_308 = tpu.memref_slice %arg11[%dma_start3A_304, %dma_start3A_306, %dma_start3A_307] : memref<5x64x128xf32, #tpu.memory_space<vmem>> -> memref<1x64x128xf32, #tpu.memory_space<vmem>>
        %dma_start3A_309 = tpu.memref_squeeze %dma_start3A_308 : memref<1x64x128xf32, #tpu.memory_space<vmem>> -> memref<64x128xf32, #tpu.memory_space<vmem>>
        %dma_start3A_310 = arith.constant 0 : i32
        %dma_start3A_311 = tpu.memref_slice %arg10[%rem3A_30, %dma_start3A_305, %dma_start3A_310] : memref<2x8x64xi32, #tpu.memory_space<vmem>> -> memref<1x1x64xi32, #tpu.memory_space<vmem>>
        %dma_start3A_312 = tpu.memref_squeeze %dma_start3A_311 : memref<1x1x64xi32, #tpu.memory_space<vmem>> -> memref<64xi32, #tpu.memory_space<vmem>>
        %dma_start3A_313 = arith.constant 0 : i32
        %dma_start3A_314 = arith.constant 0 : i32
        %dma_start3A_315 = tpu.memref_slice %arg12[%dma_start3A_313, %dma_start3A_314] : memref<10112x128xf32, #tpu.memory_space<vmem_shared>> -> memref<10112x128xf32, #tpu.memory_space<vmem_shared>>
        tpu.enqueue_indirect_dma source(%dma_start3A_309 : memref<64x128xf32, #tpu.memory_space<vmem>>) target(%dma_start3A_315 : memref<10112x128xf32, #tpu.memory_space<vmem_shared>>) offsets(%dma_start3A_312 : memref<64xi32, #tpu.memory_space<vmem>>) semaphore(%arg14 : memref<!tpu.dma_semaphore, #tpu.memory_space<semaphore_mem>>) {add = true}
        %dma_wait3A_316 = arith.constant 5 : i32
        %dma_wait3A_317 = arith.constant 0 : i32
        %dma_wait3A_318 = arith.constant 0 : i32
        %dma_wait3A_319 = arith.constant 0 : i32
        %dma_wait3A_320 = tpu.memref_slice %arg11[%dma_wait3A_317, %dma_wait3A_318, %dma_wait3A_319] : memref<5x64x128xf32, #tpu.memory_space<vmem>> -> memref<1x64x128xf32, #tpu.memory_space<vmem>>
        %dma_wait3A_321 = tpu.memref_squeeze %dma_wait3A_320 : memref<1x64x128xf32, #tpu.memory_space<vmem>> -> memref<64x128xf32, #tpu.memory_space<vmem>>
        %dma_wait3A_322 = arith.constant 0 : i32
        %dma_wait3A_323 = tpu.memref_slice %arg9[%rem3A_30, %dma_wait3A_316, %dma_wait3A_322] : memref<2x8x64xi32, #tpu.memory_space<vmem>> -> memref<1x1x64xi32, #tpu.memory_space<vmem>>
        %dma_wait3A_324 = tpu.memref_squeeze %dma_wait3A_323 : memref<1x1x64xi32, #tpu.memory_space<vmem>> -> memref<64xi32, #tpu.memory_space<vmem>>
        %dma_wait3A_325 = arith.constant 0 : i32
        %dma_wait3A_326 = arith.constant 0 : i32
        %dma_wait3A_327 = tpu.memref_slice %arg2[%dma_wait3A_325, %dma_wait3A_326] : memref<10000x128xf32, #tpu.memory_space<hbm>> -> memref<10000x128xf32, #tpu.memory_space<hbm>>
        tpu.wait_indirect_dma semaphore(%arg13 : memref<!tpu.dma_semaphore, #tpu.memory_space<semaphore_mem>>) src(%dma_wait3A_327 : memref<10000x128xf32, #tpu.memory_space<hbm>>) dst(%dma_wait3A_321 : memref<64x128xf32, #tpu.memory_space<vmem>>)
        %dma_start3A_328 = arith.constant 0 : i32
        %dma_start3A_329 = arith.constant 5 : i32
        %dma_start3A_330 = arith.constant 0 : i32
        %dma_start3A_331 = arith.constant 0 : i32
        %dma_start3A_332 = tpu.memref_slice %arg11[%dma_start3A_328, %dma_start3A_330, %dma_start3A_331] : memref<5x64x128xf32, #tpu.memory_space<vmem>> -> memref<1x64x128xf32, #tpu.memory_space<vmem>>
        %dma_start3A_333 = tpu.memref_squeeze %dma_start3A_332 : memref<1x64x128xf32, #tpu.memory_space<vmem>> -> memref<64x128xf32, #tpu.memory_space<vmem>>
        %dma_start3A_334 = arith.constant 0 : i32
        %dma_start3A_335 = tpu.memref_slice %arg10[%rem3A_30, %dma_start3A_329, %dma_start3A_334] : memref<2x8x64xi32, #tpu.memory_space<vmem>> -> memref<1x1x64xi32, #tpu.memory_space<vmem>>
        %dma_start3A_336 = tpu.memref_squeeze %dma_start3A_335 : memref<1x1x64xi32, #tpu.memory_space<vmem>> -> memref<64xi32, #tpu.memory_space<vmem>>
        %dma_start3A_337 = arith.constant 0 : i32
        %dma_start3A_338 = arith.constant 0 : i32
        %dma_start3A_339 = tpu.memref_slice %arg12[%dma_start3A_337, %dma_start3A_338] : memref<10112x128xf32, #tpu.memory_space<vmem_shared>> -> memref<10112x128xf32, #tpu.memory_space<vmem_shared>>
        tpu.enqueue_indirect_dma source(%dma_start3A_333 : memref<64x128xf32, #tpu.memory_space<vmem>>) target(%dma_start3A_339 : memref<10112x128xf32, #tpu.memory_space<vmem_shared>>) offsets(%dma_start3A_336 : memref<64xi32, #tpu.memory_space<vmem>>) semaphore(%arg14 : memref<!tpu.dma_semaphore, #tpu.memory_space<semaphore_mem>>) {add = true}
        %dma_wait3A_340 = arith.constant 6 : i32
        %dma_wait3A_341 = arith.constant 1 : i32
        %dma_wait3A_342 = arith.constant 0 : i32
        %dma_wait3A_343 = arith.constant 0 : i32
        %dma_wait3A_344 = tpu.memref_slice %arg11[%dma_wait3A_341, %dma_wait3A_342, %dma_wait3A_343] : memref<5x64x128xf32, #tpu.memory_space<vmem>> -> memref<1x64x128xf32, #tpu.memory_space<vmem>>
        %dma_wait3A_345 = tpu.memref_squeeze %dma_wait3A_344 : memref<1x64x128xf32, #tpu.memory_space<vmem>> -> memref<64x128xf32, #tpu.memory_space<vmem>>
        %dma_wait3A_346 = arith.constant 0 : i32
        %dma_wait3A_347 = tpu.memref_slice %arg9[%rem3A_30, %dma_wait3A_340, %dma_wait3A_346] : memref<2x8x64xi32, #tpu.memory_space<vmem>> -> memref<1x1x64xi32, #tpu.memory_space<vmem>>
        %dma_wait3A_348 = tpu.memref_squeeze %dma_wait3A_347 : memref<1x1x64xi32, #tpu.memory_space<vmem>> -> memref<64xi32, #tpu.memory_space<vmem>>
        %dma_wait3A_349 = arith.constant 0 : i32
        %dma_wait3A_350 = arith.constant 0 : i32
        %dma_wait3A_351 = tpu.memref_slice %arg2[%dma_wait3A_349, %dma_wait3A_350] : memref<10000x128xf32, #tpu.memory_space<hbm>> -> memref<10000x128xf32, #tpu.memory_space<hbm>>
        tpu.wait_indirect_dma semaphore(%arg13 : memref<!tpu.dma_semaphore, #tpu.memory_space<semaphore_mem>>) src(%dma_wait3A_351 : memref<10000x128xf32, #tpu.memory_space<hbm>>) dst(%dma_wait3A_345 : memref<64x128xf32, #tpu.memory_space<vmem>>)
        %dma_start3A_352 = arith.constant 1 : i32
        %dma_start3A_353 = arith.constant 6 : i32
        %dma_start3A_354 = arith.constant 0 : i32
        %dma_start3A_355 = arith.constant 0 : i32
        %dma_start3A_356 = tpu.memref_slice %arg11[%dma_start3A_352, %dma_start3A_354, %dma_start3A_355] : memref<5x64x128xf32, #tpu.memory_space<vmem>> -> memref<1x64x128xf32, #tpu.memory_space<vmem>>
        %dma_start3A_357 = tpu.memref_squeeze %dma_start3A_356 : memref<1x64x128xf32, #tpu.memory_space<vmem>> -> memref<64x128xf32, #tpu.memory_space<vmem>>
        %dma_start3A_358 = arith.constant 0 : i32
        %dma_start3A_359 = tpu.memref_slice %arg10[%rem3A_30, %dma_start3A_353, %dma_start3A_358] : memref<2x8x64xi32, #tpu.memory_space<vmem>> -> memref<1x1x64xi32, #tpu.memory_space<vmem>>
        %dma_start3A_360 = tpu.memref_squeeze %dma_start3A_359 : memref<1x1x64xi32, #tpu.memory_space<vmem>> -> memref<64xi32, #tpu.memory_space<vmem>>
        %dma_start3A_361 = arith.constant 0 : i32
        %dma_start3A_362 = arith.constant 0 : i32
        %dma_start3A_363 = tpu.memref_slice %arg12[%dma_start3A_361, %dma_start3A_362] : memref<10112x128xf32, #tpu.memory_space<vmem_shared>> -> memref<10112x128xf32, #tpu.memory_space<vmem_shared>>
        tpu.enqueue_indirect_dma source(%dma_start3A_357 : memref<64x128xf32, #tpu.memory_space<vmem>>) target(%dma_start3A_363 : memref<10112x128xf32, #tpu.memory_space<vmem_shared>>) offsets(%dma_start3A_360 : memref<64xi32, #tpu.memory_space<vmem>>) semaphore(%arg14 : memref<!tpu.dma_semaphore, #tpu.memory_space<semaphore_mem>>) {add = true}
        %dma_wait3A_364 = arith.constant 7 : i32
        %dma_wait3A_365 = arith.constant 2 : i32
        %dma_wait3A_366 = arith.constant 0 : i32
        %dma_wait3A_367 = arith.constant 0 : i32
        %dma_wait3A_368 = tpu.memref_slice %arg11[%dma_wait3A_365, %dma_wait3A_366, %dma_wait3A_367] : memref<5x64x128xf32, #tpu.memory_space<vmem>> -> memref<1x64x128xf32, #tpu.memory_space<vmem>>
        %dma_wait3A_369 = tpu.memref_squeeze %dma_wait3A_368 : memref<1x64x128xf32, #tpu.memory_space<vmem>> -> memref<64x128xf32, #tpu.memory_space<vmem>>
        %dma_wait3A_370 = arith.constant 0 : i32
        %dma_wait3A_371 = tpu.memref_slice %arg9[%rem3A_30, %dma_wait3A_364, %dma_wait3A_370] : memref<2x8x64xi32, #tpu.memory_space<vmem>> -> memref<1x1x64xi32, #tpu.memory_space<vmem>>
        %dma_wait3A_372 = tpu.memref_squeeze %dma_wait3A_371 : memref<1x1x64xi32, #tpu.memory_space<vmem>> -> memref<64xi32, #tpu.memory_space<vmem>>
        %dma_wait3A_373 = arith.constant 0 : i32
        %dma_wait3A_374 = arith.constant 0 : i32
        %dma_wait3A_375 = tpu.memref_slice %arg2[%dma_wait3A_373, %dma_wait3A_374] : memref<10000x128xf32, #tpu.memory_space<hbm>> -> memref<10000x128xf32, #tpu.memory_space<hbm>>
        tpu.wait_indirect_dma semaphore(%arg13 : memref<!tpu.dma_semaphore, #tpu.memory_space<semaphore_mem>>) src(%dma_wait3A_375 : memref<10000x128xf32, #tpu.memory_space<hbm>>) dst(%dma_wait3A_369 : memref<64x128xf32, #tpu.memory_space<vmem>>)
        %dma_start3A_376 = arith.constant 2 : i32
        %dma_start3A_377 = arith.constant 7 : i32
        %dma_start3A_378 = arith.constant 0 : i32
        %dma_start3A_379 = arith.constant 0 : i32
        %dma_start3A_380 = tpu.memref_slice %arg11[%dma_start3A_376, %dma_start3A_378, %dma_start3A_379] : memref<5x64x128xf32, #tpu.memory_space<vmem>> -> memref<1x64x128xf32, #tpu.memory_space<vmem>>
        %dma_start3A_381 = tpu.memref_squeeze %dma_start3A_380 : memref<1x64x128xf32, #tpu.memory_space<vmem>> -> memref<64x128xf32, #tpu.memory_space<vmem>>
        %dma_start3A_382 = arith.constant 0 : i32
        %dma_start3A_383 = tpu.memref_slice %arg10[%rem3A_30, %dma_start3A_377, %dma_start3A_382] : memref<2x8x64xi32, #tpu.memory_space<vmem>> -> memref<1x1x64xi32, #tpu.memory_space<vmem>>
        %dma_start3A_384 = tpu.memref_squeeze %dma_start3A_383 : memref<1x1x64xi32, #tpu.memory_space<vmem>> -> memref<64xi32, #tpu.memory_space<vmem>>
        %dma_start3A_385 = arith.constant 0 : i32
        %dma_start3A_386 = arith.constant 0 : i32
        %dma_start3A_387 = tpu.memref_slice %arg12[%dma_start3A_385, %dma_start3A_386] : memref<10112x128xf32, #tpu.memory_space<vmem_shared>> -> memref<10112x128xf32, #tpu.memory_space<vmem_shared>>
        tpu.enqueue_indirect_dma source(%dma_start3A_381 : memref<64x128xf32, #tpu.memory_space<vmem>>) target(%dma_start3A_387 : memref<10112x128xf32, #tpu.memory_space<vmem_shared>>) offsets(%dma_start3A_384 : memref<64xi32, #tpu.memory_space<vmem>>) semaphore(%arg14 : memref<!tpu.dma_semaphore, #tpu.memory_space<semaphore_mem>>) {add = true}
        %dma_wait3A_388 = arith.constant 3 : i32
        %dma_wait3A_389 = arith.constant 3 : i32
        %dma_wait3A_390 = arith.constant 0 : i32
        %dma_wait3A_391 = arith.constant 0 : i32
        %dma_wait3A_392 = tpu.memref_slice %arg11[%dma_wait3A_388, %dma_wait3A_390, %dma_wait3A_391] : memref<5x64x128xf32, #tpu.memory_space<vmem>> -> memref<1x64x128xf32, #tpu.memory_space<vmem>>
        %dma_wait3A_393 = tpu.memref_squeeze %dma_wait3A_392 : memref<1x64x128xf32, #tpu.memory_space<vmem>> -> memref<64x128xf32, #tpu.memory_space<vmem>>
        %dma_wait3A_394 = arith.constant 0 : i32
        %dma_wait3A_395 = tpu.memref_slice %arg10[%rem3A_30, %dma_wait3A_389, %dma_wait3A_394] : memref<2x8x64xi32, #tpu.memory_space<vmem>> -> memref<1x1x64xi32, #tpu.memory_space<vmem>>
        %dma_wait3A_396 = tpu.memref_squeeze %dma_wait3A_395 : memref<1x1x64xi32, #tpu.memory_space<vmem>> -> memref<64xi32, #tpu.memory_space<vmem>>
        %dma_wait3A_397 = arith.constant 0 : i32
        %dma_wait3A_398 = arith.constant 0 : i32
        %dma_wait3A_399 = tpu.memref_slice %arg12[%dma_wait3A_397, %dma_wait3A_398] : memref<10112x128xf32, #tpu.memory_space<vmem_shared>> -> memref<10112x128xf32, #tpu.memory_space<vmem_shared>>
        tpu.wait_indirect_dma semaphore(%arg14 : memref<!tpu.dma_semaphore, #tpu.memory_space<semaphore_mem>>) src(%dma_wait3A_393 : memref<64x128xf32, #tpu.memory_space<vmem>>) dst(%dma_wait3A_399 : memref<10112x128xf32, #tpu.memory_space<vmem_shared>>)
        %dma_wait3A_400 = arith.constant 4 : i32
        %dma_wait3A_401 = arith.constant 4 : i32
        %dma_wait3A_402 = arith.constant 0 : i32
        %dma_wait3A_403 = arith.constant 0 : i32
        %dma_wait3A_404 = tpu.memref_slice %arg11[%dma_wait3A_400, %dma_wait3A_402, %dma_wait3A_403] : memref<5x64x128xf32, #tpu.memory_space<vmem>> -> memref<1x64x128xf32, #tpu.memory_space<vmem>>
        %dma_wait3A_405 = tpu.memref_squeeze %dma_wait3A_404 : memref<1x64x128xf32, #tpu.memory_space<vmem>> -> memref<64x128xf32, #tpu.memory_space<vmem>>
        %dma_wait3A_406 = arith.constant 0 : i32
        %dma_wait3A_407 = tpu.memref_slice %arg10[%rem3A_30, %dma_wait3A_401, %dma_wait3A_406] : memref<2x8x64xi32, #tpu.memory_space<vmem>> -> memref<1x1x64xi32, #tpu.memory_space<vmem>>
        %dma_wait3A_408 = tpu.memref_squeeze %dma_wait3A_407 : memref<1x1x64xi32, #tpu.memory_space<vmem>> -> memref<64xi32, #tpu.memory_space<vmem>>
        %dma_wait3A_409 = arith.constant 0 : i32
        %dma_wait3A_410 = arith.constant 0 : i32
        %dma_wait3A_411 = tpu.memref_slice %arg12[%dma_wait3A_409, %dma_wait3A_410] : memref<10112x128xf32, #tpu.memory_space<vmem_shared>> -> memref<10112x128xf32, #tpu.memory_space<vmem_shared>>
        tpu.wait_indirect_dma semaphore(%arg14 : memref<!tpu.dma_semaphore, #tpu.memory_space<semaphore_mem>>) src(%dma_wait3A_405 : memref<64x128xf32, #tpu.memory_space<vmem>>) dst(%dma_wait3A_411 : memref<10112x128xf32, #tpu.memory_space<vmem_shared>>)
        %dma_wait3A_412 = arith.constant 0 : i32
        %dma_wait3A_413 = arith.constant 5 : i32
        %dma_wait3A_414 = arith.constant 0 : i32
        %dma_wait3A_415 = arith.constant 0 : i32
        %dma_wait3A_416 = tpu.memref_slice %arg11[%dma_wait3A_412, %dma_wait3A_414, %dma_wait3A_415] : memref<5x64x128xf32, #tpu.memory_space<vmem>> -> memref<1x64x128xf32, #tpu.memory_space<vmem>>
        %dma_wait3A_417 = tpu.memref_squeeze %dma_wait3A_416 : memref<1x64x128xf32, #tpu.memory_space<vmem>> -> memref<64x128xf32, #tpu.memory_space<vmem>>
        %dma_wait3A_418 = arith.constant 0 : i32
        %dma_wait3A_419 = tpu.memref_slice %arg10[%rem3A_30, %dma_wait3A_413, %dma_wait3A_418] : memref<2x8x64xi32, #tpu.memory_space<vmem>> -> memref<1x1x64xi32, #tpu.memory_space<vmem>>
        %dma_wait3A_420 = tpu.memref_squeeze %dma_wait3A_419 : memref<1x1x64xi32, #tpu.memory_space<vmem>> -> memref<64xi32, #tpu.memory_space<vmem>>
        %dma_wait3A_421 = arith.constant 0 : i32
        %dma_wait3A_422 = arith.constant 0 : i32
        %dma_wait3A_423 = tpu.memref_slice %arg12[%dma_wait3A_421, %dma_wait3A_422] : memref<10112x128xf32, #tpu.memory_space<vmem_shared>> -> memref<10112x128xf32, #tpu.memory_space<vmem_shared>>
        tpu.wait_indirect_dma semaphore(%arg14 : memref<!tpu.dma_semaphore, #tpu.memory_space<semaphore_mem>>) src(%dma_wait3A_417 : memref<64x128xf32, #tpu.memory_space<vmem>>) dst(%dma_wait3A_423 : memref<10112x128xf32, #tpu.memory_space<vmem_shared>>)
        %dma_wait3A_424 = arith.constant 1 : i32
        %dma_wait3A_425 = arith.constant 6 : i32
        %dma_wait3A_426 = arith.constant 0 : i32
        %dma_wait3A_427 = arith.constant 0 : i32
        %dma_wait3A_428 = tpu.memref_slice %arg11[%dma_wait3A_424, %dma_wait3A_426, %dma_wait3A_427] : memref<5x64x128xf32, #tpu.memory_space<vmem>> -> memref<1x64x128xf32, #tpu.memory_space<vmem>>
        %dma_wait3A_429 = tpu.memref_squeeze %dma_wait3A_428 : memref<1x64x128xf32, #tpu.memory_space<vmem>> -> memref<64x128xf32, #tpu.memory_space<vmem>>
        %dma_wait3A_430 = arith.constant 0 : i32
        %dma_wait3A_431 = tpu.memref_slice %arg10[%rem3A_30, %dma_wait3A_425, %dma_wait3A_430] : memref<2x8x64xi32, #tpu.memory_space<vmem>> -> memref<1x1x64xi32, #tpu.memory_space<vmem>>
        %dma_wait3A_432 = tpu.memref_squeeze %dma_wait3A_431 : memref<1x1x64xi32, #tpu.memory_space<vmem>> -> memref<64xi32, #tpu.memory_space<vmem>>
        %dma_wait3A_433 = arith.constant 0 : i32
        %dma_wait3A_434 = arith.constant 0 : i32
        %dma_wait3A_435 = tpu.memref_slice %arg12[%dma_wait3A_433, %dma_wait3A_434] : memref<10112x128xf32, #tpu.memory_space<vmem_shared>> -> memref<10112x128xf32, #tpu.memory_space<vmem_shared>>
        tpu.wait_indirect_dma semaphore(%arg14 : memref<!tpu.dma_semaphore, #tpu.memory_space<semaphore_mem>>) src(%dma_wait3A_429 : memref<64x128xf32, #tpu.memory_space<vmem>>) dst(%dma_wait3A_435 : memref<10112x128xf32, #tpu.memory_space<vmem_shared>>)
        %dma_wait3A_436 = arith.constant 2 : i32
        %dma_wait3A_437 = arith.constant 7 : i32
        %dma_wait3A_438 = arith.constant 0 : i32
        %dma_wait3A_439 = arith.constant 0 : i32
        %dma_wait3A_440 = tpu.memref_slice %arg11[%dma_wait3A_436, %dma_wait3A_438, %dma_wait3A_439] : memref<5x64x128xf32, #tpu.memory_space<vmem>> -> memref<1x64x128xf32, #tpu.memory_space<vmem>>
        %dma_wait3A_441 = tpu.memref_squeeze %dma_wait3A_440 : memref<1x64x128xf32, #tpu.memory_space<vmem>> -> memref<64x128xf32, #tpu.memory_space<vmem>>
        %dma_wait3A_442 = arith.constant 0 : i32
        %dma_wait3A_443 = tpu.memref_slice %arg10[%rem3A_30, %dma_wait3A_437, %dma_wait3A_442] : memref<2x8x64xi32, #tpu.memory_space<vmem>> -> memref<1x1x64xi32, #tpu.memory_space<vmem>>
        %dma_wait3A_444 = tpu.memref_squeeze %dma_wait3A_443 : memref<1x1x64xi32, #tpu.memory_space<vmem>> -> memref<64xi32, #tpu.memory_space<vmem>>
        %dma_wait3A_445 = arith.constant 0 : i32
        %dma_wait3A_446 = arith.constant 0 : i32
        %dma_wait3A_447 = tpu.memref_slice %arg12[%dma_wait3A_445, %dma_wait3A_446] : memref<10112x128xf32, #tpu.memory_space<vmem_shared>> -> memref<10112x128xf32, #tpu.memory_space<vmem_shared>>
        tpu.wait_indirect_dma semaphore(%arg14 : memref<!tpu.dma_semaphore, #tpu.memory_space<semaphore_mem>>) src(%dma_wait3A_441 : memref<64x128xf32, #tpu.memory_space<vmem>>) dst(%dma_wait3A_447 : memref<10112x128xf32, #tpu.memory_space<vmem_shared>>)
        %dma_wait3A_448 = arith.constant 0 : i32
        %dma_wait3A_449 = arith.constant 0 : i32
        %dma_wait3A_450 = tpu.memref_slice %arg9[%sub3A_36, %dma_wait3A_448, %dma_wait3A_449] : memref<2x8x64xi32, #tpu.memory_space<vmem>> -> memref<1x8x64xi32, #tpu.memory_space<vmem>>
        %dma_wait3A_451 = tpu.memref_squeeze %dma_wait3A_450 : memref<1x8x64xi32, #tpu.memory_space<vmem>> -> memref<8x64xi32, #tpu.memory_space<vmem>>
        %dma_wait3A_452 = arith.constant 0 : i32
        %dma_wait3A_453 = tpu.memref_slice %arg4[%add3A_35, %dma_wait3A_452] : memref<5120x64xi32, #tpu.memory_space<hbm>> -> memref<8x64xi32, #tpu.memory_space<hbm>>
        %dma_wait3A_454 = arith.constant 0 : i32
        %dma_wait3A_455 = arith.constant 0 : i32
        %dma_wait3A_456 = tpu.memref_slice %arg9[%sub3A_36, %dma_wait3A_454, %dma_wait3A_455] : memref<2x8x64xi32, #tpu.memory_space<vmem>> -> memref<1x8x64xi32, #tpu.memory_space<vmem>>
        %dma_wait3A_457 = tpu.memref_squeeze %dma_wait3A_456 : memref<1x8x64xi32, #tpu.memory_space<vmem>> -> memref<8x64xi32, #tpu.memory_space<vmem>>
        %dma_wait3A_458 = arith.constant 0 : i32
        %dma_wait3A_459 = tpu.memref_slice %arg4[%add3A_35, %dma_wait3A_458] : memref<5120x64xi32, #tpu.memory_space<hbm>> -> memref<8x64xi32, #tpu.memory_space<hbm>>
        tpu.wait_dma2 semaphore(%arg15 : memref<!tpu.dma_semaphore, #tpu.memory_space<semaphore_mem>>) src(%dma_wait3A_459 : memref<8x64xi32, #tpu.memory_space<hbm>>) dst(%dma_wait3A_457 : memref<8x64xi32, #tpu.memory_space<vmem>>)
        %dma_wait3A_460 = arith.constant 0 : i32
        %dma_wait3A_461 = arith.constant 0 : i32
        %dma_wait3A_462 = tpu.memref_slice %arg10[%sub3A_52, %dma_wait3A_460, %dma_wait3A_461] : memref<2x8x64xi32, #tpu.memory_space<vmem>> -> memref<1x8x64xi32, #tpu.memory_space<vmem>>
        %dma_wait3A_463 = tpu.memref_squeeze %dma_wait3A_462 : memref<1x8x64xi32, #tpu.memory_space<vmem>> -> memref<8x64xi32, #tpu.memory_space<vmem>>
        %dma_wait3A_464 = arith.constant 0 : i32
        %dma_wait3A_465 = tpu.memref_slice %arg5[%add3A_50, %dma_wait3A_464] : memref<5120x64xi32, #tpu.memory_space<hbm>> -> memref<8x64xi32, #tpu.memory_space<hbm>>
        %dma_wait3A_466 = arith.constant 0 : i32
        %dma_wait3A_467 = arith.constant 0 : i32
        %dma_wait3A_468 = tpu.memref_slice %arg10[%sub3A_52, %dma_wait3A_466, %dma_wait3A_467] : memref<2x8x64xi32, #tpu.memory_space<vmem>> -> memref<1x8x64xi32, #tpu.memory_space<vmem>>
        %dma_wait3A_469 = tpu.memref_squeeze %dma_wait3A_468 : memref<1x8x64xi32, #tpu.memory_space<vmem>> -> memref<8x64xi32, #tpu.memory_space<vmem>>
        %dma_wait3A_470 = arith.constant 0 : i32
        %dma_wait3A_471 = tpu.memref_slice %arg5[%add3A_50, %dma_wait3A_470] : memref<5120x64xi32, #tpu.memory_space<hbm>> -> memref<8x64xi32, #tpu.memory_space<hbm>>
        tpu.wait_dma2 semaphore(%arg15 : memref<!tpu.dma_semaphore, #tpu.memory_space<semaphore_mem>>) src(%dma_wait3A_471 : memref<8x64xi32, #tpu.memory_space<hbm>>) dst(%dma_wait3A_469 : memref<8x64xi32, #tpu.memory_space<vmem>>)
      }
      %scan3A_28 = arith.constant 40 : i32
    } else {
    }
    %eq3A_7 = arith.constant 1 : i32
    %eq3A_8 = arith.cmpi eq, %arg0, %eq3A_7 : i32
    %convert_element_type3A_9 = arith.extui %eq3A_8 : i1 to i32
    %cond3A_10 = arith.constant 0 : i32
    %cond3A_11 = arith.cmpi ne, %convert_element_type3A_9, %cond3A_10 : i32
    scf.if %cond3A_11 {
      %run_scoped3A = arith.constant 0 : i32
      "tpu.region"() ({
        %run_scoped3A_29 = tpu.sem_alloc : memref<!tpu.dma_semaphore, #tpu.memory_space<semaphore_mem>>
        %dma_start3A = arith.constant 0 : i32
        %dma_start3A_30 = arith.constant 0 : i32
        %dma_start3A_31 = tpu.memref_slice %arg9[%run_scoped3A, %dma_start3A, %dma_start3A_30] : memref<2x8x64xi32, #tpu.memory_space<vmem>> -> memref<1x8x64xi32, #tpu.memory_space<vmem>>
        %dma_start3A_32 = tpu.memref_squeeze %dma_start3A_31 : memref<1x8x64xi32, #tpu.memory_space<vmem>> -> memref<8x64xi32, #tpu.memory_space<vmem>>
        %dma_start3A_33 = arith.constant 0 : i32
        %dma_start3A_34 = tpu.memref_slice %arg4[%mul3A_2, %dma_start3A_33] : memref<5120x64xi32, #tpu.memory_space<hbm>> -> memref<8x64xi32, #tpu.memory_space<hbm>>
        %dma_start3A_35 = arith.constant 0 : i32
        %dma_start3A_36 = arith.constant 0 : i32
        %dma_start3A_37 = tpu.memref_slice %arg9[%run_scoped3A, %dma_start3A_35, %dma_start3A_36] : memref<2x8x64xi32, #tpu.memory_space<vmem>> -> memref<1x8x64xi32, #tpu.memory_space<vmem>>
        %dma_start3A_38 = tpu.memref_squeeze %dma_start3A_37 : memref<1x8x64xi32, #tpu.memory_space<vmem>> -> memref<8x64xi32, #tpu.memory_space<vmem>>
        %dma_start3A_39 = arith.constant 0 : i32
        %dma_start3A_40 = tpu.memref_slice %arg4[%mul3A_2, %dma_start3A_39] : memref<5120x64xi32, #tpu.memory_space<hbm>> -> memref<8x64xi32, #tpu.memory_space<hbm>>
        tpu.enqueue_dma source(%dma_start3A_40 : memref<8x64xi32, #tpu.memory_space<hbm>>) target(%dma_start3A_38 : memref<8x64xi32, #tpu.memory_space<vmem>>) target_semaphore(%run_scoped3A_29 : memref<!tpu.dma_semaphore, #tpu.memory_space<semaphore_mem>>)
        %dma_wait3A = arith.constant 0 : i32
        %dma_wait3A_41 = arith.constant 0 : i32
        %dma_wait3A_42 = tpu.memref_slice %arg9[%run_scoped3A, %dma_wait3A, %dma_wait3A_41] : memref<2x8x64xi32, #tpu.memory_space<vmem>> -> memref<1x8x64xi32, #tpu.memory_space<vmem>>
        %dma_wait3A_43 = tpu.memref_squeeze %dma_wait3A_42 : memref<1x8x64xi32, #tpu.memory_space<vmem>> -> memref<8x64xi32, #tpu.memory_space<vmem>>
        %dma_wait3A_44 = arith.constant 0 : i32
        %dma_wait3A_45 = tpu.memref_slice %arg4[%mul3A_2, %dma_wait3A_44] : memref<5120x64xi32, #tpu.memory_space<hbm>> -> memref<8x64xi32, #tpu.memory_space<hbm>>
        %dma_wait3A_46 = arith.constant 0 : i32
        %dma_wait3A_47 = arith.constant 0 : i32
        %dma_wait3A_48 = tpu.memref_slice %arg9[%run_scoped3A, %dma_wait3A_46, %dma_wait3A_47] : memref<2x8x64xi32, #tpu.memory_space<vmem>> -> memref<1x8x64xi32, #tpu.memory_space<vmem>>
        %dma_wait3A_49 = tpu.memref_squeeze %dma_wait3A_48 : memref<1x8x64xi32, #tpu.memory_space<vmem>> -> memref<8x64xi32, #tpu.memory_space<vmem>>
        %dma_wait3A_50 = arith.constant 0 : i32
        %dma_wait3A_51 = tpu.memref_slice %arg4[%mul3A_2, %dma_wait3A_50] : memref<5120x64xi32, #tpu.memory_space<hbm>> -> memref<8x64xi32, #tpu.memory_space<hbm>>
        tpu.wait_dma2 semaphore(%run_scoped3A_29 : memref<!tpu.dma_semaphore, #tpu.memory_space<semaphore_mem>>) src(%dma_wait3A_51 : memref<8x64xi32, #tpu.memory_space<hbm>>) dst(%dma_wait3A_49 : memref<8x64xi32, #tpu.memory_space<vmem>>)
        tpu.yield
      }) : () -> ()
      %run_scoped3A_23 = arith.constant 0 : i32
      "tpu.region"() ({
        %run_scoped3A_29 = tpu.sem_alloc : memref<!tpu.dma_semaphore, #tpu.memory_space<semaphore_mem>>
        %dma_start3A = arith.constant 0 : i32
        %dma_start3A_30 = arith.constant 0 : i32
        %dma_start3A_31 = tpu.memref_slice %arg10[%run_scoped3A_23, %dma_start3A, %dma_start3A_30] : memref<2x8x64xi32, #tpu.memory_space<vmem>> -> memref<1x8x64xi32, #tpu.memory_space<vmem>>
        %dma_start3A_32 = tpu.memref_squeeze %dma_start3A_31 : memref<1x8x64xi32, #tpu.memory_space<vmem>> -> memref<8x64xi32, #tpu.memory_space<vmem>>
        %dma_start3A_33 = arith.constant 0 : i32
        %dma_start3A_34 = tpu.memref_slice %arg5[%mul3A_4, %dma_start3A_33] : memref<5120x64xi32, #tpu.memory_space<hbm>> -> memref<8x64xi32, #tpu.memory_space<hbm>>
        %dma_start3A_35 = arith.constant 0 : i32
        %dma_start3A_36 = arith.constant 0 : i32
        %dma_start3A_37 = tpu.memref_slice %arg10[%run_scoped3A_23, %dma_start3A_35, %dma_start3A_36] : memref<2x8x64xi32, #tpu.memory_space<vmem>> -> memref<1x8x64xi32, #tpu.memory_space<vmem>>
        %dma_start3A_38 = tpu.memref_squeeze %dma_start3A_37 : memref<1x8x64xi32, #tpu.memory_space<vmem>> -> memref<8x64xi32, #tpu.memory_space<vmem>>
        %dma_start3A_39 = arith.constant 0 : i32
        %dma_start3A_40 = tpu.memref_slice %arg5[%mul3A_4, %dma_start3A_39] : memref<5120x64xi32, #tpu.memory_space<hbm>> -> memref<8x64xi32, #tpu.memory_space<hbm>>
        tpu.enqueue_dma source(%dma_start3A_40 : memref<8x64xi32, #tpu.memory_space<hbm>>) target(%dma_start3A_38 : memref<8x64xi32, #tpu.memory_space<vmem>>) target_semaphore(%run_scoped3A_29 : memref<!tpu.dma_semaphore, #tpu.memory_space<semaphore_mem>>)
        %dma_wait3A = arith.constant 0 : i32
        %dma_wait3A_41 = arith.constant 0 : i32
        %dma_wait3A_42 = tpu.memref_slice %arg10[%run_scoped3A_23, %dma_wait3A, %dma_wait3A_41] : memref<2x8x64xi32, #tpu.memory_space<vmem>> -> memref<1x8x64xi32, #tpu.memory_space<vmem>>
        %dma_wait3A_43 = tpu.memref_squeeze %dma_wait3A_42 : memref<1x8x64xi32, #tpu.memory_space<vmem>> -> memref<8x64xi32, #tpu.memory_space<vmem>>
        %dma_wait3A_44 = arith.constant 0 : i32
        %dma_wait3A_45 = tpu.memref_slice %arg5[%mul3A_4, %dma_wait3A_44] : memref<5120x64xi32, #tpu.memory_space<hbm>> -> memref<8x64xi32, #tpu.memory_space<hbm>>
        %dma_wait3A_46 = arith.constant 0 : i32
        %dma_wait3A_47 = arith.constant 0 : i32
        %dma_wait3A_48 = tpu.memref_slice %arg10[%run_scoped3A_23, %dma_wait3A_46, %dma_wait3A_47] : memref<2x8x64xi32, #tpu.memory_space<vmem>> -> memref<1x8x64xi32, #tpu.memory_space<vmem>>
        %dma_wait3A_49 = tpu.memref_squeeze %dma_wait3A_48 : memref<1x8x64xi32, #tpu.memory_space<vmem>> -> memref<8x64xi32, #tpu.memory_space<vmem>>
        %dma_wait3A_50 = arith.constant 0 : i32
        %dma_wait3A_51 = tpu.memref_slice %arg5[%mul3A_4, %dma_wait3A_50] : memref<5120x64xi32, #tpu.memory_space<hbm>> -> memref<8x64xi32, #tpu.memory_space<hbm>>
        tpu.wait_dma2 semaphore(%run_scoped3A_29 : memref<!tpu.dma_semaphore, #tpu.memory_space<semaphore_mem>>) src(%dma_wait3A_51 : memref<8x64xi32, #tpu.memory_space<hbm>>) dst(%dma_wait3A_49 : memref<8x64xi32, #tpu.memory_space<vmem>>)
        tpu.yield
      }) : () -> ()
      %scan3A = arith.constant 0 : i32
      %scan3A_24 = arith.constant 0 : i32
      %scan3A_25 = arith.constant 40 : i32
      %scan3A_26 = arith.addi %scan3A_24, %scan3A_25 : i32
      %scan3A_27 = arith.constant 1 : i32
      scf.for %scan3A_29 = %scan3A_24 to %scan3A_26 step %scan3A_27  : i32 {
        %rem3A = arith.constant 2 : i32
        %rem3A_30 = arith.remsi %scan3A_29, %rem3A : i32
        %add3A = arith.constant 1 : i32
        %add3A_31 = arith.addi %scan3A_29, %add3A : i32
        %min3A = arith.constant 39 : i32
        %min3A_32 = arith.minsi %add3A_31, %min3A : i32
        %mul3A_33 = arith.constant 8 : i32
        %mul3A_34 = arith.muli %min3A_32, %mul3A_33 : i32
        %add3A_35 = arith.addi %mul3A_2, %mul3A_34 : i32
        %sub3A = arith.constant 1 : i32
        %sub3A_36 = arith.subi %sub3A, %rem3A_30 : i32
        %dma_start3A = arith.constant 0 : i32
        %dma_start3A_37 = arith.constant 0 : i32
        %dma_start3A_38 = tpu.memref_slice %arg9[%sub3A_36, %dma_start3A, %dma_start3A_37] : memref<2x8x64xi32, #tpu.memory_space<vmem>> -> memref<1x8x64xi32, #tpu.memory_space<vmem>>
        %dma_start3A_39 = tpu.memref_squeeze %dma_start3A_38 : memref<1x8x64xi32, #tpu.memory_space<vmem>> -> memref<8x64xi32, #tpu.memory_space<vmem>>
        %dma_start3A_40 = arith.constant 0 : i32
        %dma_start3A_41 = tpu.memref_slice %arg4[%add3A_35, %dma_start3A_40] : memref<5120x64xi32, #tpu.memory_space<hbm>> -> memref<8x64xi32, #tpu.memory_space<hbm>>
        %dma_start3A_42 = arith.constant 0 : i32
        %dma_start3A_43 = arith.constant 0 : i32
        %dma_start3A_44 = tpu.memref_slice %arg9[%sub3A_36, %dma_start3A_42, %dma_start3A_43] : memref<2x8x64xi32, #tpu.memory_space<vmem>> -> memref<1x8x64xi32, #tpu.memory_space<vmem>>
        %dma_start3A_45 = tpu.memref_squeeze %dma_start3A_44 : memref<1x8x64xi32, #tpu.memory_space<vmem>> -> memref<8x64xi32, #tpu.memory_space<vmem>>
        %dma_start3A_46 = arith.constant 0 : i32
        %dma_start3A_47 = tpu.memref_slice %arg4[%add3A_35, %dma_start3A_46] : memref<5120x64xi32, #tpu.memory_space<hbm>> -> memref<8x64xi32, #tpu.memory_space<hbm>>
        tpu.enqueue_dma source(%dma_start3A_47 : memref<8x64xi32, #tpu.memory_space<hbm>>) target(%dma_start3A_45 : memref<8x64xi32, #tpu.memory_space<vmem>>) target_semaphore(%arg15 : memref<!tpu.dma_semaphore, #tpu.memory_space<semaphore_mem>>)
        %mul3A_48 = arith.constant 8 : i32
        %mul3A_49 = arith.muli %min3A_32, %mul3A_48 : i32
        %add3A_50 = arith.addi %mul3A_4, %mul3A_49 : i32
        %sub3A_51 = arith.constant 1 : i32
        %sub3A_52 = arith.subi %sub3A_51, %rem3A_30 : i32
        %dma_start3A_53 = arith.constant 0 : i32
        %dma_start3A_54 = arith.constant 0 : i32
        %dma_start3A_55 = tpu.memref_slice %arg10[%sub3A_52, %dma_start3A_53, %dma_start3A_54] : memref<2x8x64xi32, #tpu.memory_space<vmem>> -> memref<1x8x64xi32, #tpu.memory_space<vmem>>
        %dma_start3A_56 = tpu.memref_squeeze %dma_start3A_55 : memref<1x8x64xi32, #tpu.memory_space<vmem>> -> memref<8x64xi32, #tpu.memory_space<vmem>>
        %dma_start3A_57 = arith.constant 0 : i32
        %dma_start3A_58 = tpu.memref_slice %arg5[%add3A_50, %dma_start3A_57] : memref<5120x64xi32, #tpu.memory_space<hbm>> -> memref<8x64xi32, #tpu.memory_space<hbm>>
        %dma_start3A_59 = arith.constant 0 : i32
        %dma_start3A_60 = arith.constant 0 : i32
        %dma_start3A_61 = tpu.memref_slice %arg10[%sub3A_52, %dma_start3A_59, %dma_start3A_60] : memref<2x8x64xi32, #tpu.memory_space<vmem>> -> memref<1x8x64xi32, #tpu.memory_space<vmem>>
        %dma_start3A_62 = tpu.memref_squeeze %dma_start3A_61 : memref<1x8x64xi32, #tpu.memory_space<vmem>> -> memref<8x64xi32, #tpu.memory_space<vmem>>
        %dma_start3A_63 = arith.constant 0 : i32
        %dma_start3A_64 = tpu.memref_slice %arg5[%add3A_50, %dma_start3A_63] : memref<5120x64xi32, #tpu.memory_space<hbm>> -> memref<8x64xi32, #tpu.memory_space<hbm>>
        tpu.enqueue_dma source(%dma_start3A_64 : memref<8x64xi32, #tpu.memory_space<hbm>>) target(%dma_start3A_62 : memref<8x64xi32, #tpu.memory_space<vmem>>) target_semaphore(%arg15 : memref<!tpu.dma_semaphore, #tpu.memory_space<semaphore_mem>>)
        %dma_start3A_65 = arith.constant 0 : i32
        %dma_start3A_66 = arith.constant 0 : i32
        %dma_start3A_67 = arith.constant 0 : i32
        %dma_start3A_68 = arith.constant 0 : i32
        %dma_start3A_69 = tpu.memref_slice %arg11[%dma_start3A_66, %dma_start3A_67, %dma_start3A_68] : memref<5x64x128xf32, #tpu.memory_space<vmem>> -> memref<1x64x128xf32, #tpu.memory_space<vmem>>
        %dma_start3A_70 = tpu.memref_squeeze %dma_start3A_69 : memref<1x64x128xf32, #tpu.memory_space<vmem>> -> memref<64x128xf32, #tpu.memory_space<vmem>>
        %dma_start3A_71 = arith.constant 0 : i32
        %dma_start3A_72 = tpu.memref_slice %arg9[%rem3A_30, %dma_start3A_65, %dma_start3A_71] : memref<2x8x64xi32, #tpu.memory_space<vmem>> -> memref<1x1x64xi32, #tpu.memory_space<vmem>>
        %dma_start3A_73 = tpu.memref_squeeze %dma_start3A_72 : memref<1x1x64xi32, #tpu.memory_space<vmem>> -> memref<64xi32, #tpu.memory_space<vmem>>
        %dma_start3A_74 = arith.constant 0 : i32
        %dma_start3A_75 = arith.constant 0 : i32
        %dma_start3A_76 = tpu.memref_slice %arg3[%dma_start3A_74, %dma_start3A_75] : memref<10000x128xf32, #tpu.memory_space<hbm>> -> memref<10000x128xf32, #tpu.memory_space<hbm>>
        tpu.enqueue_indirect_dma source(%dma_start3A_76 : memref<10000x128xf32, #tpu.memory_space<hbm>>) target(%dma_start3A_70 : memref<64x128xf32, #tpu.memory_space<vmem>>) offsets(%dma_start3A_73 : memref<64xi32, #tpu.memory_space<vmem>>) semaphore(%arg13 : memref<!tpu.dma_semaphore, #tpu.memory_space<semaphore_mem>>)
        %dma_start3A_77 = arith.constant 1 : i32
        %dma_start3A_78 = arith.constant 1 : i32
        %dma_start3A_79 = arith.constant 0 : i32
        %dma_start3A_80 = arith.constant 0 : i32
        %dma_start3A_81 = tpu.memref_slice %arg11[%dma_start3A_78, %dma_start3A_79, %dma_start3A_80] : memref<5x64x128xf32, #tpu.memory_space<vmem>> -> memref<1x64x128xf32, #tpu.memory_space<vmem>>
        %dma_start3A_82 = tpu.memref_squeeze %dma_start3A_81 : memref<1x64x128xf32, #tpu.memory_space<vmem>> -> memref<64x128xf32, #tpu.memory_space<vmem>>
        %dma_start3A_83 = arith.constant 0 : i32
        %dma_start3A_84 = tpu.memref_slice %arg9[%rem3A_30, %dma_start3A_77, %dma_start3A_83] : memref<2x8x64xi32, #tpu.memory_space<vmem>> -> memref<1x1x64xi32, #tpu.memory_space<vmem>>
        %dma_start3A_85 = tpu.memref_squeeze %dma_start3A_84 : memref<1x1x64xi32, #tpu.memory_space<vmem>> -> memref<64xi32, #tpu.memory_space<vmem>>
        %dma_start3A_86 = arith.constant 0 : i32
        %dma_start3A_87 = arith.constant 0 : i32
        %dma_start3A_88 = tpu.memref_slice %arg3[%dma_start3A_86, %dma_start3A_87] : memref<10000x128xf32, #tpu.memory_space<hbm>> -> memref<10000x128xf32, #tpu.memory_space<hbm>>
        tpu.enqueue_indirect_dma source(%dma_start3A_88 : memref<10000x128xf32, #tpu.memory_space<hbm>>) target(%dma_start3A_82 : memref<64x128xf32, #tpu.memory_space<vmem>>) offsets(%dma_start3A_85 : memref<64xi32, #tpu.memory_space<vmem>>) semaphore(%arg13 : memref<!tpu.dma_semaphore, #tpu.memory_space<semaphore_mem>>)
        %dma_start3A_89 = arith.constant 2 : i32
        %dma_start3A_90 = arith.constant 2 : i32
        %dma_start3A_91 = arith.constant 0 : i32
        %dma_start3A_92 = arith.constant 0 : i32
        %dma_start3A_93 = tpu.memref_slice %arg11[%dma_start3A_90, %dma_start3A_91, %dma_start3A_92] : memref<5x64x128xf32, #tpu.memory_space<vmem>> -> memref<1x64x128xf32, #tpu.memory_space<vmem>>
        %dma_start3A_94 = tpu.memref_squeeze %dma_start3A_93 : memref<1x64x128xf32, #tpu.memory_space<vmem>> -> memref<64x128xf32, #tpu.memory_space<vmem>>
        %dma_start3A_95 = arith.constant 0 : i32
        %dma_start3A_96 = tpu.memref_slice %arg9[%rem3A_30, %dma_start3A_89, %dma_start3A_95] : memref<2x8x64xi32, #tpu.memory_space<vmem>> -> memref<1x1x64xi32, #tpu.memory_space<vmem>>
        %dma_start3A_97 = tpu.memref_squeeze %dma_start3A_96 : memref<1x1x64xi32, #tpu.memory_space<vmem>> -> memref<64xi32, #tpu.memory_space<vmem>>
        %dma_start3A_98 = arith.constant 0 : i32
        %dma_start3A_99 = arith.constant 0 : i32
        %dma_start3A_100 = tpu.memref_slice %arg3[%dma_start3A_98, %dma_start3A_99] : memref<10000x128xf32, #tpu.memory_space<hbm>> -> memref<10000x128xf32, #tpu.memory_space<hbm>>
        tpu.enqueue_indirect_dma source(%dma_start3A_100 : memref<10000x128xf32, #tpu.memory_space<hbm>>) target(%dma_start3A_94 : memref<64x128xf32, #tpu.memory_space<vmem>>) offsets(%dma_start3A_97 : memref<64xi32, #tpu.memory_space<vmem>>) semaphore(%arg13 : memref<!tpu.dma_semaphore, #tpu.memory_space<semaphore_mem>>)
        %dma_start3A_101 = arith.constant 3 : i32
        %dma_start3A_102 = arith.constant 3 : i32
        %dma_start3A_103 = arith.constant 0 : i32
        %dma_start3A_104 = arith.constant 0 : i32
        %dma_start3A_105 = tpu.memref_slice %arg11[%dma_start3A_102, %dma_start3A_103, %dma_start3A_104] : memref<5x64x128xf32, #tpu.memory_space<vmem>> -> memref<1x64x128xf32, #tpu.memory_space<vmem>>
        %dma_start3A_106 = tpu.memref_squeeze %dma_start3A_105 : memref<1x64x128xf32, #tpu.memory_space<vmem>> -> memref<64x128xf32, #tpu.memory_space<vmem>>
        %dma_start3A_107 = arith.constant 0 : i32
        %dma_start3A_108 = tpu.memref_slice %arg9[%rem3A_30, %dma_start3A_101, %dma_start3A_107] : memref<2x8x64xi32, #tpu.memory_space<vmem>> -> memref<1x1x64xi32, #tpu.memory_space<vmem>>
        %dma_start3A_109 = tpu.memref_squeeze %dma_start3A_108 : memref<1x1x64xi32, #tpu.memory_space<vmem>> -> memref<64xi32, #tpu.memory_space<vmem>>
        %dma_start3A_110 = arith.constant 0 : i32
        %dma_start3A_111 = arith.constant 0 : i32
        %dma_start3A_112 = tpu.memref_slice %arg3[%dma_start3A_110, %dma_start3A_111] : memref<10000x128xf32, #tpu.memory_space<hbm>> -> memref<10000x128xf32, #tpu.memory_space<hbm>>
        tpu.enqueue_indirect_dma source(%dma_start3A_112 : memref<10000x128xf32, #tpu.memory_space<hbm>>) target(%dma_start3A_106 : memref<64x128xf32, #tpu.memory_space<vmem>>) offsets(%dma_start3A_109 : memref<64xi32, #tpu.memory_space<vmem>>) semaphore(%arg13 : memref<!tpu.dma_semaphore, #tpu.memory_space<semaphore_mem>>)
        %dma_wait3A = arith.constant 0 : i32
        %dma_wait3A_113 = arith.constant 0 : i32
        %dma_wait3A_114 = arith.constant 0 : i32
        %dma_wait3A_115 = arith.constant 0 : i32
        %dma_wait3A_116 = tpu.memref_slice %arg11[%dma_wait3A_113, %dma_wait3A_114, %dma_wait3A_115] : memref<5x64x128xf32, #tpu.memory_space<vmem>> -> memref<1x64x128xf32, #tpu.memory_space<vmem>>
        %dma_wait3A_117 = tpu.memref_squeeze %dma_wait3A_116 : memref<1x64x128xf32, #tpu.memory_space<vmem>> -> memref<64x128xf32, #tpu.memory_space<vmem>>
        %dma_wait3A_118 = arith.constant 0 : i32
        %dma_wait3A_119 = tpu.memref_slice %arg9[%rem3A_30, %dma_wait3A, %dma_wait3A_118] : memref<2x8x64xi32, #tpu.memory_space<vmem>> -> memref<1x1x64xi32, #tpu.memory_space<vmem>>
        %dma_wait3A_120 = tpu.memref_squeeze %dma_wait3A_119 : memref<1x1x64xi32, #tpu.memory_space<vmem>> -> memref<64xi32, #tpu.memory_space<vmem>>
        %dma_wait3A_121 = arith.constant 0 : i32
        %dma_wait3A_122 = arith.constant 0 : i32
        %dma_wait3A_123 = tpu.memref_slice %arg3[%dma_wait3A_121, %dma_wait3A_122] : memref<10000x128xf32, #tpu.memory_space<hbm>> -> memref<10000x128xf32, #tpu.memory_space<hbm>>
        tpu.wait_indirect_dma semaphore(%arg13 : memref<!tpu.dma_semaphore, #tpu.memory_space<semaphore_mem>>) src(%dma_wait3A_123 : memref<10000x128xf32, #tpu.memory_space<hbm>>) dst(%dma_wait3A_117 : memref<64x128xf32, #tpu.memory_space<vmem>>)
        %dma_start3A_124 = arith.constant 0 : i32
        %dma_start3A_125 = arith.constant 0 : i32
        %dma_start3A_126 = arith.constant 0 : i32
        %dma_start3A_127 = arith.constant 0 : i32
        %dma_start3A_128 = tpu.memref_slice %arg11[%dma_start3A_124, %dma_start3A_126, %dma_start3A_127] : memref<5x64x128xf32, #tpu.memory_space<vmem>> -> memref<1x64x128xf32, #tpu.memory_space<vmem>>
        %dma_start3A_129 = tpu.memref_squeeze %dma_start3A_128 : memref<1x64x128xf32, #tpu.memory_space<vmem>> -> memref<64x128xf32, #tpu.memory_space<vmem>>
        %dma_start3A_130 = arith.constant 0 : i32
        %dma_start3A_131 = tpu.memref_slice %arg10[%rem3A_30, %dma_start3A_125, %dma_start3A_130] : memref<2x8x64xi32, #tpu.memory_space<vmem>> -> memref<1x1x64xi32, #tpu.memory_space<vmem>>
        %dma_start3A_132 = tpu.memref_squeeze %dma_start3A_131 : memref<1x1x64xi32, #tpu.memory_space<vmem>> -> memref<64xi32, #tpu.memory_space<vmem>>
        %dma_start3A_133 = arith.constant 0 : i32
        %dma_start3A_134 = arith.constant 0 : i32
        %dma_start3A_135 = tpu.memref_slice %arg12[%dma_start3A_133, %dma_start3A_134] : memref<10112x128xf32, #tpu.memory_space<vmem_shared>> -> memref<10112x128xf32, #tpu.memory_space<vmem_shared>>
        tpu.enqueue_indirect_dma source(%dma_start3A_129 : memref<64x128xf32, #tpu.memory_space<vmem>>) target(%dma_start3A_135 : memref<10112x128xf32, #tpu.memory_space<vmem_shared>>) offsets(%dma_start3A_132 : memref<64xi32, #tpu.memory_space<vmem>>) semaphore(%arg14 : memref<!tpu.dma_semaphore, #tpu.memory_space<semaphore_mem>>) {add = true}
        %dma_start3A_136 = arith.constant 4 : i32
        %dma_start3A_137 = arith.constant 4 : i32
        %dma_start3A_138 = arith.constant 0 : i32
        %dma_start3A_139 = arith.constant 0 : i32
        %dma_start3A_140 = tpu.memref_slice %arg11[%dma_start3A_137, %dma_start3A_138, %dma_start3A_139] : memref<5x64x128xf32, #tpu.memory_space<vmem>> -> memref<1x64x128xf32, #tpu.memory_space<vmem>>
        %dma_start3A_141 = tpu.memref_squeeze %dma_start3A_140 : memref<1x64x128xf32, #tpu.memory_space<vmem>> -> memref<64x128xf32, #tpu.memory_space<vmem>>
        %dma_start3A_142 = arith.constant 0 : i32
        %dma_start3A_143 = tpu.memref_slice %arg9[%rem3A_30, %dma_start3A_136, %dma_start3A_142] : memref<2x8x64xi32, #tpu.memory_space<vmem>> -> memref<1x1x64xi32, #tpu.memory_space<vmem>>
        %dma_start3A_144 = tpu.memref_squeeze %dma_start3A_143 : memref<1x1x64xi32, #tpu.memory_space<vmem>> -> memref<64xi32, #tpu.memory_space<vmem>>
        %dma_start3A_145 = arith.constant 0 : i32
        %dma_start3A_146 = arith.constant 0 : i32
        %dma_start3A_147 = tpu.memref_slice %arg3[%dma_start3A_145, %dma_start3A_146] : memref<10000x128xf32, #tpu.memory_space<hbm>> -> memref<10000x128xf32, #tpu.memory_space<hbm>>
        tpu.enqueue_indirect_dma source(%dma_start3A_147 : memref<10000x128xf32, #tpu.memory_space<hbm>>) target(%dma_start3A_141 : memref<64x128xf32, #tpu.memory_space<vmem>>) offsets(%dma_start3A_144 : memref<64xi32, #tpu.memory_space<vmem>>) semaphore(%arg13 : memref<!tpu.dma_semaphore, #tpu.memory_space<semaphore_mem>>)
        %dma_wait3A_148 = arith.constant 1 : i32
        %dma_wait3A_149 = arith.constant 1 : i32
        %dma_wait3A_150 = arith.constant 0 : i32
        %dma_wait3A_151 = arith.constant 0 : i32
        %dma_wait3A_152 = tpu.memref_slice %arg11[%dma_wait3A_149, %dma_wait3A_150, %dma_wait3A_151] : memref<5x64x128xf32, #tpu.memory_space<vmem>> -> memref<1x64x128xf32, #tpu.memory_space<vmem>>
        %dma_wait3A_153 = tpu.memref_squeeze %dma_wait3A_152 : memref<1x64x128xf32, #tpu.memory_space<vmem>> -> memref<64x128xf32, #tpu.memory_space<vmem>>
        %dma_wait3A_154 = arith.constant 0 : i32
        %dma_wait3A_155 = tpu.memref_slice %arg9[%rem3A_30, %dma_wait3A_148, %dma_wait3A_154] : memref<2x8x64xi32, #tpu.memory_space<vmem>> -> memref<1x1x64xi32, #tpu.memory_space<vmem>>
        %dma_wait3A_156 = tpu.memref_squeeze %dma_wait3A_155 : memref<1x1x64xi32, #tpu.memory_space<vmem>> -> memref<64xi32, #tpu.memory_space<vmem>>
        %dma_wait3A_157 = arith.constant 0 : i32
        %dma_wait3A_158 = arith.constant 0 : i32
        %dma_wait3A_159 = tpu.memref_slice %arg3[%dma_wait3A_157, %dma_wait3A_158] : memref<10000x128xf32, #tpu.memory_space<hbm>> -> memref<10000x128xf32, #tpu.memory_space<hbm>>
        tpu.wait_indirect_dma semaphore(%arg13 : memref<!tpu.dma_semaphore, #tpu.memory_space<semaphore_mem>>) src(%dma_wait3A_159 : memref<10000x128xf32, #tpu.memory_space<hbm>>) dst(%dma_wait3A_153 : memref<64x128xf32, #tpu.memory_space<vmem>>)
        %dma_start3A_160 = arith.constant 1 : i32
        %dma_start3A_161 = arith.constant 1 : i32
        %dma_start3A_162 = arith.constant 0 : i32
        %dma_start3A_163 = arith.constant 0 : i32
        %dma_start3A_164 = tpu.memref_slice %arg11[%dma_start3A_160, %dma_start3A_162, %dma_start3A_163] : memref<5x64x128xf32, #tpu.memory_space<vmem>> -> memref<1x64x128xf32, #tpu.memory_space<vmem>>
        %dma_start3A_165 = tpu.memref_squeeze %dma_start3A_164 : memref<1x64x128xf32, #tpu.memory_space<vmem>> -> memref<64x128xf32, #tpu.memory_space<vmem>>
        %dma_start3A_166 = arith.constant 0 : i32
        %dma_start3A_167 = tpu.memref_slice %arg10[%rem3A_30, %dma_start3A_161, %dma_start3A_166] : memref<2x8x64xi32, #tpu.memory_space<vmem>> -> memref<1x1x64xi32, #tpu.memory_space<vmem>>
        %dma_start3A_168 = tpu.memref_squeeze %dma_start3A_167 : memref<1x1x64xi32, #tpu.memory_space<vmem>> -> memref<64xi32, #tpu.memory_space<vmem>>
        %dma_start3A_169 = arith.constant 0 : i32
        %dma_start3A_170 = arith.constant 0 : i32
        %dma_start3A_171 = tpu.memref_slice %arg12[%dma_start3A_169, %dma_start3A_170] : memref<10112x128xf32, #tpu.memory_space<vmem_shared>> -> memref<10112x128xf32, #tpu.memory_space<vmem_shared>>
        tpu.enqueue_indirect_dma source(%dma_start3A_165 : memref<64x128xf32, #tpu.memory_space<vmem>>) target(%dma_start3A_171 : memref<10112x128xf32, #tpu.memory_space<vmem_shared>>) offsets(%dma_start3A_168 : memref<64xi32, #tpu.memory_space<vmem>>) semaphore(%arg14 : memref<!tpu.dma_semaphore, #tpu.memory_space<semaphore_mem>>) {add = true}
        %dma_wait3A_172 = arith.constant 0 : i32
        %dma_wait3A_173 = arith.constant 0 : i32
        %dma_wait3A_174 = arith.constant 0 : i32
        %dma_wait3A_175 = arith.constant 0 : i32
        %dma_wait3A_176 = tpu.memref_slice %arg11[%dma_wait3A_172, %dma_wait3A_174, %dma_wait3A_175] : memref<5x64x128xf32, #tpu.memory_space<vmem>> -> memref<1x64x128xf32, #tpu.memory_space<vmem>>
        %dma_wait3A_177 = tpu.memref_squeeze %dma_wait3A_176 : memref<1x64x128xf32, #tpu.memory_space<vmem>> -> memref<64x128xf32, #tpu.memory_space<vmem>>
        %dma_wait3A_178 = arith.constant 0 : i32
        %dma_wait3A_179 = tpu.memref_slice %arg10[%rem3A_30, %dma_wait3A_173, %dma_wait3A_178] : memref<2x8x64xi32, #tpu.memory_space<vmem>> -> memref<1x1x64xi32, #tpu.memory_space<vmem>>
        %dma_wait3A_180 = tpu.memref_squeeze %dma_wait3A_179 : memref<1x1x64xi32, #tpu.memory_space<vmem>> -> memref<64xi32, #tpu.memory_space<vmem>>
        %dma_wait3A_181 = arith.constant 0 : i32
        %dma_wait3A_182 = arith.constant 0 : i32
        %dma_wait3A_183 = tpu.memref_slice %arg12[%dma_wait3A_181, %dma_wait3A_182] : memref<10112x128xf32, #tpu.memory_space<vmem_shared>> -> memref<10112x128xf32, #tpu.memory_space<vmem_shared>>
        tpu.wait_indirect_dma semaphore(%arg14 : memref<!tpu.dma_semaphore, #tpu.memory_space<semaphore_mem>>) src(%dma_wait3A_177 : memref<64x128xf32, #tpu.memory_space<vmem>>) dst(%dma_wait3A_183 : memref<10112x128xf32, #tpu.memory_space<vmem_shared>>)
        %dma_start3A_184 = arith.constant 5 : i32
        %dma_start3A_185 = arith.constant 0 : i32
        %dma_start3A_186 = arith.constant 0 : i32
        %dma_start3A_187 = arith.constant 0 : i32
        %dma_start3A_188 = tpu.memref_slice %arg11[%dma_start3A_185, %dma_start3A_186, %dma_start3A_187] : memref<5x64x128xf32, #tpu.memory_space<vmem>> -> memref<1x64x128xf32, #tpu.memory_space<vmem>>
        %dma_start3A_189 = tpu.memref_squeeze %dma_start3A_188 : memref<1x64x128xf32, #tpu.memory_space<vmem>> -> memref<64x128xf32, #tpu.memory_space<vmem>>
        %dma_start3A_190 = arith.constant 0 : i32
        %dma_start3A_191 = tpu.memref_slice %arg9[%rem3A_30, %dma_start3A_184, %dma_start3A_190] : memref<2x8x64xi32, #tpu.memory_space<vmem>> -> memref<1x1x64xi32, #tpu.memory_space<vmem>>
        %dma_start3A_192 = tpu.memref_squeeze %dma_start3A_191 : memref<1x1x64xi32, #tpu.memory_space<vmem>> -> memref<64xi32, #tpu.memory_space<vmem>>
        %dma_start3A_193 = arith.constant 0 : i32
        %dma_start3A_194 = arith.constant 0 : i32
        %dma_start3A_195 = tpu.memref_slice %arg3[%dma_start3A_193, %dma_start3A_194] : memref<10000x128xf32, #tpu.memory_space<hbm>> -> memref<10000x128xf32, #tpu.memory_space<hbm>>
        tpu.enqueue_indirect_dma source(%dma_start3A_195 : memref<10000x128xf32, #tpu.memory_space<hbm>>) target(%dma_start3A_189 : memref<64x128xf32, #tpu.memory_space<vmem>>) offsets(%dma_start3A_192 : memref<64xi32, #tpu.memory_space<vmem>>) semaphore(%arg13 : memref<!tpu.dma_semaphore, #tpu.memory_space<semaphore_mem>>)
        %dma_wait3A_196 = arith.constant 2 : i32
        %dma_wait3A_197 = arith.constant 2 : i32
        %dma_wait3A_198 = arith.constant 0 : i32
        %dma_wait3A_199 = arith.constant 0 : i32
        %dma_wait3A_200 = tpu.memref_slice %arg11[%dma_wait3A_197, %dma_wait3A_198, %dma_wait3A_199] : memref<5x64x128xf32, #tpu.memory_space<vmem>> -> memref<1x64x128xf32, #tpu.memory_space<vmem>>
        %dma_wait3A_201 = tpu.memref_squeeze %dma_wait3A_200 : memref<1x64x128xf32, #tpu.memory_space<vmem>> -> memref<64x128xf32, #tpu.memory_space<vmem>>
        %dma_wait3A_202 = arith.constant 0 : i32
        %dma_wait3A_203 = tpu.memref_slice %arg9[%rem3A_30, %dma_wait3A_196, %dma_wait3A_202] : memref<2x8x64xi32, #tpu.memory_space<vmem>> -> memref<1x1x64xi32, #tpu.memory_space<vmem>>
        %dma_wait3A_204 = tpu.memref_squeeze %dma_wait3A_203 : memref<1x1x64xi32, #tpu.memory_space<vmem>> -> memref<64xi32, #tpu.memory_space<vmem>>
        %dma_wait3A_205 = arith.constant 0 : i32
        %dma_wait3A_206 = arith.constant 0 : i32
        %dma_wait3A_207 = tpu.memref_slice %arg3[%dma_wait3A_205, %dma_wait3A_206] : memref<10000x128xf32, #tpu.memory_space<hbm>> -> memref<10000x128xf32, #tpu.memory_space<hbm>>
        tpu.wait_indirect_dma semaphore(%arg13 : memref<!tpu.dma_semaphore, #tpu.memory_space<semaphore_mem>>) src(%dma_wait3A_207 : memref<10000x128xf32, #tpu.memory_space<hbm>>) dst(%dma_wait3A_201 : memref<64x128xf32, #tpu.memory_space<vmem>>)
        %dma_start3A_208 = arith.constant 2 : i32
        %dma_start3A_209 = arith.constant 2 : i32
        %dma_start3A_210 = arith.constant 0 : i32
        %dma_start3A_211 = arith.constant 0 : i32
        %dma_start3A_212 = tpu.memref_slice %arg11[%dma_start3A_208, %dma_start3A_210, %dma_start3A_211] : memref<5x64x128xf32, #tpu.memory_space<vmem>> -> memref<1x64x128xf32, #tpu.memory_space<vmem>>
        %dma_start3A_213 = tpu.memref_squeeze %dma_start3A_212 : memref<1x64x128xf32, #tpu.memory_space<vmem>> -> memref<64x128xf32, #tpu.memory_space<vmem>>
        %dma_start3A_214 = arith.constant 0 : i32
        %dma_start3A_215 = tpu.memref_slice %arg10[%rem3A_30, %dma_start3A_209, %dma_start3A_214] : memref<2x8x64xi32, #tpu.memory_space<vmem>> -> memref<1x1x64xi32, #tpu.memory_space<vmem>>
        %dma_start3A_216 = tpu.memref_squeeze %dma_start3A_215 : memref<1x1x64xi32, #tpu.memory_space<vmem>> -> memref<64xi32, #tpu.memory_space<vmem>>
        %dma_start3A_217 = arith.constant 0 : i32
        %dma_start3A_218 = arith.constant 0 : i32
        %dma_start3A_219 = tpu.memref_slice %arg12[%dma_start3A_217, %dma_start3A_218] : memref<10112x128xf32, #tpu.memory_space<vmem_shared>> -> memref<10112x128xf32, #tpu.memory_space<vmem_shared>>
        tpu.enqueue_indirect_dma source(%dma_start3A_213 : memref<64x128xf32, #tpu.memory_space<vmem>>) target(%dma_start3A_219 : memref<10112x128xf32, #tpu.memory_space<vmem_shared>>) offsets(%dma_start3A_216 : memref<64xi32, #tpu.memory_space<vmem>>) semaphore(%arg14 : memref<!tpu.dma_semaphore, #tpu.memory_space<semaphore_mem>>) {add = true}
        %dma_wait3A_220 = arith.constant 1 : i32
        %dma_wait3A_221 = arith.constant 1 : i32
        %dma_wait3A_222 = arith.constant 0 : i32
        %dma_wait3A_223 = arith.constant 0 : i32
        %dma_wait3A_224 = tpu.memref_slice %arg11[%dma_wait3A_220, %dma_wait3A_222, %dma_wait3A_223] : memref<5x64x128xf32, #tpu.memory_space<vmem>> -> memref<1x64x128xf32, #tpu.memory_space<vmem>>
        %dma_wait3A_225 = tpu.memref_squeeze %dma_wait3A_224 : memref<1x64x128xf32, #tpu.memory_space<vmem>> -> memref<64x128xf32, #tpu.memory_space<vmem>>
        %dma_wait3A_226 = arith.constant 0 : i32
        %dma_wait3A_227 = tpu.memref_slice %arg10[%rem3A_30, %dma_wait3A_221, %dma_wait3A_226] : memref<2x8x64xi32, #tpu.memory_space<vmem>> -> memref<1x1x64xi32, #tpu.memory_space<vmem>>
        %dma_wait3A_228 = tpu.memref_squeeze %dma_wait3A_227 : memref<1x1x64xi32, #tpu.memory_space<vmem>> -> memref<64xi32, #tpu.memory_space<vmem>>
        %dma_wait3A_229 = arith.constant 0 : i32
        %dma_wait3A_230 = arith.constant 0 : i32
        %dma_wait3A_231 = tpu.memref_slice %arg12[%dma_wait3A_229, %dma_wait3A_230] : memref<10112x128xf32, #tpu.memory_space<vmem_shared>> -> memref<10112x128xf32, #tpu.memory_space<vmem_shared>>
        tpu.wait_indirect_dma semaphore(%arg14 : memref<!tpu.dma_semaphore, #tpu.memory_space<semaphore_mem>>) src(%dma_wait3A_225 : memref<64x128xf32, #tpu.memory_space<vmem>>) dst(%dma_wait3A_231 : memref<10112x128xf32, #tpu.memory_space<vmem_shared>>)
        %dma_start3A_232 = arith.constant 6 : i32
        %dma_start3A_233 = arith.constant 1 : i32
        %dma_start3A_234 = arith.constant 0 : i32
        %dma_start3A_235 = arith.constant 0 : i32
        %dma_start3A_236 = tpu.memref_slice %arg11[%dma_start3A_233, %dma_start3A_234, %dma_start3A_235] : memref<5x64x128xf32, #tpu.memory_space<vmem>> -> memref<1x64x128xf32, #tpu.memory_space<vmem>>
        %dma_start3A_237 = tpu.memref_squeeze %dma_start3A_236 : memref<1x64x128xf32, #tpu.memory_space<vmem>> -> memref<64x128xf32, #tpu.memory_space<vmem>>
        %dma_start3A_238 = arith.constant 0 : i32
        %dma_start3A_239 = tpu.memref_slice %arg9[%rem3A_30, %dma_start3A_232, %dma_start3A_238] : memref<2x8x64xi32, #tpu.memory_space<vmem>> -> memref<1x1x64xi32, #tpu.memory_space<vmem>>
        %dma_start3A_240 = tpu.memref_squeeze %dma_start3A_239 : memref<1x1x64xi32, #tpu.memory_space<vmem>> -> memref<64xi32, #tpu.memory_space<vmem>>
        %dma_start3A_241 = arith.constant 0 : i32
        %dma_start3A_242 = arith.constant 0 : i32
        %dma_start3A_243 = tpu.memref_slice %arg3[%dma_start3A_241, %dma_start3A_242] : memref<10000x128xf32, #tpu.memory_space<hbm>> -> memref<10000x128xf32, #tpu.memory_space<hbm>>
        tpu.enqueue_indirect_dma source(%dma_start3A_243 : memref<10000x128xf32, #tpu.memory_space<hbm>>) target(%dma_start3A_237 : memref<64x128xf32, #tpu.memory_space<vmem>>) offsets(%dma_start3A_240 : memref<64xi32, #tpu.memory_space<vmem>>) semaphore(%arg13 : memref<!tpu.dma_semaphore, #tpu.memory_space<semaphore_mem>>)
        %dma_wait3A_244 = arith.constant 3 : i32
        %dma_wait3A_245 = arith.constant 3 : i32
        %dma_wait3A_246 = arith.constant 0 : i32
        %dma_wait3A_247 = arith.constant 0 : i32
        %dma_wait3A_248 = tpu.memref_slice %arg11[%dma_wait3A_245, %dma_wait3A_246, %dma_wait3A_247] : memref<5x64x128xf32, #tpu.memory_space<vmem>> -> memref<1x64x128xf32, #tpu.memory_space<vmem>>
        %dma_wait3A_249 = tpu.memref_squeeze %dma_wait3A_248 : memref<1x64x128xf32, #tpu.memory_space<vmem>> -> memref<64x128xf32, #tpu.memory_space<vmem>>
        %dma_wait3A_250 = arith.constant 0 : i32
        %dma_wait3A_251 = tpu.memref_slice %arg9[%rem3A_30, %dma_wait3A_244, %dma_wait3A_250] : memref<2x8x64xi32, #tpu.memory_space<vmem>> -> memref<1x1x64xi32, #tpu.memory_space<vmem>>
        %dma_wait3A_252 = tpu.memref_squeeze %dma_wait3A_251 : memref<1x1x64xi32, #tpu.memory_space<vmem>> -> memref<64xi32, #tpu.memory_space<vmem>>
        %dma_wait3A_253 = arith.constant 0 : i32
        %dma_wait3A_254 = arith.constant 0 : i32
        %dma_wait3A_255 = tpu.memref_slice %arg3[%dma_wait3A_253, %dma_wait3A_254] : memref<10000x128xf32, #tpu.memory_space<hbm>> -> memref<10000x128xf32, #tpu.memory_space<hbm>>
        tpu.wait_indirect_dma semaphore(%arg13 : memref<!tpu.dma_semaphore, #tpu.memory_space<semaphore_mem>>) src(%dma_wait3A_255 : memref<10000x128xf32, #tpu.memory_space<hbm>>) dst(%dma_wait3A_249 : memref<64x128xf32, #tpu.memory_space<vmem>>)
        %dma_start3A_256 = arith.constant 3 : i32
        %dma_start3A_257 = arith.constant 3 : i32
        %dma_start3A_258 = arith.constant 0 : i32
        %dma_start3A_259 = arith.constant 0 : i32
        %dma_start3A_260 = tpu.memref_slice %arg11[%dma_start3A_256, %dma_start3A_258, %dma_start3A_259] : memref<5x64x128xf32, #tpu.memory_space<vmem>> -> memref<1x64x128xf32, #tpu.memory_space<vmem>>
        %dma_start3A_261 = tpu.memref_squeeze %dma_start3A_260 : memref<1x64x128xf32, #tpu.memory_space<vmem>> -> memref<64x128xf32, #tpu.memory_space<vmem>>
        %dma_start3A_262 = arith.constant 0 : i32
        %dma_start3A_263 = tpu.memref_slice %arg10[%rem3A_30, %dma_start3A_257, %dma_start3A_262] : memref<2x8x64xi32, #tpu.memory_space<vmem>> -> memref<1x1x64xi32, #tpu.memory_space<vmem>>
        %dma_start3A_264 = tpu.memref_squeeze %dma_start3A_263 : memref<1x1x64xi32, #tpu.memory_space<vmem>> -> memref<64xi32, #tpu.memory_space<vmem>>
        %dma_start3A_265 = arith.constant 0 : i32
        %dma_start3A_266 = arith.constant 0 : i32
        %dma_start3A_267 = tpu.memref_slice %arg12[%dma_start3A_265, %dma_start3A_266] : memref<10112x128xf32, #tpu.memory_space<vmem_shared>> -> memref<10112x128xf32, #tpu.memory_space<vmem_shared>>
        tpu.enqueue_indirect_dma source(%dma_start3A_261 : memref<64x128xf32, #tpu.memory_space<vmem>>) target(%dma_start3A_267 : memref<10112x128xf32, #tpu.memory_space<vmem_shared>>) offsets(%dma_start3A_264 : memref<64xi32, #tpu.memory_space<vmem>>) semaphore(%arg14 : memref<!tpu.dma_semaphore, #tpu.memory_space<semaphore_mem>>) {add = true}
        %dma_wait3A_268 = arith.constant 2 : i32
        %dma_wait3A_269 = arith.constant 2 : i32
        %dma_wait3A_270 = arith.constant 0 : i32
        %dma_wait3A_271 = arith.constant 0 : i32
        %dma_wait3A_272 = tpu.memref_slice %arg11[%dma_wait3A_268, %dma_wait3A_270, %dma_wait3A_271] : memref<5x64x128xf32, #tpu.memory_space<vmem>> -> memref<1x64x128xf32, #tpu.memory_space<vmem>>
        %dma_wait3A_273 = tpu.memref_squeeze %dma_wait3A_272 : memref<1x64x128xf32, #tpu.memory_space<vmem>> -> memref<64x128xf32, #tpu.memory_space<vmem>>
        %dma_wait3A_274 = arith.constant 0 : i32
        %dma_wait3A_275 = tpu.memref_slice %arg10[%rem3A_30, %dma_wait3A_269, %dma_wait3A_274] : memref<2x8x64xi32, #tpu.memory_space<vmem>> -> memref<1x1x64xi32, #tpu.memory_space<vmem>>
        %dma_wait3A_276 = tpu.memref_squeeze %dma_wait3A_275 : memref<1x1x64xi32, #tpu.memory_space<vmem>> -> memref<64xi32, #tpu.memory_space<vmem>>
        %dma_wait3A_277 = arith.constant 0 : i32
        %dma_wait3A_278 = arith.constant 0 : i32
        %dma_wait3A_279 = tpu.memref_slice %arg12[%dma_wait3A_277, %dma_wait3A_278] : memref<10112x128xf32, #tpu.memory_space<vmem_shared>> -> memref<10112x128xf32, #tpu.memory_space<vmem_shared>>
        tpu.wait_indirect_dma semaphore(%arg14 : memref<!tpu.dma_semaphore, #tpu.memory_space<semaphore_mem>>) src(%dma_wait3A_273 : memref<64x128xf32, #tpu.memory_space<vmem>>) dst(%dma_wait3A_279 : memref<10112x128xf32, #tpu.memory_space<vmem_shared>>)
        %dma_start3A_280 = arith.constant 7 : i32
        %dma_start3A_281 = arith.constant 2 : i32
        %dma_start3A_282 = arith.constant 0 : i32
        %dma_start3A_283 = arith.constant 0 : i32
        %dma_start3A_284 = tpu.memref_slice %arg11[%dma_start3A_281, %dma_start3A_282, %dma_start3A_283] : memref<5x64x128xf32, #tpu.memory_space<vmem>> -> memref<1x64x128xf32, #tpu.memory_space<vmem>>
        %dma_start3A_285 = tpu.memref_squeeze %dma_start3A_284 : memref<1x64x128xf32, #tpu.memory_space<vmem>> -> memref<64x128xf32, #tpu.memory_space<vmem>>
        %dma_start3A_286 = arith.constant 0 : i32
        %dma_start3A_287 = tpu.memref_slice %arg9[%rem3A_30, %dma_start3A_280, %dma_start3A_286] : memref<2x8x64xi32, #tpu.memory_space<vmem>> -> memref<1x1x64xi32, #tpu.memory_space<vmem>>
        %dma_start3A_288 = tpu.memref_squeeze %dma_start3A_287 : memref<1x1x64xi32, #tpu.memory_space<vmem>> -> memref<64xi32, #tpu.memory_space<vmem>>
        %dma_start3A_289 = arith.constant 0 : i32
        %dma_start3A_290 = arith.constant 0 : i32
        %dma_start3A_291 = tpu.memref_slice %arg3[%dma_start3A_289, %dma_start3A_290] : memref<10000x128xf32, #tpu.memory_space<hbm>> -> memref<10000x128xf32, #tpu.memory_space<hbm>>
        tpu.enqueue_indirect_dma source(%dma_start3A_291 : memref<10000x128xf32, #tpu.memory_space<hbm>>) target(%dma_start3A_285 : memref<64x128xf32, #tpu.memory_space<vmem>>) offsets(%dma_start3A_288 : memref<64xi32, #tpu.memory_space<vmem>>) semaphore(%arg13 : memref<!tpu.dma_semaphore, #tpu.memory_space<semaphore_mem>>)
        %dma_wait3A_292 = arith.constant 4 : i32
        %dma_wait3A_293 = arith.constant 4 : i32
        %dma_wait3A_294 = arith.constant 0 : i32
        %dma_wait3A_295 = arith.constant 0 : i32
        %dma_wait3A_296 = tpu.memref_slice %arg11[%dma_wait3A_293, %dma_wait3A_294, %dma_wait3A_295] : memref<5x64x128xf32, #tpu.memory_space<vmem>> -> memref<1x64x128xf32, #tpu.memory_space<vmem>>
        %dma_wait3A_297 = tpu.memref_squeeze %dma_wait3A_296 : memref<1x64x128xf32, #tpu.memory_space<vmem>> -> memref<64x128xf32, #tpu.memory_space<vmem>>
        %dma_wait3A_298 = arith.constant 0 : i32
        %dma_wait3A_299 = tpu.memref_slice %arg9[%rem3A_30, %dma_wait3A_292, %dma_wait3A_298] : memref<2x8x64xi32, #tpu.memory_space<vmem>> -> memref<1x1x64xi32, #tpu.memory_space<vmem>>
        %dma_wait3A_300 = tpu.memref_squeeze %dma_wait3A_299 : memref<1x1x64xi32, #tpu.memory_space<vmem>> -> memref<64xi32, #tpu.memory_space<vmem>>
        %dma_wait3A_301 = arith.constant 0 : i32
        %dma_wait3A_302 = arith.constant 0 : i32
        %dma_wait3A_303 = tpu.memref_slice %arg3[%dma_wait3A_301, %dma_wait3A_302] : memref<10000x128xf32, #tpu.memory_space<hbm>> -> memref<10000x128xf32, #tpu.memory_space<hbm>>
        tpu.wait_indirect_dma semaphore(%arg13 : memref<!tpu.dma_semaphore, #tpu.memory_space<semaphore_mem>>) src(%dma_wait3A_303 : memref<10000x128xf32, #tpu.memory_space<hbm>>) dst(%dma_wait3A_297 : memref<64x128xf32, #tpu.memory_space<vmem>>)
        %dma_start3A_304 = arith.constant 4 : i32
        %dma_start3A_305 = arith.constant 4 : i32
        %dma_start3A_306 = arith.constant 0 : i32
        %dma_start3A_307 = arith.constant 0 : i32
        %dma_start3A_308 = tpu.memref_slice %arg11[%dma_start3A_304, %dma_start3A_306, %dma_start3A_307] : memref<5x64x128xf32, #tpu.memory_space<vmem>> -> memref<1x64x128xf32, #tpu.memory_space<vmem>>
        %dma_start3A_309 = tpu.memref_squeeze %dma_start3A_308 : memref<1x64x128xf32, #tpu.memory_space<vmem>> -> memref<64x128xf32, #tpu.memory_space<vmem>>
        %dma_start3A_310 = arith.constant 0 : i32
        %dma_start3A_311 = tpu.memref_slice %arg10[%rem3A_30, %dma_start3A_305, %dma_start3A_310] : memref<2x8x64xi32, #tpu.memory_space<vmem>> -> memref<1x1x64xi32, #tpu.memory_space<vmem>>
        %dma_start3A_312 = tpu.memref_squeeze %dma_start3A_311 : memref<1x1x64xi32, #tpu.memory_space<vmem>> -> memref<64xi32, #tpu.memory_space<vmem>>
        %dma_start3A_313 = arith.constant 0 : i32
        %dma_start3A_314 = arith.constant 0 : i32
        %dma_start3A_315 = tpu.memref_slice %arg12[%dma_start3A_313, %dma_start3A_314] : memref<10112x128xf32, #tpu.memory_space<vmem_shared>> -> memref<10112x128xf32, #tpu.memory_space<vmem_shared>>
        tpu.enqueue_indirect_dma source(%dma_start3A_309 : memref<64x128xf32, #tpu.memory_space<vmem>>) target(%dma_start3A_315 : memref<10112x128xf32, #tpu.memory_space<vmem_shared>>) offsets(%dma_start3A_312 : memref<64xi32, #tpu.memory_space<vmem>>) semaphore(%arg14 : memref<!tpu.dma_semaphore, #tpu.memory_space<semaphore_mem>>) {add = true}
        %dma_wait3A_316 = arith.constant 5 : i32
        %dma_wait3A_317 = arith.constant 0 : i32
        %dma_wait3A_318 = arith.constant 0 : i32
        %dma_wait3A_319 = arith.constant 0 : i32
        %dma_wait3A_320 = tpu.memref_slice %arg11[%dma_wait3A_317, %dma_wait3A_318, %dma_wait3A_319] : memref<5x64x128xf32, #tpu.memory_space<vmem>> -> memref<1x64x128xf32, #tpu.memory_space<vmem>>
        %dma_wait3A_321 = tpu.memref_squeeze %dma_wait3A_320 : memref<1x64x128xf32, #tpu.memory_space<vmem>> -> memref<64x128xf32, #tpu.memory_space<vmem>>
        %dma_wait3A_322 = arith.constant 0 : i32
        %dma_wait3A_323 = tpu.memref_slice %arg9[%rem3A_30, %dma_wait3A_316, %dma_wait3A_322] : memref<2x8x64xi32, #tpu.memory_space<vmem>> -> memref<1x1x64xi32, #tpu.memory_space<vmem>>
        %dma_wait3A_324 = tpu.memref_squeeze %dma_wait3A_323 : memref<1x1x64xi32, #tpu.memory_space<vmem>> -> memref<64xi32, #tpu.memory_space<vmem>>
        %dma_wait3A_325 = arith.constant 0 : i32
        %dma_wait3A_326 = arith.constant 0 : i32
        %dma_wait3A_327 = tpu.memref_slice %arg3[%dma_wait3A_325, %dma_wait3A_326] : memref<10000x128xf32, #tpu.memory_space<hbm>> -> memref<10000x128xf32, #tpu.memory_space<hbm>>
        tpu.wait_indirect_dma semaphore(%arg13 : memref<!tpu.dma_semaphore, #tpu.memory_space<semaphore_mem>>) src(%dma_wait3A_327 : memref<10000x128xf32, #tpu.memory_space<hbm>>) dst(%dma_wait3A_321 : memref<64x128xf32, #tpu.memory_space<vmem>>)
        %dma_start3A_328 = arith.constant 0 : i32
        %dma_start3A_329 = arith.constant 5 : i32
        %dma_start3A_330 = arith.constant 0 : i32
        %dma_start3A_331 = arith.constant 0 : i32
        %dma_start3A_332 = tpu.memref_slice %arg11[%dma_start3A_328, %dma_start3A_330, %dma_start3A_331] : memref<5x64x128xf32, #tpu.memory_space<vmem>> -> memref<1x64x128xf32, #tpu.memory_space<vmem>>
        %dma_start3A_333 = tpu.memref_squeeze %dma_start3A_332 : memref<1x64x128xf32, #tpu.memory_space<vmem>> -> memref<64x128xf32, #tpu.memory_space<vmem>>
        %dma_start3A_334 = arith.constant 0 : i32
        %dma_start3A_335 = tpu.memref_slice %arg10[%rem3A_30, %dma_start3A_329, %dma_start3A_334] : memref<2x8x64xi32, #tpu.memory_space<vmem>> -> memref<1x1x64xi32, #tpu.memory_space<vmem>>
        %dma_start3A_336 = tpu.memref_squeeze %dma_start3A_335 : memref<1x1x64xi32, #tpu.memory_space<vmem>> -> memref<64xi32, #tpu.memory_space<vmem>>
        %dma_start3A_337 = arith.constant 0 : i32
        %dma_start3A_338 = arith.constant 0 : i32
        %dma_start3A_339 = tpu.memref_slice %arg12[%dma_start3A_337, %dma_start3A_338] : memref<10112x128xf32, #tpu.memory_space<vmem_shared>> -> memref<10112x128xf32, #tpu.memory_space<vmem_shared>>
        tpu.enqueue_indirect_dma source(%dma_start3A_333 : memref<64x128xf32, #tpu.memory_space<vmem>>) target(%dma_start3A_339 : memref<10112x128xf32, #tpu.memory_space<vmem_shared>>) offsets(%dma_start3A_336 : memref<64xi32, #tpu.memory_space<vmem>>) semaphore(%arg14 : memref<!tpu.dma_semaphore, #tpu.memory_space<semaphore_mem>>) {add = true}
        %dma_wait3A_340 = arith.constant 6 : i32
        %dma_wait3A_341 = arith.constant 1 : i32
        %dma_wait3A_342 = arith.constant 0 : i32
        %dma_wait3A_343 = arith.constant 0 : i32
        %dma_wait3A_344 = tpu.memref_slice %arg11[%dma_wait3A_341, %dma_wait3A_342, %dma_wait3A_343] : memref<5x64x128xf32, #tpu.memory_space<vmem>> -> memref<1x64x128xf32, #tpu.memory_space<vmem>>
        %dma_wait3A_345 = tpu.memref_squeeze %dma_wait3A_344 : memref<1x64x128xf32, #tpu.memory_space<vmem>> -> memref<64x128xf32, #tpu.memory_space<vmem>>
        %dma_wait3A_346 = arith.constant 0 : i32
        %dma_wait3A_347 = tpu.memref_slice %arg9[%rem3A_30, %dma_wait3A_340, %dma_wait3A_346] : memref<2x8x64xi32, #tpu.memory_space<vmem>> -> memref<1x1x64xi32, #tpu.memory_space<vmem>>
        %dma_wait3A_348 = tpu.memref_squeeze %dma_wait3A_347 : memref<1x1x64xi32, #tpu.memory_space<vmem>> -> memref<64xi32, #tpu.memory_space<vmem>>
        %dma_wait3A_349 = arith.constant 0 : i32
        %dma_wait3A_350 = arith.constant 0 : i32
        %dma_wait3A_351 = tpu.memref_slice %arg3[%dma_wait3A_349, %dma_wait3A_350] : memref<10000x128xf32, #tpu.memory_space<hbm>> -> memref<10000x128xf32, #tpu.memory_space<hbm>>
        tpu.wait_indirect_dma semaphore(%arg13 : memref<!tpu.dma_semaphore, #tpu.memory_space<semaphore_mem>>) src(%dma_wait3A_351 : memref<10000x128xf32, #tpu.memory_space<hbm>>) dst(%dma_wait3A_345 : memref<64x128xf32, #tpu.memory_space<vmem>>)
        %dma_start3A_352 = arith.constant 1 : i32
        %dma_start3A_353 = arith.constant 6 : i32
        %dma_start3A_354 = arith.constant 0 : i32
        %dma_start3A_355 = arith.constant 0 : i32
        %dma_start3A_356 = tpu.memref_slice %arg11[%dma_start3A_352, %dma_start3A_354, %dma_start3A_355] : memref<5x64x128xf32, #tpu.memory_space<vmem>> -> memref<1x64x128xf32, #tpu.memory_space<vmem>>
        %dma_start3A_357 = tpu.memref_squeeze %dma_start3A_356 : memref<1x64x128xf32, #tpu.memory_space<vmem>> -> memref<64x128xf32, #tpu.memory_space<vmem>>
        %dma_start3A_358 = arith.constant 0 : i32
        %dma_start3A_359 = tpu.memref_slice %arg10[%rem3A_30, %dma_start3A_353, %dma_start3A_358] : memref<2x8x64xi32, #tpu.memory_space<vmem>> -> memref<1x1x64xi32, #tpu.memory_space<vmem>>
        %dma_start3A_360 = tpu.memref_squeeze %dma_start3A_359 : memref<1x1x64xi32, #tpu.memory_space<vmem>> -> memref<64xi32, #tpu.memory_space<vmem>>
        %dma_start3A_361 = arith.constant 0 : i32
        %dma_start3A_362 = arith.constant 0 : i32
        %dma_start3A_363 = tpu.memref_slice %arg12[%dma_start3A_361, %dma_start3A_362] : memref<10112x128xf32, #tpu.memory_space<vmem_shared>> -> memref<10112x128xf32, #tpu.memory_space<vmem_shared>>
        tpu.enqueue_indirect_dma source(%dma_start3A_357 : memref<64x128xf32, #tpu.memory_space<vmem>>) target(%dma_start3A_363 : memref<10112x128xf32, #tpu.memory_space<vmem_shared>>) offsets(%dma_start3A_360 : memref<64xi32, #tpu.memory_space<vmem>>) semaphore(%arg14 : memref<!tpu.dma_semaphore, #tpu.memory_space<semaphore_mem>>) {add = true}
        %dma_wait3A_364 = arith.constant 7 : i32
        %dma_wait3A_365 = arith.constant 2 : i32
        %dma_wait3A_366 = arith.constant 0 : i32
        %dma_wait3A_367 = arith.constant 0 : i32
        %dma_wait3A_368 = tpu.memref_slice %arg11[%dma_wait3A_365, %dma_wait3A_366, %dma_wait3A_367] : memref<5x64x128xf32, #tpu.memory_space<vmem>> -> memref<1x64x128xf32, #tpu.memory_space<vmem>>
        %dma_wait3A_369 = tpu.memref_squeeze %dma_wait3A_368 : memref<1x64x128xf32, #tpu.memory_space<vmem>> -> memref<64x128xf32, #tpu.memory_space<vmem>>
        %dma_wait3A_370 = arith.constant 0 : i32
        %dma_wait3A_371 = tpu.memref_slice %arg9[%rem3A_30, %dma_wait3A_364, %dma_wait3A_370] : memref<2x8x64xi32, #tpu.memory_space<vmem>> -> memref<1x1x64xi32, #tpu.memory_space<vmem>>
        %dma_wait3A_372 = tpu.memref_squeeze %dma_wait3A_371 : memref<1x1x64xi32, #tpu.memory_space<vmem>> -> memref<64xi32, #tpu.memory_space<vmem>>
        %dma_wait3A_373 = arith.constant 0 : i32
        %dma_wait3A_374 = arith.constant 0 : i32
        %dma_wait3A_375 = tpu.memref_slice %arg3[%dma_wait3A_373, %dma_wait3A_374] : memref<10000x128xf32, #tpu.memory_space<hbm>> -> memref<10000x128xf32, #tpu.memory_space<hbm>>
        tpu.wait_indirect_dma semaphore(%arg13 : memref<!tpu.dma_semaphore, #tpu.memory_space<semaphore_mem>>) src(%dma_wait3A_375 : memref<10000x128xf32, #tpu.memory_space<hbm>>) dst(%dma_wait3A_369 : memref<64x128xf32, #tpu.memory_space<vmem>>)
        %dma_start3A_376 = arith.constant 2 : i32
        %dma_start3A_377 = arith.constant 7 : i32
        %dma_start3A_378 = arith.constant 0 : i32
        %dma_start3A_379 = arith.constant 0 : i32
        %dma_start3A_380 = tpu.memref_slice %arg11[%dma_start3A_376, %dma_start3A_378, %dma_start3A_379] : memref<5x64x128xf32, #tpu.memory_space<vmem>> -> memref<1x64x128xf32, #tpu.memory_space<vmem>>
        %dma_start3A_381 = tpu.memref_squeeze %dma_start3A_380 : memref<1x64x128xf32, #tpu.memory_space<vmem>> -> memref<64x128xf32, #tpu.memory_space<vmem>>
        %dma_start3A_382 = arith.constant 0 : i32
        %dma_start3A_383 = tpu.memref_slice %arg10[%rem3A_30, %dma_start3A_377, %dma_start3A_382] : memref<2x8x64xi32, #tpu.memory_space<vmem>> -> memref<1x1x64xi32, #tpu.memory_space<vmem>>
        %dma_start3A_384 = tpu.memref_squeeze %dma_start3A_383 : memref<1x1x64xi32, #tpu.memory_space<vmem>> -> memref<64xi32, #tpu.memory_space<vmem>>
        %dma_start3A_385 = arith.constant 0 : i32
        %dma_start3A_386 = arith.constant 0 : i32
        %dma_start3A_387 = tpu.memref_slice %arg12[%dma_start3A_385, %dma_start3A_386] : memref<10112x128xf32, #tpu.memory_space<vmem_shared>> -> memref<10112x128xf32, #tpu.memory_space<vmem_shared>>
        tpu.enqueue_indirect_dma source(%dma_start3A_381 : memref<64x128xf32, #tpu.memory_space<vmem>>) target(%dma_start3A_387 : memref<10112x128xf32, #tpu.memory_space<vmem_shared>>) offsets(%dma_start3A_384 : memref<64xi32, #tpu.memory_space<vmem>>) semaphore(%arg14 : memref<!tpu.dma_semaphore, #tpu.memory_space<semaphore_mem>>) {add = true}
        %dma_wait3A_388 = arith.constant 3 : i32
        %dma_wait3A_389 = arith.constant 3 : i32
        %dma_wait3A_390 = arith.constant 0 : i32
        %dma_wait3A_391 = arith.constant 0 : i32
        %dma_wait3A_392 = tpu.memref_slice %arg11[%dma_wait3A_388, %dma_wait3A_390, %dma_wait3A_391] : memref<5x64x128xf32, #tpu.memory_space<vmem>> -> memref<1x64x128xf32, #tpu.memory_space<vmem>>
        %dma_wait3A_393 = tpu.memref_squeeze %dma_wait3A_392 : memref<1x64x128xf32, #tpu.memory_space<vmem>> -> memref<64x128xf32, #tpu.memory_space<vmem>>
        %dma_wait3A_394 = arith.constant 0 : i32
        %dma_wait3A_395 = tpu.memref_slice %arg10[%rem3A_30, %dma_wait3A_389, %dma_wait3A_394] : memref<2x8x64xi32, #tpu.memory_space<vmem>> -> memref<1x1x64xi32, #tpu.memory_space<vmem>>
        %dma_wait3A_396 = tpu.memref_squeeze %dma_wait3A_395 : memref<1x1x64xi32, #tpu.memory_space<vmem>> -> memref<64xi32, #tpu.memory_space<vmem>>
        %dma_wait3A_397 = arith.constant 0 : i32
        %dma_wait3A_398 = arith.constant 0 : i32
        %dma_wait3A_399 = tpu.memref_slice %arg12[%dma_wait3A_397, %dma_wait3A_398] : memref<10112x128xf32, #tpu.memory_space<vmem_shared>> -> memref<10112x128xf32, #tpu.memory_space<vmem_shared>>
        tpu.wait_indirect_dma semaphore(%arg14 : memref<!tpu.dma_semaphore, #tpu.memory_space<semaphore_mem>>) src(%dma_wait3A_393 : memref<64x128xf32, #tpu.memory_space<vmem>>) dst(%dma_wait3A_399 : memref<10112x128xf32, #tpu.memory_space<vmem_shared>>)
        %dma_wait3A_400 = arith.constant 4 : i32
        %dma_wait3A_401 = arith.constant 4 : i32
        %dma_wait3A_402 = arith.constant 0 : i32
        %dma_wait3A_403 = arith.constant 0 : i32
        %dma_wait3A_404 = tpu.memref_slice %arg11[%dma_wait3A_400, %dma_wait3A_402, %dma_wait3A_403] : memref<5x64x128xf32, #tpu.memory_space<vmem>> -> memref<1x64x128xf32, #tpu.memory_space<vmem>>
        %dma_wait3A_405 = tpu.memref_squeeze %dma_wait3A_404 : memref<1x64x128xf32, #tpu.memory_space<vmem>> -> memref<64x128xf32, #tpu.memory_space<vmem>>
        %dma_wait3A_406 = arith.constant 0 : i32
        %dma_wait3A_407 = tpu.memref_slice %arg10[%rem3A_30, %dma_wait3A_401, %dma_wait3A_406] : memref<2x8x64xi32, #tpu.memory_space<vmem>> -> memref<1x1x64xi32, #tpu.memory_space<vmem>>
        %dma_wait3A_408 = tpu.memref_squeeze %dma_wait3A_407 : memref<1x1x64xi32, #tpu.memory_space<vmem>> -> memref<64xi32, #tpu.memory_space<vmem>>
        %dma_wait3A_409 = arith.constant 0 : i32
        %dma_wait3A_410 = arith.constant 0 : i32
        %dma_wait3A_411 = tpu.memref_slice %arg12[%dma_wait3A_409, %dma_wait3A_410] : memref<10112x128xf32, #tpu.memory_space<vmem_shared>> -> memref<10112x128xf32, #tpu.memory_space<vmem_shared>>
        tpu.wait_indirect_dma semaphore(%arg14 : memref<!tpu.dma_semaphore, #tpu.memory_space<semaphore_mem>>) src(%dma_wait3A_405 : memref<64x128xf32, #tpu.memory_space<vmem>>) dst(%dma_wait3A_411 : memref<10112x128xf32, #tpu.memory_space<vmem_shared>>)
        %dma_wait3A_412 = arith.constant 0 : i32
        %dma_wait3A_413 = arith.constant 5 : i32
        %dma_wait3A_414 = arith.constant 0 : i32
        %dma_wait3A_415 = arith.constant 0 : i32
        %dma_wait3A_416 = tpu.memref_slice %arg11[%dma_wait3A_412, %dma_wait3A_414, %dma_wait3A_415] : memref<5x64x128xf32, #tpu.memory_space<vmem>> -> memref<1x64x128xf32, #tpu.memory_space<vmem>>
        %dma_wait3A_417 = tpu.memref_squeeze %dma_wait3A_416 : memref<1x64x128xf32, #tpu.memory_space<vmem>> -> memref<64x128xf32, #tpu.memory_space<vmem>>
        %dma_wait3A_418 = arith.constant 0 : i32
        %dma_wait3A_419 = tpu.memref_slice %arg10[%rem3A_30, %dma_wait3A_413, %dma_wait3A_418] : memref<2x8x64xi32, #tpu.memory_space<vmem>> -> memref<1x1x64xi32, #tpu.memory_space<vmem>>
        %dma_wait3A_420 = tpu.memref_squeeze %dma_wait3A_419 : memref<1x1x64xi32, #tpu.memory_space<vmem>> -> memref<64xi32, #tpu.memory_space<vmem>>
        %dma_wait3A_421 = arith.constant 0 : i32
        %dma_wait3A_422 = arith.constant 0 : i32
        %dma_wait3A_423 = tpu.memref_slice %arg12[%dma_wait3A_421, %dma_wait3A_422] : memref<10112x128xf32, #tpu.memory_space<vmem_shared>> -> memref<10112x128xf32, #tpu.memory_space<vmem_shared>>
        tpu.wait_indirect_dma semaphore(%arg14 : memref<!tpu.dma_semaphore, #tpu.memory_space<semaphore_mem>>) src(%dma_wait3A_417 : memref<64x128xf32, #tpu.memory_space<vmem>>) dst(%dma_wait3A_423 : memref<10112x128xf32, #tpu.memory_space<vmem_shared>>)
        %dma_wait3A_424 = arith.constant 1 : i32
        %dma_wait3A_425 = arith.constant 6 : i32
        %dma_wait3A_426 = arith.constant 0 : i32
        %dma_wait3A_427 = arith.constant 0 : i32
        %dma_wait3A_428 = tpu.memref_slice %arg11[%dma_wait3A_424, %dma_wait3A_426, %dma_wait3A_427] : memref<5x64x128xf32, #tpu.memory_space<vmem>> -> memref<1x64x128xf32, #tpu.memory_space<vmem>>
        %dma_wait3A_429 = tpu.memref_squeeze %dma_wait3A_428 : memref<1x64x128xf32, #tpu.memory_space<vmem>> -> memref<64x128xf32, #tpu.memory_space<vmem>>
        %dma_wait3A_430 = arith.constant 0 : i32
        %dma_wait3A_431 = tpu.memref_slice %arg10[%rem3A_30, %dma_wait3A_425, %dma_wait3A_430] : memref<2x8x64xi32, #tpu.memory_space<vmem>> -> memref<1x1x64xi32, #tpu.memory_space<vmem>>
        %dma_wait3A_432 = tpu.memref_squeeze %dma_wait3A_431 : memref<1x1x64xi32, #tpu.memory_space<vmem>> -> memref<64xi32, #tpu.memory_space<vmem>>
        %dma_wait3A_433 = arith.constant 0 : i32
        %dma_wait3A_434 = arith.constant 0 : i32
        %dma_wait3A_435 = tpu.memref_slice %arg12[%dma_wait3A_433, %dma_wait3A_434] : memref<10112x128xf32, #tpu.memory_space<vmem_shared>> -> memref<10112x128xf32, #tpu.memory_space<vmem_shared>>
        tpu.wait_indirect_dma semaphore(%arg14 : memref<!tpu.dma_semaphore, #tpu.memory_space<semaphore_mem>>) src(%dma_wait3A_429 : memref<64x128xf32, #tpu.memory_space<vmem>>) dst(%dma_wait3A_435 : memref<10112x128xf32, #tpu.memory_space<vmem_shared>>)
        %dma_wait3A_436 = arith.constant 2 : i32
        %dma_wait3A_437 = arith.constant 7 : i32
        %dma_wait3A_438 = arith.constant 0 : i32
        %dma_wait3A_439 = arith.constant 0 : i32
        %dma_wait3A_440 = tpu.memref_slice %arg11[%dma_wait3A_436, %dma_wait3A_438, %dma_wait3A_439] : memref<5x64x128xf32, #tpu.memory_space<vmem>> -> memref<1x64x128xf32, #tpu.memory_space<vmem>>
        %dma_wait3A_441 = tpu.memref_squeeze %dma_wait3A_440 : memref<1x64x128xf32, #tpu.memory_space<vmem>> -> memref<64x128xf32, #tpu.memory_space<vmem>>
        %dma_wait3A_442 = arith.constant 0 : i32
        %dma_wait3A_443 = tpu.memref_slice %arg10[%rem3A_30, %dma_wait3A_437, %dma_wait3A_442] : memref<2x8x64xi32, #tpu.memory_space<vmem>> -> memref<1x1x64xi32, #tpu.memory_space<vmem>>
        %dma_wait3A_444 = tpu.memref_squeeze %dma_wait3A_443 : memref<1x1x64xi32, #tpu.memory_space<vmem>> -> memref<64xi32, #tpu.memory_space<vmem>>
        %dma_wait3A_445 = arith.constant 0 : i32
        %dma_wait3A_446 = arith.constant 0 : i32
        %dma_wait3A_447 = tpu.memref_slice %arg12[%dma_wait3A_445, %dma_wait3A_446] : memref<10112x128xf32, #tpu.memory_space<vmem_shared>> -> memref<10112x128xf32, #tpu.memory_space<vmem_shared>>
        tpu.wait_indirect_dma semaphore(%arg14 : memref<!tpu.dma_semaphore, #tpu.memory_space<semaphore_mem>>) src(%dma_wait3A_441 : memref<64x128xf32, #tpu.memory_space<vmem>>) dst(%dma_wait3A_447 : memref<10112x128xf32, #tpu.memory_space<vmem_shared>>)
        %dma_wait3A_448 = arith.constant 0 : i32
        %dma_wait3A_449 = arith.constant 0 : i32
        %dma_wait3A_450 = tpu.memref_slice %arg9[%sub3A_36, %dma_wait3A_448, %dma_wait3A_449] : memref<2x8x64xi32, #tpu.memory_space<vmem>> -> memref<1x8x64xi32, #tpu.memory_space<vmem>>
        %dma_wait3A_451 = tpu.memref_squeeze %dma_wait3A_450 : memref<1x8x64xi32, #tpu.memory_space<vmem>> -> memref<8x64xi32, #tpu.memory_space<vmem>>
        %dma_wait3A_452 = arith.constant 0 : i32
        %dma_wait3A_453 = tpu.memref_slice %arg4[%add3A_35, %dma_wait3A_452] : memref<5120x64xi32, #tpu.memory_space<hbm>> -> memref<8x64xi32, #tpu.memory_space<hbm>>
        %dma_wait3A_454 = arith.constant 0 : i32
        %dma_wait3A_455 = arith.constant 0 : i32
        %dma_wait3A_456 = tpu.memref_slice %arg9[%sub3A_36, %dma_wait3A_454, %dma_wait3A_455] : memref<2x8x64xi32, #tpu.memory_space<vmem>> -> memref<1x8x64xi32, #tpu.memory_space<vmem>>
        %dma_wait3A_457 = tpu.memref_squeeze %dma_wait3A_456 : memref<1x8x64xi32, #tpu.memory_space<vmem>> -> memref<8x64xi32, #tpu.memory_space<vmem>>
        %dma_wait3A_458 = arith.constant 0 : i32
        %dma_wait3A_459 = tpu.memref_slice %arg4[%add3A_35, %dma_wait3A_458] : memref<5120x64xi32, #tpu.memory_space<hbm>> -> memref<8x64xi32, #tpu.memory_space<hbm>>
        tpu.wait_dma2 semaphore(%arg15 : memref<!tpu.dma_semaphore, #tpu.memory_space<semaphore_mem>>) src(%dma_wait3A_459 : memref<8x64xi32, #tpu.memory_space<hbm>>) dst(%dma_wait3A_457 : memref<8x64xi32, #tpu.memory_space<vmem>>)
        %dma_wait3A_460 = arith.constant 0 : i32
        %dma_wait3A_461 = arith.constant 0 : i32
        %dma_wait3A_462 = tpu.memref_slice %arg10[%sub3A_52, %dma_wait3A_460, %dma_wait3A_461] : memref<2x8x64xi32, #tpu.memory_space<vmem>> -> memref<1x8x64xi32, #tpu.memory_space<vmem>>
        %dma_wait3A_463 = tpu.memref_squeeze %dma_wait3A_462 : memref<1x8x64xi32, #tpu.memory_space<vmem>> -> memref<8x64xi32, #tpu.memory_space<vmem>>
        %dma_wait3A_464 = arith.constant 0 : i32
        %dma_wait3A_465 = tpu.memref_slice %arg5[%add3A_50, %dma_wait3A_464] : memref<5120x64xi32, #tpu.memory_space<hbm>> -> memref<8x64xi32, #tpu.memory_space<hbm>>
        %dma_wait3A_466 = arith.constant 0 : i32
        %dma_wait3A_467 = arith.constant 0 : i32
        %dma_wait3A_468 = tpu.memref_slice %arg10[%sub3A_52, %dma_wait3A_466, %dma_wait3A_467] : memref<2x8x64xi32, #tpu.memory_space<vmem>> -> memref<1x8x64xi32, #tpu.memory_space<vmem>>
        %dma_wait3A_469 = tpu.memref_squeeze %dma_wait3A_468 : memref<1x8x64xi32, #tpu.memory_space<vmem>> -> memref<8x64xi32, #tpu.memory_space<vmem>>
        %dma_wait3A_470 = arith.constant 0 : i32
        %dma_wait3A_471 = tpu.memref_slice %arg5[%add3A_50, %dma_wait3A_470] : memref<5120x64xi32, #tpu.memory_space<hbm>> -> memref<8x64xi32, #tpu.memory_space<hbm>>
        tpu.wait_dma2 semaphore(%arg15 : memref<!tpu.dma_semaphore, #tpu.memory_space<semaphore_mem>>) src(%dma_wait3A_471 : memref<8x64xi32, #tpu.memory_space<hbm>>) dst(%dma_wait3A_469 : memref<8x64xi32, #tpu.memory_space<vmem>>)
      }
      %scan3A_28 = arith.constant 40 : i32
    } else {
    }
    %barrier3A_12 = arith.constant 0 : index
    tpu.barrier barrier_id(%barrier3A_12)
    %eq3A_13 = arith.constant 0 : i32
    %eq3A_14 = arith.cmpi eq, %arg0, %eq3A_13 : i32
    %convert_element_type3A_15 = arith.extui %eq3A_14 : i1 to i32
    %cond3A_16 = arith.constant 0 : i32
    %cond3A_17 = arith.cmpi ne, %convert_element_type3A_15, %cond3A_16 : i32
    scf.if %cond3A_17 {
      %mul3A_23 = arith.constant 632 : i32
      %mul3A_24 = arith.muli %arg1, %mul3A_23 : i32
      %mul3A_25 = arith.constant 632 : i32
      %mul3A_26 = arith.muli %arg1, %mul3A_25 : i32
      "tpu.region"() ({
        %run_scoped3A = tpu.sem_alloc : memref<!tpu.dma_semaphore, #tpu.memory_space<semaphore_mem>>
        %dma_start3A = arith.constant 0 : i32
        %dma_start3A_27 = tpu.memref_slice %arg7[%mul3A_26, %dma_start3A] : memref<10112x128xf32, #tpu.memory_space<hbm>> -> memref<632x128xf32, #tpu.memory_space<hbm>>
        %dma_start3A_28 = arith.constant 0 : i32
        %dma_start3A_29 = tpu.memref_slice %arg12[%mul3A_24, %dma_start3A_28] : memref<10112x128xf32, #tpu.memory_space<vmem_shared>> -> memref<632x128xf32, #tpu.memory_space<vmem_shared>>
        tpu.enqueue_dma source(%dma_start3A_29 : memref<632x128xf32, #tpu.memory_space<vmem_shared>>) target(%dma_start3A_27 : memref<632x128xf32, #tpu.memory_space<hbm>>) target_semaphore(%run_scoped3A : memref<!tpu.dma_semaphore, #tpu.memory_space<semaphore_mem>>)
        %dma_wait3A = arith.constant 0 : i32
        %dma_wait3A_30 = tpu.memref_slice %arg7[%mul3A_26, %dma_wait3A] : memref<10112x128xf32, #tpu.memory_space<hbm>> -> memref<632x128xf32, #tpu.memory_space<hbm>>
        %dma_wait3A_31 = arith.constant 0 : i32
        %dma_wait3A_32 = tpu.memref_slice %arg12[%mul3A_24, %dma_wait3A_31] : memref<10112x128xf32, #tpu.memory_space<vmem_shared>> -> memref<632x128xf32, #tpu.memory_space<vmem_shared>>
        tpu.wait_dma2 semaphore(%run_scoped3A : memref<!tpu.dma_semaphore, #tpu.memory_space<semaphore_mem>>) src(%dma_wait3A_32 : memref<632x128xf32, #tpu.memory_space<vmem_shared>>) dst(%dma_wait3A_30 : memref<632x128xf32, #tpu.memory_space<hbm>>)
        tpu.yield
      }) : () -> ()
    } else {
    }
    %eq3A_18 = arith.constant 1 : i32
    %eq3A_19 = arith.cmpi eq, %arg0, %eq3A_18 : i32
    %convert_element_type3A_20 = arith.extui %eq3A_19 : i1 to i32
    %cond3A_21 = arith.constant 0 : i32
    %cond3A_22 = arith.cmpi ne, %convert_element_type3A_20, %cond3A_21 : i32
    scf.if %cond3A_22 {
      %mul3A_23 = arith.constant 632 : i32
      %mul3A_24 = arith.muli %arg1, %mul3A_23 : i32
      %mul3A_25 = arith.constant 632 : i32
      %mul3A_26 = arith.muli %arg1, %mul3A_25 : i32
      "tpu.region"() ({
        %run_scoped3A = tpu.sem_alloc : memref<!tpu.dma_semaphore, #tpu.memory_space<semaphore_mem>>
        %dma_start3A = arith.constant 0 : i32
        %dma_start3A_27 = tpu.memref_slice %arg8[%mul3A_26, %dma_start3A] : memref<10112x128xf32, #tpu.memory_space<hbm>> -> memref<632x128xf32, #tpu.memory_space<hbm>>
        %dma_start3A_28 = arith.constant 0 : i32
        %dma_start3A_29 = tpu.memref_slice %arg12[%mul3A_24, %dma_start3A_28] : memref<10112x128xf32, #tpu.memory_space<vmem_shared>> -> memref<632x128xf32, #tpu.memory_space<vmem_shared>>
        tpu.enqueue_dma source(%dma_start3A_29 : memref<632x128xf32, #tpu.memory_space<vmem_shared>>) target(%dma_start3A_27 : memref<632x128xf32, #tpu.memory_space<hbm>>) target_semaphore(%run_scoped3A : memref<!tpu.dma_semaphore, #tpu.memory_space<semaphore_mem>>)
        %dma_wait3A = arith.constant 0 : i32
        %dma_wait3A_30 = tpu.memref_slice %arg8[%mul3A_26, %dma_wait3A] : memref<10112x128xf32, #tpu.memory_space<hbm>> -> memref<632x128xf32, #tpu.memory_space<hbm>>
        %dma_wait3A_31 = arith.constant 0 : i32
        %dma_wait3A_32 = tpu.memref_slice %arg12[%mul3A_24, %dma_wait3A_31] : memref<10112x128xf32, #tpu.memory_space<vmem_shared>> -> memref<632x128xf32, #tpu.memory_space<vmem_shared>>
        tpu.wait_dma2 semaphore(%run_scoped3A : memref<!tpu.dma_semaphore, #tpu.memory_space<semaphore_mem>>) src(%dma_wait3A_32 : memref<632x128xf32, #tpu.memory_space<vmem_shared>>) dst(%dma_wait3A_30 : memref<632x128xf32, #tpu.memory_space<hbm>>)
        tpu.yield
      }) : () -> ()
    } else {
    }
    return
  }
}

#map = affine_map<(d0, d1) -> (0, 0)>
module attributes {stable_mosaic.version = 14 : i64} {
  func.func @seg(%arg0: i32, %arg1: i32, %arg2: memref<10000x128xf32, #tpu.memory_space<hbm>>, %arg3: memref<10000x128xf32, #tpu.memory_space<hbm>>, %arg4: memref<5120x64xi32, #tpu.memory_space<hbm>>, %arg5: memref<5120x64xi32, #tpu.memory_space<hbm>>, %arg6: memref<632x128xf32, #tpu.memory_space<hbm>>, %arg7: memref<10112x128xf32, #tpu.memory_space<hbm>>, %arg8: memref<10112x128xf32, #tpu.memory_space<hbm>>, %arg9: memref<2x8x64xi32, #tpu.memory_space<vmem>>, %arg10: memref<2x8x64xi32, #tpu.memory_space<vmem>>, %arg11: memref<5x64x128xf32, #tpu.memory_space<vmem>>, %arg12: memref<10112x128xf32, #tpu.memory_space<vmem_shared>>, %arg13: memref<!tpu.dma_semaphore, #tpu.memory_space<semaphore_mem>>, %arg14: memref<!tpu.dma_semaphore, #tpu.memory_space<semaphore_mem>>, %arg15: memref<!tpu.dma_semaphore, #tpu.memory_space<semaphore_mem>>) attributes {dimension_semantics = [#tpu.dimension_semantics<core_parallel>, #tpu.dimension_semantics<subcore_parallel>], iteration_bounds = array<i64: 2, 16>, scalar_prefetch = 0 : i64, scratch_operands = 7 : i64, tpu.core_type = #tpu.core_type<sc_vector_subcore>, window_params = [{transform_indices = #map}, {transform_indices = #map}, {transform_indices = #map}, {transform_indices = #map}, {transform_indices = #map}, {transform_indices = #map}, {transform_indices = #map}]} {
    %mul3A = arith.constant 632 : i32
    %mul3A_0 = arith.muli %arg1, %mul3A : i32
    "tpu.region"() ({
      %run_scoped3A = tpu.sem_alloc : memref<!tpu.dma_semaphore, #tpu.memory_space<semaphore_mem>>
      %dma_start3A = arith.constant 0 : i32
      %dma_start3A_28 = tpu.memref_slice %arg12[%mul3A_0, %dma_start3A] : memref<10112x128xf32, #tpu.memory_space<vmem_shared>> -> memref<632x128xf32, #tpu.memory_space<vmem_shared>>
      tpu.enqueue_dma source(%arg6 : memref<632x128xf32, #tpu.memory_space<hbm>>) target(%dma_start3A_28 : memref<632x128xf32, #tpu.memory_space<vmem_shared>>) target_semaphore(%run_scoped3A : memref<!tpu.dma_semaphore, #tpu.memory_space<semaphore_mem>>)
      %dma_wait3A = arith.constant 0 : i32
      %dma_wait3A_29 = tpu.memref_slice %arg12[%mul3A_0, %dma_wait3A] : memref<10112x128xf32, #tpu.memory_space<vmem_shared>> -> memref<632x128xf32, #tpu.memory_space<vmem_shared>>
      tpu.wait_dma2 semaphore(%run_scoped3A : memref<!tpu.dma_semaphore, #tpu.memory_space<semaphore_mem>>) src(%arg6 : memref<632x128xf32, #tpu.memory_space<hbm>>) dst(%dma_wait3A_29 : memref<632x128xf32, #tpu.memory_space<vmem_shared>>)
      tpu.yield
    }) : () -> ()
    %barrier3A = arith.constant 0 : index
    tpu.barrier barrier_id(%barrier3A)
    %mul3A_1 = arith.constant 16 : i32
    %mul3A_2 = arith.muli %arg0, %mul3A_1 : i32
    %add3A = arith.addi %mul3A_2, %arg1 : i32
    %mul3A_3 = arith.constant 160 : i32
    %mul3A_4 = arith.muli %add3A, %mul3A_3 : i32
    %mul3A_5 = arith.constant 16 : i32
    %mul3A_6 = arith.muli %arg0, %mul3A_5 : i32
    %add3A_7 = arith.addi %mul3A_6, %arg1 : i32
    %mul3A_8 = arith.constant 160 : i32
    %mul3A_9 = arith.muli %add3A_7, %mul3A_8 : i32
    %eq3A = arith.constant 0 : i32
    %eq3A_10 = arith.cmpi eq, %arg0, %eq3A : i32
    %convert_element_type3A = arith.extui %eq3A_10 : i1 to i32
    %cond3A = arith.constant 0 : i32
    %cond3A_11 = arith.cmpi ne, %convert_element_type3A, %cond3A : i32
    scf.if %cond3A_11 {
      %run_scoped3A = arith.constant 0 : i32
      "tpu.region"() ({
        %run_scoped3A_34 = tpu.sem_alloc : memref<!tpu.dma_semaphore, #tpu.memory_space<semaphore_mem>>
        %dma_start3A = arith.constant 0 : i32
        %dma_start3A_35 = arith.constant 0 : i32
        %dma_start3A_36 = tpu.memref_slice %arg9[%run_scoped3A, %dma_start3A, %dma_start3A_35] : memref<2x8x64xi32, #tpu.memory_space<vmem>> -> memref<1x8x64xi32, #tpu.memory_space<vmem>>
        %dma_start3A_37 = tpu.memref_squeeze %dma_start3A_36 : memref<1x8x64xi32, #tpu.memory_space<vmem>> -> memref<8x64xi32, #tpu.memory_space<vmem>>
        %dma_start3A_38 = arith.constant 0 : i32
        %dma_start3A_39 = tpu.memref_slice %arg4[%mul3A_4, %dma_start3A_38] : memref<5120x64xi32, #tpu.memory_space<hbm>> -> memref<8x64xi32, #tpu.memory_space<hbm>>
        %dma_start3A_40 = arith.constant 0 : i32
        %dma_start3A_41 = arith.constant 0 : i32
        %dma_start3A_42 = tpu.memref_slice %arg9[%run_scoped3A, %dma_start3A_40, %dma_start3A_41] : memref<2x8x64xi32, #tpu.memory_space<vmem>> -> memref<1x8x64xi32, #tpu.memory_space<vmem>>
        %dma_start3A_43 = tpu.memref_squeeze %dma_start3A_42 : memref<1x8x64xi32, #tpu.memory_space<vmem>> -> memref<8x64xi32, #tpu.memory_space<vmem>>
        %dma_start3A_44 = arith.constant 0 : i32
        %dma_start3A_45 = tpu.memref_slice %arg4[%mul3A_4, %dma_start3A_44] : memref<5120x64xi32, #tpu.memory_space<hbm>> -> memref<8x64xi32, #tpu.memory_space<hbm>>
        tpu.enqueue_dma source(%dma_start3A_45 : memref<8x64xi32, #tpu.memory_space<hbm>>) target(%dma_start3A_43 : memref<8x64xi32, #tpu.memory_space<vmem>>) target_semaphore(%run_scoped3A_34 : memref<!tpu.dma_semaphore, #tpu.memory_space<semaphore_mem>>)
        %dma_wait3A = arith.constant 0 : i32
        %dma_wait3A_46 = arith.constant 0 : i32
        %dma_wait3A_47 = tpu.memref_slice %arg9[%run_scoped3A, %dma_wait3A, %dma_wait3A_46] : memref<2x8x64xi32, #tpu.memory_space<vmem>> -> memref<1x8x64xi32, #tpu.memory_space<vmem>>
        %dma_wait3A_48 = tpu.memref_squeeze %dma_wait3A_47 : memref<1x8x64xi32, #tpu.memory_space<vmem>> -> memref<8x64xi32, #tpu.memory_space<vmem>>
        %dma_wait3A_49 = arith.constant 0 : i32
        %dma_wait3A_50 = tpu.memref_slice %arg4[%mul3A_4, %dma_wait3A_49] : memref<5120x64xi32, #tpu.memory_space<hbm>> -> memref<8x64xi32, #tpu.memory_space<hbm>>
        %dma_wait3A_51 = arith.constant 0 : i32
        %dma_wait3A_52 = arith.constant 0 : i32
        %dma_wait3A_53 = tpu.memref_slice %arg9[%run_scoped3A, %dma_wait3A_51, %dma_wait3A_52] : memref<2x8x64xi32, #tpu.memory_space<vmem>> -> memref<1x8x64xi32, #tpu.memory_space<vmem>>
        %dma_wait3A_54 = tpu.memref_squeeze %dma_wait3A_53 : memref<1x8x64xi32, #tpu.memory_space<vmem>> -> memref<8x64xi32, #tpu.memory_space<vmem>>
        %dma_wait3A_55 = arith.constant 0 : i32
        %dma_wait3A_56 = tpu.memref_slice %arg4[%mul3A_4, %dma_wait3A_55] : memref<5120x64xi32, #tpu.memory_space<hbm>> -> memref<8x64xi32, #tpu.memory_space<hbm>>
        tpu.wait_dma2 semaphore(%run_scoped3A_34 : memref<!tpu.dma_semaphore, #tpu.memory_space<semaphore_mem>>) src(%dma_wait3A_56 : memref<8x64xi32, #tpu.memory_space<hbm>>) dst(%dma_wait3A_54 : memref<8x64xi32, #tpu.memory_space<vmem>>)
        tpu.yield
      }) : () -> ()
      %run_scoped3A_28 = arith.constant 0 : i32
      "tpu.region"() ({
        %run_scoped3A_34 = tpu.sem_alloc : memref<!tpu.dma_semaphore, #tpu.memory_space<semaphore_mem>>
        %dma_start3A = arith.constant 0 : i32
        %dma_start3A_35 = arith.constant 0 : i32
        %dma_start3A_36 = tpu.memref_slice %arg10[%run_scoped3A_28, %dma_start3A, %dma_start3A_35] : memref<2x8x64xi32, #tpu.memory_space<vmem>> -> memref<1x8x64xi32, #tpu.memory_space<vmem>>
        %dma_start3A_37 = tpu.memref_squeeze %dma_start3A_36 : memref<1x8x64xi32, #tpu.memory_space<vmem>> -> memref<8x64xi32, #tpu.memory_space<vmem>>
        %dma_start3A_38 = arith.constant 0 : i32
        %dma_start3A_39 = tpu.memref_slice %arg5[%mul3A_9, %dma_start3A_38] : memref<5120x64xi32, #tpu.memory_space<hbm>> -> memref<8x64xi32, #tpu.memory_space<hbm>>
        %dma_start3A_40 = arith.constant 0 : i32
        %dma_start3A_41 = arith.constant 0 : i32
        %dma_start3A_42 = tpu.memref_slice %arg10[%run_scoped3A_28, %dma_start3A_40, %dma_start3A_41] : memref<2x8x64xi32, #tpu.memory_space<vmem>> -> memref<1x8x64xi32, #tpu.memory_space<vmem>>
        %dma_start3A_43 = tpu.memref_squeeze %dma_start3A_42 : memref<1x8x64xi32, #tpu.memory_space<vmem>> -> memref<8x64xi32, #tpu.memory_space<vmem>>
        %dma_start3A_44 = arith.constant 0 : i32
        %dma_start3A_45 = tpu.memref_slice %arg5[%mul3A_9, %dma_start3A_44] : memref<5120x64xi32, #tpu.memory_space<hbm>> -> memref<8x64xi32, #tpu.memory_space<hbm>>
        tpu.enqueue_dma source(%dma_start3A_45 : memref<8x64xi32, #tpu.memory_space<hbm>>) target(%dma_start3A_43 : memref<8x64xi32, #tpu.memory_space<vmem>>) target_semaphore(%run_scoped3A_34 : memref<!tpu.dma_semaphore, #tpu.memory_space<semaphore_mem>>)
        %dma_wait3A = arith.constant 0 : i32
        %dma_wait3A_46 = arith.constant 0 : i32
        %dma_wait3A_47 = tpu.memref_slice %arg10[%run_scoped3A_28, %dma_wait3A, %dma_wait3A_46] : memref<2x8x64xi32, #tpu.memory_space<vmem>> -> memref<1x8x64xi32, #tpu.memory_space<vmem>>
        %dma_wait3A_48 = tpu.memref_squeeze %dma_wait3A_47 : memref<1x8x64xi32, #tpu.memory_space<vmem>> -> memref<8x64xi32, #tpu.memory_space<vmem>>
        %dma_wait3A_49 = arith.constant 0 : i32
        %dma_wait3A_50 = tpu.memref_slice %arg5[%mul3A_9, %dma_wait3A_49] : memref<5120x64xi32, #tpu.memory_space<hbm>> -> memref<8x64xi32, #tpu.memory_space<hbm>>
        %dma_wait3A_51 = arith.constant 0 : i32
        %dma_wait3A_52 = arith.constant 0 : i32
        %dma_wait3A_53 = tpu.memref_slice %arg10[%run_scoped3A_28, %dma_wait3A_51, %dma_wait3A_52] : memref<2x8x64xi32, #tpu.memory_space<vmem>> -> memref<1x8x64xi32, #tpu.memory_space<vmem>>
        %dma_wait3A_54 = tpu.memref_squeeze %dma_wait3A_53 : memref<1x8x64xi32, #tpu.memory_space<vmem>> -> memref<8x64xi32, #tpu.memory_space<vmem>>
        %dma_wait3A_55 = arith.constant 0 : i32
        %dma_wait3A_56 = tpu.memref_slice %arg5[%mul3A_9, %dma_wait3A_55] : memref<5120x64xi32, #tpu.memory_space<hbm>> -> memref<8x64xi32, #tpu.memory_space<hbm>>
        tpu.wait_dma2 semaphore(%run_scoped3A_34 : memref<!tpu.dma_semaphore, #tpu.memory_space<semaphore_mem>>) src(%dma_wait3A_56 : memref<8x64xi32, #tpu.memory_space<hbm>>) dst(%dma_wait3A_54 : memref<8x64xi32, #tpu.memory_space<vmem>>)
        tpu.yield
      }) : () -> ()
      %scan3A = arith.constant 0 : i32
      %scan3A_29 = arith.constant 0 : i32
      %scan3A_30 = arith.constant 20 : i32
      %scan3A_31 = arith.addi %scan3A_29, %scan3A_30 : i32
      %scan3A_32 = arith.constant 1 : i32
      scf.for %scan3A_34 = %scan3A_29 to %scan3A_31 step %scan3A_32  : i32 {
        %rem3A = arith.constant 2 : i32
        %rem3A_35 = arith.remsi %scan3A_34, %rem3A : i32
        %add3A_36 = arith.constant 1 : i32
        %add3A_37 = arith.addi %scan3A_34, %add3A_36 : i32
        %min3A = arith.constant 19 : i32
        %min3A_38 = arith.minsi %add3A_37, %min3A : i32
        %mul3A_39 = arith.constant 8 : i32
        %mul3A_40 = arith.muli %min3A_38, %mul3A_39 : i32
        %add3A_41 = arith.addi %mul3A_4, %mul3A_40 : i32
        %sub3A = arith.constant 1 : i32
        %sub3A_42 = arith.subi %sub3A, %rem3A_35 : i32
        %dma_start3A = arith.constant 0 : i32
        %dma_start3A_43 = arith.constant 0 : i32
        %dma_start3A_44 = tpu.memref_slice %arg9[%sub3A_42, %dma_start3A, %dma_start3A_43] : memref<2x8x64xi32, #tpu.memory_space<vmem>> -> memref<1x8x64xi32, #tpu.memory_space<vmem>>
        %dma_start3A_45 = tpu.memref_squeeze %dma_start3A_44 : memref<1x8x64xi32, #tpu.memory_space<vmem>> -> memref<8x64xi32, #tpu.memory_space<vmem>>
        %dma_start3A_46 = arith.constant 0 : i32
        %dma_start3A_47 = tpu.memref_slice %arg4[%add3A_41, %dma_start3A_46] : memref<5120x64xi32, #tpu.memory_space<hbm>> -> memref<8x64xi32, #tpu.memory_space<hbm>>
        %dma_start3A_48 = arith.constant 0 : i32
        %dma_start3A_49 = arith.constant 0 : i32
        %dma_start3A_50 = tpu.memref_slice %arg9[%sub3A_42, %dma_start3A_48, %dma_start3A_49] : memref<2x8x64xi32, #tpu.memory_space<vmem>> -> memref<1x8x64xi32, #tpu.memory_space<vmem>>
        %dma_start3A_51 = tpu.memref_squeeze %dma_start3A_50 : memref<1x8x64xi32, #tpu.memory_space<vmem>> -> memref<8x64xi32, #tpu.memory_space<vmem>>
        %dma_start3A_52 = arith.constant 0 : i32
        %dma_start3A_53 = tpu.memref_slice %arg4[%add3A_41, %dma_start3A_52] : memref<5120x64xi32, #tpu.memory_space<hbm>> -> memref<8x64xi32, #tpu.memory_space<hbm>>
        tpu.enqueue_dma source(%dma_start3A_53 : memref<8x64xi32, #tpu.memory_space<hbm>>) target(%dma_start3A_51 : memref<8x64xi32, #tpu.memory_space<vmem>>) target_semaphore(%arg15 : memref<!tpu.dma_semaphore, #tpu.memory_space<semaphore_mem>>)
        %mul3A_54 = arith.constant 8 : i32
        %mul3A_55 = arith.muli %min3A_38, %mul3A_54 : i32
        %add3A_56 = arith.addi %mul3A_9, %mul3A_55 : i32
        %sub3A_57 = arith.constant 1 : i32
        %sub3A_58 = arith.subi %sub3A_57, %rem3A_35 : i32
        %dma_start3A_59 = arith.constant 0 : i32
        %dma_start3A_60 = arith.constant 0 : i32
        %dma_start3A_61 = tpu.memref_slice %arg10[%sub3A_58, %dma_start3A_59, %dma_start3A_60] : memref<2x8x64xi32, #tpu.memory_space<vmem>> -> memref<1x8x64xi32, #tpu.memory_space<vmem>>
        %dma_start3A_62 = tpu.memref_squeeze %dma_start3A_61 : memref<1x8x64xi32, #tpu.memory_space<vmem>> -> memref<8x64xi32, #tpu.memory_space<vmem>>
        %dma_start3A_63 = arith.constant 0 : i32
        %dma_start3A_64 = tpu.memref_slice %arg5[%add3A_56, %dma_start3A_63] : memref<5120x64xi32, #tpu.memory_space<hbm>> -> memref<8x64xi32, #tpu.memory_space<hbm>>
        %dma_start3A_65 = arith.constant 0 : i32
        %dma_start3A_66 = arith.constant 0 : i32
        %dma_start3A_67 = tpu.memref_slice %arg10[%sub3A_58, %dma_start3A_65, %dma_start3A_66] : memref<2x8x64xi32, #tpu.memory_space<vmem>> -> memref<1x8x64xi32, #tpu.memory_space<vmem>>
        %dma_start3A_68 = tpu.memref_squeeze %dma_start3A_67 : memref<1x8x64xi32, #tpu.memory_space<vmem>> -> memref<8x64xi32, #tpu.memory_space<vmem>>
        %dma_start3A_69 = arith.constant 0 : i32
        %dma_start3A_70 = tpu.memref_slice %arg5[%add3A_56, %dma_start3A_69] : memref<5120x64xi32, #tpu.memory_space<hbm>> -> memref<8x64xi32, #tpu.memory_space<hbm>>
        tpu.enqueue_dma source(%dma_start3A_70 : memref<8x64xi32, #tpu.memory_space<hbm>>) target(%dma_start3A_68 : memref<8x64xi32, #tpu.memory_space<vmem>>) target_semaphore(%arg15 : memref<!tpu.dma_semaphore, #tpu.memory_space<semaphore_mem>>)
        %dma_start3A_71 = arith.constant 0 : i32
        %dma_start3A_72 = arith.constant 0 : i32
        %dma_start3A_73 = arith.constant 0 : i32
        %dma_start3A_74 = arith.constant 0 : i32
        %dma_start3A_75 = tpu.memref_slice %arg11[%dma_start3A_72, %dma_start3A_73, %dma_start3A_74] : memref<5x64x128xf32, #tpu.memory_space<vmem>> -> memref<1x64x128xf32, #tpu.memory_space<vmem>>
        %dma_start3A_76 = tpu.memref_squeeze %dma_start3A_75 : memref<1x64x128xf32, #tpu.memory_space<vmem>> -> memref<64x128xf32, #tpu.memory_space<vmem>>
        %dma_start3A_77 = arith.constant 0 : i32
        %dma_start3A_78 = tpu.memref_slice %arg9[%rem3A_35, %dma_start3A_71, %dma_start3A_77] : memref<2x8x64xi32, #tpu.memory_space<vmem>> -> memref<1x1x64xi32, #tpu.memory_space<vmem>>
        %dma_start3A_79 = tpu.memref_squeeze %dma_start3A_78 : memref<1x1x64xi32, #tpu.memory_space<vmem>> -> memref<64xi32, #tpu.memory_space<vmem>>
        %dma_start3A_80 = arith.constant 0 : i32
        %dma_start3A_81 = arith.constant 0 : i32
        %dma_start3A_82 = tpu.memref_slice %arg2[%dma_start3A_80, %dma_start3A_81] : memref<10000x128xf32, #tpu.memory_space<hbm>> -> memref<10000x128xf32, #tpu.memory_space<hbm>>
        tpu.enqueue_indirect_dma source(%dma_start3A_82 : memref<10000x128xf32, #tpu.memory_space<hbm>>) target(%dma_start3A_76 : memref<64x128xf32, #tpu.memory_space<vmem>>) offsets(%dma_start3A_79 : memref<64xi32, #tpu.memory_space<vmem>>) semaphore(%arg13 : memref<!tpu.dma_semaphore, #tpu.memory_space<semaphore_mem>>)
        %dma_start3A_83 = arith.constant 1 : i32
        %dma_start3A_84 = arith.constant 1 : i32
        %dma_start3A_85 = arith.constant 0 : i32
        %dma_start3A_86 = arith.constant 0 : i32
        %dma_start3A_87 = tpu.memref_slice %arg11[%dma_start3A_84, %dma_start3A_85, %dma_start3A_86] : memref<5x64x128xf32, #tpu.memory_space<vmem>> -> memref<1x64x128xf32, #tpu.memory_space<vmem>>
        %dma_start3A_88 = tpu.memref_squeeze %dma_start3A_87 : memref<1x64x128xf32, #tpu.memory_space<vmem>> -> memref<64x128xf32, #tpu.memory_space<vmem>>
        %dma_start3A_89 = arith.constant 0 : i32
        %dma_start3A_90 = tpu.memref_slice %arg9[%rem3A_35, %dma_start3A_83, %dma_start3A_89] : memref<2x8x64xi32, #tpu.memory_space<vmem>> -> memref<1x1x64xi32, #tpu.memory_space<vmem>>
        %dma_start3A_91 = tpu.memref_squeeze %dma_start3A_90 : memref<1x1x64xi32, #tpu.memory_space<vmem>> -> memref<64xi32, #tpu.memory_space<vmem>>
        %dma_start3A_92 = arith.constant 0 : i32
        %dma_start3A_93 = arith.constant 0 : i32
        %dma_start3A_94 = tpu.memref_slice %arg2[%dma_start3A_92, %dma_start3A_93] : memref<10000x128xf32, #tpu.memory_space<hbm>> -> memref<10000x128xf32, #tpu.memory_space<hbm>>
        tpu.enqueue_indirect_dma source(%dma_start3A_94 : memref<10000x128xf32, #tpu.memory_space<hbm>>) target(%dma_start3A_88 : memref<64x128xf32, #tpu.memory_space<vmem>>) offsets(%dma_start3A_91 : memref<64xi32, #tpu.memory_space<vmem>>) semaphore(%arg13 : memref<!tpu.dma_semaphore, #tpu.memory_space<semaphore_mem>>)
        %dma_start3A_95 = arith.constant 2 : i32
        %dma_start3A_96 = arith.constant 2 : i32
        %dma_start3A_97 = arith.constant 0 : i32
        %dma_start3A_98 = arith.constant 0 : i32
        %dma_start3A_99 = tpu.memref_slice %arg11[%dma_start3A_96, %dma_start3A_97, %dma_start3A_98] : memref<5x64x128xf32, #tpu.memory_space<vmem>> -> memref<1x64x128xf32, #tpu.memory_space<vmem>>
        %dma_start3A_100 = tpu.memref_squeeze %dma_start3A_99 : memref<1x64x128xf32, #tpu.memory_space<vmem>> -> memref<64x128xf32, #tpu.memory_space<vmem>>
        %dma_start3A_101 = arith.constant 0 : i32
        %dma_start3A_102 = tpu.memref_slice %arg9[%rem3A_35, %dma_start3A_95, %dma_start3A_101] : memref<2x8x64xi32, #tpu.memory_space<vmem>> -> memref<1x1x64xi32, #tpu.memory_space<vmem>>
        %dma_start3A_103 = tpu.memref_squeeze %dma_start3A_102 : memref<1x1x64xi32, #tpu.memory_space<vmem>> -> memref<64xi32, #tpu.memory_space<vmem>>
        %dma_start3A_104 = arith.constant 0 : i32
        %dma_start3A_105 = arith.constant 0 : i32
        %dma_start3A_106 = tpu.memref_slice %arg2[%dma_start3A_104, %dma_start3A_105] : memref<10000x128xf32, #tpu.memory_space<hbm>> -> memref<10000x128xf32, #tpu.memory_space<hbm>>
        tpu.enqueue_indirect_dma source(%dma_start3A_106 : memref<10000x128xf32, #tpu.memory_space<hbm>>) target(%dma_start3A_100 : memref<64x128xf32, #tpu.memory_space<vmem>>) offsets(%dma_start3A_103 : memref<64xi32, #tpu.memory_space<vmem>>) semaphore(%arg13 : memref<!tpu.dma_semaphore, #tpu.memory_space<semaphore_mem>>)
        %dma_start3A_107 = arith.constant 3 : i32
        %dma_start3A_108 = arith.constant 3 : i32
        %dma_start3A_109 = arith.constant 0 : i32
        %dma_start3A_110 = arith.constant 0 : i32
        %dma_start3A_111 = tpu.memref_slice %arg11[%dma_start3A_108, %dma_start3A_109, %dma_start3A_110] : memref<5x64x128xf32, #tpu.memory_space<vmem>> -> memref<1x64x128xf32, #tpu.memory_space<vmem>>
        %dma_start3A_112 = tpu.memref_squeeze %dma_start3A_111 : memref<1x64x128xf32, #tpu.memory_space<vmem>> -> memref<64x128xf32, #tpu.memory_space<vmem>>
        %dma_start3A_113 = arith.constant 0 : i32
        %dma_start3A_114 = tpu.memref_slice %arg9[%rem3A_35, %dma_start3A_107, %dma_start3A_113] : memref<2x8x64xi32, #tpu.memory_space<vmem>> -> memref<1x1x64xi32, #tpu.memory_space<vmem>>
        %dma_start3A_115 = tpu.memref_squeeze %dma_start3A_114 : memref<1x1x64xi32, #tpu.memory_space<vmem>> -> memref<64xi32, #tpu.memory_space<vmem>>
        %dma_start3A_116 = arith.constant 0 : i32
        %dma_start3A_117 = arith.constant 0 : i32
        %dma_start3A_118 = tpu.memref_slice %arg2[%dma_start3A_116, %dma_start3A_117] : memref<10000x128xf32, #tpu.memory_space<hbm>> -> memref<10000x128xf32, #tpu.memory_space<hbm>>
        tpu.enqueue_indirect_dma source(%dma_start3A_118 : memref<10000x128xf32, #tpu.memory_space<hbm>>) target(%dma_start3A_112 : memref<64x128xf32, #tpu.memory_space<vmem>>) offsets(%dma_start3A_115 : memref<64xi32, #tpu.memory_space<vmem>>) semaphore(%arg13 : memref<!tpu.dma_semaphore, #tpu.memory_space<semaphore_mem>>)
        %dma_wait3A = arith.constant 0 : i32
        %dma_wait3A_119 = arith.constant 0 : i32
        %dma_wait3A_120 = arith.constant 0 : i32
        %dma_wait3A_121 = arith.constant 0 : i32
        %dma_wait3A_122 = tpu.memref_slice %arg11[%dma_wait3A_119, %dma_wait3A_120, %dma_wait3A_121] : memref<5x64x128xf32, #tpu.memory_space<vmem>> -> memref<1x64x128xf32, #tpu.memory_space<vmem>>
        %dma_wait3A_123 = tpu.memref_squeeze %dma_wait3A_122 : memref<1x64x128xf32, #tpu.memory_space<vmem>> -> memref<64x128xf32, #tpu.memory_space<vmem>>
        %dma_wait3A_124 = arith.constant 0 : i32
        %dma_wait3A_125 = tpu.memref_slice %arg9[%rem3A_35, %dma_wait3A, %dma_wait3A_124] : memref<2x8x64xi32, #tpu.memory_space<vmem>> -> memref<1x1x64xi32, #tpu.memory_space<vmem>>
        %dma_wait3A_126 = tpu.memref_squeeze %dma_wait3A_125 : memref<1x1x64xi32, #tpu.memory_space<vmem>> -> memref<64xi32, #tpu.memory_space<vmem>>
        %dma_wait3A_127 = arith.constant 0 : i32
        %dma_wait3A_128 = arith.constant 0 : i32
        %dma_wait3A_129 = tpu.memref_slice %arg2[%dma_wait3A_127, %dma_wait3A_128] : memref<10000x128xf32, #tpu.memory_space<hbm>> -> memref<10000x128xf32, #tpu.memory_space<hbm>>
        tpu.wait_indirect_dma semaphore(%arg13 : memref<!tpu.dma_semaphore, #tpu.memory_space<semaphore_mem>>) src(%dma_wait3A_129 : memref<10000x128xf32, #tpu.memory_space<hbm>>) dst(%dma_wait3A_123 : memref<64x128xf32, #tpu.memory_space<vmem>>)
        %dma_start3A_130 = arith.constant 0 : i32
        %dma_start3A_131 = arith.constant 0 : i32
        %dma_start3A_132 = arith.constant 0 : i32
        %dma_start3A_133 = arith.constant 0 : i32
        %dma_start3A_134 = tpu.memref_slice %arg11[%dma_start3A_130, %dma_start3A_132, %dma_start3A_133] : memref<5x64x128xf32, #tpu.memory_space<vmem>> -> memref<1x64x128xf32, #tpu.memory_space<vmem>>
        %dma_start3A_135 = tpu.memref_squeeze %dma_start3A_134 : memref<1x64x128xf32, #tpu.memory_space<vmem>> -> memref<64x128xf32, #tpu.memory_space<vmem>>
        %dma_start3A_136 = arith.constant 0 : i32
        %dma_start3A_137 = tpu.memref_slice %arg10[%rem3A_35, %dma_start3A_131, %dma_start3A_136] : memref<2x8x64xi32, #tpu.memory_space<vmem>> -> memref<1x1x64xi32, #tpu.memory_space<vmem>>
        %dma_start3A_138 = tpu.memref_squeeze %dma_start3A_137 : memref<1x1x64xi32, #tpu.memory_space<vmem>> -> memref<64xi32, #tpu.memory_space<vmem>>
        %dma_start3A_139 = arith.constant 0 : i32
        %dma_start3A_140 = arith.constant 0 : i32
        %dma_start3A_141 = tpu.memref_slice %arg12[%dma_start3A_139, %dma_start3A_140] : memref<10112x128xf32, #tpu.memory_space<vmem_shared>> -> memref<10112x128xf32, #tpu.memory_space<vmem_shared>>
        tpu.enqueue_indirect_dma source(%dma_start3A_135 : memref<64x128xf32, #tpu.memory_space<vmem>>) target(%dma_start3A_141 : memref<10112x128xf32, #tpu.memory_space<vmem_shared>>) offsets(%dma_start3A_138 : memref<64xi32, #tpu.memory_space<vmem>>) semaphore(%arg14 : memref<!tpu.dma_semaphore, #tpu.memory_space<semaphore_mem>>) {add = true}
        %dma_start3A_142 = arith.constant 4 : i32
        %dma_start3A_143 = arith.constant 4 : i32
        %dma_start3A_144 = arith.constant 0 : i32
        %dma_start3A_145 = arith.constant 0 : i32
        %dma_start3A_146 = tpu.memref_slice %arg11[%dma_start3A_143, %dma_start3A_144, %dma_start3A_145] : memref<5x64x128xf32, #tpu.memory_space<vmem>> -> memref<1x64x128xf32, #tpu.memory_space<vmem>>
        %dma_start3A_147 = tpu.memref_squeeze %dma_start3A_146 : memref<1x64x128xf32, #tpu.memory_space<vmem>> -> memref<64x128xf32, #tpu.memory_space<vmem>>
        %dma_start3A_148 = arith.constant 0 : i32
        %dma_start3A_149 = tpu.memref_slice %arg9[%rem3A_35, %dma_start3A_142, %dma_start3A_148] : memref<2x8x64xi32, #tpu.memory_space<vmem>> -> memref<1x1x64xi32, #tpu.memory_space<vmem>>
        %dma_start3A_150 = tpu.memref_squeeze %dma_start3A_149 : memref<1x1x64xi32, #tpu.memory_space<vmem>> -> memref<64xi32, #tpu.memory_space<vmem>>
        %dma_start3A_151 = arith.constant 0 : i32
        %dma_start3A_152 = arith.constant 0 : i32
        %dma_start3A_153 = tpu.memref_slice %arg2[%dma_start3A_151, %dma_start3A_152] : memref<10000x128xf32, #tpu.memory_space<hbm>> -> memref<10000x128xf32, #tpu.memory_space<hbm>>
        tpu.enqueue_indirect_dma source(%dma_start3A_153 : memref<10000x128xf32, #tpu.memory_space<hbm>>) target(%dma_start3A_147 : memref<64x128xf32, #tpu.memory_space<vmem>>) offsets(%dma_start3A_150 : memref<64xi32, #tpu.memory_space<vmem>>) semaphore(%arg13 : memref<!tpu.dma_semaphore, #tpu.memory_space<semaphore_mem>>)
        %dma_wait3A_154 = arith.constant 1 : i32
        %dma_wait3A_155 = arith.constant 1 : i32
        %dma_wait3A_156 = arith.constant 0 : i32
        %dma_wait3A_157 = arith.constant 0 : i32
        %dma_wait3A_158 = tpu.memref_slice %arg11[%dma_wait3A_155, %dma_wait3A_156, %dma_wait3A_157] : memref<5x64x128xf32, #tpu.memory_space<vmem>> -> memref<1x64x128xf32, #tpu.memory_space<vmem>>
        %dma_wait3A_159 = tpu.memref_squeeze %dma_wait3A_158 : memref<1x64x128xf32, #tpu.memory_space<vmem>> -> memref<64x128xf32, #tpu.memory_space<vmem>>
        %dma_wait3A_160 = arith.constant 0 : i32
        %dma_wait3A_161 = tpu.memref_slice %arg9[%rem3A_35, %dma_wait3A_154, %dma_wait3A_160] : memref<2x8x64xi32, #tpu.memory_space<vmem>> -> memref<1x1x64xi32, #tpu.memory_space<vmem>>
        %dma_wait3A_162 = tpu.memref_squeeze %dma_wait3A_161 : memref<1x1x64xi32, #tpu.memory_space<vmem>> -> memref<64xi32, #tpu.memory_space<vmem>>
        %dma_wait3A_163 = arith.constant 0 : i32
        %dma_wait3A_164 = arith.constant 0 : i32
        %dma_wait3A_165 = tpu.memref_slice %arg2[%dma_wait3A_163, %dma_wait3A_164] : memref<10000x128xf32, #tpu.memory_space<hbm>> -> memref<10000x128xf32, #tpu.memory_space<hbm>>
        tpu.wait_indirect_dma semaphore(%arg13 : memref<!tpu.dma_semaphore, #tpu.memory_space<semaphore_mem>>) src(%dma_wait3A_165 : memref<10000x128xf32, #tpu.memory_space<hbm>>) dst(%dma_wait3A_159 : memref<64x128xf32, #tpu.memory_space<vmem>>)
        %dma_start3A_166 = arith.constant 1 : i32
        %dma_start3A_167 = arith.constant 1 : i32
        %dma_start3A_168 = arith.constant 0 : i32
        %dma_start3A_169 = arith.constant 0 : i32
        %dma_start3A_170 = tpu.memref_slice %arg11[%dma_start3A_166, %dma_start3A_168, %dma_start3A_169] : memref<5x64x128xf32, #tpu.memory_space<vmem>> -> memref<1x64x128xf32, #tpu.memory_space<vmem>>
        %dma_start3A_171 = tpu.memref_squeeze %dma_start3A_170 : memref<1x64x128xf32, #tpu.memory_space<vmem>> -> memref<64x128xf32, #tpu.memory_space<vmem>>
        %dma_start3A_172 = arith.constant 0 : i32
        %dma_start3A_173 = tpu.memref_slice %arg10[%rem3A_35, %dma_start3A_167, %dma_start3A_172] : memref<2x8x64xi32, #tpu.memory_space<vmem>> -> memref<1x1x64xi32, #tpu.memory_space<vmem>>
        %dma_start3A_174 = tpu.memref_squeeze %dma_start3A_173 : memref<1x1x64xi32, #tpu.memory_space<vmem>> -> memref<64xi32, #tpu.memory_space<vmem>>
        %dma_start3A_175 = arith.constant 0 : i32
        %dma_start3A_176 = arith.constant 0 : i32
        %dma_start3A_177 = tpu.memref_slice %arg12[%dma_start3A_175, %dma_start3A_176] : memref<10112x128xf32, #tpu.memory_space<vmem_shared>> -> memref<10112x128xf32, #tpu.memory_space<vmem_shared>>
        tpu.enqueue_indirect_dma source(%dma_start3A_171 : memref<64x128xf32, #tpu.memory_space<vmem>>) target(%dma_start3A_177 : memref<10112x128xf32, #tpu.memory_space<vmem_shared>>) offsets(%dma_start3A_174 : memref<64xi32, #tpu.memory_space<vmem>>) semaphore(%arg14 : memref<!tpu.dma_semaphore, #tpu.memory_space<semaphore_mem>>) {add = true}
        %dma_wait3A_178 = arith.constant 0 : i32
        %dma_wait3A_179 = arith.constant 0 : i32
        %dma_wait3A_180 = arith.constant 0 : i32
        %dma_wait3A_181 = arith.constant 0 : i32
        %dma_wait3A_182 = tpu.memref_slice %arg11[%dma_wait3A_178, %dma_wait3A_180, %dma_wait3A_181] : memref<5x64x128xf32, #tpu.memory_space<vmem>> -> memref<1x64x128xf32, #tpu.memory_space<vmem>>
        %dma_wait3A_183 = tpu.memref_squeeze %dma_wait3A_182 : memref<1x64x128xf32, #tpu.memory_space<vmem>> -> memref<64x128xf32, #tpu.memory_space<vmem>>
        %dma_wait3A_184 = arith.constant 0 : i32
        %dma_wait3A_185 = tpu.memref_slice %arg10[%rem3A_35, %dma_wait3A_179, %dma_wait3A_184] : memref<2x8x64xi32, #tpu.memory_space<vmem>> -> memref<1x1x64xi32, #tpu.memory_space<vmem>>
        %dma_wait3A_186 = tpu.memref_squeeze %dma_wait3A_185 : memref<1x1x64xi32, #tpu.memory_space<vmem>> -> memref<64xi32, #tpu.memory_space<vmem>>
        %dma_wait3A_187 = arith.constant 0 : i32
        %dma_wait3A_188 = arith.constant 0 : i32
        %dma_wait3A_189 = tpu.memref_slice %arg12[%dma_wait3A_187, %dma_wait3A_188] : memref<10112x128xf32, #tpu.memory_space<vmem_shared>> -> memref<10112x128xf32, #tpu.memory_space<vmem_shared>>
        tpu.wait_indirect_dma semaphore(%arg14 : memref<!tpu.dma_semaphore, #tpu.memory_space<semaphore_mem>>) src(%dma_wait3A_183 : memref<64x128xf32, #tpu.memory_space<vmem>>) dst(%dma_wait3A_189 : memref<10112x128xf32, #tpu.memory_space<vmem_shared>>)
        %dma_start3A_190 = arith.constant 5 : i32
        %dma_start3A_191 = arith.constant 0 : i32
        %dma_start3A_192 = arith.constant 0 : i32
        %dma_start3A_193 = arith.constant 0 : i32
        %dma_start3A_194 = tpu.memref_slice %arg11[%dma_start3A_191, %dma_start3A_192, %dma_start3A_193] : memref<5x64x128xf32, #tpu.memory_space<vmem>> -> memref<1x64x128xf32, #tpu.memory_space<vmem>>
        %dma_start3A_195 = tpu.memref_squeeze %dma_start3A_194 : memref<1x64x128xf32, #tpu.memory_space<vmem>> -> memref<64x128xf32, #tpu.memory_space<vmem>>
        %dma_start3A_196 = arith.constant 0 : i32
        %dma_start3A_197 = tpu.memref_slice %arg9[%rem3A_35, %dma_start3A_190, %dma_start3A_196] : memref<2x8x64xi32, #tpu.memory_space<vmem>> -> memref<1x1x64xi32, #tpu.memory_space<vmem>>
        %dma_start3A_198 = tpu.memref_squeeze %dma_start3A_197 : memref<1x1x64xi32, #tpu.memory_space<vmem>> -> memref<64xi32, #tpu.memory_space<vmem>>
        %dma_start3A_199 = arith.constant 0 : i32
        %dma_start3A_200 = arith.constant 0 : i32
        %dma_start3A_201 = tpu.memref_slice %arg2[%dma_start3A_199, %dma_start3A_200] : memref<10000x128xf32, #tpu.memory_space<hbm>> -> memref<10000x128xf32, #tpu.memory_space<hbm>>
        tpu.enqueue_indirect_dma source(%dma_start3A_201 : memref<10000x128xf32, #tpu.memory_space<hbm>>) target(%dma_start3A_195 : memref<64x128xf32, #tpu.memory_space<vmem>>) offsets(%dma_start3A_198 : memref<64xi32, #tpu.memory_space<vmem>>) semaphore(%arg13 : memref<!tpu.dma_semaphore, #tpu.memory_space<semaphore_mem>>)
        %dma_wait3A_202 = arith.constant 2 : i32
        %dma_wait3A_203 = arith.constant 2 : i32
        %dma_wait3A_204 = arith.constant 0 : i32
        %dma_wait3A_205 = arith.constant 0 : i32
        %dma_wait3A_206 = tpu.memref_slice %arg11[%dma_wait3A_203, %dma_wait3A_204, %dma_wait3A_205] : memref<5x64x128xf32, #tpu.memory_space<vmem>> -> memref<1x64x128xf32, #tpu.memory_space<vmem>>
        %dma_wait3A_207 = tpu.memref_squeeze %dma_wait3A_206 : memref<1x64x128xf32, #tpu.memory_space<vmem>> -> memref<64x128xf32, #tpu.memory_space<vmem>>
        %dma_wait3A_208 = arith.constant 0 : i32
        %dma_wait3A_209 = tpu.memref_slice %arg9[%rem3A_35, %dma_wait3A_202, %dma_wait3A_208] : memref<2x8x64xi32, #tpu.memory_space<vmem>> -> memref<1x1x64xi32, #tpu.memory_space<vmem>>
        %dma_wait3A_210 = tpu.memref_squeeze %dma_wait3A_209 : memref<1x1x64xi32, #tpu.memory_space<vmem>> -> memref<64xi32, #tpu.memory_space<vmem>>
        %dma_wait3A_211 = arith.constant 0 : i32
        %dma_wait3A_212 = arith.constant 0 : i32
        %dma_wait3A_213 = tpu.memref_slice %arg2[%dma_wait3A_211, %dma_wait3A_212] : memref<10000x128xf32, #tpu.memory_space<hbm>> -> memref<10000x128xf32, #tpu.memory_space<hbm>>
        tpu.wait_indirect_dma semaphore(%arg13 : memref<!tpu.dma_semaphore, #tpu.memory_space<semaphore_mem>>) src(%dma_wait3A_213 : memref<10000x128xf32, #tpu.memory_space<hbm>>) dst(%dma_wait3A_207 : memref<64x128xf32, #tpu.memory_space<vmem>>)
        %dma_start3A_214 = arith.constant 2 : i32
        %dma_start3A_215 = arith.constant 2 : i32
        %dma_start3A_216 = arith.constant 0 : i32
        %dma_start3A_217 = arith.constant 0 : i32
        %dma_start3A_218 = tpu.memref_slice %arg11[%dma_start3A_214, %dma_start3A_216, %dma_start3A_217] : memref<5x64x128xf32, #tpu.memory_space<vmem>> -> memref<1x64x128xf32, #tpu.memory_space<vmem>>
        %dma_start3A_219 = tpu.memref_squeeze %dma_start3A_218 : memref<1x64x128xf32, #tpu.memory_space<vmem>> -> memref<64x128xf32, #tpu.memory_space<vmem>>
        %dma_start3A_220 = arith.constant 0 : i32
        %dma_start3A_221 = tpu.memref_slice %arg10[%rem3A_35, %dma_start3A_215, %dma_start3A_220] : memref<2x8x64xi32, #tpu.memory_space<vmem>> -> memref<1x1x64xi32, #tpu.memory_space<vmem>>
        %dma_start3A_222 = tpu.memref_squeeze %dma_start3A_221 : memref<1x1x64xi32, #tpu.memory_space<vmem>> -> memref<64xi32, #tpu.memory_space<vmem>>
        %dma_start3A_223 = arith.constant 0 : i32
        %dma_start3A_224 = arith.constant 0 : i32
        %dma_start3A_225 = tpu.memref_slice %arg12[%dma_start3A_223, %dma_start3A_224] : memref<10112x128xf32, #tpu.memory_space<vmem_shared>> -> memref<10112x128xf32, #tpu.memory_space<vmem_shared>>
        tpu.enqueue_indirect_dma source(%dma_start3A_219 : memref<64x128xf32, #tpu.memory_space<vmem>>) target(%dma_start3A_225 : memref<10112x128xf32, #tpu.memory_space<vmem_shared>>) offsets(%dma_start3A_222 : memref<64xi32, #tpu.memory_space<vmem>>) semaphore(%arg14 : memref<!tpu.dma_semaphore, #tpu.memory_space<semaphore_mem>>) {add = true}
        %dma_wait3A_226 = arith.constant 1 : i32
        %dma_wait3A_227 = arith.constant 1 : i32
        %dma_wait3A_228 = arith.constant 0 : i32
        %dma_wait3A_229 = arith.constant 0 : i32
        %dma_wait3A_230 = tpu.memref_slice %arg11[%dma_wait3A_226, %dma_wait3A_228, %dma_wait3A_229] : memref<5x64x128xf32, #tpu.memory_space<vmem>> -> memref<1x64x128xf32, #tpu.memory_space<vmem>>
        %dma_wait3A_231 = tpu.memref_squeeze %dma_wait3A_230 : memref<1x64x128xf32, #tpu.memory_space<vmem>> -> memref<64x128xf32, #tpu.memory_space<vmem>>
        %dma_wait3A_232 = arith.constant 0 : i32
        %dma_wait3A_233 = tpu.memref_slice %arg10[%rem3A_35, %dma_wait3A_227, %dma_wait3A_232] : memref<2x8x64xi32, #tpu.memory_space<vmem>> -> memref<1x1x64xi32, #tpu.memory_space<vmem>>
        %dma_wait3A_234 = tpu.memref_squeeze %dma_wait3A_233 : memref<1x1x64xi32, #tpu.memory_space<vmem>> -> memref<64xi32, #tpu.memory_space<vmem>>
        %dma_wait3A_235 = arith.constant 0 : i32
        %dma_wait3A_236 = arith.constant 0 : i32
        %dma_wait3A_237 = tpu.memref_slice %arg12[%dma_wait3A_235, %dma_wait3A_236] : memref<10112x128xf32, #tpu.memory_space<vmem_shared>> -> memref<10112x128xf32, #tpu.memory_space<vmem_shared>>
        tpu.wait_indirect_dma semaphore(%arg14 : memref<!tpu.dma_semaphore, #tpu.memory_space<semaphore_mem>>) src(%dma_wait3A_231 : memref<64x128xf32, #tpu.memory_space<vmem>>) dst(%dma_wait3A_237 : memref<10112x128xf32, #tpu.memory_space<vmem_shared>>)
        %dma_start3A_238 = arith.constant 6 : i32
        %dma_start3A_239 = arith.constant 1 : i32
        %dma_start3A_240 = arith.constant 0 : i32
        %dma_start3A_241 = arith.constant 0 : i32
        %dma_start3A_242 = tpu.memref_slice %arg11[%dma_start3A_239, %dma_start3A_240, %dma_start3A_241] : memref<5x64x128xf32, #tpu.memory_space<vmem>> -> memref<1x64x128xf32, #tpu.memory_space<vmem>>
        %dma_start3A_243 = tpu.memref_squeeze %dma_start3A_242 : memref<1x64x128xf32, #tpu.memory_space<vmem>> -> memref<64x128xf32, #tpu.memory_space<vmem>>
        %dma_start3A_244 = arith.constant 0 : i32
        %dma_start3A_245 = tpu.memref_slice %arg9[%rem3A_35, %dma_start3A_238, %dma_start3A_244] : memref<2x8x64xi32, #tpu.memory_space<vmem>> -> memref<1x1x64xi32, #tpu.memory_space<vmem>>
        %dma_start3A_246 = tpu.memref_squeeze %dma_start3A_245 : memref<1x1x64xi32, #tpu.memory_space<vmem>> -> memref<64xi32, #tpu.memory_space<vmem>>
        %dma_start3A_247 = arith.constant 0 : i32
        %dma_start3A_248 = arith.constant 0 : i32
        %dma_start3A_249 = tpu.memref_slice %arg2[%dma_start3A_247, %dma_start3A_248] : memref<10000x128xf32, #tpu.memory_space<hbm>> -> memref<10000x128xf32, #tpu.memory_space<hbm>>
        tpu.enqueue_indirect_dma source(%dma_start3A_249 : memref<10000x128xf32, #tpu.memory_space<hbm>>) target(%dma_start3A_243 : memref<64x128xf32, #tpu.memory_space<vmem>>) offsets(%dma_start3A_246 : memref<64xi32, #tpu.memory_space<vmem>>) semaphore(%arg13 : memref<!tpu.dma_semaphore, #tpu.memory_space<semaphore_mem>>)
        %dma_wait3A_250 = arith.constant 3 : i32
        %dma_wait3A_251 = arith.constant 3 : i32
        %dma_wait3A_252 = arith.constant 0 : i32
        %dma_wait3A_253 = arith.constant 0 : i32
        %dma_wait3A_254 = tpu.memref_slice %arg11[%dma_wait3A_251, %dma_wait3A_252, %dma_wait3A_253] : memref<5x64x128xf32, #tpu.memory_space<vmem>> -> memref<1x64x128xf32, #tpu.memory_space<vmem>>
        %dma_wait3A_255 = tpu.memref_squeeze %dma_wait3A_254 : memref<1x64x128xf32, #tpu.memory_space<vmem>> -> memref<64x128xf32, #tpu.memory_space<vmem>>
        %dma_wait3A_256 = arith.constant 0 : i32
        %dma_wait3A_257 = tpu.memref_slice %arg9[%rem3A_35, %dma_wait3A_250, %dma_wait3A_256] : memref<2x8x64xi32, #tpu.memory_space<vmem>> -> memref<1x1x64xi32, #tpu.memory_space<vmem>>
        %dma_wait3A_258 = tpu.memref_squeeze %dma_wait3A_257 : memref<1x1x64xi32, #tpu.memory_space<vmem>> -> memref<64xi32, #tpu.memory_space<vmem>>
        %dma_wait3A_259 = arith.constant 0 : i32
        %dma_wait3A_260 = arith.constant 0 : i32
        %dma_wait3A_261 = tpu.memref_slice %arg2[%dma_wait3A_259, %dma_wait3A_260] : memref<10000x128xf32, #tpu.memory_space<hbm>> -> memref<10000x128xf32, #tpu.memory_space<hbm>>
        tpu.wait_indirect_dma semaphore(%arg13 : memref<!tpu.dma_semaphore, #tpu.memory_space<semaphore_mem>>) src(%dma_wait3A_261 : memref<10000x128xf32, #tpu.memory_space<hbm>>) dst(%dma_wait3A_255 : memref<64x128xf32, #tpu.memory_space<vmem>>)
        %dma_start3A_262 = arith.constant 3 : i32
        %dma_start3A_263 = arith.constant 3 : i32
        %dma_start3A_264 = arith.constant 0 : i32
        %dma_start3A_265 = arith.constant 0 : i32
        %dma_start3A_266 = tpu.memref_slice %arg11[%dma_start3A_262, %dma_start3A_264, %dma_start3A_265] : memref<5x64x128xf32, #tpu.memory_space<vmem>> -> memref<1x64x128xf32, #tpu.memory_space<vmem>>
        %dma_start3A_267 = tpu.memref_squeeze %dma_start3A_266 : memref<1x64x128xf32, #tpu.memory_space<vmem>> -> memref<64x128xf32, #tpu.memory_space<vmem>>
        %dma_start3A_268 = arith.constant 0 : i32
        %dma_start3A_269 = tpu.memref_slice %arg10[%rem3A_35, %dma_start3A_263, %dma_start3A_268] : memref<2x8x64xi32, #tpu.memory_space<vmem>> -> memref<1x1x64xi32, #tpu.memory_space<vmem>>
        %dma_start3A_270 = tpu.memref_squeeze %dma_start3A_269 : memref<1x1x64xi32, #tpu.memory_space<vmem>> -> memref<64xi32, #tpu.memory_space<vmem>>
        %dma_start3A_271 = arith.constant 0 : i32
        %dma_start3A_272 = arith.constant 0 : i32
        %dma_start3A_273 = tpu.memref_slice %arg12[%dma_start3A_271, %dma_start3A_272] : memref<10112x128xf32, #tpu.memory_space<vmem_shared>> -> memref<10112x128xf32, #tpu.memory_space<vmem_shared>>
        tpu.enqueue_indirect_dma source(%dma_start3A_267 : memref<64x128xf32, #tpu.memory_space<vmem>>) target(%dma_start3A_273 : memref<10112x128xf32, #tpu.memory_space<vmem_shared>>) offsets(%dma_start3A_270 : memref<64xi32, #tpu.memory_space<vmem>>) semaphore(%arg14 : memref<!tpu.dma_semaphore, #tpu.memory_space<semaphore_mem>>) {add = true}
        %dma_wait3A_274 = arith.constant 2 : i32
        %dma_wait3A_275 = arith.constant 2 : i32
        %dma_wait3A_276 = arith.constant 0 : i32
        %dma_wait3A_277 = arith.constant 0 : i32
        %dma_wait3A_278 = tpu.memref_slice %arg11[%dma_wait3A_274, %dma_wait3A_276, %dma_wait3A_277] : memref<5x64x128xf32, #tpu.memory_space<vmem>> -> memref<1x64x128xf32, #tpu.memory_space<vmem>>
        %dma_wait3A_279 = tpu.memref_squeeze %dma_wait3A_278 : memref<1x64x128xf32, #tpu.memory_space<vmem>> -> memref<64x128xf32, #tpu.memory_space<vmem>>
        %dma_wait3A_280 = arith.constant 0 : i32
        %dma_wait3A_281 = tpu.memref_slice %arg10[%rem3A_35, %dma_wait3A_275, %dma_wait3A_280] : memref<2x8x64xi32, #tpu.memory_space<vmem>> -> memref<1x1x64xi32, #tpu.memory_space<vmem>>
        %dma_wait3A_282 = tpu.memref_squeeze %dma_wait3A_281 : memref<1x1x64xi32, #tpu.memory_space<vmem>> -> memref<64xi32, #tpu.memory_space<vmem>>
        %dma_wait3A_283 = arith.constant 0 : i32
        %dma_wait3A_284 = arith.constant 0 : i32
        %dma_wait3A_285 = tpu.memref_slice %arg12[%dma_wait3A_283, %dma_wait3A_284] : memref<10112x128xf32, #tpu.memory_space<vmem_shared>> -> memref<10112x128xf32, #tpu.memory_space<vmem_shared>>
        tpu.wait_indirect_dma semaphore(%arg14 : memref<!tpu.dma_semaphore, #tpu.memory_space<semaphore_mem>>) src(%dma_wait3A_279 : memref<64x128xf32, #tpu.memory_space<vmem>>) dst(%dma_wait3A_285 : memref<10112x128xf32, #tpu.memory_space<vmem_shared>>)
        %dma_start3A_286 = arith.constant 7 : i32
        %dma_start3A_287 = arith.constant 2 : i32
        %dma_start3A_288 = arith.constant 0 : i32
        %dma_start3A_289 = arith.constant 0 : i32
        %dma_start3A_290 = tpu.memref_slice %arg11[%dma_start3A_287, %dma_start3A_288, %dma_start3A_289] : memref<5x64x128xf32, #tpu.memory_space<vmem>> -> memref<1x64x128xf32, #tpu.memory_space<vmem>>
        %dma_start3A_291 = tpu.memref_squeeze %dma_start3A_290 : memref<1x64x128xf32, #tpu.memory_space<vmem>> -> memref<64x128xf32, #tpu.memory_space<vmem>>
        %dma_start3A_292 = arith.constant 0 : i32
        %dma_start3A_293 = tpu.memref_slice %arg9[%rem3A_35, %dma_start3A_286, %dma_start3A_292] : memref<2x8x64xi32, #tpu.memory_space<vmem>> -> memref<1x1x64xi32, #tpu.memory_space<vmem>>
        %dma_start3A_294 = tpu.memref_squeeze %dma_start3A_293 : memref<1x1x64xi32, #tpu.memory_space<vmem>> -> memref<64xi32, #tpu.memory_space<vmem>>
        %dma_start3A_295 = arith.constant 0 : i32
        %dma_start3A_296 = arith.constant 0 : i32
        %dma_start3A_297 = tpu.memref_slice %arg2[%dma_start3A_295, %dma_start3A_296] : memref<10000x128xf32, #tpu.memory_space<hbm>> -> memref<10000x128xf32, #tpu.memory_space<hbm>>
        tpu.enqueue_indirect_dma source(%dma_start3A_297 : memref<10000x128xf32, #tpu.memory_space<hbm>>) target(%dma_start3A_291 : memref<64x128xf32, #tpu.memory_space<vmem>>) offsets(%dma_start3A_294 : memref<64xi32, #tpu.memory_space<vmem>>) semaphore(%arg13 : memref<!tpu.dma_semaphore, #tpu.memory_space<semaphore_mem>>)
        %dma_wait3A_298 = arith.constant 4 : i32
        %dma_wait3A_299 = arith.constant 4 : i32
        %dma_wait3A_300 = arith.constant 0 : i32
        %dma_wait3A_301 = arith.constant 0 : i32
        %dma_wait3A_302 = tpu.memref_slice %arg11[%dma_wait3A_299, %dma_wait3A_300, %dma_wait3A_301] : memref<5x64x128xf32, #tpu.memory_space<vmem>> -> memref<1x64x128xf32, #tpu.memory_space<vmem>>
        %dma_wait3A_303 = tpu.memref_squeeze %dma_wait3A_302 : memref<1x64x128xf32, #tpu.memory_space<vmem>> -> memref<64x128xf32, #tpu.memory_space<vmem>>
        %dma_wait3A_304 = arith.constant 0 : i32
        %dma_wait3A_305 = tpu.memref_slice %arg9[%rem3A_35, %dma_wait3A_298, %dma_wait3A_304] : memref<2x8x64xi32, #tpu.memory_space<vmem>> -> memref<1x1x64xi32, #tpu.memory_space<vmem>>
        %dma_wait3A_306 = tpu.memref_squeeze %dma_wait3A_305 : memref<1x1x64xi32, #tpu.memory_space<vmem>> -> memref<64xi32, #tpu.memory_space<vmem>>
        %dma_wait3A_307 = arith.constant 0 : i32
        %dma_wait3A_308 = arith.constant 0 : i32
        %dma_wait3A_309 = tpu.memref_slice %arg2[%dma_wait3A_307, %dma_wait3A_308] : memref<10000x128xf32, #tpu.memory_space<hbm>> -> memref<10000x128xf32, #tpu.memory_space<hbm>>
        tpu.wait_indirect_dma semaphore(%arg13 : memref<!tpu.dma_semaphore, #tpu.memory_space<semaphore_mem>>) src(%dma_wait3A_309 : memref<10000x128xf32, #tpu.memory_space<hbm>>) dst(%dma_wait3A_303 : memref<64x128xf32, #tpu.memory_space<vmem>>)
        %dma_start3A_310 = arith.constant 4 : i32
        %dma_start3A_311 = arith.constant 4 : i32
        %dma_start3A_312 = arith.constant 0 : i32
        %dma_start3A_313 = arith.constant 0 : i32
        %dma_start3A_314 = tpu.memref_slice %arg11[%dma_start3A_310, %dma_start3A_312, %dma_start3A_313] : memref<5x64x128xf32, #tpu.memory_space<vmem>> -> memref<1x64x128xf32, #tpu.memory_space<vmem>>
        %dma_start3A_315 = tpu.memref_squeeze %dma_start3A_314 : memref<1x64x128xf32, #tpu.memory_space<vmem>> -> memref<64x128xf32, #tpu.memory_space<vmem>>
        %dma_start3A_316 = arith.constant 0 : i32
        %dma_start3A_317 = tpu.memref_slice %arg10[%rem3A_35, %dma_start3A_311, %dma_start3A_316] : memref<2x8x64xi32, #tpu.memory_space<vmem>> -> memref<1x1x64xi32, #tpu.memory_space<vmem>>
        %dma_start3A_318 = tpu.memref_squeeze %dma_start3A_317 : memref<1x1x64xi32, #tpu.memory_space<vmem>> -> memref<64xi32, #tpu.memory_space<vmem>>
        %dma_start3A_319 = arith.constant 0 : i32
        %dma_start3A_320 = arith.constant 0 : i32
        %dma_start3A_321 = tpu.memref_slice %arg12[%dma_start3A_319, %dma_start3A_320] : memref<10112x128xf32, #tpu.memory_space<vmem_shared>> -> memref<10112x128xf32, #tpu.memory_space<vmem_shared>>
        tpu.enqueue_indirect_dma source(%dma_start3A_315 : memref<64x128xf32, #tpu.memory_space<vmem>>) target(%dma_start3A_321 : memref<10112x128xf32, #tpu.memory_space<vmem_shared>>) offsets(%dma_start3A_318 : memref<64xi32, #tpu.memory_space<vmem>>) semaphore(%arg14 : memref<!tpu.dma_semaphore, #tpu.memory_space<semaphore_mem>>) {add = true}
        %dma_wait3A_322 = arith.constant 5 : i32
        %dma_wait3A_323 = arith.constant 0 : i32
        %dma_wait3A_324 = arith.constant 0 : i32
        %dma_wait3A_325 = arith.constant 0 : i32
        %dma_wait3A_326 = tpu.memref_slice %arg11[%dma_wait3A_323, %dma_wait3A_324, %dma_wait3A_325] : memref<5x64x128xf32, #tpu.memory_space<vmem>> -> memref<1x64x128xf32, #tpu.memory_space<vmem>>
        %dma_wait3A_327 = tpu.memref_squeeze %dma_wait3A_326 : memref<1x64x128xf32, #tpu.memory_space<vmem>> -> memref<64x128xf32, #tpu.memory_space<vmem>>
        %dma_wait3A_328 = arith.constant 0 : i32
        %dma_wait3A_329 = tpu.memref_slice %arg9[%rem3A_35, %dma_wait3A_322, %dma_wait3A_328] : memref<2x8x64xi32, #tpu.memory_space<vmem>> -> memref<1x1x64xi32, #tpu.memory_space<vmem>>
        %dma_wait3A_330 = tpu.memref_squeeze %dma_wait3A_329 : memref<1x1x64xi32, #tpu.memory_space<vmem>> -> memref<64xi32, #tpu.memory_space<vmem>>
        %dma_wait3A_331 = arith.constant 0 : i32
        %dma_wait3A_332 = arith.constant 0 : i32
        %dma_wait3A_333 = tpu.memref_slice %arg2[%dma_wait3A_331, %dma_wait3A_332] : memref<10000x128xf32, #tpu.memory_space<hbm>> -> memref<10000x128xf32, #tpu.memory_space<hbm>>
        tpu.wait_indirect_dma semaphore(%arg13 : memref<!tpu.dma_semaphore, #tpu.memory_space<semaphore_mem>>) src(%dma_wait3A_333 : memref<10000x128xf32, #tpu.memory_space<hbm>>) dst(%dma_wait3A_327 : memref<64x128xf32, #tpu.memory_space<vmem>>)
        %dma_start3A_334 = arith.constant 0 : i32
        %dma_start3A_335 = arith.constant 5 : i32
        %dma_start3A_336 = arith.constant 0 : i32
        %dma_start3A_337 = arith.constant 0 : i32
        %dma_start3A_338 = tpu.memref_slice %arg11[%dma_start3A_334, %dma_start3A_336, %dma_start3A_337] : memref<5x64x128xf32, #tpu.memory_space<vmem>> -> memref<1x64x128xf32, #tpu.memory_space<vmem>>
        %dma_start3A_339 = tpu.memref_squeeze %dma_start3A_338 : memref<1x64x128xf32, #tpu.memory_space<vmem>> -> memref<64x128xf32, #tpu.memory_space<vmem>>
        %dma_start3A_340 = arith.constant 0 : i32
        %dma_start3A_341 = tpu.memref_slice %arg10[%rem3A_35, %dma_start3A_335, %dma_start3A_340] : memref<2x8x64xi32, #tpu.memory_space<vmem>> -> memref<1x1x64xi32, #tpu.memory_space<vmem>>
        %dma_start3A_342 = tpu.memref_squeeze %dma_start3A_341 : memref<1x1x64xi32, #tpu.memory_space<vmem>> -> memref<64xi32, #tpu.memory_space<vmem>>
        %dma_start3A_343 = arith.constant 0 : i32
        %dma_start3A_344 = arith.constant 0 : i32
        %dma_start3A_345 = tpu.memref_slice %arg12[%dma_start3A_343, %dma_start3A_344] : memref<10112x128xf32, #tpu.memory_space<vmem_shared>> -> memref<10112x128xf32, #tpu.memory_space<vmem_shared>>
        tpu.enqueue_indirect_dma source(%dma_start3A_339 : memref<64x128xf32, #tpu.memory_space<vmem>>) target(%dma_start3A_345 : memref<10112x128xf32, #tpu.memory_space<vmem_shared>>) offsets(%dma_start3A_342 : memref<64xi32, #tpu.memory_space<vmem>>) semaphore(%arg14 : memref<!tpu.dma_semaphore, #tpu.memory_space<semaphore_mem>>) {add = true}
        %dma_wait3A_346 = arith.constant 6 : i32
        %dma_wait3A_347 = arith.constant 1 : i32
        %dma_wait3A_348 = arith.constant 0 : i32
        %dma_wait3A_349 = arith.constant 0 : i32
        %dma_wait3A_350 = tpu.memref_slice %arg11[%dma_wait3A_347, %dma_wait3A_348, %dma_wait3A_349] : memref<5x64x128xf32, #tpu.memory_space<vmem>> -> memref<1x64x128xf32, #tpu.memory_space<vmem>>
        %dma_wait3A_351 = tpu.memref_squeeze %dma_wait3A_350 : memref<1x64x128xf32, #tpu.memory_space<vmem>> -> memref<64x128xf32, #tpu.memory_space<vmem>>
        %dma_wait3A_352 = arith.constant 0 : i32
        %dma_wait3A_353 = tpu.memref_slice %arg9[%rem3A_35, %dma_wait3A_346, %dma_wait3A_352] : memref<2x8x64xi32, #tpu.memory_space<vmem>> -> memref<1x1x64xi32, #tpu.memory_space<vmem>>
        %dma_wait3A_354 = tpu.memref_squeeze %dma_wait3A_353 : memref<1x1x64xi32, #tpu.memory_space<vmem>> -> memref<64xi32, #tpu.memory_space<vmem>>
        %dma_wait3A_355 = arith.constant 0 : i32
        %dma_wait3A_356 = arith.constant 0 : i32
        %dma_wait3A_357 = tpu.memref_slice %arg2[%dma_wait3A_355, %dma_wait3A_356] : memref<10000x128xf32, #tpu.memory_space<hbm>> -> memref<10000x128xf32, #tpu.memory_space<hbm>>
        tpu.wait_indirect_dma semaphore(%arg13 : memref<!tpu.dma_semaphore, #tpu.memory_space<semaphore_mem>>) src(%dma_wait3A_357 : memref<10000x128xf32, #tpu.memory_space<hbm>>) dst(%dma_wait3A_351 : memref<64x128xf32, #tpu.memory_space<vmem>>)
        %dma_start3A_358 = arith.constant 1 : i32
        %dma_start3A_359 = arith.constant 6 : i32
        %dma_start3A_360 = arith.constant 0 : i32
        %dma_start3A_361 = arith.constant 0 : i32
        %dma_start3A_362 = tpu.memref_slice %arg11[%dma_start3A_358, %dma_start3A_360, %dma_start3A_361] : memref<5x64x128xf32, #tpu.memory_space<vmem>> -> memref<1x64x128xf32, #tpu.memory_space<vmem>>
        %dma_start3A_363 = tpu.memref_squeeze %dma_start3A_362 : memref<1x64x128xf32, #tpu.memory_space<vmem>> -> memref<64x128xf32, #tpu.memory_space<vmem>>
        %dma_start3A_364 = arith.constant 0 : i32
        %dma_start3A_365 = tpu.memref_slice %arg10[%rem3A_35, %dma_start3A_359, %dma_start3A_364] : memref<2x8x64xi32, #tpu.memory_space<vmem>> -> memref<1x1x64xi32, #tpu.memory_space<vmem>>
        %dma_start3A_366 = tpu.memref_squeeze %dma_start3A_365 : memref<1x1x64xi32, #tpu.memory_space<vmem>> -> memref<64xi32, #tpu.memory_space<vmem>>
        %dma_start3A_367 = arith.constant 0 : i32
        %dma_start3A_368 = arith.constant 0 : i32
        %dma_start3A_369 = tpu.memref_slice %arg12[%dma_start3A_367, %dma_start3A_368] : memref<10112x128xf32, #tpu.memory_space<vmem_shared>> -> memref<10112x128xf32, #tpu.memory_space<vmem_shared>>
        tpu.enqueue_indirect_dma source(%dma_start3A_363 : memref<64x128xf32, #tpu.memory_space<vmem>>) target(%dma_start3A_369 : memref<10112x128xf32, #tpu.memory_space<vmem_shared>>) offsets(%dma_start3A_366 : memref<64xi32, #tpu.memory_space<vmem>>) semaphore(%arg14 : memref<!tpu.dma_semaphore, #tpu.memory_space<semaphore_mem>>) {add = true}
        %dma_wait3A_370 = arith.constant 7 : i32
        %dma_wait3A_371 = arith.constant 2 : i32
        %dma_wait3A_372 = arith.constant 0 : i32
        %dma_wait3A_373 = arith.constant 0 : i32
        %dma_wait3A_374 = tpu.memref_slice %arg11[%dma_wait3A_371, %dma_wait3A_372, %dma_wait3A_373] : memref<5x64x128xf32, #tpu.memory_space<vmem>> -> memref<1x64x128xf32, #tpu.memory_space<vmem>>
        %dma_wait3A_375 = tpu.memref_squeeze %dma_wait3A_374 : memref<1x64x128xf32, #tpu.memory_space<vmem>> -> memref<64x128xf32, #tpu.memory_space<vmem>>
        %dma_wait3A_376 = arith.constant 0 : i32
        %dma_wait3A_377 = tpu.memref_slice %arg9[%rem3A_35, %dma_wait3A_370, %dma_wait3A_376] : memref<2x8x64xi32, #tpu.memory_space<vmem>> -> memref<1x1x64xi32, #tpu.memory_space<vmem>>
        %dma_wait3A_378 = tpu.memref_squeeze %dma_wait3A_377 : memref<1x1x64xi32, #tpu.memory_space<vmem>> -> memref<64xi32, #tpu.memory_space<vmem>>
        %dma_wait3A_379 = arith.constant 0 : i32
        %dma_wait3A_380 = arith.constant 0 : i32
        %dma_wait3A_381 = tpu.memref_slice %arg2[%dma_wait3A_379, %dma_wait3A_380] : memref<10000x128xf32, #tpu.memory_space<hbm>> -> memref<10000x128xf32, #tpu.memory_space<hbm>>
        tpu.wait_indirect_dma semaphore(%arg13 : memref<!tpu.dma_semaphore, #tpu.memory_space<semaphore_mem>>) src(%dma_wait3A_381 : memref<10000x128xf32, #tpu.memory_space<hbm>>) dst(%dma_wait3A_375 : memref<64x128xf32, #tpu.memory_space<vmem>>)
        %dma_start3A_382 = arith.constant 2 : i32
        %dma_start3A_383 = arith.constant 7 : i32
        %dma_start3A_384 = arith.constant 0 : i32
        %dma_start3A_385 = arith.constant 0 : i32
        %dma_start3A_386 = tpu.memref_slice %arg11[%dma_start3A_382, %dma_start3A_384, %dma_start3A_385] : memref<5x64x128xf32, #tpu.memory_space<vmem>> -> memref<1x64x128xf32, #tpu.memory_space<vmem>>
        %dma_start3A_387 = tpu.memref_squeeze %dma_start3A_386 : memref<1x64x128xf32, #tpu.memory_space<vmem>> -> memref<64x128xf32, #tpu.memory_space<vmem>>
        %dma_start3A_388 = arith.constant 0 : i32
        %dma_start3A_389 = tpu.memref_slice %arg10[%rem3A_35, %dma_start3A_383, %dma_start3A_388] : memref<2x8x64xi32, #tpu.memory_space<vmem>> -> memref<1x1x64xi32, #tpu.memory_space<vmem>>
        %dma_start3A_390 = tpu.memref_squeeze %dma_start3A_389 : memref<1x1x64xi32, #tpu.memory_space<vmem>> -> memref<64xi32, #tpu.memory_space<vmem>>
        %dma_start3A_391 = arith.constant 0 : i32
        %dma_start3A_392 = arith.constant 0 : i32
        %dma_start3A_393 = tpu.memref_slice %arg12[%dma_start3A_391, %dma_start3A_392] : memref<10112x128xf32, #tpu.memory_space<vmem_shared>> -> memref<10112x128xf32, #tpu.memory_space<vmem_shared>>
        tpu.enqueue_indirect_dma source(%dma_start3A_387 : memref<64x128xf32, #tpu.memory_space<vmem>>) target(%dma_start3A_393 : memref<10112x128xf32, #tpu.memory_space<vmem_shared>>) offsets(%dma_start3A_390 : memref<64xi32, #tpu.memory_space<vmem>>) semaphore(%arg14 : memref<!tpu.dma_semaphore, #tpu.memory_space<semaphore_mem>>) {add = true}
        %dma_wait3A_394 = arith.constant 3 : i32
        %dma_wait3A_395 = arith.constant 3 : i32
        %dma_wait3A_396 = arith.constant 0 : i32
        %dma_wait3A_397 = arith.constant 0 : i32
        %dma_wait3A_398 = tpu.memref_slice %arg11[%dma_wait3A_394, %dma_wait3A_396, %dma_wait3A_397] : memref<5x64x128xf32, #tpu.memory_space<vmem>> -> memref<1x64x128xf32, #tpu.memory_space<vmem>>
        %dma_wait3A_399 = tpu.memref_squeeze %dma_wait3A_398 : memref<1x64x128xf32, #tpu.memory_space<vmem>> -> memref<64x128xf32, #tpu.memory_space<vmem>>
        %dma_wait3A_400 = arith.constant 0 : i32
        %dma_wait3A_401 = tpu.memref_slice %arg10[%rem3A_35, %dma_wait3A_395, %dma_wait3A_400] : memref<2x8x64xi32, #tpu.memory_space<vmem>> -> memref<1x1x64xi32, #tpu.memory_space<vmem>>
        %dma_wait3A_402 = tpu.memref_squeeze %dma_wait3A_401 : memref<1x1x64xi32, #tpu.memory_space<vmem>> -> memref<64xi32, #tpu.memory_space<vmem>>
        %dma_wait3A_403 = arith.constant 0 : i32
        %dma_wait3A_404 = arith.constant 0 : i32
        %dma_wait3A_405 = tpu.memref_slice %arg12[%dma_wait3A_403, %dma_wait3A_404] : memref<10112x128xf32, #tpu.memory_space<vmem_shared>> -> memref<10112x128xf32, #tpu.memory_space<vmem_shared>>
        tpu.wait_indirect_dma semaphore(%arg14 : memref<!tpu.dma_semaphore, #tpu.memory_space<semaphore_mem>>) src(%dma_wait3A_399 : memref<64x128xf32, #tpu.memory_space<vmem>>) dst(%dma_wait3A_405 : memref<10112x128xf32, #tpu.memory_space<vmem_shared>>)
        %dma_wait3A_406 = arith.constant 4 : i32
        %dma_wait3A_407 = arith.constant 4 : i32
        %dma_wait3A_408 = arith.constant 0 : i32
        %dma_wait3A_409 = arith.constant 0 : i32
        %dma_wait3A_410 = tpu.memref_slice %arg11[%dma_wait3A_406, %dma_wait3A_408, %dma_wait3A_409] : memref<5x64x128xf32, #tpu.memory_space<vmem>> -> memref<1x64x128xf32, #tpu.memory_space<vmem>>
        %dma_wait3A_411 = tpu.memref_squeeze %dma_wait3A_410 : memref<1x64x128xf32, #tpu.memory_space<vmem>> -> memref<64x128xf32, #tpu.memory_space<vmem>>
        %dma_wait3A_412 = arith.constant 0 : i32
        %dma_wait3A_413 = tpu.memref_slice %arg10[%rem3A_35, %dma_wait3A_407, %dma_wait3A_412] : memref<2x8x64xi32, #tpu.memory_space<vmem>> -> memref<1x1x64xi32, #tpu.memory_space<vmem>>
        %dma_wait3A_414 = tpu.memref_squeeze %dma_wait3A_413 : memref<1x1x64xi32, #tpu.memory_space<vmem>> -> memref<64xi32, #tpu.memory_space<vmem>>
        %dma_wait3A_415 = arith.constant 0 : i32
        %dma_wait3A_416 = arith.constant 0 : i32
        %dma_wait3A_417 = tpu.memref_slice %arg12[%dma_wait3A_415, %dma_wait3A_416] : memref<10112x128xf32, #tpu.memory_space<vmem_shared>> -> memref<10112x128xf32, #tpu.memory_space<vmem_shared>>
        tpu.wait_indirect_dma semaphore(%arg14 : memref<!tpu.dma_semaphore, #tpu.memory_space<semaphore_mem>>) src(%dma_wait3A_411 : memref<64x128xf32, #tpu.memory_space<vmem>>) dst(%dma_wait3A_417 : memref<10112x128xf32, #tpu.memory_space<vmem_shared>>)
        %dma_wait3A_418 = arith.constant 0 : i32
        %dma_wait3A_419 = arith.constant 5 : i32
        %dma_wait3A_420 = arith.constant 0 : i32
        %dma_wait3A_421 = arith.constant 0 : i32
        %dma_wait3A_422 = tpu.memref_slice %arg11[%dma_wait3A_418, %dma_wait3A_420, %dma_wait3A_421] : memref<5x64x128xf32, #tpu.memory_space<vmem>> -> memref<1x64x128xf32, #tpu.memory_space<vmem>>
        %dma_wait3A_423 = tpu.memref_squeeze %dma_wait3A_422 : memref<1x64x128xf32, #tpu.memory_space<vmem>> -> memref<64x128xf32, #tpu.memory_space<vmem>>
        %dma_wait3A_424 = arith.constant 0 : i32
        %dma_wait3A_425 = tpu.memref_slice %arg10[%rem3A_35, %dma_wait3A_419, %dma_wait3A_424] : memref<2x8x64xi32, #tpu.memory_space<vmem>> -> memref<1x1x64xi32, #tpu.memory_space<vmem>>
        %dma_wait3A_426 = tpu.memref_squeeze %dma_wait3A_425 : memref<1x1x64xi32, #tpu.memory_space<vmem>> -> memref<64xi32, #tpu.memory_space<vmem>>
        %dma_wait3A_427 = arith.constant 0 : i32
        %dma_wait3A_428 = arith.constant 0 : i32
        %dma_wait3A_429 = tpu.memref_slice %arg12[%dma_wait3A_427, %dma_wait3A_428] : memref<10112x128xf32, #tpu.memory_space<vmem_shared>> -> memref<10112x128xf32, #tpu.memory_space<vmem_shared>>
        tpu.wait_indirect_dma semaphore(%arg14 : memref<!tpu.dma_semaphore, #tpu.memory_space<semaphore_mem>>) src(%dma_wait3A_423 : memref<64x128xf32, #tpu.memory_space<vmem>>) dst(%dma_wait3A_429 : memref<10112x128xf32, #tpu.memory_space<vmem_shared>>)
        %dma_wait3A_430 = arith.constant 1 : i32
        %dma_wait3A_431 = arith.constant 6 : i32
        %dma_wait3A_432 = arith.constant 0 : i32
        %dma_wait3A_433 = arith.constant 0 : i32
        %dma_wait3A_434 = tpu.memref_slice %arg11[%dma_wait3A_430, %dma_wait3A_432, %dma_wait3A_433] : memref<5x64x128xf32, #tpu.memory_space<vmem>> -> memref<1x64x128xf32, #tpu.memory_space<vmem>>
        %dma_wait3A_435 = tpu.memref_squeeze %dma_wait3A_434 : memref<1x64x128xf32, #tpu.memory_space<vmem>> -> memref<64x128xf32, #tpu.memory_space<vmem>>
        %dma_wait3A_436 = arith.constant 0 : i32
        %dma_wait3A_437 = tpu.memref_slice %arg10[%rem3A_35, %dma_wait3A_431, %dma_wait3A_436] : memref<2x8x64xi32, #tpu.memory_space<vmem>> -> memref<1x1x64xi32, #tpu.memory_space<vmem>>
        %dma_wait3A_438 = tpu.memref_squeeze %dma_wait3A_437 : memref<1x1x64xi32, #tpu.memory_space<vmem>> -> memref<64xi32, #tpu.memory_space<vmem>>
        %dma_wait3A_439 = arith.constant 0 : i32
        %dma_wait3A_440 = arith.constant 0 : i32
        %dma_wait3A_441 = tpu.memref_slice %arg12[%dma_wait3A_439, %dma_wait3A_440] : memref<10112x128xf32, #tpu.memory_space<vmem_shared>> -> memref<10112x128xf32, #tpu.memory_space<vmem_shared>>
        tpu.wait_indirect_dma semaphore(%arg14 : memref<!tpu.dma_semaphore, #tpu.memory_space<semaphore_mem>>) src(%dma_wait3A_435 : memref<64x128xf32, #tpu.memory_space<vmem>>) dst(%dma_wait3A_441 : memref<10112x128xf32, #tpu.memory_space<vmem_shared>>)
        %dma_wait3A_442 = arith.constant 2 : i32
        %dma_wait3A_443 = arith.constant 7 : i32
        %dma_wait3A_444 = arith.constant 0 : i32
        %dma_wait3A_445 = arith.constant 0 : i32
        %dma_wait3A_446 = tpu.memref_slice %arg11[%dma_wait3A_442, %dma_wait3A_444, %dma_wait3A_445] : memref<5x64x128xf32, #tpu.memory_space<vmem>> -> memref<1x64x128xf32, #tpu.memory_space<vmem>>
        %dma_wait3A_447 = tpu.memref_squeeze %dma_wait3A_446 : memref<1x64x128xf32, #tpu.memory_space<vmem>> -> memref<64x128xf32, #tpu.memory_space<vmem>>
        %dma_wait3A_448 = arith.constant 0 : i32
        %dma_wait3A_449 = tpu.memref_slice %arg10[%rem3A_35, %dma_wait3A_443, %dma_wait3A_448] : memref<2x8x64xi32, #tpu.memory_space<vmem>> -> memref<1x1x64xi32, #tpu.memory_space<vmem>>
        %dma_wait3A_450 = tpu.memref_squeeze %dma_wait3A_449 : memref<1x1x64xi32, #tpu.memory_space<vmem>> -> memref<64xi32, #tpu.memory_space<vmem>>
        %dma_wait3A_451 = arith.constant 0 : i32
        %dma_wait3A_452 = arith.constant 0 : i32
        %dma_wait3A_453 = tpu.memref_slice %arg12[%dma_wait3A_451, %dma_wait3A_452] : memref<10112x128xf32, #tpu.memory_space<vmem_shared>> -> memref<10112x128xf32, #tpu.memory_space<vmem_shared>>
        tpu.wait_indirect_dma semaphore(%arg14 : memref<!tpu.dma_semaphore, #tpu.memory_space<semaphore_mem>>) src(%dma_wait3A_447 : memref<64x128xf32, #tpu.memory_space<vmem>>) dst(%dma_wait3A_453 : memref<10112x128xf32, #tpu.memory_space<vmem_shared>>)
        %dma_wait3A_454 = arith.constant 0 : i32
        %dma_wait3A_455 = arith.constant 0 : i32
        %dma_wait3A_456 = tpu.memref_slice %arg9[%sub3A_42, %dma_wait3A_454, %dma_wait3A_455] : memref<2x8x64xi32, #tpu.memory_space<vmem>> -> memref<1x8x64xi32, #tpu.memory_space<vmem>>
        %dma_wait3A_457 = tpu.memref_squeeze %dma_wait3A_456 : memref<1x8x64xi32, #tpu.memory_space<vmem>> -> memref<8x64xi32, #tpu.memory_space<vmem>>
        %dma_wait3A_458 = arith.constant 0 : i32
        %dma_wait3A_459 = tpu.memref_slice %arg4[%add3A_41, %dma_wait3A_458] : memref<5120x64xi32, #tpu.memory_space<hbm>> -> memref<8x64xi32, #tpu.memory_space<hbm>>
        %dma_wait3A_460 = arith.constant 0 : i32
        %dma_wait3A_461 = arith.constant 0 : i32
        %dma_wait3A_462 = tpu.memref_slice %arg9[%sub3A_42, %dma_wait3A_460, %dma_wait3A_461] : memref<2x8x64xi32, #tpu.memory_space<vmem>> -> memref<1x8x64xi32, #tpu.memory_space<vmem>>
        %dma_wait3A_463 = tpu.memref_squeeze %dma_wait3A_462 : memref<1x8x64xi32, #tpu.memory_space<vmem>> -> memref<8x64xi32, #tpu.memory_space<vmem>>
        %dma_wait3A_464 = arith.constant 0 : i32
        %dma_wait3A_465 = tpu.memref_slice %arg4[%add3A_41, %dma_wait3A_464] : memref<5120x64xi32, #tpu.memory_space<hbm>> -> memref<8x64xi32, #tpu.memory_space<hbm>>
        tpu.wait_dma2 semaphore(%arg15 : memref<!tpu.dma_semaphore, #tpu.memory_space<semaphore_mem>>) src(%dma_wait3A_465 : memref<8x64xi32, #tpu.memory_space<hbm>>) dst(%dma_wait3A_463 : memref<8x64xi32, #tpu.memory_space<vmem>>)
        %dma_wait3A_466 = arith.constant 0 : i32
        %dma_wait3A_467 = arith.constant 0 : i32
        %dma_wait3A_468 = tpu.memref_slice %arg10[%sub3A_58, %dma_wait3A_466, %dma_wait3A_467] : memref<2x8x64xi32, #tpu.memory_space<vmem>> -> memref<1x8x64xi32, #tpu.memory_space<vmem>>
        %dma_wait3A_469 = tpu.memref_squeeze %dma_wait3A_468 : memref<1x8x64xi32, #tpu.memory_space<vmem>> -> memref<8x64xi32, #tpu.memory_space<vmem>>
        %dma_wait3A_470 = arith.constant 0 : i32
        %dma_wait3A_471 = tpu.memref_slice %arg5[%add3A_56, %dma_wait3A_470] : memref<5120x64xi32, #tpu.memory_space<hbm>> -> memref<8x64xi32, #tpu.memory_space<hbm>>
        %dma_wait3A_472 = arith.constant 0 : i32
        %dma_wait3A_473 = arith.constant 0 : i32
        %dma_wait3A_474 = tpu.memref_slice %arg10[%sub3A_58, %dma_wait3A_472, %dma_wait3A_473] : memref<2x8x64xi32, #tpu.memory_space<vmem>> -> memref<1x8x64xi32, #tpu.memory_space<vmem>>
        %dma_wait3A_475 = tpu.memref_squeeze %dma_wait3A_474 : memref<1x8x64xi32, #tpu.memory_space<vmem>> -> memref<8x64xi32, #tpu.memory_space<vmem>>
        %dma_wait3A_476 = arith.constant 0 : i32
        %dma_wait3A_477 = tpu.memref_slice %arg5[%add3A_56, %dma_wait3A_476] : memref<5120x64xi32, #tpu.memory_space<hbm>> -> memref<8x64xi32, #tpu.memory_space<hbm>>
        tpu.wait_dma2 semaphore(%arg15 : memref<!tpu.dma_semaphore, #tpu.memory_space<semaphore_mem>>) src(%dma_wait3A_477 : memref<8x64xi32, #tpu.memory_space<hbm>>) dst(%dma_wait3A_475 : memref<8x64xi32, #tpu.memory_space<vmem>>)
      }
      %scan3A_33 = arith.constant 20 : i32
    } else {
    }
    %eq3A_12 = arith.constant 1 : i32
    %eq3A_13 = arith.cmpi eq, %arg0, %eq3A_12 : i32
    %convert_element_type3A_14 = arith.extui %eq3A_13 : i1 to i32
    %cond3A_15 = arith.constant 0 : i32
    %cond3A_16 = arith.cmpi ne, %convert_element_type3A_14, %cond3A_15 : i32
    scf.if %cond3A_16 {
      %run_scoped3A = arith.constant 0 : i32
      "tpu.region"() ({
        %run_scoped3A_34 = tpu.sem_alloc : memref<!tpu.dma_semaphore, #tpu.memory_space<semaphore_mem>>
        %dma_start3A = arith.constant 0 : i32
        %dma_start3A_35 = arith.constant 0 : i32
        %dma_start3A_36 = tpu.memref_slice %arg9[%run_scoped3A, %dma_start3A, %dma_start3A_35] : memref<2x8x64xi32, #tpu.memory_space<vmem>> -> memref<1x8x64xi32, #tpu.memory_space<vmem>>
        %dma_start3A_37 = tpu.memref_squeeze %dma_start3A_36 : memref<1x8x64xi32, #tpu.memory_space<vmem>> -> memref<8x64xi32, #tpu.memory_space<vmem>>
        %dma_start3A_38 = arith.constant 0 : i32
        %dma_start3A_39 = tpu.memref_slice %arg4[%mul3A_4, %dma_start3A_38] : memref<5120x64xi32, #tpu.memory_space<hbm>> -> memref<8x64xi32, #tpu.memory_space<hbm>>
        %dma_start3A_40 = arith.constant 0 : i32
        %dma_start3A_41 = arith.constant 0 : i32
        %dma_start3A_42 = tpu.memref_slice %arg9[%run_scoped3A, %dma_start3A_40, %dma_start3A_41] : memref<2x8x64xi32, #tpu.memory_space<vmem>> -> memref<1x8x64xi32, #tpu.memory_space<vmem>>
        %dma_start3A_43 = tpu.memref_squeeze %dma_start3A_42 : memref<1x8x64xi32, #tpu.memory_space<vmem>> -> memref<8x64xi32, #tpu.memory_space<vmem>>
        %dma_start3A_44 = arith.constant 0 : i32
        %dma_start3A_45 = tpu.memref_slice %arg4[%mul3A_4, %dma_start3A_44] : memref<5120x64xi32, #tpu.memory_space<hbm>> -> memref<8x64xi32, #tpu.memory_space<hbm>>
        tpu.enqueue_dma source(%dma_start3A_45 : memref<8x64xi32, #tpu.memory_space<hbm>>) target(%dma_start3A_43 : memref<8x64xi32, #tpu.memory_space<vmem>>) target_semaphore(%run_scoped3A_34 : memref<!tpu.dma_semaphore, #tpu.memory_space<semaphore_mem>>)
        %dma_wait3A = arith.constant 0 : i32
        %dma_wait3A_46 = arith.constant 0 : i32
        %dma_wait3A_47 = tpu.memref_slice %arg9[%run_scoped3A, %dma_wait3A, %dma_wait3A_46] : memref<2x8x64xi32, #tpu.memory_space<vmem>> -> memref<1x8x64xi32, #tpu.memory_space<vmem>>
        %dma_wait3A_48 = tpu.memref_squeeze %dma_wait3A_47 : memref<1x8x64xi32, #tpu.memory_space<vmem>> -> memref<8x64xi32, #tpu.memory_space<vmem>>
        %dma_wait3A_49 = arith.constant 0 : i32
        %dma_wait3A_50 = tpu.memref_slice %arg4[%mul3A_4, %dma_wait3A_49] : memref<5120x64xi32, #tpu.memory_space<hbm>> -> memref<8x64xi32, #tpu.memory_space<hbm>>
        %dma_wait3A_51 = arith.constant 0 : i32
        %dma_wait3A_52 = arith.constant 0 : i32
        %dma_wait3A_53 = tpu.memref_slice %arg9[%run_scoped3A, %dma_wait3A_51, %dma_wait3A_52] : memref<2x8x64xi32, #tpu.memory_space<vmem>> -> memref<1x8x64xi32, #tpu.memory_space<vmem>>
        %dma_wait3A_54 = tpu.memref_squeeze %dma_wait3A_53 : memref<1x8x64xi32, #tpu.memory_space<vmem>> -> memref<8x64xi32, #tpu.memory_space<vmem>>
        %dma_wait3A_55 = arith.constant 0 : i32
        %dma_wait3A_56 = tpu.memref_slice %arg4[%mul3A_4, %dma_wait3A_55] : memref<5120x64xi32, #tpu.memory_space<hbm>> -> memref<8x64xi32, #tpu.memory_space<hbm>>
        tpu.wait_dma2 semaphore(%run_scoped3A_34 : memref<!tpu.dma_semaphore, #tpu.memory_space<semaphore_mem>>) src(%dma_wait3A_56 : memref<8x64xi32, #tpu.memory_space<hbm>>) dst(%dma_wait3A_54 : memref<8x64xi32, #tpu.memory_space<vmem>>)
        tpu.yield
      }) : () -> ()
      %run_scoped3A_28 = arith.constant 0 : i32
      "tpu.region"() ({
        %run_scoped3A_34 = tpu.sem_alloc : memref<!tpu.dma_semaphore, #tpu.memory_space<semaphore_mem>>
        %dma_start3A = arith.constant 0 : i32
        %dma_start3A_35 = arith.constant 0 : i32
        %dma_start3A_36 = tpu.memref_slice %arg10[%run_scoped3A_28, %dma_start3A, %dma_start3A_35] : memref<2x8x64xi32, #tpu.memory_space<vmem>> -> memref<1x8x64xi32, #tpu.memory_space<vmem>>
        %dma_start3A_37 = tpu.memref_squeeze %dma_start3A_36 : memref<1x8x64xi32, #tpu.memory_space<vmem>> -> memref<8x64xi32, #tpu.memory_space<vmem>>
        %dma_start3A_38 = arith.constant 0 : i32
        %dma_start3A_39 = tpu.memref_slice %arg5[%mul3A_9, %dma_start3A_38] : memref<5120x64xi32, #tpu.memory_space<hbm>> -> memref<8x64xi32, #tpu.memory_space<hbm>>
        %dma_start3A_40 = arith.constant 0 : i32
        %dma_start3A_41 = arith.constant 0 : i32
        %dma_start3A_42 = tpu.memref_slice %arg10[%run_scoped3A_28, %dma_start3A_40, %dma_start3A_41] : memref<2x8x64xi32, #tpu.memory_space<vmem>> -> memref<1x8x64xi32, #tpu.memory_space<vmem>>
        %dma_start3A_43 = tpu.memref_squeeze %dma_start3A_42 : memref<1x8x64xi32, #tpu.memory_space<vmem>> -> memref<8x64xi32, #tpu.memory_space<vmem>>
        %dma_start3A_44 = arith.constant 0 : i32
        %dma_start3A_45 = tpu.memref_slice %arg5[%mul3A_9, %dma_start3A_44] : memref<5120x64xi32, #tpu.memory_space<hbm>> -> memref<8x64xi32, #tpu.memory_space<hbm>>
        tpu.enqueue_dma source(%dma_start3A_45 : memref<8x64xi32, #tpu.memory_space<hbm>>) target(%dma_start3A_43 : memref<8x64xi32, #tpu.memory_space<vmem>>) target_semaphore(%run_scoped3A_34 : memref<!tpu.dma_semaphore, #tpu.memory_space<semaphore_mem>>)
        %dma_wait3A = arith.constant 0 : i32
        %dma_wait3A_46 = arith.constant 0 : i32
        %dma_wait3A_47 = tpu.memref_slice %arg10[%run_scoped3A_28, %dma_wait3A, %dma_wait3A_46] : memref<2x8x64xi32, #tpu.memory_space<vmem>> -> memref<1x8x64xi32, #tpu.memory_space<vmem>>
        %dma_wait3A_48 = tpu.memref_squeeze %dma_wait3A_47 : memref<1x8x64xi32, #tpu.memory_space<vmem>> -> memref<8x64xi32, #tpu.memory_space<vmem>>
        %dma_wait3A_49 = arith.constant 0 : i32
        %dma_wait3A_50 = tpu.memref_slice %arg5[%mul3A_9, %dma_wait3A_49] : memref<5120x64xi32, #tpu.memory_space<hbm>> -> memref<8x64xi32, #tpu.memory_space<hbm>>
        %dma_wait3A_51 = arith.constant 0 : i32
        %dma_wait3A_52 = arith.constant 0 : i32
        %dma_wait3A_53 = tpu.memref_slice %arg10[%run_scoped3A_28, %dma_wait3A_51, %dma_wait3A_52] : memref<2x8x64xi32, #tpu.memory_space<vmem>> -> memref<1x8x64xi32, #tpu.memory_space<vmem>>
        %dma_wait3A_54 = tpu.memref_squeeze %dma_wait3A_53 : memref<1x8x64xi32, #tpu.memory_space<vmem>> -> memref<8x64xi32, #tpu.memory_space<vmem>>
        %dma_wait3A_55 = arith.constant 0 : i32
        %dma_wait3A_56 = tpu.memref_slice %arg5[%mul3A_9, %dma_wait3A_55] : memref<5120x64xi32, #tpu.memory_space<hbm>> -> memref<8x64xi32, #tpu.memory_space<hbm>>
        tpu.wait_dma2 semaphore(%run_scoped3A_34 : memref<!tpu.dma_semaphore, #tpu.memory_space<semaphore_mem>>) src(%dma_wait3A_56 : memref<8x64xi32, #tpu.memory_space<hbm>>) dst(%dma_wait3A_54 : memref<8x64xi32, #tpu.memory_space<vmem>>)
        tpu.yield
      }) : () -> ()
      %scan3A = arith.constant 0 : i32
      %scan3A_29 = arith.constant 0 : i32
      %scan3A_30 = arith.constant 20 : i32
      %scan3A_31 = arith.addi %scan3A_29, %scan3A_30 : i32
      %scan3A_32 = arith.constant 1 : i32
      scf.for %scan3A_34 = %scan3A_29 to %scan3A_31 step %scan3A_32  : i32 {
        %rem3A = arith.constant 2 : i32
        %rem3A_35 = arith.remsi %scan3A_34, %rem3A : i32
        %add3A_36 = arith.constant 1 : i32
        %add3A_37 = arith.addi %scan3A_34, %add3A_36 : i32
        %min3A = arith.constant 19 : i32
        %min3A_38 = arith.minsi %add3A_37, %min3A : i32
        %mul3A_39 = arith.constant 8 : i32
        %mul3A_40 = arith.muli %min3A_38, %mul3A_39 : i32
        %add3A_41 = arith.addi %mul3A_4, %mul3A_40 : i32
        %sub3A = arith.constant 1 : i32
        %sub3A_42 = arith.subi %sub3A, %rem3A_35 : i32
        %dma_start3A = arith.constant 0 : i32
        %dma_start3A_43 = arith.constant 0 : i32
        %dma_start3A_44 = tpu.memref_slice %arg9[%sub3A_42, %dma_start3A, %dma_start3A_43] : memref<2x8x64xi32, #tpu.memory_space<vmem>> -> memref<1x8x64xi32, #tpu.memory_space<vmem>>
        %dma_start3A_45 = tpu.memref_squeeze %dma_start3A_44 : memref<1x8x64xi32, #tpu.memory_space<vmem>> -> memref<8x64xi32, #tpu.memory_space<vmem>>
        %dma_start3A_46 = arith.constant 0 : i32
        %dma_start3A_47 = tpu.memref_slice %arg4[%add3A_41, %dma_start3A_46] : memref<5120x64xi32, #tpu.memory_space<hbm>> -> memref<8x64xi32, #tpu.memory_space<hbm>>
        %dma_start3A_48 = arith.constant 0 : i32
        %dma_start3A_49 = arith.constant 0 : i32
        %dma_start3A_50 = tpu.memref_slice %arg9[%sub3A_42, %dma_start3A_48, %dma_start3A_49] : memref<2x8x64xi32, #tpu.memory_space<vmem>> -> memref<1x8x64xi32, #tpu.memory_space<vmem>>
        %dma_start3A_51 = tpu.memref_squeeze %dma_start3A_50 : memref<1x8x64xi32, #tpu.memory_space<vmem>> -> memref<8x64xi32, #tpu.memory_space<vmem>>
        %dma_start3A_52 = arith.constant 0 : i32
        %dma_start3A_53 = tpu.memref_slice %arg4[%add3A_41, %dma_start3A_52] : memref<5120x64xi32, #tpu.memory_space<hbm>> -> memref<8x64xi32, #tpu.memory_space<hbm>>
        tpu.enqueue_dma source(%dma_start3A_53 : memref<8x64xi32, #tpu.memory_space<hbm>>) target(%dma_start3A_51 : memref<8x64xi32, #tpu.memory_space<vmem>>) target_semaphore(%arg15 : memref<!tpu.dma_semaphore, #tpu.memory_space<semaphore_mem>>)
        %mul3A_54 = arith.constant 8 : i32
        %mul3A_55 = arith.muli %min3A_38, %mul3A_54 : i32
        %add3A_56 = arith.addi %mul3A_9, %mul3A_55 : i32
        %sub3A_57 = arith.constant 1 : i32
        %sub3A_58 = arith.subi %sub3A_57, %rem3A_35 : i32
        %dma_start3A_59 = arith.constant 0 : i32
        %dma_start3A_60 = arith.constant 0 : i32
        %dma_start3A_61 = tpu.memref_slice %arg10[%sub3A_58, %dma_start3A_59, %dma_start3A_60] : memref<2x8x64xi32, #tpu.memory_space<vmem>> -> memref<1x8x64xi32, #tpu.memory_space<vmem>>
        %dma_start3A_62 = tpu.memref_squeeze %dma_start3A_61 : memref<1x8x64xi32, #tpu.memory_space<vmem>> -> memref<8x64xi32, #tpu.memory_space<vmem>>
        %dma_start3A_63 = arith.constant 0 : i32
        %dma_start3A_64 = tpu.memref_slice %arg5[%add3A_56, %dma_start3A_63] : memref<5120x64xi32, #tpu.memory_space<hbm>> -> memref<8x64xi32, #tpu.memory_space<hbm>>
        %dma_start3A_65 = arith.constant 0 : i32
        %dma_start3A_66 = arith.constant 0 : i32
        %dma_start3A_67 = tpu.memref_slice %arg10[%sub3A_58, %dma_start3A_65, %dma_start3A_66] : memref<2x8x64xi32, #tpu.memory_space<vmem>> -> memref<1x8x64xi32, #tpu.memory_space<vmem>>
        %dma_start3A_68 = tpu.memref_squeeze %dma_start3A_67 : memref<1x8x64xi32, #tpu.memory_space<vmem>> -> memref<8x64xi32, #tpu.memory_space<vmem>>
        %dma_start3A_69 = arith.constant 0 : i32
        %dma_start3A_70 = tpu.memref_slice %arg5[%add3A_56, %dma_start3A_69] : memref<5120x64xi32, #tpu.memory_space<hbm>> -> memref<8x64xi32, #tpu.memory_space<hbm>>
        tpu.enqueue_dma source(%dma_start3A_70 : memref<8x64xi32, #tpu.memory_space<hbm>>) target(%dma_start3A_68 : memref<8x64xi32, #tpu.memory_space<vmem>>) target_semaphore(%arg15 : memref<!tpu.dma_semaphore, #tpu.memory_space<semaphore_mem>>)
        %dma_start3A_71 = arith.constant 0 : i32
        %dma_start3A_72 = arith.constant 0 : i32
        %dma_start3A_73 = arith.constant 0 : i32
        %dma_start3A_74 = arith.constant 0 : i32
        %dma_start3A_75 = tpu.memref_slice %arg11[%dma_start3A_72, %dma_start3A_73, %dma_start3A_74] : memref<5x64x128xf32, #tpu.memory_space<vmem>> -> memref<1x64x128xf32, #tpu.memory_space<vmem>>
        %dma_start3A_76 = tpu.memref_squeeze %dma_start3A_75 : memref<1x64x128xf32, #tpu.memory_space<vmem>> -> memref<64x128xf32, #tpu.memory_space<vmem>>
        %dma_start3A_77 = arith.constant 0 : i32
        %dma_start3A_78 = tpu.memref_slice %arg9[%rem3A_35, %dma_start3A_71, %dma_start3A_77] : memref<2x8x64xi32, #tpu.memory_space<vmem>> -> memref<1x1x64xi32, #tpu.memory_space<vmem>>
        %dma_start3A_79 = tpu.memref_squeeze %dma_start3A_78 : memref<1x1x64xi32, #tpu.memory_space<vmem>> -> memref<64xi32, #tpu.memory_space<vmem>>
        %dma_start3A_80 = arith.constant 0 : i32
        %dma_start3A_81 = arith.constant 0 : i32
        %dma_start3A_82 = tpu.memref_slice %arg3[%dma_start3A_80, %dma_start3A_81] : memref<10000x128xf32, #tpu.memory_space<hbm>> -> memref<10000x128xf32, #tpu.memory_space<hbm>>
        tpu.enqueue_indirect_dma source(%dma_start3A_82 : memref<10000x128xf32, #tpu.memory_space<hbm>>) target(%dma_start3A_76 : memref<64x128xf32, #tpu.memory_space<vmem>>) offsets(%dma_start3A_79 : memref<64xi32, #tpu.memory_space<vmem>>) semaphore(%arg13 : memref<!tpu.dma_semaphore, #tpu.memory_space<semaphore_mem>>)
        %dma_start3A_83 = arith.constant 1 : i32
        %dma_start3A_84 = arith.constant 1 : i32
        %dma_start3A_85 = arith.constant 0 : i32
        %dma_start3A_86 = arith.constant 0 : i32
        %dma_start3A_87 = tpu.memref_slice %arg11[%dma_start3A_84, %dma_start3A_85, %dma_start3A_86] : memref<5x64x128xf32, #tpu.memory_space<vmem>> -> memref<1x64x128xf32, #tpu.memory_space<vmem>>
        %dma_start3A_88 = tpu.memref_squeeze %dma_start3A_87 : memref<1x64x128xf32, #tpu.memory_space<vmem>> -> memref<64x128xf32, #tpu.memory_space<vmem>>
        %dma_start3A_89 = arith.constant 0 : i32
        %dma_start3A_90 = tpu.memref_slice %arg9[%rem3A_35, %dma_start3A_83, %dma_start3A_89] : memref<2x8x64xi32, #tpu.memory_space<vmem>> -> memref<1x1x64xi32, #tpu.memory_space<vmem>>
        %dma_start3A_91 = tpu.memref_squeeze %dma_start3A_90 : memref<1x1x64xi32, #tpu.memory_space<vmem>> -> memref<64xi32, #tpu.memory_space<vmem>>
        %dma_start3A_92 = arith.constant 0 : i32
        %dma_start3A_93 = arith.constant 0 : i32
        %dma_start3A_94 = tpu.memref_slice %arg3[%dma_start3A_92, %dma_start3A_93] : memref<10000x128xf32, #tpu.memory_space<hbm>> -> memref<10000x128xf32, #tpu.memory_space<hbm>>
        tpu.enqueue_indirect_dma source(%dma_start3A_94 : memref<10000x128xf32, #tpu.memory_space<hbm>>) target(%dma_start3A_88 : memref<64x128xf32, #tpu.memory_space<vmem>>) offsets(%dma_start3A_91 : memref<64xi32, #tpu.memory_space<vmem>>) semaphore(%arg13 : memref<!tpu.dma_semaphore, #tpu.memory_space<semaphore_mem>>)
        %dma_start3A_95 = arith.constant 2 : i32
        %dma_start3A_96 = arith.constant 2 : i32
        %dma_start3A_97 = arith.constant 0 : i32
        %dma_start3A_98 = arith.constant 0 : i32
        %dma_start3A_99 = tpu.memref_slice %arg11[%dma_start3A_96, %dma_start3A_97, %dma_start3A_98] : memref<5x64x128xf32, #tpu.memory_space<vmem>> -> memref<1x64x128xf32, #tpu.memory_space<vmem>>
        %dma_start3A_100 = tpu.memref_squeeze %dma_start3A_99 : memref<1x64x128xf32, #tpu.memory_space<vmem>> -> memref<64x128xf32, #tpu.memory_space<vmem>>
        %dma_start3A_101 = arith.constant 0 : i32
        %dma_start3A_102 = tpu.memref_slice %arg9[%rem3A_35, %dma_start3A_95, %dma_start3A_101] : memref<2x8x64xi32, #tpu.memory_space<vmem>> -> memref<1x1x64xi32, #tpu.memory_space<vmem>>
        %dma_start3A_103 = tpu.memref_squeeze %dma_start3A_102 : memref<1x1x64xi32, #tpu.memory_space<vmem>> -> memref<64xi32, #tpu.memory_space<vmem>>
        %dma_start3A_104 = arith.constant 0 : i32
        %dma_start3A_105 = arith.constant 0 : i32
        %dma_start3A_106 = tpu.memref_slice %arg3[%dma_start3A_104, %dma_start3A_105] : memref<10000x128xf32, #tpu.memory_space<hbm>> -> memref<10000x128xf32, #tpu.memory_space<hbm>>
        tpu.enqueue_indirect_dma source(%dma_start3A_106 : memref<10000x128xf32, #tpu.memory_space<hbm>>) target(%dma_start3A_100 : memref<64x128xf32, #tpu.memory_space<vmem>>) offsets(%dma_start3A_103 : memref<64xi32, #tpu.memory_space<vmem>>) semaphore(%arg13 : memref<!tpu.dma_semaphore, #tpu.memory_space<semaphore_mem>>)
        %dma_start3A_107 = arith.constant 3 : i32
        %dma_start3A_108 = arith.constant 3 : i32
        %dma_start3A_109 = arith.constant 0 : i32
        %dma_start3A_110 = arith.constant 0 : i32
        %dma_start3A_111 = tpu.memref_slice %arg11[%dma_start3A_108, %dma_start3A_109, %dma_start3A_110] : memref<5x64x128xf32, #tpu.memory_space<vmem>> -> memref<1x64x128xf32, #tpu.memory_space<vmem>>
        %dma_start3A_112 = tpu.memref_squeeze %dma_start3A_111 : memref<1x64x128xf32, #tpu.memory_space<vmem>> -> memref<64x128xf32, #tpu.memory_space<vmem>>
        %dma_start3A_113 = arith.constant 0 : i32
        %dma_start3A_114 = tpu.memref_slice %arg9[%rem3A_35, %dma_start3A_107, %dma_start3A_113] : memref<2x8x64xi32, #tpu.memory_space<vmem>> -> memref<1x1x64xi32, #tpu.memory_space<vmem>>
        %dma_start3A_115 = tpu.memref_squeeze %dma_start3A_114 : memref<1x1x64xi32, #tpu.memory_space<vmem>> -> memref<64xi32, #tpu.memory_space<vmem>>
        %dma_start3A_116 = arith.constant 0 : i32
        %dma_start3A_117 = arith.constant 0 : i32
        %dma_start3A_118 = tpu.memref_slice %arg3[%dma_start3A_116, %dma_start3A_117] : memref<10000x128xf32, #tpu.memory_space<hbm>> -> memref<10000x128xf32, #tpu.memory_space<hbm>>
        tpu.enqueue_indirect_dma source(%dma_start3A_118 : memref<10000x128xf32, #tpu.memory_space<hbm>>) target(%dma_start3A_112 : memref<64x128xf32, #tpu.memory_space<vmem>>) offsets(%dma_start3A_115 : memref<64xi32, #tpu.memory_space<vmem>>) semaphore(%arg13 : memref<!tpu.dma_semaphore, #tpu.memory_space<semaphore_mem>>)
        %dma_wait3A = arith.constant 0 : i32
        %dma_wait3A_119 = arith.constant 0 : i32
        %dma_wait3A_120 = arith.constant 0 : i32
        %dma_wait3A_121 = arith.constant 0 : i32
        %dma_wait3A_122 = tpu.memref_slice %arg11[%dma_wait3A_119, %dma_wait3A_120, %dma_wait3A_121] : memref<5x64x128xf32, #tpu.memory_space<vmem>> -> memref<1x64x128xf32, #tpu.memory_space<vmem>>
        %dma_wait3A_123 = tpu.memref_squeeze %dma_wait3A_122 : memref<1x64x128xf32, #tpu.memory_space<vmem>> -> memref<64x128xf32, #tpu.memory_space<vmem>>
        %dma_wait3A_124 = arith.constant 0 : i32
        %dma_wait3A_125 = tpu.memref_slice %arg9[%rem3A_35, %dma_wait3A, %dma_wait3A_124] : memref<2x8x64xi32, #tpu.memory_space<vmem>> -> memref<1x1x64xi32, #tpu.memory_space<vmem>>
        %dma_wait3A_126 = tpu.memref_squeeze %dma_wait3A_125 : memref<1x1x64xi32, #tpu.memory_space<vmem>> -> memref<64xi32, #tpu.memory_space<vmem>>
        %dma_wait3A_127 = arith.constant 0 : i32
        %dma_wait3A_128 = arith.constant 0 : i32
        %dma_wait3A_129 = tpu.memref_slice %arg3[%dma_wait3A_127, %dma_wait3A_128] : memref<10000x128xf32, #tpu.memory_space<hbm>> -> memref<10000x128xf32, #tpu.memory_space<hbm>>
        tpu.wait_indirect_dma semaphore(%arg13 : memref<!tpu.dma_semaphore, #tpu.memory_space<semaphore_mem>>) src(%dma_wait3A_129 : memref<10000x128xf32, #tpu.memory_space<hbm>>) dst(%dma_wait3A_123 : memref<64x128xf32, #tpu.memory_space<vmem>>)
        %dma_start3A_130 = arith.constant 0 : i32
        %dma_start3A_131 = arith.constant 0 : i32
        %dma_start3A_132 = arith.constant 0 : i32
        %dma_start3A_133 = arith.constant 0 : i32
        %dma_start3A_134 = tpu.memref_slice %arg11[%dma_start3A_130, %dma_start3A_132, %dma_start3A_133] : memref<5x64x128xf32, #tpu.memory_space<vmem>> -> memref<1x64x128xf32, #tpu.memory_space<vmem>>
        %dma_start3A_135 = tpu.memref_squeeze %dma_start3A_134 : memref<1x64x128xf32, #tpu.memory_space<vmem>> -> memref<64x128xf32, #tpu.memory_space<vmem>>
        %dma_start3A_136 = arith.constant 0 : i32
        %dma_start3A_137 = tpu.memref_slice %arg10[%rem3A_35, %dma_start3A_131, %dma_start3A_136] : memref<2x8x64xi32, #tpu.memory_space<vmem>> -> memref<1x1x64xi32, #tpu.memory_space<vmem>>
        %dma_start3A_138 = tpu.memref_squeeze %dma_start3A_137 : memref<1x1x64xi32, #tpu.memory_space<vmem>> -> memref<64xi32, #tpu.memory_space<vmem>>
        %dma_start3A_139 = arith.constant 0 : i32
        %dma_start3A_140 = arith.constant 0 : i32
        %dma_start3A_141 = tpu.memref_slice %arg12[%dma_start3A_139, %dma_start3A_140] : memref<10112x128xf32, #tpu.memory_space<vmem_shared>> -> memref<10112x128xf32, #tpu.memory_space<vmem_shared>>
        tpu.enqueue_indirect_dma source(%dma_start3A_135 : memref<64x128xf32, #tpu.memory_space<vmem>>) target(%dma_start3A_141 : memref<10112x128xf32, #tpu.memory_space<vmem_shared>>) offsets(%dma_start3A_138 : memref<64xi32, #tpu.memory_space<vmem>>) semaphore(%arg14 : memref<!tpu.dma_semaphore, #tpu.memory_space<semaphore_mem>>) {add = true}
        %dma_start3A_142 = arith.constant 4 : i32
        %dma_start3A_143 = arith.constant 4 : i32
        %dma_start3A_144 = arith.constant 0 : i32
        %dma_start3A_145 = arith.constant 0 : i32
        %dma_start3A_146 = tpu.memref_slice %arg11[%dma_start3A_143, %dma_start3A_144, %dma_start3A_145] : memref<5x64x128xf32, #tpu.memory_space<vmem>> -> memref<1x64x128xf32, #tpu.memory_space<vmem>>
        %dma_start3A_147 = tpu.memref_squeeze %dma_start3A_146 : memref<1x64x128xf32, #tpu.memory_space<vmem>> -> memref<64x128xf32, #tpu.memory_space<vmem>>
        %dma_start3A_148 = arith.constant 0 : i32
        %dma_start3A_149 = tpu.memref_slice %arg9[%rem3A_35, %dma_start3A_142, %dma_start3A_148] : memref<2x8x64xi32, #tpu.memory_space<vmem>> -> memref<1x1x64xi32, #tpu.memory_space<vmem>>
        %dma_start3A_150 = tpu.memref_squeeze %dma_start3A_149 : memref<1x1x64xi32, #tpu.memory_space<vmem>> -> memref<64xi32, #tpu.memory_space<vmem>>
        %dma_start3A_151 = arith.constant 0 : i32
        %dma_start3A_152 = arith.constant 0 : i32
        %dma_start3A_153 = tpu.memref_slice %arg3[%dma_start3A_151, %dma_start3A_152] : memref<10000x128xf32, #tpu.memory_space<hbm>> -> memref<10000x128xf32, #tpu.memory_space<hbm>>
        tpu.enqueue_indirect_dma source(%dma_start3A_153 : memref<10000x128xf32, #tpu.memory_space<hbm>>) target(%dma_start3A_147 : memref<64x128xf32, #tpu.memory_space<vmem>>) offsets(%dma_start3A_150 : memref<64xi32, #tpu.memory_space<vmem>>) semaphore(%arg13 : memref<!tpu.dma_semaphore, #tpu.memory_space<semaphore_mem>>)
        %dma_wait3A_154 = arith.constant 1 : i32
        %dma_wait3A_155 = arith.constant 1 : i32
        %dma_wait3A_156 = arith.constant 0 : i32
        %dma_wait3A_157 = arith.constant 0 : i32
        %dma_wait3A_158 = tpu.memref_slice %arg11[%dma_wait3A_155, %dma_wait3A_156, %dma_wait3A_157] : memref<5x64x128xf32, #tpu.memory_space<vmem>> -> memref<1x64x128xf32, #tpu.memory_space<vmem>>
        %dma_wait3A_159 = tpu.memref_squeeze %dma_wait3A_158 : memref<1x64x128xf32, #tpu.memory_space<vmem>> -> memref<64x128xf32, #tpu.memory_space<vmem>>
        %dma_wait3A_160 = arith.constant 0 : i32
        %dma_wait3A_161 = tpu.memref_slice %arg9[%rem3A_35, %dma_wait3A_154, %dma_wait3A_160] : memref<2x8x64xi32, #tpu.memory_space<vmem>> -> memref<1x1x64xi32, #tpu.memory_space<vmem>>
        %dma_wait3A_162 = tpu.memref_squeeze %dma_wait3A_161 : memref<1x1x64xi32, #tpu.memory_space<vmem>> -> memref<64xi32, #tpu.memory_space<vmem>>
        %dma_wait3A_163 = arith.constant 0 : i32
        %dma_wait3A_164 = arith.constant 0 : i32
        %dma_wait3A_165 = tpu.memref_slice %arg3[%dma_wait3A_163, %dma_wait3A_164] : memref<10000x128xf32, #tpu.memory_space<hbm>> -> memref<10000x128xf32, #tpu.memory_space<hbm>>
        tpu.wait_indirect_dma semaphore(%arg13 : memref<!tpu.dma_semaphore, #tpu.memory_space<semaphore_mem>>) src(%dma_wait3A_165 : memref<10000x128xf32, #tpu.memory_space<hbm>>) dst(%dma_wait3A_159 : memref<64x128xf32, #tpu.memory_space<vmem>>)
        %dma_start3A_166 = arith.constant 1 : i32
        %dma_start3A_167 = arith.constant 1 : i32
        %dma_start3A_168 = arith.constant 0 : i32
        %dma_start3A_169 = arith.constant 0 : i32
        %dma_start3A_170 = tpu.memref_slice %arg11[%dma_start3A_166, %dma_start3A_168, %dma_start3A_169] : memref<5x64x128xf32, #tpu.memory_space<vmem>> -> memref<1x64x128xf32, #tpu.memory_space<vmem>>
        %dma_start3A_171 = tpu.memref_squeeze %dma_start3A_170 : memref<1x64x128xf32, #tpu.memory_space<vmem>> -> memref<64x128xf32, #tpu.memory_space<vmem>>
        %dma_start3A_172 = arith.constant 0 : i32
        %dma_start3A_173 = tpu.memref_slice %arg10[%rem3A_35, %dma_start3A_167, %dma_start3A_172] : memref<2x8x64xi32, #tpu.memory_space<vmem>> -> memref<1x1x64xi32, #tpu.memory_space<vmem>>
        %dma_start3A_174 = tpu.memref_squeeze %dma_start3A_173 : memref<1x1x64xi32, #tpu.memory_space<vmem>> -> memref<64xi32, #tpu.memory_space<vmem>>
        %dma_start3A_175 = arith.constant 0 : i32
        %dma_start3A_176 = arith.constant 0 : i32
        %dma_start3A_177 = tpu.memref_slice %arg12[%dma_start3A_175, %dma_start3A_176] : memref<10112x128xf32, #tpu.memory_space<vmem_shared>> -> memref<10112x128xf32, #tpu.memory_space<vmem_shared>>
        tpu.enqueue_indirect_dma source(%dma_start3A_171 : memref<64x128xf32, #tpu.memory_space<vmem>>) target(%dma_start3A_177 : memref<10112x128xf32, #tpu.memory_space<vmem_shared>>) offsets(%dma_start3A_174 : memref<64xi32, #tpu.memory_space<vmem>>) semaphore(%arg14 : memref<!tpu.dma_semaphore, #tpu.memory_space<semaphore_mem>>) {add = true}
        %dma_wait3A_178 = arith.constant 0 : i32
        %dma_wait3A_179 = arith.constant 0 : i32
        %dma_wait3A_180 = arith.constant 0 : i32
        %dma_wait3A_181 = arith.constant 0 : i32
        %dma_wait3A_182 = tpu.memref_slice %arg11[%dma_wait3A_178, %dma_wait3A_180, %dma_wait3A_181] : memref<5x64x128xf32, #tpu.memory_space<vmem>> -> memref<1x64x128xf32, #tpu.memory_space<vmem>>
        %dma_wait3A_183 = tpu.memref_squeeze %dma_wait3A_182 : memref<1x64x128xf32, #tpu.memory_space<vmem>> -> memref<64x128xf32, #tpu.memory_space<vmem>>
        %dma_wait3A_184 = arith.constant 0 : i32
        %dma_wait3A_185 = tpu.memref_slice %arg10[%rem3A_35, %dma_wait3A_179, %dma_wait3A_184] : memref<2x8x64xi32, #tpu.memory_space<vmem>> -> memref<1x1x64xi32, #tpu.memory_space<vmem>>
        %dma_wait3A_186 = tpu.memref_squeeze %dma_wait3A_185 : memref<1x1x64xi32, #tpu.memory_space<vmem>> -> memref<64xi32, #tpu.memory_space<vmem>>
        %dma_wait3A_187 = arith.constant 0 : i32
        %dma_wait3A_188 = arith.constant 0 : i32
        %dma_wait3A_189 = tpu.memref_slice %arg12[%dma_wait3A_187, %dma_wait3A_188] : memref<10112x128xf32, #tpu.memory_space<vmem_shared>> -> memref<10112x128xf32, #tpu.memory_space<vmem_shared>>
        tpu.wait_indirect_dma semaphore(%arg14 : memref<!tpu.dma_semaphore, #tpu.memory_space<semaphore_mem>>) src(%dma_wait3A_183 : memref<64x128xf32, #tpu.memory_space<vmem>>) dst(%dma_wait3A_189 : memref<10112x128xf32, #tpu.memory_space<vmem_shared>>)
        %dma_start3A_190 = arith.constant 5 : i32
        %dma_start3A_191 = arith.constant 0 : i32
        %dma_start3A_192 = arith.constant 0 : i32
        %dma_start3A_193 = arith.constant 0 : i32
        %dma_start3A_194 = tpu.memref_slice %arg11[%dma_start3A_191, %dma_start3A_192, %dma_start3A_193] : memref<5x64x128xf32, #tpu.memory_space<vmem>> -> memref<1x64x128xf32, #tpu.memory_space<vmem>>
        %dma_start3A_195 = tpu.memref_squeeze %dma_start3A_194 : memref<1x64x128xf32, #tpu.memory_space<vmem>> -> memref<64x128xf32, #tpu.memory_space<vmem>>
        %dma_start3A_196 = arith.constant 0 : i32
        %dma_start3A_197 = tpu.memref_slice %arg9[%rem3A_35, %dma_start3A_190, %dma_start3A_196] : memref<2x8x64xi32, #tpu.memory_space<vmem>> -> memref<1x1x64xi32, #tpu.memory_space<vmem>>
        %dma_start3A_198 = tpu.memref_squeeze %dma_start3A_197 : memref<1x1x64xi32, #tpu.memory_space<vmem>> -> memref<64xi32, #tpu.memory_space<vmem>>
        %dma_start3A_199 = arith.constant 0 : i32
        %dma_start3A_200 = arith.constant 0 : i32
        %dma_start3A_201 = tpu.memref_slice %arg3[%dma_start3A_199, %dma_start3A_200] : memref<10000x128xf32, #tpu.memory_space<hbm>> -> memref<10000x128xf32, #tpu.memory_space<hbm>>
        tpu.enqueue_indirect_dma source(%dma_start3A_201 : memref<10000x128xf32, #tpu.memory_space<hbm>>) target(%dma_start3A_195 : memref<64x128xf32, #tpu.memory_space<vmem>>) offsets(%dma_start3A_198 : memref<64xi32, #tpu.memory_space<vmem>>) semaphore(%arg13 : memref<!tpu.dma_semaphore, #tpu.memory_space<semaphore_mem>>)
        %dma_wait3A_202 = arith.constant 2 : i32
        %dma_wait3A_203 = arith.constant 2 : i32
        %dma_wait3A_204 = arith.constant 0 : i32
        %dma_wait3A_205 = arith.constant 0 : i32
        %dma_wait3A_206 = tpu.memref_slice %arg11[%dma_wait3A_203, %dma_wait3A_204, %dma_wait3A_205] : memref<5x64x128xf32, #tpu.memory_space<vmem>> -> memref<1x64x128xf32, #tpu.memory_space<vmem>>
        %dma_wait3A_207 = tpu.memref_squeeze %dma_wait3A_206 : memref<1x64x128xf32, #tpu.memory_space<vmem>> -> memref<64x128xf32, #tpu.memory_space<vmem>>
        %dma_wait3A_208 = arith.constant 0 : i32
        %dma_wait3A_209 = tpu.memref_slice %arg9[%rem3A_35, %dma_wait3A_202, %dma_wait3A_208] : memref<2x8x64xi32, #tpu.memory_space<vmem>> -> memref<1x1x64xi32, #tpu.memory_space<vmem>>
        %dma_wait3A_210 = tpu.memref_squeeze %dma_wait3A_209 : memref<1x1x64xi32, #tpu.memory_space<vmem>> -> memref<64xi32, #tpu.memory_space<vmem>>
        %dma_wait3A_211 = arith.constant 0 : i32
        %dma_wait3A_212 = arith.constant 0 : i32
        %dma_wait3A_213 = tpu.memref_slice %arg3[%dma_wait3A_211, %dma_wait3A_212] : memref<10000x128xf32, #tpu.memory_space<hbm>> -> memref<10000x128xf32, #tpu.memory_space<hbm>>
        tpu.wait_indirect_dma semaphore(%arg13 : memref<!tpu.dma_semaphore, #tpu.memory_space<semaphore_mem>>) src(%dma_wait3A_213 : memref<10000x128xf32, #tpu.memory_space<hbm>>) dst(%dma_wait3A_207 : memref<64x128xf32, #tpu.memory_space<vmem>>)
        %dma_start3A_214 = arith.constant 2 : i32
        %dma_start3A_215 = arith.constant 2 : i32
        %dma_start3A_216 = arith.constant 0 : i32
        %dma_start3A_217 = arith.constant 0 : i32
        %dma_start3A_218 = tpu.memref_slice %arg11[%dma_start3A_214, %dma_start3A_216, %dma_start3A_217] : memref<5x64x128xf32, #tpu.memory_space<vmem>> -> memref<1x64x128xf32, #tpu.memory_space<vmem>>
        %dma_start3A_219 = tpu.memref_squeeze %dma_start3A_218 : memref<1x64x128xf32, #tpu.memory_space<vmem>> -> memref<64x128xf32, #tpu.memory_space<vmem>>
        %dma_start3A_220 = arith.constant 0 : i32
        %dma_start3A_221 = tpu.memref_slice %arg10[%rem3A_35, %dma_start3A_215, %dma_start3A_220] : memref<2x8x64xi32, #tpu.memory_space<vmem>> -> memref<1x1x64xi32, #tpu.memory_space<vmem>>
        %dma_start3A_222 = tpu.memref_squeeze %dma_start3A_221 : memref<1x1x64xi32, #tpu.memory_space<vmem>> -> memref<64xi32, #tpu.memory_space<vmem>>
        %dma_start3A_223 = arith.constant 0 : i32
        %dma_start3A_224 = arith.constant 0 : i32
        %dma_start3A_225 = tpu.memref_slice %arg12[%dma_start3A_223, %dma_start3A_224] : memref<10112x128xf32, #tpu.memory_space<vmem_shared>> -> memref<10112x128xf32, #tpu.memory_space<vmem_shared>>
        tpu.enqueue_indirect_dma source(%dma_start3A_219 : memref<64x128xf32, #tpu.memory_space<vmem>>) target(%dma_start3A_225 : memref<10112x128xf32, #tpu.memory_space<vmem_shared>>) offsets(%dma_start3A_222 : memref<64xi32, #tpu.memory_space<vmem>>) semaphore(%arg14 : memref<!tpu.dma_semaphore, #tpu.memory_space<semaphore_mem>>) {add = true}
        %dma_wait3A_226 = arith.constant 1 : i32
        %dma_wait3A_227 = arith.constant 1 : i32
        %dma_wait3A_228 = arith.constant 0 : i32
        %dma_wait3A_229 = arith.constant 0 : i32
        %dma_wait3A_230 = tpu.memref_slice %arg11[%dma_wait3A_226, %dma_wait3A_228, %dma_wait3A_229] : memref<5x64x128xf32, #tpu.memory_space<vmem>> -> memref<1x64x128xf32, #tpu.memory_space<vmem>>
        %dma_wait3A_231 = tpu.memref_squeeze %dma_wait3A_230 : memref<1x64x128xf32, #tpu.memory_space<vmem>> -> memref<64x128xf32, #tpu.memory_space<vmem>>
        %dma_wait3A_232 = arith.constant 0 : i32
        %dma_wait3A_233 = tpu.memref_slice %arg10[%rem3A_35, %dma_wait3A_227, %dma_wait3A_232] : memref<2x8x64xi32, #tpu.memory_space<vmem>> -> memref<1x1x64xi32, #tpu.memory_space<vmem>>
        %dma_wait3A_234 = tpu.memref_squeeze %dma_wait3A_233 : memref<1x1x64xi32, #tpu.memory_space<vmem>> -> memref<64xi32, #tpu.memory_space<vmem>>
        %dma_wait3A_235 = arith.constant 0 : i32
        %dma_wait3A_236 = arith.constant 0 : i32
        %dma_wait3A_237 = tpu.memref_slice %arg12[%dma_wait3A_235, %dma_wait3A_236] : memref<10112x128xf32, #tpu.memory_space<vmem_shared>> -> memref<10112x128xf32, #tpu.memory_space<vmem_shared>>
        tpu.wait_indirect_dma semaphore(%arg14 : memref<!tpu.dma_semaphore, #tpu.memory_space<semaphore_mem>>) src(%dma_wait3A_231 : memref<64x128xf32, #tpu.memory_space<vmem>>) dst(%dma_wait3A_237 : memref<10112x128xf32, #tpu.memory_space<vmem_shared>>)
        %dma_start3A_238 = arith.constant 6 : i32
        %dma_start3A_239 = arith.constant 1 : i32
        %dma_start3A_240 = arith.constant 0 : i32
        %dma_start3A_241 = arith.constant 0 : i32
        %dma_start3A_242 = tpu.memref_slice %arg11[%dma_start3A_239, %dma_start3A_240, %dma_start3A_241] : memref<5x64x128xf32, #tpu.memory_space<vmem>> -> memref<1x64x128xf32, #tpu.memory_space<vmem>>
        %dma_start3A_243 = tpu.memref_squeeze %dma_start3A_242 : memref<1x64x128xf32, #tpu.memory_space<vmem>> -> memref<64x128xf32, #tpu.memory_space<vmem>>
        %dma_start3A_244 = arith.constant 0 : i32
        %dma_start3A_245 = tpu.memref_slice %arg9[%rem3A_35, %dma_start3A_238, %dma_start3A_244] : memref<2x8x64xi32, #tpu.memory_space<vmem>> -> memref<1x1x64xi32, #tpu.memory_space<vmem>>
        %dma_start3A_246 = tpu.memref_squeeze %dma_start3A_245 : memref<1x1x64xi32, #tpu.memory_space<vmem>> -> memref<64xi32, #tpu.memory_space<vmem>>
        %dma_start3A_247 = arith.constant 0 : i32
        %dma_start3A_248 = arith.constant 0 : i32
        %dma_start3A_249 = tpu.memref_slice %arg3[%dma_start3A_247, %dma_start3A_248] : memref<10000x128xf32, #tpu.memory_space<hbm>> -> memref<10000x128xf32, #tpu.memory_space<hbm>>
        tpu.enqueue_indirect_dma source(%dma_start3A_249 : memref<10000x128xf32, #tpu.memory_space<hbm>>) target(%dma_start3A_243 : memref<64x128xf32, #tpu.memory_space<vmem>>) offsets(%dma_start3A_246 : memref<64xi32, #tpu.memory_space<vmem>>) semaphore(%arg13 : memref<!tpu.dma_semaphore, #tpu.memory_space<semaphore_mem>>)
        %dma_wait3A_250 = arith.constant 3 : i32
        %dma_wait3A_251 = arith.constant 3 : i32
        %dma_wait3A_252 = arith.constant 0 : i32
        %dma_wait3A_253 = arith.constant 0 : i32
        %dma_wait3A_254 = tpu.memref_slice %arg11[%dma_wait3A_251, %dma_wait3A_252, %dma_wait3A_253] : memref<5x64x128xf32, #tpu.memory_space<vmem>> -> memref<1x64x128xf32, #tpu.memory_space<vmem>>
        %dma_wait3A_255 = tpu.memref_squeeze %dma_wait3A_254 : memref<1x64x128xf32, #tpu.memory_space<vmem>> -> memref<64x128xf32, #tpu.memory_space<vmem>>
        %dma_wait3A_256 = arith.constant 0 : i32
        %dma_wait3A_257 = tpu.memref_slice %arg9[%rem3A_35, %dma_wait3A_250, %dma_wait3A_256] : memref<2x8x64xi32, #tpu.memory_space<vmem>> -> memref<1x1x64xi32, #tpu.memory_space<vmem>>
        %dma_wait3A_258 = tpu.memref_squeeze %dma_wait3A_257 : memref<1x1x64xi32, #tpu.memory_space<vmem>> -> memref<64xi32, #tpu.memory_space<vmem>>
        %dma_wait3A_259 = arith.constant 0 : i32
        %dma_wait3A_260 = arith.constant 0 : i32
        %dma_wait3A_261 = tpu.memref_slice %arg3[%dma_wait3A_259, %dma_wait3A_260] : memref<10000x128xf32, #tpu.memory_space<hbm>> -> memref<10000x128xf32, #tpu.memory_space<hbm>>
        tpu.wait_indirect_dma semaphore(%arg13 : memref<!tpu.dma_semaphore, #tpu.memory_space<semaphore_mem>>) src(%dma_wait3A_261 : memref<10000x128xf32, #tpu.memory_space<hbm>>) dst(%dma_wait3A_255 : memref<64x128xf32, #tpu.memory_space<vmem>>)
        %dma_start3A_262 = arith.constant 3 : i32
        %dma_start3A_263 = arith.constant 3 : i32
        %dma_start3A_264 = arith.constant 0 : i32
        %dma_start3A_265 = arith.constant 0 : i32
        %dma_start3A_266 = tpu.memref_slice %arg11[%dma_start3A_262, %dma_start3A_264, %dma_start3A_265] : memref<5x64x128xf32, #tpu.memory_space<vmem>> -> memref<1x64x128xf32, #tpu.memory_space<vmem>>
        %dma_start3A_267 = tpu.memref_squeeze %dma_start3A_266 : memref<1x64x128xf32, #tpu.memory_space<vmem>> -> memref<64x128xf32, #tpu.memory_space<vmem>>
        %dma_start3A_268 = arith.constant 0 : i32
        %dma_start3A_269 = tpu.memref_slice %arg10[%rem3A_35, %dma_start3A_263, %dma_start3A_268] : memref<2x8x64xi32, #tpu.memory_space<vmem>> -> memref<1x1x64xi32, #tpu.memory_space<vmem>>
        %dma_start3A_270 = tpu.memref_squeeze %dma_start3A_269 : memref<1x1x64xi32, #tpu.memory_space<vmem>> -> memref<64xi32, #tpu.memory_space<vmem>>
        %dma_start3A_271 = arith.constant 0 : i32
        %dma_start3A_272 = arith.constant 0 : i32
        %dma_start3A_273 = tpu.memref_slice %arg12[%dma_start3A_271, %dma_start3A_272] : memref<10112x128xf32, #tpu.memory_space<vmem_shared>> -> memref<10112x128xf32, #tpu.memory_space<vmem_shared>>
        tpu.enqueue_indirect_dma source(%dma_start3A_267 : memref<64x128xf32, #tpu.memory_space<vmem>>) target(%dma_start3A_273 : memref<10112x128xf32, #tpu.memory_space<vmem_shared>>) offsets(%dma_start3A_270 : memref<64xi32, #tpu.memory_space<vmem>>) semaphore(%arg14 : memref<!tpu.dma_semaphore, #tpu.memory_space<semaphore_mem>>) {add = true}
        %dma_wait3A_274 = arith.constant 2 : i32
        %dma_wait3A_275 = arith.constant 2 : i32
        %dma_wait3A_276 = arith.constant 0 : i32
        %dma_wait3A_277 = arith.constant 0 : i32
        %dma_wait3A_278 = tpu.memref_slice %arg11[%dma_wait3A_274, %dma_wait3A_276, %dma_wait3A_277] : memref<5x64x128xf32, #tpu.memory_space<vmem>> -> memref<1x64x128xf32, #tpu.memory_space<vmem>>
        %dma_wait3A_279 = tpu.memref_squeeze %dma_wait3A_278 : memref<1x64x128xf32, #tpu.memory_space<vmem>> -> memref<64x128xf32, #tpu.memory_space<vmem>>
        %dma_wait3A_280 = arith.constant 0 : i32
        %dma_wait3A_281 = tpu.memref_slice %arg10[%rem3A_35, %dma_wait3A_275, %dma_wait3A_280] : memref<2x8x64xi32, #tpu.memory_space<vmem>> -> memref<1x1x64xi32, #tpu.memory_space<vmem>>
        %dma_wait3A_282 = tpu.memref_squeeze %dma_wait3A_281 : memref<1x1x64xi32, #tpu.memory_space<vmem>> -> memref<64xi32, #tpu.memory_space<vmem>>
        %dma_wait3A_283 = arith.constant 0 : i32
        %dma_wait3A_284 = arith.constant 0 : i32
        %dma_wait3A_285 = tpu.memref_slice %arg12[%dma_wait3A_283, %dma_wait3A_284] : memref<10112x128xf32, #tpu.memory_space<vmem_shared>> -> memref<10112x128xf32, #tpu.memory_space<vmem_shared>>
        tpu.wait_indirect_dma semaphore(%arg14 : memref<!tpu.dma_semaphore, #tpu.memory_space<semaphore_mem>>) src(%dma_wait3A_279 : memref<64x128xf32, #tpu.memory_space<vmem>>) dst(%dma_wait3A_285 : memref<10112x128xf32, #tpu.memory_space<vmem_shared>>)
        %dma_start3A_286 = arith.constant 7 : i32
        %dma_start3A_287 = arith.constant 2 : i32
        %dma_start3A_288 = arith.constant 0 : i32
        %dma_start3A_289 = arith.constant 0 : i32
        %dma_start3A_290 = tpu.memref_slice %arg11[%dma_start3A_287, %dma_start3A_288, %dma_start3A_289] : memref<5x64x128xf32, #tpu.memory_space<vmem>> -> memref<1x64x128xf32, #tpu.memory_space<vmem>>
        %dma_start3A_291 = tpu.memref_squeeze %dma_start3A_290 : memref<1x64x128xf32, #tpu.memory_space<vmem>> -> memref<64x128xf32, #tpu.memory_space<vmem>>
        %dma_start3A_292 = arith.constant 0 : i32
        %dma_start3A_293 = tpu.memref_slice %arg9[%rem3A_35, %dma_start3A_286, %dma_start3A_292] : memref<2x8x64xi32, #tpu.memory_space<vmem>> -> memref<1x1x64xi32, #tpu.memory_space<vmem>>
        %dma_start3A_294 = tpu.memref_squeeze %dma_start3A_293 : memref<1x1x64xi32, #tpu.memory_space<vmem>> -> memref<64xi32, #tpu.memory_space<vmem>>
        %dma_start3A_295 = arith.constant 0 : i32
        %dma_start3A_296 = arith.constant 0 : i32
        %dma_start3A_297 = tpu.memref_slice %arg3[%dma_start3A_295, %dma_start3A_296] : memref<10000x128xf32, #tpu.memory_space<hbm>> -> memref<10000x128xf32, #tpu.memory_space<hbm>>
        tpu.enqueue_indirect_dma source(%dma_start3A_297 : memref<10000x128xf32, #tpu.memory_space<hbm>>) target(%dma_start3A_291 : memref<64x128xf32, #tpu.memory_space<vmem>>) offsets(%dma_start3A_294 : memref<64xi32, #tpu.memory_space<vmem>>) semaphore(%arg13 : memref<!tpu.dma_semaphore, #tpu.memory_space<semaphore_mem>>)
        %dma_wait3A_298 = arith.constant 4 : i32
        %dma_wait3A_299 = arith.constant 4 : i32
        %dma_wait3A_300 = arith.constant 0 : i32
        %dma_wait3A_301 = arith.constant 0 : i32
        %dma_wait3A_302 = tpu.memref_slice %arg11[%dma_wait3A_299, %dma_wait3A_300, %dma_wait3A_301] : memref<5x64x128xf32, #tpu.memory_space<vmem>> -> memref<1x64x128xf32, #tpu.memory_space<vmem>>
        %dma_wait3A_303 = tpu.memref_squeeze %dma_wait3A_302 : memref<1x64x128xf32, #tpu.memory_space<vmem>> -> memref<64x128xf32, #tpu.memory_space<vmem>>
        %dma_wait3A_304 = arith.constant 0 : i32
        %dma_wait3A_305 = tpu.memref_slice %arg9[%rem3A_35, %dma_wait3A_298, %dma_wait3A_304] : memref<2x8x64xi32, #tpu.memory_space<vmem>> -> memref<1x1x64xi32, #tpu.memory_space<vmem>>
        %dma_wait3A_306 = tpu.memref_squeeze %dma_wait3A_305 : memref<1x1x64xi32, #tpu.memory_space<vmem>> -> memref<64xi32, #tpu.memory_space<vmem>>
        %dma_wait3A_307 = arith.constant 0 : i32
        %dma_wait3A_308 = arith.constant 0 : i32
        %dma_wait3A_309 = tpu.memref_slice %arg3[%dma_wait3A_307, %dma_wait3A_308] : memref<10000x128xf32, #tpu.memory_space<hbm>> -> memref<10000x128xf32, #tpu.memory_space<hbm>>
        tpu.wait_indirect_dma semaphore(%arg13 : memref<!tpu.dma_semaphore, #tpu.memory_space<semaphore_mem>>) src(%dma_wait3A_309 : memref<10000x128xf32, #tpu.memory_space<hbm>>) dst(%dma_wait3A_303 : memref<64x128xf32, #tpu.memory_space<vmem>>)
        %dma_start3A_310 = arith.constant 4 : i32
        %dma_start3A_311 = arith.constant 4 : i32
        %dma_start3A_312 = arith.constant 0 : i32
        %dma_start3A_313 = arith.constant 0 : i32
        %dma_start3A_314 = tpu.memref_slice %arg11[%dma_start3A_310, %dma_start3A_312, %dma_start3A_313] : memref<5x64x128xf32, #tpu.memory_space<vmem>> -> memref<1x64x128xf32, #tpu.memory_space<vmem>>
        %dma_start3A_315 = tpu.memref_squeeze %dma_start3A_314 : memref<1x64x128xf32, #tpu.memory_space<vmem>> -> memref<64x128xf32, #tpu.memory_space<vmem>>
        %dma_start3A_316 = arith.constant 0 : i32
        %dma_start3A_317 = tpu.memref_slice %arg10[%rem3A_35, %dma_start3A_311, %dma_start3A_316] : memref<2x8x64xi32, #tpu.memory_space<vmem>> -> memref<1x1x64xi32, #tpu.memory_space<vmem>>
        %dma_start3A_318 = tpu.memref_squeeze %dma_start3A_317 : memref<1x1x64xi32, #tpu.memory_space<vmem>> -> memref<64xi32, #tpu.memory_space<vmem>>
        %dma_start3A_319 = arith.constant 0 : i32
        %dma_start3A_320 = arith.constant 0 : i32
        %dma_start3A_321 = tpu.memref_slice %arg12[%dma_start3A_319, %dma_start3A_320] : memref<10112x128xf32, #tpu.memory_space<vmem_shared>> -> memref<10112x128xf32, #tpu.memory_space<vmem_shared>>
        tpu.enqueue_indirect_dma source(%dma_start3A_315 : memref<64x128xf32, #tpu.memory_space<vmem>>) target(%dma_start3A_321 : memref<10112x128xf32, #tpu.memory_space<vmem_shared>>) offsets(%dma_start3A_318 : memref<64xi32, #tpu.memory_space<vmem>>) semaphore(%arg14 : memref<!tpu.dma_semaphore, #tpu.memory_space<semaphore_mem>>) {add = true}
        %dma_wait3A_322 = arith.constant 5 : i32
        %dma_wait3A_323 = arith.constant 0 : i32
        %dma_wait3A_324 = arith.constant 0 : i32
        %dma_wait3A_325 = arith.constant 0 : i32
        %dma_wait3A_326 = tpu.memref_slice %arg11[%dma_wait3A_323, %dma_wait3A_324, %dma_wait3A_325] : memref<5x64x128xf32, #tpu.memory_space<vmem>> -> memref<1x64x128xf32, #tpu.memory_space<vmem>>
        %dma_wait3A_327 = tpu.memref_squeeze %dma_wait3A_326 : memref<1x64x128xf32, #tpu.memory_space<vmem>> -> memref<64x128xf32, #tpu.memory_space<vmem>>
        %dma_wait3A_328 = arith.constant 0 : i32
        %dma_wait3A_329 = tpu.memref_slice %arg9[%rem3A_35, %dma_wait3A_322, %dma_wait3A_328] : memref<2x8x64xi32, #tpu.memory_space<vmem>> -> memref<1x1x64xi32, #tpu.memory_space<vmem>>
        %dma_wait3A_330 = tpu.memref_squeeze %dma_wait3A_329 : memref<1x1x64xi32, #tpu.memory_space<vmem>> -> memref<64xi32, #tpu.memory_space<vmem>>
        %dma_wait3A_331 = arith.constant 0 : i32
        %dma_wait3A_332 = arith.constant 0 : i32
        %dma_wait3A_333 = tpu.memref_slice %arg3[%dma_wait3A_331, %dma_wait3A_332] : memref<10000x128xf32, #tpu.memory_space<hbm>> -> memref<10000x128xf32, #tpu.memory_space<hbm>>
        tpu.wait_indirect_dma semaphore(%arg13 : memref<!tpu.dma_semaphore, #tpu.memory_space<semaphore_mem>>) src(%dma_wait3A_333 : memref<10000x128xf32, #tpu.memory_space<hbm>>) dst(%dma_wait3A_327 : memref<64x128xf32, #tpu.memory_space<vmem>>)
        %dma_start3A_334 = arith.constant 0 : i32
        %dma_start3A_335 = arith.constant 5 : i32
        %dma_start3A_336 = arith.constant 0 : i32
        %dma_start3A_337 = arith.constant 0 : i32
        %dma_start3A_338 = tpu.memref_slice %arg11[%dma_start3A_334, %dma_start3A_336, %dma_start3A_337] : memref<5x64x128xf32, #tpu.memory_space<vmem>> -> memref<1x64x128xf32, #tpu.memory_space<vmem>>
        %dma_start3A_339 = tpu.memref_squeeze %dma_start3A_338 : memref<1x64x128xf32, #tpu.memory_space<vmem>> -> memref<64x128xf32, #tpu.memory_space<vmem>>
        %dma_start3A_340 = arith.constant 0 : i32
        %dma_start3A_341 = tpu.memref_slice %arg10[%rem3A_35, %dma_start3A_335, %dma_start3A_340] : memref<2x8x64xi32, #tpu.memory_space<vmem>> -> memref<1x1x64xi32, #tpu.memory_space<vmem>>
        %dma_start3A_342 = tpu.memref_squeeze %dma_start3A_341 : memref<1x1x64xi32, #tpu.memory_space<vmem>> -> memref<64xi32, #tpu.memory_space<vmem>>
        %dma_start3A_343 = arith.constant 0 : i32
        %dma_start3A_344 = arith.constant 0 : i32
        %dma_start3A_345 = tpu.memref_slice %arg12[%dma_start3A_343, %dma_start3A_344] : memref<10112x128xf32, #tpu.memory_space<vmem_shared>> -> memref<10112x128xf32, #tpu.memory_space<vmem_shared>>
        tpu.enqueue_indirect_dma source(%dma_start3A_339 : memref<64x128xf32, #tpu.memory_space<vmem>>) target(%dma_start3A_345 : memref<10112x128xf32, #tpu.memory_space<vmem_shared>>) offsets(%dma_start3A_342 : memref<64xi32, #tpu.memory_space<vmem>>) semaphore(%arg14 : memref<!tpu.dma_semaphore, #tpu.memory_space<semaphore_mem>>) {add = true}
        %dma_wait3A_346 = arith.constant 6 : i32
        %dma_wait3A_347 = arith.constant 1 : i32
        %dma_wait3A_348 = arith.constant 0 : i32
        %dma_wait3A_349 = arith.constant 0 : i32
        %dma_wait3A_350 = tpu.memref_slice %arg11[%dma_wait3A_347, %dma_wait3A_348, %dma_wait3A_349] : memref<5x64x128xf32, #tpu.memory_space<vmem>> -> memref<1x64x128xf32, #tpu.memory_space<vmem>>
        %dma_wait3A_351 = tpu.memref_squeeze %dma_wait3A_350 : memref<1x64x128xf32, #tpu.memory_space<vmem>> -> memref<64x128xf32, #tpu.memory_space<vmem>>
        %dma_wait3A_352 = arith.constant 0 : i32
        %dma_wait3A_353 = tpu.memref_slice %arg9[%rem3A_35, %dma_wait3A_346, %dma_wait3A_352] : memref<2x8x64xi32, #tpu.memory_space<vmem>> -> memref<1x1x64xi32, #tpu.memory_space<vmem>>
        %dma_wait3A_354 = tpu.memref_squeeze %dma_wait3A_353 : memref<1x1x64xi32, #tpu.memory_space<vmem>> -> memref<64xi32, #tpu.memory_space<vmem>>
        %dma_wait3A_355 = arith.constant 0 : i32
        %dma_wait3A_356 = arith.constant 0 : i32
        %dma_wait3A_357 = tpu.memref_slice %arg3[%dma_wait3A_355, %dma_wait3A_356] : memref<10000x128xf32, #tpu.memory_space<hbm>> -> memref<10000x128xf32, #tpu.memory_space<hbm>>
        tpu.wait_indirect_dma semaphore(%arg13 : memref<!tpu.dma_semaphore, #tpu.memory_space<semaphore_mem>>) src(%dma_wait3A_357 : memref<10000x128xf32, #tpu.memory_space<hbm>>) dst(%dma_wait3A_351 : memref<64x128xf32, #tpu.memory_space<vmem>>)
        %dma_start3A_358 = arith.constant 1 : i32
        %dma_start3A_359 = arith.constant 6 : i32
        %dma_start3A_360 = arith.constant 0 : i32
        %dma_start3A_361 = arith.constant 0 : i32
        %dma_start3A_362 = tpu.memref_slice %arg11[%dma_start3A_358, %dma_start3A_360, %dma_start3A_361] : memref<5x64x128xf32, #tpu.memory_space<vmem>> -> memref<1x64x128xf32, #tpu.memory_space<vmem>>
        %dma_start3A_363 = tpu.memref_squeeze %dma_start3A_362 : memref<1x64x128xf32, #tpu.memory_space<vmem>> -> memref<64x128xf32, #tpu.memory_space<vmem>>
        %dma_start3A_364 = arith.constant 0 : i32
        %dma_start3A_365 = tpu.memref_slice %arg10[%rem3A_35, %dma_start3A_359, %dma_start3A_364] : memref<2x8x64xi32, #tpu.memory_space<vmem>> -> memref<1x1x64xi32, #tpu.memory_space<vmem>>
        %dma_start3A_366 = tpu.memref_squeeze %dma_start3A_365 : memref<1x1x64xi32, #tpu.memory_space<vmem>> -> memref<64xi32, #tpu.memory_space<vmem>>
        %dma_start3A_367 = arith.constant 0 : i32
        %dma_start3A_368 = arith.constant 0 : i32
        %dma_start3A_369 = tpu.memref_slice %arg12[%dma_start3A_367, %dma_start3A_368] : memref<10112x128xf32, #tpu.memory_space<vmem_shared>> -> memref<10112x128xf32, #tpu.memory_space<vmem_shared>>
        tpu.enqueue_indirect_dma source(%dma_start3A_363 : memref<64x128xf32, #tpu.memory_space<vmem>>) target(%dma_start3A_369 : memref<10112x128xf32, #tpu.memory_space<vmem_shared>>) offsets(%dma_start3A_366 : memref<64xi32, #tpu.memory_space<vmem>>) semaphore(%arg14 : memref<!tpu.dma_semaphore, #tpu.memory_space<semaphore_mem>>) {add = true}
        %dma_wait3A_370 = arith.constant 7 : i32
        %dma_wait3A_371 = arith.constant 2 : i32
        %dma_wait3A_372 = arith.constant 0 : i32
        %dma_wait3A_373 = arith.constant 0 : i32
        %dma_wait3A_374 = tpu.memref_slice %arg11[%dma_wait3A_371, %dma_wait3A_372, %dma_wait3A_373] : memref<5x64x128xf32, #tpu.memory_space<vmem>> -> memref<1x64x128xf32, #tpu.memory_space<vmem>>
        %dma_wait3A_375 = tpu.memref_squeeze %dma_wait3A_374 : memref<1x64x128xf32, #tpu.memory_space<vmem>> -> memref<64x128xf32, #tpu.memory_space<vmem>>
        %dma_wait3A_376 = arith.constant 0 : i32
        %dma_wait3A_377 = tpu.memref_slice %arg9[%rem3A_35, %dma_wait3A_370, %dma_wait3A_376] : memref<2x8x64xi32, #tpu.memory_space<vmem>> -> memref<1x1x64xi32, #tpu.memory_space<vmem>>
        %dma_wait3A_378 = tpu.memref_squeeze %dma_wait3A_377 : memref<1x1x64xi32, #tpu.memory_space<vmem>> -> memref<64xi32, #tpu.memory_space<vmem>>
        %dma_wait3A_379 = arith.constant 0 : i32
        %dma_wait3A_380 = arith.constant 0 : i32
        %dma_wait3A_381 = tpu.memref_slice %arg3[%dma_wait3A_379, %dma_wait3A_380] : memref<10000x128xf32, #tpu.memory_space<hbm>> -> memref<10000x128xf32, #tpu.memory_space<hbm>>
        tpu.wait_indirect_dma semaphore(%arg13 : memref<!tpu.dma_semaphore, #tpu.memory_space<semaphore_mem>>) src(%dma_wait3A_381 : memref<10000x128xf32, #tpu.memory_space<hbm>>) dst(%dma_wait3A_375 : memref<64x128xf32, #tpu.memory_space<vmem>>)
        %dma_start3A_382 = arith.constant 2 : i32
        %dma_start3A_383 = arith.constant 7 : i32
        %dma_start3A_384 = arith.constant 0 : i32
        %dma_start3A_385 = arith.constant 0 : i32
        %dma_start3A_386 = tpu.memref_slice %arg11[%dma_start3A_382, %dma_start3A_384, %dma_start3A_385] : memref<5x64x128xf32, #tpu.memory_space<vmem>> -> memref<1x64x128xf32, #tpu.memory_space<vmem>>
        %dma_start3A_387 = tpu.memref_squeeze %dma_start3A_386 : memref<1x64x128xf32, #tpu.memory_space<vmem>> -> memref<64x128xf32, #tpu.memory_space<vmem>>
        %dma_start3A_388 = arith.constant 0 : i32
        %dma_start3A_389 = tpu.memref_slice %arg10[%rem3A_35, %dma_start3A_383, %dma_start3A_388] : memref<2x8x64xi32, #tpu.memory_space<vmem>> -> memref<1x1x64xi32, #tpu.memory_space<vmem>>
        %dma_start3A_390 = tpu.memref_squeeze %dma_start3A_389 : memref<1x1x64xi32, #tpu.memory_space<vmem>> -> memref<64xi32, #tpu.memory_space<vmem>>
        %dma_start3A_391 = arith.constant 0 : i32
        %dma_start3A_392 = arith.constant 0 : i32
        %dma_start3A_393 = tpu.memref_slice %arg12[%dma_start3A_391, %dma_start3A_392] : memref<10112x128xf32, #tpu.memory_space<vmem_shared>> -> memref<10112x128xf32, #tpu.memory_space<vmem_shared>>
        tpu.enqueue_indirect_dma source(%dma_start3A_387 : memref<64x128xf32, #tpu.memory_space<vmem>>) target(%dma_start3A_393 : memref<10112x128xf32, #tpu.memory_space<vmem_shared>>) offsets(%dma_start3A_390 : memref<64xi32, #tpu.memory_space<vmem>>) semaphore(%arg14 : memref<!tpu.dma_semaphore, #tpu.memory_space<semaphore_mem>>) {add = true}
        %dma_wait3A_394 = arith.constant 3 : i32
        %dma_wait3A_395 = arith.constant 3 : i32
        %dma_wait3A_396 = arith.constant 0 : i32
        %dma_wait3A_397 = arith.constant 0 : i32
        %dma_wait3A_398 = tpu.memref_slice %arg11[%dma_wait3A_394, %dma_wait3A_396, %dma_wait3A_397] : memref<5x64x128xf32, #tpu.memory_space<vmem>> -> memref<1x64x128xf32, #tpu.memory_space<vmem>>
        %dma_wait3A_399 = tpu.memref_squeeze %dma_wait3A_398 : memref<1x64x128xf32, #tpu.memory_space<vmem>> -> memref<64x128xf32, #tpu.memory_space<vmem>>
        %dma_wait3A_400 = arith.constant 0 : i32
        %dma_wait3A_401 = tpu.memref_slice %arg10[%rem3A_35, %dma_wait3A_395, %dma_wait3A_400] : memref<2x8x64xi32, #tpu.memory_space<vmem>> -> memref<1x1x64xi32, #tpu.memory_space<vmem>>
        %dma_wait3A_402 = tpu.memref_squeeze %dma_wait3A_401 : memref<1x1x64xi32, #tpu.memory_space<vmem>> -> memref<64xi32, #tpu.memory_space<vmem>>
        %dma_wait3A_403 = arith.constant 0 : i32
        %dma_wait3A_404 = arith.constant 0 : i32
        %dma_wait3A_405 = tpu.memref_slice %arg12[%dma_wait3A_403, %dma_wait3A_404] : memref<10112x128xf32, #tpu.memory_space<vmem_shared>> -> memref<10112x128xf32, #tpu.memory_space<vmem_shared>>
        tpu.wait_indirect_dma semaphore(%arg14 : memref<!tpu.dma_semaphore, #tpu.memory_space<semaphore_mem>>) src(%dma_wait3A_399 : memref<64x128xf32, #tpu.memory_space<vmem>>) dst(%dma_wait3A_405 : memref<10112x128xf32, #tpu.memory_space<vmem_shared>>)
        %dma_wait3A_406 = arith.constant 4 : i32
        %dma_wait3A_407 = arith.constant 4 : i32
        %dma_wait3A_408 = arith.constant 0 : i32
        %dma_wait3A_409 = arith.constant 0 : i32
        %dma_wait3A_410 = tpu.memref_slice %arg11[%dma_wait3A_406, %dma_wait3A_408, %dma_wait3A_409] : memref<5x64x128xf32, #tpu.memory_space<vmem>> -> memref<1x64x128xf32, #tpu.memory_space<vmem>>
        %dma_wait3A_411 = tpu.memref_squeeze %dma_wait3A_410 : memref<1x64x128xf32, #tpu.memory_space<vmem>> -> memref<64x128xf32, #tpu.memory_space<vmem>>
        %dma_wait3A_412 = arith.constant 0 : i32
        %dma_wait3A_413 = tpu.memref_slice %arg10[%rem3A_35, %dma_wait3A_407, %dma_wait3A_412] : memref<2x8x64xi32, #tpu.memory_space<vmem>> -> memref<1x1x64xi32, #tpu.memory_space<vmem>>
        %dma_wait3A_414 = tpu.memref_squeeze %dma_wait3A_413 : memref<1x1x64xi32, #tpu.memory_space<vmem>> -> memref<64xi32, #tpu.memory_space<vmem>>
        %dma_wait3A_415 = arith.constant 0 : i32
        %dma_wait3A_416 = arith.constant 0 : i32
        %dma_wait3A_417 = tpu.memref_slice %arg12[%dma_wait3A_415, %dma_wait3A_416] : memref<10112x128xf32, #tpu.memory_space<vmem_shared>> -> memref<10112x128xf32, #tpu.memory_space<vmem_shared>>
        tpu.wait_indirect_dma semaphore(%arg14 : memref<!tpu.dma_semaphore, #tpu.memory_space<semaphore_mem>>) src(%dma_wait3A_411 : memref<64x128xf32, #tpu.memory_space<vmem>>) dst(%dma_wait3A_417 : memref<10112x128xf32, #tpu.memory_space<vmem_shared>>)
        %dma_wait3A_418 = arith.constant 0 : i32
        %dma_wait3A_419 = arith.constant 5 : i32
        %dma_wait3A_420 = arith.constant 0 : i32
        %dma_wait3A_421 = arith.constant 0 : i32
        %dma_wait3A_422 = tpu.memref_slice %arg11[%dma_wait3A_418, %dma_wait3A_420, %dma_wait3A_421] : memref<5x64x128xf32, #tpu.memory_space<vmem>> -> memref<1x64x128xf32, #tpu.memory_space<vmem>>
        %dma_wait3A_423 = tpu.memref_squeeze %dma_wait3A_422 : memref<1x64x128xf32, #tpu.memory_space<vmem>> -> memref<64x128xf32, #tpu.memory_space<vmem>>
        %dma_wait3A_424 = arith.constant 0 : i32
        %dma_wait3A_425 = tpu.memref_slice %arg10[%rem3A_35, %dma_wait3A_419, %dma_wait3A_424] : memref<2x8x64xi32, #tpu.memory_space<vmem>> -> memref<1x1x64xi32, #tpu.memory_space<vmem>>
        %dma_wait3A_426 = tpu.memref_squeeze %dma_wait3A_425 : memref<1x1x64xi32, #tpu.memory_space<vmem>> -> memref<64xi32, #tpu.memory_space<vmem>>
        %dma_wait3A_427 = arith.constant 0 : i32
        %dma_wait3A_428 = arith.constant 0 : i32
        %dma_wait3A_429 = tpu.memref_slice %arg12[%dma_wait3A_427, %dma_wait3A_428] : memref<10112x128xf32, #tpu.memory_space<vmem_shared>> -> memref<10112x128xf32, #tpu.memory_space<vmem_shared>>
        tpu.wait_indirect_dma semaphore(%arg14 : memref<!tpu.dma_semaphore, #tpu.memory_space<semaphore_mem>>) src(%dma_wait3A_423 : memref<64x128xf32, #tpu.memory_space<vmem>>) dst(%dma_wait3A_429 : memref<10112x128xf32, #tpu.memory_space<vmem_shared>>)
        %dma_wait3A_430 = arith.constant 1 : i32
        %dma_wait3A_431 = arith.constant 6 : i32
        %dma_wait3A_432 = arith.constant 0 : i32
        %dma_wait3A_433 = arith.constant 0 : i32
        %dma_wait3A_434 = tpu.memref_slice %arg11[%dma_wait3A_430, %dma_wait3A_432, %dma_wait3A_433] : memref<5x64x128xf32, #tpu.memory_space<vmem>> -> memref<1x64x128xf32, #tpu.memory_space<vmem>>
        %dma_wait3A_435 = tpu.memref_squeeze %dma_wait3A_434 : memref<1x64x128xf32, #tpu.memory_space<vmem>> -> memref<64x128xf32, #tpu.memory_space<vmem>>
        %dma_wait3A_436 = arith.constant 0 : i32
        %dma_wait3A_437 = tpu.memref_slice %arg10[%rem3A_35, %dma_wait3A_431, %dma_wait3A_436] : memref<2x8x64xi32, #tpu.memory_space<vmem>> -> memref<1x1x64xi32, #tpu.memory_space<vmem>>
        %dma_wait3A_438 = tpu.memref_squeeze %dma_wait3A_437 : memref<1x1x64xi32, #tpu.memory_space<vmem>> -> memref<64xi32, #tpu.memory_space<vmem>>
        %dma_wait3A_439 = arith.constant 0 : i32
        %dma_wait3A_440 = arith.constant 0 : i32
        %dma_wait3A_441 = tpu.memref_slice %arg12[%dma_wait3A_439, %dma_wait3A_440] : memref<10112x128xf32, #tpu.memory_space<vmem_shared>> -> memref<10112x128xf32, #tpu.memory_space<vmem_shared>>
        tpu.wait_indirect_dma semaphore(%arg14 : memref<!tpu.dma_semaphore, #tpu.memory_space<semaphore_mem>>) src(%dma_wait3A_435 : memref<64x128xf32, #tpu.memory_space<vmem>>) dst(%dma_wait3A_441 : memref<10112x128xf32, #tpu.memory_space<vmem_shared>>)
        %dma_wait3A_442 = arith.constant 2 : i32
        %dma_wait3A_443 = arith.constant 7 : i32
        %dma_wait3A_444 = arith.constant 0 : i32
        %dma_wait3A_445 = arith.constant 0 : i32
        %dma_wait3A_446 = tpu.memref_slice %arg11[%dma_wait3A_442, %dma_wait3A_444, %dma_wait3A_445] : memref<5x64x128xf32, #tpu.memory_space<vmem>> -> memref<1x64x128xf32, #tpu.memory_space<vmem>>
        %dma_wait3A_447 = tpu.memref_squeeze %dma_wait3A_446 : memref<1x64x128xf32, #tpu.memory_space<vmem>> -> memref<64x128xf32, #tpu.memory_space<vmem>>
        %dma_wait3A_448 = arith.constant 0 : i32
        %dma_wait3A_449 = tpu.memref_slice %arg10[%rem3A_35, %dma_wait3A_443, %dma_wait3A_448] : memref<2x8x64xi32, #tpu.memory_space<vmem>> -> memref<1x1x64xi32, #tpu.memory_space<vmem>>
        %dma_wait3A_450 = tpu.memref_squeeze %dma_wait3A_449 : memref<1x1x64xi32, #tpu.memory_space<vmem>> -> memref<64xi32, #tpu.memory_space<vmem>>
        %dma_wait3A_451 = arith.constant 0 : i32
        %dma_wait3A_452 = arith.constant 0 : i32
        %dma_wait3A_453 = tpu.memref_slice %arg12[%dma_wait3A_451, %dma_wait3A_452] : memref<10112x128xf32, #tpu.memory_space<vmem_shared>> -> memref<10112x128xf32, #tpu.memory_space<vmem_shared>>
        tpu.wait_indirect_dma semaphore(%arg14 : memref<!tpu.dma_semaphore, #tpu.memory_space<semaphore_mem>>) src(%dma_wait3A_447 : memref<64x128xf32, #tpu.memory_space<vmem>>) dst(%dma_wait3A_453 : memref<10112x128xf32, #tpu.memory_space<vmem_shared>>)
        %dma_wait3A_454 = arith.constant 0 : i32
        %dma_wait3A_455 = arith.constant 0 : i32
        %dma_wait3A_456 = tpu.memref_slice %arg9[%sub3A_42, %dma_wait3A_454, %dma_wait3A_455] : memref<2x8x64xi32, #tpu.memory_space<vmem>> -> memref<1x8x64xi32, #tpu.memory_space<vmem>>
        %dma_wait3A_457 = tpu.memref_squeeze %dma_wait3A_456 : memref<1x8x64xi32, #tpu.memory_space<vmem>> -> memref<8x64xi32, #tpu.memory_space<vmem>>
        %dma_wait3A_458 = arith.constant 0 : i32
        %dma_wait3A_459 = tpu.memref_slice %arg4[%add3A_41, %dma_wait3A_458] : memref<5120x64xi32, #tpu.memory_space<hbm>> -> memref<8x64xi32, #tpu.memory_space<hbm>>
        %dma_wait3A_460 = arith.constant 0 : i32
        %dma_wait3A_461 = arith.constant 0 : i32
        %dma_wait3A_462 = tpu.memref_slice %arg9[%sub3A_42, %dma_wait3A_460, %dma_wait3A_461] : memref<2x8x64xi32, #tpu.memory_space<vmem>> -> memref<1x8x64xi32, #tpu.memory_space<vmem>>
        %dma_wait3A_463 = tpu.memref_squeeze %dma_wait3A_462 : memref<1x8x64xi32, #tpu.memory_space<vmem>> -> memref<8x64xi32, #tpu.memory_space<vmem>>
        %dma_wait3A_464 = arith.constant 0 : i32
        %dma_wait3A_465 = tpu.memref_slice %arg4[%add3A_41, %dma_wait3A_464] : memref<5120x64xi32, #tpu.memory_space<hbm>> -> memref<8x64xi32, #tpu.memory_space<hbm>>
        tpu.wait_dma2 semaphore(%arg15 : memref<!tpu.dma_semaphore, #tpu.memory_space<semaphore_mem>>) src(%dma_wait3A_465 : memref<8x64xi32, #tpu.memory_space<hbm>>) dst(%dma_wait3A_463 : memref<8x64xi32, #tpu.memory_space<vmem>>)
        %dma_wait3A_466 = arith.constant 0 : i32
        %dma_wait3A_467 = arith.constant 0 : i32
        %dma_wait3A_468 = tpu.memref_slice %arg10[%sub3A_58, %dma_wait3A_466, %dma_wait3A_467] : memref<2x8x64xi32, #tpu.memory_space<vmem>> -> memref<1x8x64xi32, #tpu.memory_space<vmem>>
        %dma_wait3A_469 = tpu.memref_squeeze %dma_wait3A_468 : memref<1x8x64xi32, #tpu.memory_space<vmem>> -> memref<8x64xi32, #tpu.memory_space<vmem>>
        %dma_wait3A_470 = arith.constant 0 : i32
        %dma_wait3A_471 = tpu.memref_slice %arg5[%add3A_56, %dma_wait3A_470] : memref<5120x64xi32, #tpu.memory_space<hbm>> -> memref<8x64xi32, #tpu.memory_space<hbm>>
        %dma_wait3A_472 = arith.constant 0 : i32
        %dma_wait3A_473 = arith.constant 0 : i32
        %dma_wait3A_474 = tpu.memref_slice %arg10[%sub3A_58, %dma_wait3A_472, %dma_wait3A_473] : memref<2x8x64xi32, #tpu.memory_space<vmem>> -> memref<1x8x64xi32, #tpu.memory_space<vmem>>
        %dma_wait3A_475 = tpu.memref_squeeze %dma_wait3A_474 : memref<1x8x64xi32, #tpu.memory_space<vmem>> -> memref<8x64xi32, #tpu.memory_space<vmem>>
        %dma_wait3A_476 = arith.constant 0 : i32
        %dma_wait3A_477 = tpu.memref_slice %arg5[%add3A_56, %dma_wait3A_476] : memref<5120x64xi32, #tpu.memory_space<hbm>> -> memref<8x64xi32, #tpu.memory_space<hbm>>
        tpu.wait_dma2 semaphore(%arg15 : memref<!tpu.dma_semaphore, #tpu.memory_space<semaphore_mem>>) src(%dma_wait3A_477 : memref<8x64xi32, #tpu.memory_space<hbm>>) dst(%dma_wait3A_475 : memref<8x64xi32, #tpu.memory_space<vmem>>)
      }
      %scan3A_33 = arith.constant 20 : i32
    } else {
    }
    %barrier3A_17 = arith.constant 0 : index
    tpu.barrier barrier_id(%barrier3A_17)
    %eq3A_18 = arith.constant 0 : i32
    %eq3A_19 = arith.cmpi eq, %arg0, %eq3A_18 : i32
    %convert_element_type3A_20 = arith.extui %eq3A_19 : i1 to i32
    %cond3A_21 = arith.constant 0 : i32
    %cond3A_22 = arith.cmpi ne, %convert_element_type3A_20, %cond3A_21 : i32
    scf.if %cond3A_22 {
      %mul3A_28 = arith.constant 632 : i32
      %mul3A_29 = arith.muli %arg1, %mul3A_28 : i32
      %mul3A_30 = arith.constant 632 : i32
      %mul3A_31 = arith.muli %arg1, %mul3A_30 : i32
      "tpu.region"() ({
        %run_scoped3A = tpu.sem_alloc : memref<!tpu.dma_semaphore, #tpu.memory_space<semaphore_mem>>
        %dma_start3A = arith.constant 0 : i32
        %dma_start3A_32 = tpu.memref_slice %arg7[%mul3A_31, %dma_start3A] : memref<10112x128xf32, #tpu.memory_space<hbm>> -> memref<632x128xf32, #tpu.memory_space<hbm>>
        %dma_start3A_33 = arith.constant 0 : i32
        %dma_start3A_34 = tpu.memref_slice %arg12[%mul3A_29, %dma_start3A_33] : memref<10112x128xf32, #tpu.memory_space<vmem_shared>> -> memref<632x128xf32, #tpu.memory_space<vmem_shared>>
        tpu.enqueue_dma source(%dma_start3A_34 : memref<632x128xf32, #tpu.memory_space<vmem_shared>>) target(%dma_start3A_32 : memref<632x128xf32, #tpu.memory_space<hbm>>) target_semaphore(%run_scoped3A : memref<!tpu.dma_semaphore, #tpu.memory_space<semaphore_mem>>)
        %dma_wait3A = arith.constant 0 : i32
        %dma_wait3A_35 = tpu.memref_slice %arg7[%mul3A_31, %dma_wait3A] : memref<10112x128xf32, #tpu.memory_space<hbm>> -> memref<632x128xf32, #tpu.memory_space<hbm>>
        %dma_wait3A_36 = arith.constant 0 : i32
        %dma_wait3A_37 = tpu.memref_slice %arg12[%mul3A_29, %dma_wait3A_36] : memref<10112x128xf32, #tpu.memory_space<vmem_shared>> -> memref<632x128xf32, #tpu.memory_space<vmem_shared>>
        tpu.wait_dma2 semaphore(%run_scoped3A : memref<!tpu.dma_semaphore, #tpu.memory_space<semaphore_mem>>) src(%dma_wait3A_37 : memref<632x128xf32, #tpu.memory_space<vmem_shared>>) dst(%dma_wait3A_35 : memref<632x128xf32, #tpu.memory_space<hbm>>)
        tpu.yield
      }) : () -> ()
    } else {
    }
    %eq3A_23 = arith.constant 1 : i32
    %eq3A_24 = arith.cmpi eq, %arg0, %eq3A_23 : i32
    %convert_element_type3A_25 = arith.extui %eq3A_24 : i1 to i32
    %cond3A_26 = arith.constant 0 : i32
    %cond3A_27 = arith.cmpi ne, %convert_element_type3A_25, %cond3A_26 : i32
    scf.if %cond3A_27 {
      %mul3A_28 = arith.constant 632 : i32
      %mul3A_29 = arith.muli %arg1, %mul3A_28 : i32
      %mul3A_30 = arith.constant 632 : i32
      %mul3A_31 = arith.muli %arg1, %mul3A_30 : i32
      "tpu.region"() ({
        %run_scoped3A = tpu.sem_alloc : memref<!tpu.dma_semaphore, #tpu.memory_space<semaphore_mem>>
        %dma_start3A = arith.constant 0 : i32
        %dma_start3A_32 = tpu.memref_slice %arg8[%mul3A_31, %dma_start3A] : memref<10112x128xf32, #tpu.memory_space<hbm>> -> memref<632x128xf32, #tpu.memory_space<hbm>>
        %dma_start3A_33 = arith.constant 0 : i32
        %dma_start3A_34 = tpu.memref_slice %arg12[%mul3A_29, %dma_start3A_33] : memref<10112x128xf32, #tpu.memory_space<vmem_shared>> -> memref<632x128xf32, #tpu.memory_space<vmem_shared>>
        tpu.enqueue_dma source(%dma_start3A_34 : memref<632x128xf32, #tpu.memory_space<vmem_shared>>) target(%dma_start3A_32 : memref<632x128xf32, #tpu.memory_space<hbm>>) target_semaphore(%run_scoped3A : memref<!tpu.dma_semaphore, #tpu.memory_space<semaphore_mem>>)
        %dma_wait3A = arith.constant 0 : i32
        %dma_wait3A_35 = tpu.memref_slice %arg8[%mul3A_31, %dma_wait3A] : memref<10112x128xf32, #tpu.memory_space<hbm>> -> memref<632x128xf32, #tpu.memory_space<hbm>>
        %dma_wait3A_36 = arith.constant 0 : i32
        %dma_wait3A_37 = tpu.memref_slice %arg12[%mul3A_29, %dma_wait3A_36] : memref<10112x128xf32, #tpu.memory_space<vmem_shared>> -> memref<632x128xf32, #tpu.memory_space<vmem_shared>>
        tpu.wait_dma2 semaphore(%run_scoped3A : memref<!tpu.dma_semaphore, #tpu.memory_space<semaphore_mem>>) src(%dma_wait3A_37 : memref<632x128xf32, #tpu.memory_space<vmem_shared>>) dst(%dma_wait3A_35 : memref<632x128xf32, #tpu.memory_space<hbm>>)
        tpu.yield
      }) : () -> ()
    } else {
    }
    return
  }
}

module attributes {stable_mosaic.version = 14 : i64} {
  func.func @_tc_gates(%arg0: i32, %arg1: memref<2000x128xf32, #tpu.memory_space<vmem>>, %arg2: memref<2000x128xf32, #tpu.memory_space<vmem>>, %arg3: memref<2000x128xf32, #tpu.memory_space<vmem>>, %arg4: memref<128x256xf32, #tpu.memory_space<vmem>>, %arg5: memref<128x256xf32, #tpu.memory_space<vmem>>, %arg6: memref<1x256xf32, #tpu.memory_space<vmem>>, %arg7: memref<2000x128xf32, #tpu.memory_space<vmem>>, %arg8: memref<2000x128xf32, #tpu.memory_space<vmem>>) attributes {dimension_semantics = [#tpu.dimension_semantics<arbitrary>], iteration_bounds = array<i64: 5>, scalar_prefetch = 0 : i64, scratch_operands = 0 : i64, tpu.core_type = #tpu.core_type<tc>, window_params = [{transform_indices = @transform_0, window_bounds = array<i64: 2000, 128>}, {transform_indices = @transform_1, window_bounds = array<i64: 2000, 128>}, {transform_indices = @transform_2, window_bounds = array<i64: 2000, 128>}, {pipeline_mode = #tpu.pipeline_mode<synchronous>, transform_indices = @transform_3, window_bounds = array<i64: 128, 256>}, {pipeline_mode = #tpu.pipeline_mode<synchronous>, transform_indices = @transform_4, window_bounds = array<i64: 128, 256>}, {pipeline_mode = #tpu.pipeline_mode<synchronous>, transform_indices = @transform_5, window_bounds = array<i64: 1, 256>}, {transform_indices = @transform_6, window_bounds = array<i64: 2000, 128>}, {transform_indices = @transform_7, window_bounds = array<i64: 2000, 128>}]} {
    %get3A = arith.constant 0 : index
    %get3A_0 = arith.constant 0 : index
    %get3A_1 = vector.load %arg1[%get3A, %get3A_0] : memref<2000x128xf32, #tpu.memory_space<vmem>>, vector<2000x128xf32>
    %get3A_2 = arith.constant 0 : index
    %get3A_3 = arith.constant 0 : index
    %get3A_4 = vector.load %arg4[%get3A_2, %get3A_3] : memref<128x256xf32, #tpu.memory_space<vmem>>, vector<128x256xf32>
    %dot_general3A = arith.constant dense<0.000000e+00> : vector<2000x256xf32>
    %dot_general3A_5 = tpu.matmul %get3A_1, %get3A_4, %dot_general3A {dimension_numbers = #tpu.dot_dimension_numbers<[1], [0], [0], [1], [0, 0, 1, 1], [], []>, transpose_lhs_hint = false} : vector<2000x128xf32>, vector<128x256xf32>, vector<2000x256xf32> -> vector<2000x256xf32>
    %get3A_6 = arith.constant 0 : index
    %get3A_7 = arith.constant 0 : index
    %get3A_8 = vector.load %arg2[%get3A_6, %get3A_7] : memref<2000x128xf32, #tpu.memory_space<vmem>>, vector<2000x128xf32>
    %get3A_9 = arith.constant 0 : index
    %get3A_10 = arith.constant 0 : index
    %get3A_11 = vector.load %arg5[%get3A_9, %get3A_10] : memref<128x256xf32, #tpu.memory_space<vmem>>, vector<128x256xf32>
    %dot_general3A_12 = arith.constant dense<0.000000e+00> : vector<2000x256xf32>
    %dot_general3A_13 = tpu.matmul %get3A_8, %get3A_11, %dot_general3A_12 {dimension_numbers = #tpu.dot_dimension_numbers<[1], [0], [0], [1], [0, 0, 1, 1], [], []>, transpose_lhs_hint = false} : vector<2000x128xf32>, vector<128x256xf32>, vector<2000x256xf32> -> vector<2000x256xf32>
    %add3A = arith.addf %dot_general3A_5, %dot_general3A_13 : vector<2000x256xf32>
    %get3A_14 = arith.constant 0 : index
    %get3A_15 = arith.constant 0 : index
    %get3A_16 = vector.load %arg6[%get3A_14, %get3A_15] : memref<1x256xf32, #tpu.memory_space<vmem>>, vector<1x256xf32>
    %add3A_17 = vector.broadcast %get3A_16 : vector<1x256xf32> to vector<2000x256xf32>
    %add3A_18 = arith.addf %add3A, %add3A_17 : vector<2000x256xf32>
    %logistic3A = arith.negf %add3A_18 : vector<2000x256xf32>
    %logistic3A_19 = math.exp %logistic3A : vector<2000x256xf32>
    %logistic3A_20 = arith.constant 1.000000e+00 : f32
    %logistic3A_21 = vector.broadcast %logistic3A_20 : f32 to vector<2000x256xf32>
    %logistic3A_22 = arith.addf %logistic3A_21, %logistic3A_19 : vector<2000x256xf32>
    %logistic3A_23 = arith.divf %logistic3A_21, %logistic3A_22 : vector<2000x256xf32>
    %slice3A = vector.extract_strided_slice %logistic3A_23 {offsets = [0, 0], sizes = [2000, 128], strides = [1, 1]} : vector<2000x256xf32> to vector<2000x128xf32>
    %get3A_24 = arith.constant 0 : index
    %get3A_25 = arith.constant 0 : index
    %get3A_26 = vector.load %arg3[%get3A_24, %get3A_25] : memref<2000x128xf32, #tpu.memory_space<vmem>>, vector<2000x128xf32>
    %mul3A = arith.mulf %slice3A, %get3A_26 : vector<2000x128xf32>
    %swap3A = arith.constant 0 : index
    %swap3A_27 = arith.constant 0 : index
    %swap3A_28 = vector.load %arg7[%swap3A, %swap3A_27] : memref<2000x128xf32, #tpu.memory_space<vmem>>, vector<2000x128xf32>
    tpu.vector_store %arg7[%swap3A, %swap3A_27], %mul3A {strides = array<i32>} : memref<2000x128xf32, #tpu.memory_space<vmem>>, vector<2000x128xf32>,
    %slice3A_29 = vector.extract_strided_slice %logistic3A_23 {offsets = [0, 128], sizes = [2000, 128], strides = [1, 1]} : vector<2000x256xf32> to vector<2000x128xf32>
    %swap3A_30 = arith.constant 0 : index
    %swap3A_31 = arith.constant 0 : index
    %swap3A_32 = vector.load %arg8[%swap3A_30, %swap3A_31] : memref<2000x128xf32, #tpu.memory_space<vmem>>, vector<2000x128xf32>
    tpu.vector_store %arg8[%swap3A_30, %swap3A_31], %slice3A_29 {strides = array<i32>} : memref<2000x128xf32, #tpu.memory_space<vmem>>, vector<2000x128xf32>,
    return
  }
  func.func @transform_0(%arg0: i32) -> (i32, i32) {
    %c0_i32 = arith.constant 0 : i32
    %c0_i32_0 = arith.constant 0 : i32
    return %arg0, %c0_i32 : i32, i32
  }
  func.func @transform_1(%arg0: i32) -> (i32, i32) {
    %c0_i32 = arith.constant 0 : i32
    %c0_i32_0 = arith.constant 0 : i32
    return %arg0, %c0_i32 : i32, i32
  }
  func.func @transform_2(%arg0: i32) -> (i32, i32) {
    %c0_i32 = arith.constant 0 : i32
    %c0_i32_0 = arith.constant 0 : i32
    return %arg0, %c0_i32 : i32, i32
  }
  func.func @transform_3(%arg0: i32) -> (i32, i32) {
    %c0_i32 = arith.constant 0 : i32
    %c0_i32_0 = arith.constant 0 : i32
    %c0_i32_1 = arith.constant 0 : i32
    return %c0_i32, %c0_i32_0 : i32, i32
  }
  func.func @transform_4(%arg0: i32) -> (i32, i32) {
    %c0_i32 = arith.constant 0 : i32
    %c0_i32_0 = arith.constant 0 : i32
    %c0_i32_1 = arith.constant 0 : i32
    return %c0_i32, %c0_i32_0 : i32, i32
  }
  func.func @transform_5(%arg0: i32) -> (i32, i32) {
    %c0_i32 = arith.constant 0 : i32
    %c0_i32_0 = arith.constant 0 : i32
    %c0_i32_1 = arith.constant 0 : i32
    return %c0_i32, %c0_i32_0 : i32, i32
  }
  func.func @transform_6(%arg0: i32) -> (i32, i32) {
    %c0_i32 = arith.constant 0 : i32
    %c0_i32_0 = arith.constant 0 : i32
    return %arg0, %c0_i32 : i32, i32
  }
  func.func @transform_7(%arg0: i32) -> (i32, i32) {
    %c0_i32 = arith.constant 0 : i32
    %c0_i32_0 = arith.constant 0 : i32
    return %arg0, %c0_i32 : i32, i32
  }
}

module attributes {stable_mosaic.version = 14 : i64} {
  func.func @_tc_out(%arg0: i32, %arg1: memref<2000x128xf32, #tpu.memory_space<vmem>>, %arg2: memref<2000x128xf32, #tpu.memory_space<vmem>>, %arg3: memref<2000x128xf32, #tpu.memory_space<vmem>>, %arg4: memref<2000x128xf32, #tpu.memory_space<vmem>>, %arg5: memref<2000x128xf32, #tpu.memory_space<vmem>>, %arg6: memref<128x128xf32, #tpu.memory_space<vmem>>, %arg7: memref<128x128xf32, #tpu.memory_space<vmem>>, %arg8: memref<1x128xf32, #tpu.memory_space<vmem>>, %arg9: memref<2000x128xf32, #tpu.memory_space<vmem>>) attributes {dimension_semantics = [#tpu.dimension_semantics<arbitrary>], iteration_bounds = array<i64: 5>, scalar_prefetch = 0 : i64, scratch_operands = 0 : i64, tpu.core_type = #tpu.core_type<tc>, window_params = [{transform_indices = @transform_0, window_bounds = array<i64: 2000, 128>}, {transform_indices = @transform_1, window_bounds = array<i64: 2000, 128>}, {transform_indices = @transform_2, window_bounds = array<i64: 2000, 128>}, {transform_indices = @transform_3, window_bounds = array<i64: 2000, 128>}, {transform_indices = @transform_4, window_bounds = array<i64: 2000, 128>}, {pipeline_mode = #tpu.pipeline_mode<synchronous>, transform_indices = @transform_5, window_bounds = array<i64: 128, 128>}, {pipeline_mode = #tpu.pipeline_mode<synchronous>, transform_indices = @transform_6, window_bounds = array<i64: 128, 128>}, {pipeline_mode = #tpu.pipeline_mode<synchronous>, transform_indices = @transform_7, window_bounds = array<i64: 1, 128>}, {transform_indices = @transform_8, window_bounds = array<i64: 2000, 128>}]} {
    %get3A = arith.constant 0 : index
    %get3A_0 = arith.constant 0 : index
    %get3A_1 = vector.load %arg2[%get3A, %get3A_0] : memref<2000x128xf32, #tpu.memory_space<vmem>>, vector<2000x128xf32>
    %get3A_2 = arith.constant 0 : index
    %get3A_3 = arith.constant 0 : index
    %get3A_4 = vector.load %arg3[%get3A_2, %get3A_3] : memref<2000x128xf32, #tpu.memory_space<vmem>>, vector<2000x128xf32>
    %add3A = arith.addf %get3A_1, %get3A_4 : vector<2000x128xf32>
    %get3A_5 = arith.constant 0 : index
    %get3A_6 = arith.constant 0 : index
    %get3A_7 = vector.load %arg1[%get3A_5, %get3A_6] : memref<2000x128xf32, #tpu.memory_space<vmem>>, vector<2000x128xf32>
    %get3A_8 = arith.constant 0 : index
    %get3A_9 = arith.constant 0 : index
    %get3A_10 = vector.load %arg6[%get3A_8, %get3A_9] : memref<128x128xf32, #tpu.memory_space<vmem>>, vector<128x128xf32>
    %dot_general3A = arith.constant dense<0.000000e+00> : vector<2000x128xf32>
    %dot_general3A_11 = tpu.matmul %get3A_7, %get3A_10, %dot_general3A {dimension_numbers = #tpu.dot_dimension_numbers<[1], [0], [0], [1], [0, 0, 1, 1], [], []>, transpose_lhs_hint = false} : vector<2000x128xf32>, vector<128x128xf32>, vector<2000x128xf32> -> vector<2000x128xf32>
    %get3A_12 = arith.constant 0 : index
    %get3A_13 = arith.constant 0 : index
    %get3A_14 = vector.load %arg7[%get3A_12, %get3A_13] : memref<128x128xf32, #tpu.memory_space<vmem>>, vector<128x128xf32>
    %dot_general3A_15 = arith.constant dense<0.000000e+00> : vector<2000x128xf32>
    %dot_general3A_16 = tpu.matmul %add3A, %get3A_14, %dot_general3A_15 {dimension_numbers = #tpu.dot_dimension_numbers<[1], [0], [0], [1], [0, 0, 1, 1], [], []>, transpose_lhs_hint = false} : vector<2000x128xf32>, vector<128x128xf32>, vector<2000x128xf32> -> vector<2000x128xf32>
    %add3A_17 = arith.addf %dot_general3A_11, %dot_general3A_16 : vector<2000x128xf32>
    %get3A_18 = arith.constant 0 : index
    %get3A_19 = arith.constant 0 : index
    %get3A_20 = vector.load %arg8[%get3A_18, %get3A_19] : memref<1x128xf32, #tpu.memory_space<vmem>>, vector<1x128xf32>
    %add3A_21 = vector.broadcast %get3A_20 : vector<1x128xf32> to vector<2000x128xf32>
    %add3A_22 = arith.addf %add3A_17, %add3A_21 : vector<2000x128xf32>
    %logistic3A = arith.negf %add3A_22 : vector<2000x128xf32>
    %logistic3A_23 = math.exp %logistic3A : vector<2000x128xf32>
    %logistic3A_24 = arith.constant 1.000000e+00 : f32
    %logistic3A_25 = vector.broadcast %logistic3A_24 : f32 to vector<2000x128xf32>
    %logistic3A_26 = arith.addf %logistic3A_25, %logistic3A_23 : vector<2000x128xf32>
    %logistic3A_27 = arith.divf %logistic3A_25, %logistic3A_26 : vector<2000x128xf32>
    %get3A_28 = arith.constant 0 : index
    %get3A_29 = arith.constant 0 : index
    %get3A_30 = vector.load %arg5[%get3A_28, %get3A_29] : memref<2000x128xf32, #tpu.memory_space<vmem>>, vector<2000x128xf32>
    %get3A_31 = arith.constant 0 : index
    %get3A_32 = arith.constant 0 : index
    %get3A_33 = vector.load %arg4[%get3A_31, %get3A_32] : memref<2000x128xf32, #tpu.memory_space<vmem>>, vector<2000x128xf32>
    %mul3A = arith.mulf %get3A_30, %get3A_33 : vector<2000x128xf32>
    %sub3A = arith.constant 1.000000e+00 : f32
    %sub3A_34 = vector.broadcast %sub3A : f32 to vector<2000x128xf32>
    %sub3A_35 = arith.subf %sub3A_34, %get3A_30 : vector<2000x128xf32>
    %mul3A_36 = arith.mulf %sub3A_35, %logistic3A_27 : vector<2000x128xf32>
    %add3A_37 = arith.addf %mul3A, %mul3A_36 : vector<2000x128xf32>
    %swap3A = arith.constant 0 : index
    %swap3A_38 = arith.constant 0 : index
    %swap3A_39 = vector.load %arg9[%swap3A, %swap3A_38] : memref<2000x128xf32, #tpu.memory_space<vmem>>, vector<2000x128xf32>
    tpu.vector_store %arg9[%swap3A, %swap3A_38], %add3A_37 {strides = array<i32>} : memref<2000x128xf32, #tpu.memory_space<vmem>>, vector<2000x128xf32>,
    return
  }
  func.func @transform_0(%arg0: i32) -> (i32, i32) {
    %c0_i32 = arith.constant 0 : i32
    %c0_i32_0 = arith.constant 0 : i32
    return %arg0, %c0_i32 : i32, i32
  }
  func.func @transform_1(%arg0: i32) -> (i32, i32) {
    %c0_i32 = arith.constant 0 : i32
    %c0_i32_0 = arith.constant 0 : i32
    return %arg0, %c0_i32 : i32, i32
  }
  func.func @transform_2(%arg0: i32) -> (i32, i32) {
    %c0_i32 = arith.constant 0 : i32
    %c0_i32_0 = arith.constant 0 : i32
    return %arg0, %c0_i32 : i32, i32
  }
  func.func @transform_3(%arg0: i32) -> (i32, i32) {
    %c0_i32 = arith.constant 0 : i32
    %c0_i32_0 = arith.constant 0 : i32
    return %arg0, %c0_i32 : i32, i32
  }
  func.func @transform_4(%arg0: i32) -> (i32, i32) {
    %c0_i32 = arith.constant 0 : i32
    %c0_i32_0 = arith.constant 0 : i32
    return %arg0, %c0_i32 : i32, i32
  }
  func.func @transform_5(%arg0: i32) -> (i32, i32) {
    %c0_i32 = arith.constant 0 : i32
    %c0_i32_0 = arith.constant 0 : i32
    %c0_i32_1 = arith.constant 0 : i32
    return %c0_i32, %c0_i32_0 : i32, i32
  }
  func.func @transform_6(%arg0: i32) -> (i32, i32) {
    %c0_i32 = arith.constant 0 : i32
    %c0_i32_0 = arith.constant 0 : i32
    %c0_i32_1 = arith.constant 0 : i32
    return %c0_i32, %c0_i32_0 : i32, i32
  }
  func.func @transform_7(%arg0: i32) -> (i32, i32) {
    %c0_i32 = arith.constant 0 : i32
    %c0_i32_0 = arith.constant 0 : i32
    %c0_i32_1 = arith.constant 0 : i32
    return %c0_i32, %c0_i32_0 : i32, i32
  }
  func.func @transform_8(%arg0: i32) -> (i32, i32) {
    %c0_i32 = arith.constant 0 : i32
    %c0_i32_0 = arith.constant 0 : i32
    return %arg0, %c0_i32 : i32, i32
  }
}

</mosaic_0001>

<sc_bundles>
// kernel: kernel.6.cloned.1.call-start
scs
__scs_entry_jumppad:
0x0: {  	(pc) =	sbr.rel $0x88, $3  }
0x1: {  	(tag) =	ssettag $0x0;
	lr =	simm.s32 $0x1  }
0x2: {  	[smem:$0x3F95] =	sst lr;
	_ =	strace $0xD0000000  }
0x3: {  	_ = 	snop  }
0x4: {  	_ = 	snop  }
0x5: {  	_ = 	snop  }
0x6: {  	_ = 	snop  }
0x7: {  	_ = 	snop  }
__scs_overlays_trampoline_lowered:
0x8: {  	[smem:$0x3FA4] =	sst s0  }
0x9: {  	[smem:$0x3FA5] =	sst s1  }
0xa: {  	[smem:$0x3FA6] =	sst s2  }
0xb: {  	[smem:$0x3FA7] =	sst s3  }
0xc: {  	[smem:$0x3FA8] =	sst s4  }
0xd: {  	[smem:$0x3FA9] =	sst s5  }
0xe: {  	[smem:$0x3FAA] =	sst s6  }
0xf: {  	[smem:$0x3FAB] =	sst s7  }
0x10: {  	[smem:$0x3FAC] =	sst s8  }
0x11: {  	[smem:$0x3FAD] =	sst s9;
	s0 =	simm.s32 @!p0 $0x0  }
0x12: {  	s1 =	sld [smem:$0x3F93];
	s0 =	simm.s32 @p0 $0x1  }
0x13: {  	[smem:$0x3FAE] =	sst s0;
	s0 =	simm.s32 @!p1 $0x0  }
0x14: {  	s2 =	sld [smem:$0x3F92];
	s0 =	simm.s32 @p1 $0x1  }
0x15: {  	[smem:$0x3FAF] =	sst s0;
	s0 =	simm.s32 @!p2 $0x0  }
0x16: {  	s3 =	sld [smem:$0x3FDB];
	s0 =	simm.s32 @p2 $0x1  }
0x17: {  	s4 =	simm.s32 $0x1BF5;
	[smem:$0x3FB1] =	sst s0  }
0x18: {  	s0 =	sld [smem:$0x3F94];
	_ =	swait.ge [sflag:s4], $0x0  }
0x19: {  	s7 =	sld [smem:$0x3F95]  }
0x1a: {  	s8 =	sadd.s32 $0xFFFFE003, lr  }
0x1b: {  	s9 =	sadd.s32 $0xFFFFFEF7, lr;
	s5 =	simm.s32 $0xFFFFFFFF;
	p2 =	slt.u32 s8, $0xFFFFF086  }
0x1c: {  	p1 =	slt.u32 s9, $0xF7A;
	s5 =	simm.s32 @!p2 $0x0  }
0x1d: {  	s5 =	simm.s32 @p1 $0x1;
	p0 =	seq.s32 s7, s2  }
0x1e: {  	s7 =	smul.u32 @!p0 $0xF7A, s2;
	p2 =	seq.s32 @!p0 s5, $0x0  }
0x1f: {  	s9 =	smul.u32 $0xF7A, s1;
	s8 =	simm.s32 @!p0 $0x1BF5;
	p2 =	por !p2, p0  }
0x20: {  	[sflag:s8] =	ssyncset.s32 @!p0 $0xFFFFF086;
	s6 =	sadd.s32 @!p0 s3, s7;
	s7 =	simm.s32 @!p0 $0x108  }
0x21: {  	s3 =	sadd.s32 s3, s9;
	s6 =	sadd.s32 @!p0 $0x88, s6;
	s7 =	simm.s32 @p2 $0x1082  }
0x22: {  	[simem:s7], [sflag:s8] =	dma.local @!p0 [hbm:s6], $0xF7A  }
0x23: {  	s9 =	sor.u32 $0xD0000000, s2;
	s6 =	simm.s32 $0x108;
	_ =	swait.ge @!p0 [sflag:s8], $0x0  }
0x24: {  	s3 =	sadd.s32 $0x88, s3;
	s6 =	simm.s32 @!p1 $0x1082;
	[sflag:s4] =	ssyncset.s32 $0xFFFFF086  }
0x25: {  	[simem:s6], [sflag:s4] =	dma.local [hbm:s3], $0xF7A  }
0x26: {  	[smem:$0x3F95] =	sst s1;
	(tag) =	ssettag s2;
	_ =	strace s9  }
0x27: {  	s1 =	sld [smem:$0x3FA5]  }
0x28: {  	s2 =	sld [smem:$0x3FA6]  }
0x29: {  	s4 =	sld [smem:$0x3FA8]  }
0x2a: {  	p0 =	seq.s32 s5, $0x0;
	s5 =	sld [smem:$0x3FA9]  }
0x2b: {  	s6 =	sld [smem:$0x3FAA]  }
0x2c: {  	s7 =	sld [smem:$0x3FAB]  }
0x2d: {  	s3 =	simm.s32 $0x108;
	s8 =	sld [smem:$0x3FAC]  }
0x2e: {  	s3 =	simm.s32 @!p0 $0x1082;
	s9 =	sld [smem:$0x3FAD]  }
0x2f: {  	lr =	sadd.s32 s0, s3;
	s0 =	sld [smem:$0x3FA4]  }
0x30: {  	s3 =	sld [smem:$0x3FA7]  }
0x31: {  	[smem:$0x3FB0] =	sst s10  }
0x32: {  	s10 =	sld [smem:$0x3FAE];
	_ =	sdelay $0x3  }
0x33: {  	p0 =	seq.s32 s10, $0x1;
	s10 =	sld [smem:$0x3FB0];
	_ =	sdelay $0x3  }
0x34: {  	[smem:$0x3FB0] =	sst s10  }
0x35: {  	s10 =	sld [smem:$0x3FAF];
	_ =	sdelay $0x3  }
0x36: {  	p1 =	seq.s32 s10, $0x1;
	s10 =	sld [smem:$0x3FB0];
	_ =	sdelay $0x3  }
0x37: {  	[smem:$0x3FB0] =	sst s10  }
0x38: {  	s10 =	sld [smem:$0x3FB1]  }
0x39: {  	_ = 	snop;
	(pc) =	sbr.ind lr, $3  }
0x3a: {  	_ = 	snop  }
0x3b: {  	_ = 	snop  }
0x3c: {  	p2 =	seq.s32 s10, $0x1;
	s10 =	sld [smem:$0x3FB0]  }
0x3d: {  	_ =	shalt  }
0x3e: {  	_ =	shalt  }
0x3f: {  	_ =	shalt  }
0x40: {  	_ =	shalt  }
0x41: {  	_ =	shalt  }
0x42: {  	_ =	shalt  }
0x43: {  	_ =	shalt  }
0x44: {  	_ =	shalt  }
0x45: {  	_ =	shalt  }
0x46: {  	_ =	shalt  }
0x47: {  	_ =	shalt  }
0x48: {  	_ =	shalt  }
0x49: {  	_ =	shalt  }
0x4a: {  	_ =	shalt  }
0x4b: {  	_ =	shalt  }
0x4c: {  	_ =	shalt  }
0x4d: {  	_ =	shalt  }
0x4e: {  	_ =	shalt  }
0x4f: {  	_ =	shalt  }
0x50: {  	_ =	shalt  }
0x51: {  	_ =	shalt  }
0x52: {  	_ =	shalt  }
0x53: {  	_ =	shalt  }
0x54: {  	_ =	shalt  }
0x55: {  	_ =	shalt  }
0x56: {  	_ =	shalt  }
0x57: {  	_ =	shalt  }
0x58: {  	_ =	shalt  }
0x59: {  	_ =	shalt  }
0x5a: {  	_ =	shalt  }
0x5b: {  	_ =	shalt  }
0x5c: {  	_ =	shalt  }
0x5d: {  	_ =	shalt  }
0x5e: {  	_ =	shalt  }
0x5f: {  	_ =	shalt  }
0x60: {  	_ =	shalt  }
0x61: {  	_ =	shalt  }
0x62: {  	_ =	shalt  }
0x63: {  	_ =	shalt  }
0x64: {  	_ =	shalt  }
0x65: {  	_ =	shalt  }
0x66: {  	_ =	shalt  }
0x67: {  	_ =	shalt  }
0x68: {  	_ =	shalt  }
0x69: {  	_ =	shalt  }
0x6a: {  	_ =	shalt  }
0x6b: {  	_ =	shalt  }
0x6c: {  	_ =	shalt  }
0x6d: {  	_ =	shalt  }
0x6e: {  	_ =	shalt  }
0x6f: {  	_ =	shalt  }
0x70: {  	_ =	shalt  }
0x71: {  	_ =	shalt  }
0x72: {  	_ =	shalt  }
0x73: {  	_ =	shalt  }
0x74: {  	_ =	shalt  }
0x75: {  	_ =	shalt  }
0x76: {  	_ =	shalt  }
0x77: {  	_ =	shalt  }
0x78: {  	_ =	shalt  }
0x79: {  	_ =	shalt  }
0x7a: {  	_ =	shalt  }
0x7b: {  	_ =	shalt  }
0x7c: {  	_ =	shalt  }
0x7d: {  	_ =	shalt  }
0x7e: {  	_ =	shalt  }
0x7f: {  	_ =	shalt  }
0x80: {  	_ =	shalt  }
0x81: {  	_ =	shalt  }
0x82: {  	_ =	shalt  }
0x83: {  	_ =	shalt  }
0x84: {  	_ =	shalt  }
0x85: {  	_ =	shalt  }
0x86: {  	_ =	shalt  }
0x87: {  	_ =	shalt  }
.Lfunc_end0:
.L_simem_size_0:
called_computation_lowered:
.L_overlay_start_0:
0x88: {  	s2 =	sld [smem:$0x3FD9]  }
0x89: {  	s3 =	sld [smem:$0x3FFE];
	_ =	sdelay $0x1  }
0x8a: {  	s1 =	srdreg.scid  }
0x8b: {  	s0 =	sand.u32 $0x1, s1  }
0x8c: {  	s17 =	sshll.u32 s0, $0xA;
	s2 =	sadd.s32 s3, s2  }
0x8d: {  	s2 =	sadd.s32 s2, s17  }
0x8e: {  	[smem:$0x3FBC] =	sst s2  }
0x8f: {  	_ = 	snop  }
0x90: {  	s2 =	sld [smem:$0x3FC9]  }
0x91: {  	s18 =	sld [smem:$0x3FC8];
	(tm) =	ssettm $0x1  }
0x92: {  	s4 =	sld [smem:$0x3FFB];
	_ =	sdelay $0x3  }
0x93: {  	_ =	strace s4  }
0x94: {  	s4 =	sld [smem:$0x3FFC];
	_ =	sdelay $0x3  }
0x95: {  	_ =	strace s4  }
0x96: {  	s4 =	sld [smem:$0x3FFD];
	_ =	sdelay $0x3  }
0x97: {  	_ =	strace s4  }
0x98: {  	_ =	strace $0x8FFFFFFF  }
0x99: {  	s19 =	sld [smem:$0x3FDB];
	_ =	sdelay $0x1  }
0x9a: {  	s5 =	simm.s32 $_scs_section_size  }
0x9b: {  	s6 =	simm.s32 $_size__tile_overlayer_lowered;
	s7 =	simm.s32 $_tile_overlayer_lowered  }
0x9c: {  	s22 =	simm.s32 $0x1BFF;
	s21 =	sshll.u32 s7, $0x1;
	s4 =	sadd.s32 s5, s19  }
0x9d: {  	s8 =	simm.s32 $0x0;
	s20 =	sshll.u32 s6, $0x1;
	s6 =	sadd.s32 s21, s4  }
0x9e: {  	[timem:s8], [sflag:s22] =	dma.local [hbm:s6], s20  }
0x9f: {  	_ =	swait.ge [sflag:s22], s20  }
0xa0: {  	s5 =	ssub.s32 $0x0, s20;
	[sflag:s22] =	ssyncset.done $0x0  }
0xa1: {  	[sflag:s22] =	ssyncadd.s32 s5;
	_ =	sdelay $0x1  }
0xa2: {  	s23 =	simm.s32 $0x1B8B  }
0xa3: {  	_ =	swait.ge [sflag:s23], $0x1  }
0xa4: {  	[sflag:s23] =	ssyncset.done $0x0  }
0xa5: {  	s25 =	simm.s32 $0x1B8E;
	s24 =	sld [smem:$0x3FFE];
	[sflag:s23] =	ssyncadd.s32 $0xFFFFFFFF  }
0xa6: {  	s26 =	simm.s32 $execute0_lowered;
	[smem:$0x3FD2] =	sst s25  }
0xa7: {  	s6 =	sshll.u32 s26, $0x1;
	_ =	strace $0x80000046;
	[dreg:$0x1] =	wrdreg $0xFFFFFFFF  }
0xa8: {  	s28 =	simm.s32 $_size_execute0_lowered;
	s4 =	sadd.s32 s4, s6;
	[dreg:$0x0] =	wrdreg $0x0  }
0xa9: {  	s6 =	sshll.u32 s28, $0x1;
	[dreg:$0x2] =	wrdreg s4  }
0xaa: {  	[dreg:$0x3] =	wrdreg s6  }
0xab: {  	[dreg:$0x4] =	wrdreg $0xC0  }
0xac: {  	_ =	task [dreg:s8], $0x5FFFF  }
0xad: {  	[dreg:$0x1] =	wrdreg $0xFFFFFFFF  }
0xae: {  	[dreg:$0x0] =	wrdreg $0x60  }
0xaf: {  	[dreg:$0x2] =	wrdreg s2  }
0xb0: {  	[dreg:$0x3] =	wrdreg s18  }
0xb1: {  	[dreg:$0x4] =	wrdreg s24  }
0xb2: {  	[dreg:$0x5] =	wrdreg $0xB0000  }
0xb3: {  	[dreg:$0x6] =	wrdreg $0x9  }
0xb4: {  	_ =	task.clear_ibuf [dreg:s8], $0x7FFFF;
	_ =	strace $0x90000046  }
0xb5: {  	s29 =	simm.s32 $0x9;
	_ =	strace $0x80000048  }
0xb6: {  	_ =	swait.ge [sflag:s29], $0x1  }
0xb7: {  	[sflag:s29] =	ssyncadd.s32 $0xFFFFFFFF  }
0xb8: {  	_ =	strace $0x90000048  }
0xb9: {  	_ =	sfence  }
0xba: {  	s30 =	sld [smem:$0x0];
	_ =	sdelay $0x2  }
0xbb: {  	s31 =	sshll.u32 s1, $0xD;
	s1 =	sshrl.u32 s1, $0x2  }
0xbc: {  	s3 =	sand.u32 $0x4000, s31;
	s1 =	sadd.s32 s1, s30  }
0xbd: {  	s0 =	sor.u32 s3, s0;
	s1 =	sshll.u32 s1, $0x11  }
0xbe: {  	s0 =	sor.u32 s1, s0  }
0xbf: {  	s0 =	sadd.s32 $0x8F2B, s0  }
0xc0: {  	[sflag:s0] =	ssyncadd.remote.s32 $0x1  }
0xc1: {  	_ =	sfence.sel $0xFFFF  }
0xc2: {  	[dreg:$0x0] =	wrdreg $0xFFFFFFFF;
	(pc) =	sbr.abs _section_cstart, $3  }
0xc3: {  	[dreg:$0x1] =	wrdreg $0xFFFFFFFF  }
0xc4: {  	_ =	task.clear_ibuf [dreg:s8], $0x2FFFF;
	_ =	strace $0x9FFFFFFF  }
0xc5: {  	(tm) =	ssettm $0x7FFFFFFF  }
tec
execute0_lowered:
.L_overlay_start_1:
0x0: {  	(tag) =	ssettag $0x1  }
0x1: {  	s1 =	rddreg [dreg:$0x0]  }
0x2: {  	s2 =	rddreg [dreg:$0x1]  }
0x3: {  	s0 =	rddreg [dreg:$0x2]  }
0x4: {  	s3 =	rddreg [dreg:$0x3]  }
0x5: {  	s4 =	simm.s32 $0x0;
	s5 =	srdreg.scid;
	s8 =	stileid.u32  }
0x6: {  	s18 =	simm.s32 $0x4;
	s20 =	simm.s32 $0x40;
	s21 =	simm.s32 $0x1000  }
0x7: {  	s22 =	simm.s32 $0x3000;
	s23 =	simm.s32 $0x5000;
	s28 =	simm.s32 $0x2  }
0x8: {  	s29 =	simm.s32 $0x3;
	s30 =	simm.s32 $0x0;
	[smem:$0x7FF] =	sst s4  }
0x9: {  	s6 =	sadd.s32 $0x3000, s0;
	s5 =	sand.u32 $0x1, s5;
	s7 =	sadd.s32 $0x17000, s0  }
0xa: {  	s10 =	sadd.s32 $0x2B000, s0;
	s11 =	smul.u32 $0x4F000, s8;
	s12 =	sadd.s32 $0x2D800, s0  }
0xb: {  	s0 =	sadd.s32 $0x55000, s0;
	s31 =	sshll.u32 s8, $0x6;
	s14 =	smul.u32 $0x1400, s8  }
0xc: {  	s15 =	smul.u32 $0x2780, s8;
	_ =	strace $0x80000047;
	[dreg:$0x5] =	wrdreg s10  }
0xd: {  	s9 =	ssub.s32 $0x2, s5;
	[dreg:$0x6] =	wrdreg s12;
	s12 =	smul.u32 $0x28, s8  }
.Ltmp0:
0xe: {  	[dreg:$0x7] =	wrdreg s0;
	p0 =	sne.s32 s5, $0x0;
	(pc) =	sbr.rel .LBB2_1-.Ltmp0, $4  }
0xf: {  	s24 =	sshrl.u32 s9, $0x1;
	s26 =	sshrl.u32 s11, $0x2;
	s11 =	sor.u32 $0x1C04, s31  }
0x10: {  	s13 =	sadd.s32 s6, s14;
	s14 =	sadd.s32 s7, s14;
	s25 =	ssub.s32 s9, s24  }
0x11: {  	s9 =	sadd.s32 s26, s3;
	s24 =	simm.s32 $0x7000;
	s26 =	simm.s32 $0x9000  }
0x12: {  	s16 =	smax.u32 s25, $0x1;
	s17 =	sshrl.u32 s9, $0x3;
	s25 =	simm.s32 $0x1  }
.LBB2_7:
0x13: {  	s0 =	sxor.u32 $0x400, s31;
	s5 =	sadd.s32 s6, s10;
	[sflag:s29] =	ssyncadd.s32 $0xFFFFFC00  }
0x14: {  	[tilespmem:s0], [sflag:$0x3] =	stream.linear.gather [hbm4b:s5+s4], $0x400, $0x38;
	[tilespmem:$0x1EC00] =	vst v63  }
0x15: {  	s9 =	sxor.u32 $0xC00, s31;
	s19 =	sadd.s32 s7, s10  }
0x16: {  	[tilespmem:s9], [sflag:$0x3] =	stream.linear.gather [hbm4b:s19+s4], $0x400, $0x38;
	[tilespmem:$0x1EC00] =	vst v63  }
0x17: {  	_ = 	snop  }
0x18: {  	[tilespmem:s21], [sflag:$0x1] =	stream.indirect.gather [hbm4b:s2+s20], $0x80, s31, s20, $0xb8;
	[tilespmem:$0x1EC00] =	vst v63  }
0x19: {  	s8 =	sor.u32 $0x80, s31  }
0x1a: {  	[tilespmem:s22], [sflag:$0x1] =	stream.indirect.gather [hbm4b:s2+s20], $0x80, s8, s20, $0xb8;
	[tilespmem:$0x1EC00] =	vst v63  }
0x1b: {  	s9 =	sor.u32 $0x100, s31  }
0x1c: {  	[tilespmem:s23], [sflag:$0x1] =	stream.indirect.gather [hbm4b:s2+s20], $0x80, s9, s20, $0xb8;
	[tilespmem:$0x1EC00] =	vst v63  }
0x1d: {  	s10 =	sor.u32 $0x180, s31  }
0x1e: {  	[tilespmem:s24], [sflag:$0x1] =	stream.indirect.gather [hbm4b:s2+s20], $0x80, s10, s20, $0xb8;
	[tilespmem:$0x1EC00] =	vst v63  }
0x1f: {  	_ =	swait.ge [sflag:s25], $0x2000  }
0x20: {  	[sflag:s25] =	ssyncset.done $0x0  }
0x21: {  	s19 =	sor.u32 $0x800, s31;
	[sflag:s25] =	ssyncadd.s32 $0xFFFFE000  }
0x22: {  	[spmem:s3] =	stream.indirect.scatter.add.f32 [tilespmem:s21], [sflag:$0x2], $0x80, s19, s20, $0xb8;
	[tilespmem:$0x1EC00] =	vst v63  }
0x23: {  	s5 =	sor.u32 $0x200, s31  }
0x24: {  	[tilespmem:s26], [sflag:$0x1] =	stream.indirect.gather [hbm4b:s2+s20], $0x80, s5, s20, $0xb8;
	[tilespmem:$0x1EC00] =	vst v63  }
0x25: {  	_ =	swait.ge [sflag:s25], $0x2000  }
0x26: {  	[sflag:s25] =	ssyncset.done $0x0  }
0x27: {  	s8 =	sor.u32 $0x880, s31;
	[sflag:s25] =	ssyncadd.s32 $0xFFFFE000  }
0x28: {  	[spmem:s3] =	stream.indirect.scatter.add.f32 [tilespmem:s22], [sflag:$0x2], $0x80, s8, s20, $0xb8;
	[tilespmem:$0x1EC00] =	vst v63  }
0x29: {  	_ =	swait.ge [sflag:s28], $0x2000  }
0x2a: {  	[sflag:s28] =	ssyncset.done $0x0  }
0x2b: {  	s9 =	sor.u32 $0x280, s31;
	[sflag:s28] =	ssyncadd.s32 $0xFFFFE000  }
0x2c: {  	[tilespmem:s21], [sflag:$0x1] =	stream.indirect.gather [hbm4b:s2+s20], $0x80, s9, s20, $0xb8;
	[tilespmem:$0x1EC00] =	vst v63  }
0x2d: {  	_ =	swait.ge [sflag:s25], $0x2000  }
0x2e: {  	[sflag:s25] =	ssyncset.done $0x0  }
0x2f: {  	s10 =	sor.u32 $0x900, s31;
	[sflag:s25] =	ssyncadd.s32 $0xFFFFE000  }
0x30: {  	[spmem:s3] =	stream.indirect.scatter.add.f32 [tilespmem:s23], [sflag:$0x2], $0x80, s10, s20, $0xb8;
	[tilespmem:$0x1EC00] =	vst v63  }
0x31: {  	_ =	swait.ge [sflag:s28], $0x2000  }
0x32: {  	[sflag:s28] =	ssyncset.done $0x0  }
0x33: {  	s19 =	sor.u32 $0x300, s31;
	[sflag:s28] =	ssyncadd.s32 $0xFFFFE000  }
0x34: {  	[tilespmem:s22], [sflag:$0x1] =	stream.indirect.gather [hbm4b:s2+s20], $0x80, s19, s20, $0xb8;
	[tilespmem:$0x1EC00] =	vst v63  }
0x35: {  	_ =	swait.ge [sflag:s25], $0x2000  }
0x36: {  	[sflag:s25] =	ssyncset.done $0x0  }
0x37: {  	s5 =	sor.u32 $0x980, s31;
	[sflag:s25] =	ssyncadd.s32 $0xFFFFE000  }
0x38: {  	[spmem:s3] =	stream.indirect.scatter.add.f32 [tilespmem:s24], [sflag:$0x2], $0x80, s5, s20, $0xb8;
	[tilespmem:$0x1EC00] =	vst v63  }
0x39: {  	_ =	swait.ge [sflag:s28], $0x2000  }
0x3a: {  	[sflag:s28] =	ssyncset.done $0x0  }
0x3b: {  	s8 =	sor.u32 $0x380, s31;
	[sflag:s28] =	ssyncadd.s32 $0xFFFFE000  }
0x3c: {  	[tilespmem:s23], [sflag:$0x1] =	stream.indirect.gather [hbm4b:s2+s20], $0x80, s8, s20, $0xb8;
	[tilespmem:$0x1EC00] =	vst v63  }
0x3d: {  	_ =	swait.ge [sflag:s25], $0x2000  }
0x3e: {  	[sflag:s25] =	ssyncset.done $0x0  }
0x3f: {  	s9 =	sor.u32 $0xA00, s31;
	[sflag:s25] =	ssyncadd.s32 $0xFFFFE000  }
0x40: {  	[spmem:s3] =	stream.indirect.scatter.add.f32 [tilespmem:s26], [sflag:$0x2], $0x80, s9, s20, $0xb8;
	[tilespmem:$0x1EC00] =	vst v63  }
0x41: {  	_ =	swait.ge [sflag:s25], $0x2000  }
0x42: {  	[sflag:s25] =	ssyncset.done $0x0  }
0x43: {  	s10 =	sor.u32 $0xA80, s31;
	[sflag:s25] =	ssyncadd.s32 $0xFFFFE000  }
0x44: {  	[spmem:s3] =	stream.indirect.scatter.add.f32 [tilespmem:s21], [sflag:$0x2], $0x80, s10, s20, $0xb8;
	[tilespmem:$0x1EC00] =	vst v63  }
0x45: {  	_ =	swait.ge [sflag:s25], $0x2000  }
0x46: {  	[sflag:s25] =	ssyncset.done $0x0  }
0x47: {  	s19 =	sor.u32 $0xB00, s31;
	[sflag:s25] =	ssyncadd.s32 $0xFFFFE000  }
0x48: {  	[spmem:s3] =	stream.indirect.scatter.add.f32 [tilespmem:s22], [sflag:$0x2], $0x80, s19, s20, $0xb8;
	[tilespmem:$0x1EC00] =	vst v63  }
0x49: {  	_ =	swait.ge [sflag:s25], $0x2000  }
0x4a: {  	[sflag:s25] =	ssyncset.done $0x0  }
0x4b: {  	s31 =	sor.u32 $0xB80, s31;
	[sflag:s25] =	ssyncadd.s32 $0xFFFFE000  }
0x4c: {  	[spmem:s3] =	stream.indirect.scatter.add.f32 [tilespmem:s23], [sflag:$0x2], $0x80, s31, s20, $0xb8;
	[tilespmem:$0x1EC00] =	vst v63  }
0x4d: {  	_ =	swait.ge [sflag:s28], $0x2000  }
0x4e: {  	[sflag:s28] =	ssyncset.done $0x0  }
0x4f: {  	[sflag:s28] =	ssyncadd.s32 $0xFFFFE000  }
0x50: {  	_ =	swait.ge [sflag:s28], $0x2000  }
0x51: {  	[sflag:s28] =	ssyncset.done $0x0  }
0x52: {  	[sflag:s28] =	ssyncadd.s32 $0xFFFFE000  }
0x53: {  	_ =	swait.ge [sflag:s28], $0x2000  }
0x54: {  	[sflag:s28] =	ssyncset.done $0x0  }
0x55: {  	[sflag:s28] =	ssyncadd.s32 $0xFFFFE000  }
0x56: {  	_ =	swait.ge [sflag:s28], $0x2000  }
0x57: {  	[sflag:s28] =	ssyncset.done $0x0  }
0x58: {  	[sflag:s28] =	ssyncadd.s32 $0xFFFFE000  }
0x59: {  	_ =	swait.ge [sflag:s28], $0x2000  }
0x5a: {  	[sflag:s28] =	ssyncset.done $0x0  }
0x5b: {  	[sflag:s28] =	ssyncadd.s32 $0xFFFFE000  }
0x5c: {  	_ =	swait.ge [sflag:s29], $0x400  }
0x5d: {  	[sflag:s29] =	ssyncset.done $0x0  }
0x5e: {  	[sflag:s29] =	ssyncadd.s32 $0xFFFFFC00  }
0x5f: {  	_ =	swait.ge [sflag:s29], $0x400  }
0x60: {  	[sflag:s29] =	ssyncset.done $0x0  }
0x61: {  	s0 =	rddreg [dreg:$0x7];
	[sflag:s29] =	ssyncadd.s32 $0xFFFFFC00  }
.LBB2_8:
0x62: {  	s30 =	sadd.s32 $0x1, s30  }
0x63: {  	p1 =	sne.s32 s30, s16  }
.Ltmp1:
0x64: {  	s0 =	sadd.s32 s0, s15;
	[bflag:$0x0] =	sbarrier.arrive $0xFFFF;
	(pc) =	sbr.rel @!p1 .LBB2_9-.Ltmp1, $4  }
0x65: {  	[hbm:s0], [sflag:s11] =	dma.local [spmem:s17], $0x2780  }
0x66: {  	_ =	swait.ge [sflag:s18], $0x2780  }
0x67: {  	[sflag:s18] =	ssyncset.done $0x0  }
0x68: {  	[sflag:s18] =	ssyncadd.s32 $0xFFFFD880  }
.LBB2_1:
0x69: {  	s0 =	rddreg [dreg:$0x5]  }
0x6a: {  	[spmem:s17], [sflag:s11] =	dma.local [hbm:s0], $0x2780  }
0x6b: {  	_ =	swait.ge [sflag:s18], $0x2780  }
0x6c: {  	[sflag:s18] =	ssyncset.done $0x0  }
0x6d: {  	[sflag:s18] =	ssyncadd.s32 $0xFFFFD880  }
0x6e: {  	[bflag:$0x0] =	sbarrier.arrive $0xFFFF  }
0x6f: {  	[tilespmem:s4], [sflag:$0x4] =	stream.linear.gather [hbm4b:s13+s4], $0x400, $0x38;
	[tilespmem:$0x1EC00] =	vst v63  }
0x70: {  	_ =	swait.ge [sflag:s18], $0x400  }
0x71: {  	[sflag:s18] =	ssyncset.done $0x0  }
.Ltmp2:
0x72: {  	s19 =	simm.s32 $0x800;
	[sflag:s18] =	ssyncadd.s32 $0xFFFFFC00;
	(pc) =	sbr.rel @p0 .LBB2_5-.Ltmp2, $4  }
0x73: {  	[tilespmem:s19], [sflag:$0x4] =	stream.linear.gather [hbm4b:s14+s4], $0x400, $0x38;
	[tilespmem:$0x1EC00] =	vst v63  }
0x74: {  	s31 =	smin.u32 s25, $0x27;
	_ =	swait.ge [sflag:s18], $0x400  }
0x75: {  	s5 =	sadd.s32 s12, s31;
	[sflag:s18] =	ssyncset.done $0x0  }
0x76: {  	s0 =	sand.u32 $0x400, s4;
	s5 =	sshll.u32 s5, $0x7;
	[sflag:s18] =	ssyncadd.s32 $0xFFFFFC00  }
0x77: {  	s9 =	sxor.u32 $0x400, s0;
	s10 =	sadd.s32 s6, s5  }
0x78: {  	[tilespmem:s9], [sflag:$0x3] =	stream.linear.gather [hbm4b:s10+s4], $0x400, $0x38;
	[tilespmem:$0x1EC00] =	vst v63  }
0x79: {  	s8 =	sxor.u32 $0xC00, s0;
	s10 =	sadd.s32 s7, s5  }
0x7a: {  	[tilespmem:s8], [sflag:$0x3] =	stream.linear.gather [hbm4b:s10+s4], $0x400, $0x38;
	[tilespmem:$0x1EC00] =	vst v63  }
0x7b: {  	_ = 	snop  }
0x7c: {  	[tilespmem:s21], [sflag:$0x1] =	stream.indirect.gather [hbm4b:s1+s20], $0x80, s0, s20, $0xb8;
	[tilespmem:$0x1EC00] =	vst v63  }
0x7d: {  	s19 =	sor.u32 $0x80, s0  }
0x7e: {  	[tilespmem:s22], [sflag:$0x1] =	stream.indirect.gather [hbm4b:s1+s20], $0x80, s19, s20, $0xb8;
	[tilespmem:$0x1EC00] =	vst v63  }
0x7f: {  	s8 =	sor.u32 $0x100, s0  }
0x80: {  	[tilespmem:s23], [sflag:$0x1] =	stream.indirect.gather [hbm4b:s1+s20], $0x80, s8, s20, $0xb8;
	[tilespmem:$0x1EC00] =	vst v63  }
0x81: {  	s9 =	sor.u32 $0x180, s0  }
0x82: {  	[tilespmem:s24], [sflag:$0x1] =	stream.indirect.gather [hbm4b:s1+s20], $0x80, s9, s20, $0xb8;
	[tilespmem:$0x1EC00] =	vst v63  }
0x83: {  	_ =	swait.ge [sflag:s25], $0x2000  }
0x84: {  	[sflag:s25] =	ssyncset.done $0x0  }
0x85: {  	s10 =	sor.u32 $0x800, s0;
	[sflag:s25] =	ssyncadd.s32 $0xFFFFE000  }
0x86: {  	[spmem:s3] =	stream.indirect.scatter.add.f32 [tilespmem:s21], [sflag:$0x2], $0x80, s10, s20, $0xb8;
	[tilespmem:$0x1EC00] =	vst v63  }
0x87: {  	s19 =	sor.u32 $0x200, s0  }
0x88: {  	[tilespmem:s26], [sflag:$0x1] =	stream.indirect.gather [hbm4b:s1+s20], $0x80, s19, s20, $0xb8;
	[tilespmem:$0x1EC00] =	vst v63  }
0x89: {  	_ =	swait.ge [sflag:s25], $0x2000  }
0x8a: {  	[sflag:s25] =	ssyncset.done $0x0  }
0x8b: {  	s8 =	sor.u32 $0x880, s0;
	[sflag:s25] =	ssyncadd.s32 $0xFFFFE000  }
0x8c: {  	[spmem:s3] =	stream.indirect.scatter.add.f32 [tilespmem:s22], [sflag:$0x2], $0x80, s8, s20, $0xb8;
	[tilespmem:$0x1EC00] =	vst v63  }
0x8d: {  	_ =	swait.ge [sflag:s28], $0x2000  }
0x8e: {  	[sflag:s28] =	ssyncset.done $0x0  }
0x8f: {  	s9 =	sor.u32 $0x280, s0;
	[sflag:s28] =	ssyncadd.s32 $0xFFFFE000  }
0x90: {  	[tilespmem:s21], [sflag:$0x1] =	stream.indirect.gather [hbm4b:s1+s20], $0x80, s9, s20, $0xb8;
	[tilespmem:$0x1EC00] =	vst v63  }
0x91: {  	_ =	swait.ge [sflag:s25], $0x2000  }
0x92: {  	[sflag:s25] =	ssyncset.done $0x0  }
0x93: {  	s10 =	sor.u32 $0x900, s0;
	[sflag:s25] =	ssyncadd.s32 $0xFFFFE000  }
0x94: {  	[spmem:s3] =	stream.indirect.scatter.add.f32 [tilespmem:s23], [sflag:$0x2], $0x80, s10, s20, $0xb8;
	[tilespmem:$0x1EC00] =	vst v63  }
0x95: {  	_ =	swait.ge [sflag:s28], $0x2000  }
0x96: {  	[sflag:s28] =	ssyncset.done $0x0  }
0x97: {  	s19 =	sor.u32 $0x300, s0;
	[sflag:s28] =	ssyncadd.s32 $0xFFFFE000  }
0x98: {  	[tilespmem:s22], [sflag:$0x1] =	stream.indirect.gather [hbm4b:s1+s20], $0x80, s19, s20, $0xb8;
	[tilespmem:$0x1EC00] =	vst v63  }
0x99: {  	_ =	swait.ge [sflag:s25], $0x2000  }
0x9a: {  	[sflag:s25] =	ssyncset.done $0x0  }
0x9b: {  	s8 =	sor.u32 $0x980, s0;
	[sflag:s25] =	ssyncadd.s32 $0xFFFFE000  }
0x9c: {  	[spmem:s3] =	stream.indirect.scatter.add.f32 [tilespmem:s24], [sflag:$0x2], $0x80, s8, s20, $0xb8;
	[tilespmem:$0x1EC00] =	vst v63  }
0x9d: {  	_ =	swait.ge [sflag:s28], $0x2000  }
0x9e: {  	[sflag:s28] =	ssyncset.done $0x0  }
0x9f: {  	s9 =	sor.u32 $0x380, s0;
	[sflag:s28] =	ssyncadd.s32 $0xFFFFE000  }
0xa0: {  	[tilespmem:s23], [sflag:$0x1] =	stream.indirect.gather [hbm4b:s1+s20], $0x80, s9, s20, $0xb8;
	[tilespmem:$0x1EC00] =	vst v63  }
0xa1: {  	_ =	swait.ge [sflag:s25], $0x2000  }
0xa2: {  	[sflag:s25] =	ssyncset.done $0x0  }
0xa3: {  	s10 =	sor.u32 $0xA00, s0;
	[sflag:s25] =	ssyncadd.s32 $0xFFFFE000  }
0xa4: {  	[spmem:s3] =	stream.indirect.scatter.add.f32 [tilespmem:s26], [sflag:$0x2], $0x80, s10, s20, $0xb8;
	[tilespmem:$0x1EC00] =	vst v63  }
0xa5: {  	_ =	swait.ge [sflag:s25], $0x2000  }
0xa6: {  	[sflag:s25] =	ssyncset.done $0x0  }
0xa7: {  	s19 =	sor.u32 $0xA80, s0;
	[sflag:s25] =	ssyncadd.s32 $0xFFFFE000  }
0xa8: {  	[spmem:s3] =	stream.indirect.scatter.add.f32 [tilespmem:s21], [sflag:$0x2], $0x80, s19, s20, $0xb8;
	[tilespmem:$0x1EC00] =	vst v63  }
0xa9: {  	_ =	swait.ge [sflag:s25], $0x2000  }
0xaa: {  	[sflag:s25] =	ssyncset.done $0x0  }
0xab: {  	s8 =	sor.u32 $0xB00, s0;
	[sflag:s25] =	ssyncadd.s32 $0xFFFFE000  }
0xac: {  	[spmem:s3] =	stream.indirect.scatter.add.f32 [tilespmem:s22], [sflag:$0x2], $0x80, s8, s20, $0xb8;
	[tilespmem:$0x1EC00] =	vst v63  }
0xad: {  	_ =	swait.ge [sflag:s25], $0x2000  }
0xae: {  	[sflag:s25] =	ssyncset.done $0x0  }
0xaf: {  	s9 =	sor.u32 $0xB80, s0;
	[sflag:s25] =	ssyncadd.s32 $0xFFFFE000  }
0xb0: {  	[spmem:s3] =	stream.indirect.scatter.add.f32 [tilespmem:s23], [sflag:$0x2], $0x80, s9, s20, $0xb8;
	[tilespmem:$0x1EC00] =	vst v63  }
0xb1: {  	_ =	swait.ge [sflag:s28], $0x2000  }
0xb2: {  	[sflag:s28] =	ssyncset.done $0x0  }
0xb3: {  	[sflag:s28] =	ssyncadd.s32 $0xFFFFE000  }
0xb4: {  	_ =	swait.ge [sflag:s28], $0x2000  }
0xb5: {  	[sflag:s28] =	ssyncset.done $0x0  }
0xb6: {  	[sflag:s28] =	ssyncadd.s32 $0xFFFFE000  }
0xb7: {  	_ =	swait.ge [sflag:s28], $0x2000  }
0xb8: {  	[sflag:s28] =	ssyncset.done $0x0  }
0xb9: {  	[sflag:s28] =	ssyncadd.s32 $0xFFFFE000  }
0xba: {  	_ =	swait.ge [sflag:s28], $0x2000  }
0xbb: {  	[sflag:s28] =	ssyncset.done $0x0  }
0xbc: {  	[sflag:s28] =	ssyncadd.s32 $0xFFFFE000  }
0xbd: {  	_ =	swait.ge [sflag:s28], $0x2000  }
0xbe: {  	[sflag:s28] =	ssyncset.done $0x0  }
0xbf: {  	[sflag:s28] =	ssyncadd.s32 $0xFFFFE000  }
0xc0: {  	_ =	swait.ge [sflag:s29], $0x400  }
0xc1: {  	s10 =	simm.s32 $0x2;
	[sflag:s29] =	ssyncset.done $0x0  }
0xc2: {  	s5 =	simm.s32 $0x3;
	s0 =	smin.u32 s10, $0x27;
	[sflag:s29] =	ssyncadd.s32 $0xFFFFFC00  }
0xc3: {  	s19 =	sadd.s32 s12, s0;
	s0 =	simm.s32 $0x400;
	_ =	swait.ge [sflag:s29], $0x400  }
0xc4: {  	s31 =	sand.u32 $0x400, s0;
	s10 =	sshll.u32 s19, $0x7;
	[sflag:s29] =	ssyncset.done $0x0  }
.LBB2_3:
0xc5: {  	s9 =	sxor.u32 $0x400, s31  }
0xc6: {  	s8 =	sadd.s32 s6, s10;
	[sflag:s29] =	ssyncadd.s32 $0xFFFFFC00;
	s19 =	smov.u32 s5  }
0xc7: {  	[tilespmem:s9], [sflag:$0x3] =	stream.linear.gather [hbm4b:s8+s4], $0x400, $0x38;
	[tilespmem:$0x1EC00] =	vst v63  }
0xc8: {  	s10 =	sadd.s32 s7, s10;
	s9 =	sadd.s32 $0x1, s5;
	s8 =	sxor.u32 $0xC00, s31  }
0xc9: {  	[tilespmem:s8], [sflag:$0x3] =	stream.linear.gather [hbm4b:s10+s4], $0x400, $0x38;
	[tilespmem:$0x1EC00] =	vst v63  }
0xca: {  	p1 =	seq.s32 s5, $0x28  }
0xcb: {  	[tilespmem:s21], [sflag:$0x1] =	stream.indirect.gather [hbm4b:s1+s20], $0x80, s31, s20, $0xb8;
	[tilespmem:$0x1EC00] =	vst v63  }
0xcc: {  	s5 =	sor.u32 $0x80, s31  }
0xcd: {  	[tilespmem:s22], [sflag:$0x1] =	stream.indirect.gather [hbm4b:s1+s20], $0x80, s5, s20, $0xb8;
	[tilespmem:$0x1EC00] =	vst v63  }
0xce: {  	s5 =	sor.u32 $0x100, s31  }
0xcf: {  	[tilespmem:s23], [sflag:$0x1] =	stream.indirect.gather [hbm4b:s1+s20], $0x80, s5, s20, $0xb8;
	[tilespmem:$0x1EC00] =	vst v63  }
0xd0: {  	s5 =	sor.u32 $0x180, s31  }
0xd1: {  	[tilespmem:s24], [sflag:$0x1] =	stream.indirect.gather [hbm4b:s1+s20], $0x80, s5, s20, $0xb8;
	[tilespmem:$0x1EC00] =	vst v63  }
0xd2: {  	_ =	swait.ge [sflag:s25], $0x2000  }
0xd3: {  	[sflag:s25] =	ssyncset.done $0x0  }
0xd4: {  	s5 =	sor.u32 $0x800, s31;
	[sflag:s25] =	ssyncadd.s32 $0xFFFFE000  }
0xd5: {  	[spmem:s3] =	stream.indirect.scatter.add.f32 [tilespmem:s21], [sflag:$0x2], $0x80, s5, s20, $0xb8;
	[tilespmem:$0x1EC00] =	vst v63  }
0xd6: {  	s5 =	sor.u32 $0x200, s31  }
0xd7: {  	[tilespmem:s26], [sflag:$0x1] =	stream.indirect.gather [hbm4b:s1+s20], $0x80, s5, s20, $0xb8;
	[tilespmem:$0x1EC00] =	vst v63  }
0xd8: {  	_ =	swait.ge [sflag:s25], $0x2000  }
0xd9: {  	[sflag:s25] =	ssyncset.done $0x0  }
0xda: {  	s5 =	sor.u32 $0x880, s31;
	[sflag:s25] =	ssyncadd.s32 $0xFFFFE000  }
0xdb: {  	[spmem:s3] =	stream.indirect.scatter.add.f32 [tilespmem:s22], [sflag:$0x2], $0x80, s5, s20, $0xb8;
	[tilespmem:$0x1EC00] =	vst v63  }
0xdc: {  	_ =	swait.ge [sflag:s28], $0x2000  }
0xdd: {  	[sflag:s28] =	ssyncset.done $0x0  }
0xde: {  	s5 =	sor.u32 $0x280, s31;
	[sflag:s28] =	ssyncadd.s32 $0xFFFFE000  }
0xdf: {  	[tilespmem:s21], [sflag:$0x1] =	stream.indirect.gather [hbm4b:s1+s20], $0x80, s5, s20, $0xb8;
	[tilespmem:$0x1EC00] =	vst v63  }
0xe0: {  	_ =	swait.ge [sflag:s25], $0x2000  }
0xe1: {  	[sflag:s25] =	ssyncset.done $0x0  }
0xe2: {  	s5 =	sor.u32 $0x900, s31;
	[sflag:s25] =	ssyncadd.s32 $0xFFFFE000  }
0xe3: {  	[spmem:s3] =	stream.indirect.scatter.add.f32 [tilespmem:s23], [sflag:$0x2], $0x80, s5, s20, $0xb8;
	[tilespmem:$0x1EC00] =	vst v63  }
0xe4: {  	_ =	swait.ge [sflag:s28], $0x2000  }
0xe5: {  	[sflag:s28] =	ssyncset.done $0x0  }
0xe6: {  	s5 =	sor.u32 $0x300, s31;
	[sflag:s28] =	ssyncadd.s32 $0xFFFFE000  }
0xe7: {  	[tilespmem:s22], [sflag:$0x1] =	stream.indirect.gather [hbm4b:s1+s20], $0x80, s5, s20, $0xb8;
	[tilespmem:$0x1EC00] =	vst v63  }
0xe8: {  	_ =	swait.ge [sflag:s25], $0x2000  }
0xe9: {  	[sflag:s25] =	ssyncset.done $0x0  }
0xea: {  	s5 =	sor.u32 $0x980, s31;
	[sflag:s25] =	ssyncadd.s32 $0xFFFFE000  }
0xeb: {  	[spmem:s3] =	stream.indirect.scatter.add.f32 [tilespmem:s24], [sflag:$0x2], $0x80, s5, s20, $0xb8;
	[tilespmem:$0x1EC00] =	vst v63  }
0xec: {  	_ =	swait.ge [sflag:s28], $0x2000  }
0xed: {  	[sflag:s28] =	ssyncset.done $0x0  }
0xee: {  	s5 =	sor.u32 $0x380, s31;
	[sflag:s28] =	ssyncadd.s32 $0xFFFFE000  }
0xef: {  	[tilespmem:s23], [sflag:$0x1] =	stream.indirect.gather [hbm4b:s1+s20], $0x80, s5, s20, $0xb8;
	[tilespmem:$0x1EC00] =	vst v63  }
0xf0: {  	_ =	swait.ge [sflag:s25], $0x2000  }
0xf1: {  	[sflag:s25] =	ssyncset.done $0x0  }
0xf2: {  	s5 =	sor.u32 $0xA00, s31;
	[sflag:s25] =	ssyncadd.s32 $0xFFFFE000  }
0xf3: {  	[spmem:s3] =	stream.indirect.scatter.add.f32 [tilespmem:s26], [sflag:$0x2], $0x80, s5, s20, $0xb8;
	[tilespmem:$0x1EC00] =	vst v63  }
0xf4: {  	_ =	swait.ge [sflag:s25], $0x2000  }
0xf5: {  	[sflag:s25] =	ssyncset.done $0x0  }
0xf6: {  	s5 =	sor.u32 $0xA80, s31;
	[sflag:s25] =	ssyncadd.s32 $0xFFFFE000  }
0xf7: {  	[spmem:s3] =	stream.indirect.scatter.add.f32 [tilespmem:s21], [sflag:$0x2], $0x80, s5, s20, $0xb8;
	[tilespmem:$0x1EC00] =	vst v63  }
0xf8: {  	_ =	swait.ge [sflag:s25], $0x2000  }
0xf9: {  	[sflag:s25] =	ssyncset.done $0x0  }
0xfa: {  	s5 =	sor.u32 $0xB00, s31;
	[sflag:s25] =	ssyncadd.s32 $0xFFFFE000  }
0xfb: {  	[spmem:s3] =	stream.indirect.scatter.add.f32 [tilespmem:s22], [sflag:$0x2], $0x80, s5, s20, $0xb8;
	[tilespmem:$0x1EC00] =	vst v63  }
0xfc: {  	_ =	swait.ge [sflag:s25], $0x2000  }
0xfd: {  	[sflag:s25] =	ssyncset.done $0x0  }
0xfe: {  	s5 =	sor.u32 $0xB80, s31;
	[sflag:s25] =	ssyncadd.s32 $0xFFFFE000  }
0xff: {  	[spmem:s3] =	stream.indirect.scatter.add.f32 [tilespmem:s23], [sflag:$0x2], $0x80, s5, s20, $0xb8;
	[tilespmem:$0x1EC00] =	vst v63  }
0x100: {  	_ =	swait.ge [sflag:s28], $0x2000  }
0x101: {  	[sflag:s28] =	ssyncset.done $0x0  }
0x102: {  	[sflag:s28] =	ssyncadd.s32 $0xFFFFE000  }
0x103: {  	_ =	swait.ge [sflag:s28], $0x2000  }
0x104: {  	[sflag:s28] =	ssyncset.done $0x0  }
0x105: {  	[sflag:s28] =	ssyncadd.s32 $0xFFFFE000  }
0x106: {  	_ =	swait.ge [sflag:s28], $0x2000  }
0x107: {  	[sflag:s28] =	ssyncset.done $0x0  }
0x108: {  	[sflag:s28] =	ssyncadd.s32 $0xFFFFE000  }
0x109: {  	_ =	swait.ge [sflag:s28], $0x2000  }
0x10a: {  	[sflag:s28] =	ssyncset.done $0x0  }
0x10b: {  	[sflag:s28] =	ssyncadd.s32 $0xFFFFE000  }
0x10c: {  	_ =	swait.ge [sflag:s28], $0x2000  }
0x10d: {  	[sflag:s28] =	ssyncset.done $0x0  }
0x10e: {  	[sflag:s28] =	ssyncadd.s32 $0xFFFFE000  }
.Ltmp3:
0x10f: {  	_ =	swait.ge [sflag:s29], $0x400;
	(pc) =	sbr.rel @!p1 .LBB2_3-.Ltmp3, $4  }
0x110: {  	[sflag:s29] =	ssyncset.done $0x0  }
0x111: {  	s0 =	sadd.s32 $0x400, s0;
	s5 =	smin.u32 s19, $0x27;
	[sflag:s29] =	ssyncadd.s32 $0xFFFFFC00  }
0x112: {  	s31 =	sand.u32 $0x400, s0;
	s5 =	sadd.s32 s12, s5;
	_ =	swait.ge [sflag:s29], $0x400  }
0x113: {  	s10 =	sshll.u32 s5, $0x7;
	s5 =	smov.u32 s9;
	[sflag:s29] =	ssyncset.done $0x0  }
0x114: {  	s0 =	sxor.u32 $0x400, s31;
	s5 =	sadd.s32 s6, s10;
	[sflag:s29] =	ssyncadd.s32 $0xFFFFFC00  }
0x115: {  	[tilespmem:s0], [sflag:$0x3] =	stream.linear.gather [hbm4b:s5+s4], $0x400, $0x38;
	[tilespmem:$0x1EC00] =	vst v63  }
0x116: {  	s9 =	sxor.u32 $0xC00, s31;
	s19 =	sadd.s32 s7, s10  }
0x117: {  	[tilespmem:s9], [sflag:$0x3] =	stream.linear.gather [hbm4b:s19+s4], $0x400, $0x38;
	[tilespmem:$0x1EC00] =	vst v63  }
0x118: {  	_ = 	snop  }
0x119: {  	[tilespmem:s21], [sflag:$0x1] =	stream.indirect.gather [hbm4b:s1+s20], $0x80, s31, s20, $0xb8;
	[tilespmem:$0x1EC00] =	vst v63  }
0x11a: {  	s8 =	sor.u32 $0x80, s31  }
0x11b: {  	[tilespmem:s22], [sflag:$0x1] =	stream.indirect.gather [hbm4b:s1+s20], $0x80, s8, s20, $0xb8;
	[tilespmem:$0x1EC00] =	vst v63  }
0x11c: {  	s9 =	sor.u32 $0x100, s31  }
0x11d: {  	[tilespmem:s23], [sflag:$0x1] =	stream.indirect.gather [hbm4b:s1+s20], $0x80, s9, s20, $0xb8;
	[tilespmem:$0x1EC00] =	vst v63  }
0x11e: {  	s10 =	sor.u32 $0x180, s31  }
0x11f: {  	[tilespmem:s24], [sflag:$0x1] =	stream.indirect.gather [hbm4b:s1+s20], $0x80, s10, s20, $0xb8;
	[tilespmem:$0x1EC00] =	vst v63  }
0x120: {  	_ =	swait.ge [sflag:s25], $0x2000  }
0x121: {  	[sflag:s25] =	ssyncset.done $0x0  }
0x122: {  	s19 =	sor.u32 $0x800, s31;
	[sflag:s25] =	ssyncadd.s32 $0xFFFFE000  }
0x123: {  	[spmem:s3] =	stream.indirect.scatter.add.f32 [tilespmem:s21], [sflag:$0x2], $0x80, s19, s20, $0xb8;
	[tilespmem:$0x1EC00] =	vst v63  }
0x124: {  	s5 =	sor.u32 $0x200, s31  }
0x125: {  	[tilespmem:s26], [sflag:$0x1] =	stream.indirect.gather [hbm4b:s1+s20], $0x80, s5, s20, $0xb8;
	[tilespmem:$0x1EC00] =	vst v63  }
0x126: {  	_ =	swait.ge [sflag:s25], $0x2000  }
0x127: {  	[sflag:s25] =	ssyncset.done $0x0  }
0x128: {  	s8 =	sor.u32 $0x880, s31;
	[sflag:s25] =	ssyncadd.s32 $0xFFFFE000  }
0x129: {  	[spmem:s3] =	stream.indirect.scatter.add.f32 [tilespmem:s22], [sflag:$0x2], $0x80, s8, s20, $0xb8;
	[tilespmem:$0x1EC00] =	vst v63  }
0x12a: {  	_ =	swait.ge [sflag:s28], $0x2000  }
0x12b: {  	[sflag:s28] =	ssyncset.done $0x0  }
0x12c: {  	s9 =	sor.u32 $0x280, s31;
	[sflag:s28] =	ssyncadd.s32 $0xFFFFE000  }
0x12d: {  	[tilespmem:s21], [sflag:$0x1] =	stream.indirect.gather [hbm4b:s1+s20], $0x80, s9, s20, $0xb8;
	[tilespmem:$0x1EC00] =	vst v63  }
0x12e: {  	_ =	swait.ge [sflag:s25], $0x2000  }
0x12f: {  	[sflag:s25] =	ssyncset.done $0x0  }
0x130: {  	s10 =	sor.u32 $0x900, s31;
	[sflag:s25] =	ssyncadd.s32 $0xFFFFE000  }
0x131: {  	[spmem:s3] =	stream.indirect.scatter.add.f32 [tilespmem:s23], [sflag:$0x2], $0x80, s10, s20, $0xb8;
	[tilespmem:$0x1EC00] =	vst v63  }
0x132: {  	_ =	swait.ge [sflag:s28], $0x2000  }
0x133: {  	[sflag:s28] =	ssyncset.done $0x0  }
0x134: {  	s19 =	sor.u32 $0x300, s31;
	[sflag:s28] =	ssyncadd.s32 $0xFFFFE000  }
0x135: {  	[tilespmem:s22], [sflag:$0x1] =	stream.indirect.gather [hbm4b:s1+s20], $0x80, s19, s20, $0xb8;
	[tilespmem:$0x1EC00] =	vst v63  }
0x136: {  	_ =	swait.ge [sflag:s25], $0x2000  }
0x137: {  	[sflag:s25] =	ssyncset.done $0x0  }
0x138: {  	s5 =	sor.u32 $0x980, s31;
	[sflag:s25] =	ssyncadd.s32 $0xFFFFE000  }
0x139: {  	[spmem:s3] =	stream.indirect.scatter.add.f32 [tilespmem:s24], [sflag:$0x2], $0x80, s5, s20, $0xb8;
	[tilespmem:$0x1EC00] =	vst v63  }
0x13a: {  	_ =	swait.ge [sflag:s28], $0x2000  }
0x13b: {  	[sflag:s28] =	ssyncset.done $0x0  }
0x13c: {  	s8 =	sor.u32 $0x380, s31;
	[sflag:s28] =	ssyncadd.s32 $0xFFFFE000  }
0x13d: {  	[tilespmem:s23], [sflag:$0x1] =	stream.indirect.gather [hbm4b:s1+s20], $0x80, s8, s20, $0xb8;
	[tilespmem:$0x1EC00] =	vst v63  }
0x13e: {  	_ =	swait.ge [sflag:s25], $0x2000  }
0x13f: {  	[sflag:s25] =	ssyncset.done $0x0  }
0x140: {  	s9 =	sor.u32 $0xA00, s31;
	[sflag:s25] =	ssyncadd.s32 $0xFFFFE000  }
0x141: {  	[spmem:s3] =	stream.indirect.scatter.add.f32 [tilespmem:s26], [sflag:$0x2], $0x80, s9, s20, $0xb8;
	[tilespmem:$0x1EC00] =	vst v63  }
0x142: {  	_ =	swait.ge [sflag:s25], $0x2000  }
0x143: {  	[sflag:s25] =	ssyncset.done $0x0  }
0x144: {  	s10 =	sor.u32 $0xA80, s31;
	[sflag:s25] =	ssyncadd.s32 $0xFFFFE000  }
0x145: {  	[spmem:s3] =	stream.indirect.scatter.add.f32 [tilespmem:s21], [sflag:$0x2], $0x80, s10, s20, $0xb8;
	[tilespmem:$0x1EC00] =	vst v63  }
0x146: {  	_ =	swait.ge [sflag:s25], $0x2000  }
0x147: {  	[sflag:s25] =	ssyncset.done $0x0  }
0x148: {  	s19 =	sor.u32 $0xB00, s31;
	[sflag:s25] =	ssyncadd.s32 $0xFFFFE000  }
0x149: {  	[spmem:s3] =	stream.indirect.scatter.add.f32 [tilespmem:s22], [sflag:$0x2], $0x80, s19, s20, $0xb8;
	[tilespmem:$0x1EC00] =	vst v63  }
0x14a: {  	_ =	swait.ge [sflag:s25], $0x2000  }
0x14b: {  	[sflag:s25] =	ssyncset.done $0x0  }
0x14c: {  	s31 =	sor.u32 $0xB80, s31;
	[sflag:s25] =	ssyncadd.s32 $0xFFFFE000  }
0x14d: {  	[spmem:s3] =	stream.indirect.scatter.add.f32 [tilespmem:s23], [sflag:$0x2], $0x80, s31, s20, $0xb8;
	[tilespmem:$0x1EC00] =	vst v63  }
0x14e: {  	_ =	swait.ge [sflag:s28], $0x2000  }
0x14f: {  	[sflag:s28] =	ssyncset.done $0x0  }
0x150: {  	[sflag:s28] =	ssyncadd.s32 $0xFFFFE000  }
0x151: {  	_ =	swait.ge [sflag:s28], $0x2000  }
0x152: {  	[sflag:s28] =	ssyncset.done $0x0  }
0x153: {  	[sflag:s28] =	ssyncadd.s32 $0xFFFFE000  }
0x154: {  	_ =	swait.ge [sflag:s28], $0x2000  }
0x155: {  	[sflag:s28] =	ssyncset.done $0x0  }
0x156: {  	[sflag:s28] =	ssyncadd.s32 $0xFFFFE000  }
0x157: {  	_ =	swait.ge [sflag:s28], $0x2000  }
0x158: {  	[sflag:s28] =	ssyncset.done $0x0  }
0x159: {  	[sflag:s28] =	ssyncadd.s32 $0xFFFFE000  }
0x15a: {  	_ =	swait.ge [sflag:s28], $0x2000  }
0x15b: {  	[sflag:s28] =	ssyncset.done $0x0  }
0x15c: {  	[sflag:s28] =	ssyncadd.s32 $0xFFFFE000  }
0x15d: {  	_ =	swait.ge [sflag:s29], $0x400  }
.Ltmp4:
0x15e: {  	[sflag:s29] =	ssyncset.done $0x0;
	(pc) =	sbr.rel .LBB2_8-.Ltmp4, $4  }
0x15f: {  	[sflag:s29] =	ssyncadd.s32 $0xFFFFFC00  }
0x160: {  	_ =	swait.ge [sflag:s29], $0x400  }
0x161: {  	[sflag:s29] =	ssyncset.done $0x0  }
0x162: {  	s0 =	rddreg [dreg:$0x6];
	[sflag:s29] =	ssyncadd.s32 $0xFFFFFC00  }
.LBB2_5:
0x163: {  	s8 =	sxor.u32 $0x400, s0;
	s9 =	sadd.s32 s6, s5  }
0x164: {  	[tilespmem:s8], [sflag:$0x3] =	stream.linear.gather [hbm4b:s9+s4], $0x400, $0x38;
	[tilespmem:$0x1EC00] =	vst v63  }
0x165: {  	s10 =	sadd.s32 s7, s5;
	s9 =	sxor.u32 $0xC00, s0  }
0x166: {  	[tilespmem:s9], [sflag:$0x3] =	stream.linear.gather [hbm4b:s10+s4], $0x400, $0x38;
	[tilespmem:$0x1EC00] =	vst v63  }
0x167: {  	_ = 	snop  }
0x168: {  	[tilespmem:s21], [sflag:$0x1] =	stream.indirect.gather [hbm4b:s2+s20], $0x80, s0, s20, $0xb8;
	[tilespmem:$0x1EC00] =	vst v63  }
0x169: {  	s19 =	sor.u32 $0x80, s0  }
0x16a: {  	[tilespmem:s22], [sflag:$0x1] =	stream.indirect.gather [hbm4b:s2+s20], $0x80, s19, s20, $0xb8;
	[tilespmem:$0x1EC00] =	vst v63  }
0x16b: {  	s8 =	sor.u32 $0x100, s0  }
0x16c: {  	[tilespmem:s23], [sflag:$0x1] =	stream.indirect.gather [hbm4b:s2+s20], $0x80, s8, s20, $0xb8;
	[tilespmem:$0x1EC00] =	vst v63  }
0x16d: {  	s9 =	sor.u32 $0x180, s0  }
0x16e: {  	[tilespmem:s24], [sflag:$0x1] =	stream.indirect.gather [hbm4b:s2+s20], $0x80, s9, s20, $0xb8;
	[tilespmem:$0x1EC00] =	vst v63  }
0x16f: {  	_ =	swait.ge [sflag:s25], $0x2000  }
0x170: {  	[sflag:s25] =	ssyncset.done $0x0  }
0x171: {  	s10 =	sor.u32 $0x800, s0;
	[sflag:s25] =	ssyncadd.s32 $0xFFFFE000  }
0x172: {  	[spmem:s3] =	stream.indirect.scatter.add.f32 [tilespmem:s21], [sflag:$0x2], $0x80, s10, s20, $0xb8;
	[tilespmem:$0x1EC00] =	vst v63  }
0x173: {  	s19 =	sor.u32 $0x200, s0  }
0x174: {  	[tilespmem:s26], [sflag:$0x1] =	stream.indirect.gather [hbm4b:s2+s20], $0x80, s19, s20, $0xb8;
	[tilespmem:$0x1EC00] =	vst v63  }
0x175: {  	_ =	swait.ge [sflag:s25], $0x2000  }
0x176: {  	[sflag:s25] =	ssyncset.done $0x0  }
0x177: {  	s8 =	sor.u32 $0x880, s0;
	[sflag:s25] =	ssyncadd.s32 $0xFFFFE000  }
0x178: {  	[spmem:s3] =	stream.indirect.scatter.add.f32 [tilespmem:s22], [sflag:$0x2], $0x80, s8, s20, $0xb8;
	[tilespmem:$0x1EC00] =	vst v63  }
0x179: {  	_ =	swait.ge [sflag:s28], $0x2000  }
0x17a: {  	[sflag:s28] =	ssyncset.done $0x0  }
0x17b: {  	s9 =	sor.u32 $0x280, s0;
	[sflag:s28] =	ssyncadd.s32 $0xFFFFE000  }
0x17c: {  	[tilespmem:s21], [sflag:$0x1] =	stream.indirect.gather [hbm4b:s2+s20], $0x80, s9, s20, $0xb8;
	[tilespmem:$0x1EC00] =	vst v63  }
0x17d: {  	_ =	swait.ge [sflag:s25], $0x2000  }
0x17e: {  	[sflag:s25] =	ssyncset.done $0x0  }
0x17f: {  	s10 =	sor.u32 $0x900, s0;
	[sflag:s25] =	ssyncadd.s32 $0xFFFFE000  }
0x180: {  	[spmem:s3] =	stream.indirect.scatter.add.f32 [tilespmem:s23], [sflag:$0x2], $0x80, s10, s20, $0xb8;
	[tilespmem:$0x1EC00] =	vst v63  }
0x181: {  	_ =	swait.ge [sflag:s28], $0x2000  }
0x182: {  	[sflag:s28] =	ssyncset.done $0x0  }
0x183: {  	s19 =	sor.u32 $0x300, s0;
	[sflag:s28] =	ssyncadd.s32 $0xFFFFE000  }
0x184: {  	[tilespmem:s22], [sflag:$0x1] =	stream.indirect.gather [hbm4b:s2+s20], $0x80, s19, s20, $0xb8;
	[tilespmem:$0x1EC00] =	vst v63  }
0x185: {  	_ =	swait.ge [sflag:s25], $0x2000  }
0x186: {  	[sflag:s25] =	ssyncset.done $0x0  }
0x187: {  	s8 =	sor.u32 $0x980, s0;
	[sflag:s25] =	ssyncadd.s32 $0xFFFFE000  }
0x188: {  	[spmem:s3] =	stream.indirect.scatter.add.f32 [tilespmem:s24], [sflag:$0x2], $0x80, s8, s20, $0xb8;
	[tilespmem:$0x1EC00] =	vst v63  }
0x189: {  	_ =	swait.ge [sflag:s28], $0x2000  }
0x18a: {  	[sflag:s28] =	ssyncset.done $0x0  }
0x18b: {  	s9 =	sor.u32 $0x380, s0;
	[sflag:s28] =	ssyncadd.s32 $0xFFFFE000  }
0x18c: {  	[tilespmem:s23], [sflag:$0x1] =	stream.indirect.gather [hbm4b:s2+s20], $0x80, s9, s20, $0xb8;
	[tilespmem:$0x1EC00] =	vst v63  }
0x18d: {  	_ =	swait.ge [sflag:s25], $0x2000  }
0x18e: {  	[sflag:s25] =	ssyncset.done $0x0  }
0x18f: {  	s10 =	sor.u32 $0xA00, s0;
	[sflag:s25] =	ssyncadd.s32 $0xFFFFE000  }
0x190: {  	[spmem:s3] =	stream.indirect.scatter.add.f32 [tilespmem:s26], [sflag:$0x2], $0x80, s10, s20, $0xb8;
	[tilespmem:$0x1EC00] =	vst v63  }
0x191: {  	_ =	swait.ge [sflag:s25], $0x2000  }
0x192: {  	[sflag:s25] =	ssyncset.done $0x0  }
0x193: {  	s19 =	sor.u32 $0xA80, s0;
	[sflag:s25] =	ssyncadd.s32 $0xFFFFE000  }
0x194: {  	[spmem:s3] =	stream.indirect.scatter.add.f32 [tilespmem:s21], [sflag:$0x2], $0x80, s19, s20, $0xb8;
	[tilespmem:$0x1EC00] =	vst v63  }
0x195: {  	_ =	swait.ge [sflag:s25], $0x2000  }
0x196: {  	[sflag:s25] =	ssyncset.done $0x0  }
0x197: {  	s8 =	sor.u32 $0xB00, s0;
	[sflag:s25] =	ssyncadd.s32 $0xFFFFE000  }
0x198: {  	[spmem:s3] =	stream.indirect.scatter.add.f32 [tilespmem:s22], [sflag:$0x2], $0x80, s8, s20, $0xb8;
	[tilespmem:$0x1EC00] =	vst v63  }
0x199: {  	_ =	swait.ge [sflag:s25], $0x2000  }
0x19a: {  	[sflag:s25] =	ssyncset.done $0x0  }
0x19b: {  	s9 =	sor.u32 $0xB80, s0;
	[sflag:s25] =	ssyncadd.s32 $0xFFFFE000  }
0x19c: {  	[spmem:s3] =	stream.indirect.scatter.add.f32 [tilespmem:s23], [sflag:$0x2], $0x80, s9, s20, $0xb8;
	[tilespmem:$0x1EC00] =	vst v63  }
0x19d: {  	_ =	swait.ge [sflag:s28], $0x2000  }
0x19e: {  	[sflag:s28] =	ssyncset.done $0x0  }
0x19f: {  	[sflag:s28] =	ssyncadd.s32 $0xFFFFE000  }
0x1a0: {  	_ =	swait.ge [sflag:s28], $0x2000  }
0x1a1: {  	[sflag:s28] =	ssyncset.done $0x0  }
0x1a2: {  	[sflag:s28] =	ssyncadd.s32 $0xFFFFE000  }
0x1a3: {  	_ =	swait.ge [sflag:s28], $0x2000  }
0x1a4: {  	[sflag:s28] =	ssyncset.done $0x0  }
0x1a5: {  	[sflag:s28] =	ssyncadd.s32 $0xFFFFE000  }
0x1a6: {  	_ =	swait.ge [sflag:s28], $0x2000  }
0x1a7: {  	[sflag:s28] =	ssyncset.done $0x0  }
0x1a8: {  	[sflag:s28] =	ssyncadd.s32 $0xFFFFE000  }
0x1a9: {  	_ =	swait.ge [sflag:s28], $0x2000  }
0x1aa: {  	[sflag:s28] =	ssyncset.done $0x0  }
0x1ab: {  	[sflag:s28] =	ssyncadd.s32 $0xFFFFE000  }
0x1ac: {  	s10 =	simm.s32 $0x2;
	_ =	swait.ge [sflag:s29], $0x400  }
0x1ad: {  	s0 =	smin.u32 s10, $0x27;
	[sflag:s29] =	ssyncset.done $0x0  }
0x1ae: {  	s19 =	sadd.s32 s12, s0;
	s0 =	simm.s32 $0x400;
	[sflag:s29] =	ssyncadd.s32 $0xFFFFFC00  }
0x1af: {  	s31 =	sand.u32 $0x400, s0;
	_ =	swait.ge [sflag:s29], $0x400  }
0x1b0: {  	s10 =	sshll.u32 s19, $0x7;
	s9 =	simm.s32 $0x3;
	[sflag:s29] =	ssyncset.done $0x0  }
.LBB2_6:
0x1b1: {  	s5 =	sxor.u32 $0x400, s31  }
0x1b2: {  	s8 =	sadd.s32 s6, s10;
	[sflag:s29] =	ssyncadd.s32 $0xFFFFFC00;
	s19 =	smov.u32 s9  }
0x1b3: {  	[tilespmem:s5], [sflag:$0x3] =	stream.linear.gather [hbm4b:s8+s4], $0x400, $0x38;
	[tilespmem:$0x1EC00] =	vst v63  }
0x1b4: {  	s10 =	sadd.s32 s7, s10;
	s5 =	sadd.s32 $0x1, s9;
	s8 =	sxor.u32 $0xC00, s31  }
0x1b5: {  	[tilespmem:s8], [sflag:$0x3] =	stream.linear.gather [hbm4b:s10+s4], $0x400, $0x38;
	[tilespmem:$0x1EC00] =	vst v63  }
0x1b6: {  	p1 =	sne.s32 s9, $0x28  }
0x1b7: {  	[tilespmem:s21], [sflag:$0x1] =	stream.indirect.gather [hbm4b:s2+s20], $0x80, s31, s20, $0xb8;
	[tilespmem:$0x1EC00] =	vst v63  }
0x1b8: {  	s8 =	sor.u32 $0x80, s31  }
0x1b9: {  	[tilespmem:s22], [sflag:$0x1] =	stream.indirect.gather [hbm4b:s2+s20], $0x80, s8, s20, $0xb8;
	[tilespmem:$0x1EC00] =	vst v63  }
0x1ba: {  	s8 =	sor.u32 $0x100, s31  }
0x1bb: {  	[tilespmem:s23], [sflag:$0x1] =	stream.indirect.gather [hbm4b:s2+s20], $0x80, s8, s20, $0xb8;
	[tilespmem:$0x1EC00] =	vst v63  }
0x1bc: {  	s8 =	sor.u32 $0x180, s31  }
0x1bd: {  	[tilespmem:s24], [sflag:$0x1] =	stream.indirect.gather [hbm4b:s2+s20], $0x80, s8, s20, $0xb8;
	[tilespmem:$0x1EC00] =	vst v63  }
0x1be: {  	_ =	swait.ge [sflag:s25], $0x2000  }
0x1bf: {  	[sflag:s25] =	ssyncset.done $0x0  }
0x1c0: {  	s8 =	sor.u32 $0x800, s31;
	[sflag:s25] =	ssyncadd.s32 $0xFFFFE000  }
0x1c1: {  	[spmem:s3] =	stream.indirect.scatter.add.f32 [tilespmem:s21], [sflag:$0x2], $0x80, s8, s20, $0xb8;
	[tilespmem:$0x1EC00] =	vst v63  }
0x1c2: {  	s8 =	sor.u32 $0x200, s31  }
0x1c3: {  	[tilespmem:s26], [sflag:$0x1] =	stream.indirect.gather [hbm4b:s2+s20], $0x80, s8, s20, $0xb8;
	[tilespmem:$0x1EC00] =	vst v63  }
0x1c4: {  	_ =	swait.ge [sflag:s25], $0x2000  }
0x1c5: {  	[sflag:s25] =	ssyncset.done $0x0  }
0x1c6: {  	s8 =	sor.u32 $0x880, s31;
	[sflag:s25] =	ssyncadd.s32 $0xFFFFE000  }
0x1c7: {  	[spmem:s3] =	stream.indirect.scatter.add.f32 [tilespmem:s22], [sflag:$0x2], $0x80, s8, s20, $0xb8;
	[tilespmem:$0x1EC00] =	vst v63  }
0x1c8: {  	_ =	swait.ge [sflag:s28], $0x2000  }
0x1c9: {  	[sflag:s28] =	ssyncset.done $0x0  }
0x1ca: {  	s8 =	sor.u32 $0x280, s31;
	[sflag:s28] =	ssyncadd.s32 $0xFFFFE000  }
0x1cb: {  	[tilespmem:s21], [sflag:$0x1] =	stream.indirect.gather [hbm4b:s2+s20], $0x80, s8, s20, $0xb8;
	[tilespmem:$0x1EC00] =	vst v63  }
0x1cc: {  	_ =	swait.ge [sflag:s25], $0x2000  }
0x1cd: {  	[sflag:s25] =	ssyncset.done $0x0  }
0x1ce: {  	s8 =	sor.u32 $0x900, s31;
	[sflag:s25] =	ssyncadd.s32 $0xFFFFE000  }
0x1cf: {  	[spmem:s3] =	stream.indirect.scatter.add.f32 [tilespmem:s23], [sflag:$0x2], $0x80, s8, s20, $0xb8;
	[tilespmem:$0x1EC00] =	vst v63  }
0x1d0: {  	_ =	swait.ge [sflag:s28], $0x2000  }
0x1d1: {  	[sflag:s28] =	ssyncset.done $0x0  }
0x1d2: {  	s8 =	sor.u32 $0x300, s31;
	[sflag:s28] =	ssyncadd.s32 $0xFFFFE000  }
0x1d3: {  	[tilespmem:s22], [sflag:$0x1] =	stream.indirect.gather [hbm4b:s2+s20], $0x80, s8, s20, $0xb8;
	[tilespmem:$0x1EC00] =	vst v63  }
0x1d4: {  	_ =	swait.ge [sflag:s25], $0x2000  }
0x1d5: {  	[sflag:s25] =	ssyncset.done $0x0  }
0x1d6: {  	s8 =	sor.u32 $0x980, s31;
	[sflag:s25] =	ssyncadd.s32 $0xFFFFE000  }
0x1d7: {  	[spmem:s3] =	stream.indirect.scatter.add.f32 [tilespmem:s24], [sflag:$0x2], $0x80, s8, s20, $0xb8;
	[tilespmem:$0x1EC00] =	vst v63  }
0x1d8: {  	_ =	swait.ge [sflag:s28], $0x2000  }
0x1d9: {  	[sflag:s28] =	ssyncset.done $0x0  }
0x1da: {  	s8 =	sor.u32 $0x380, s31;
	[sflag:s28] =	ssyncadd.s32 $0xFFFFE000  }
0x1db: {  	[tilespmem:s23], [sflag:$0x1] =	stream.indirect.gather [hbm4b:s2+s20], $0x80, s8, s20, $0xb8;
	[tilespmem:$0x1EC00] =	vst v63  }
0x1dc: {  	_ =	swait.ge [sflag:s25], $0x2000  }
0x1dd: {  	[sflag:s25] =	ssyncset.done $0x0  }
0x1de: {  	s8 =	sor.u32 $0xA00, s31;
	[sflag:s25] =	ssyncadd.s32 $0xFFFFE000  }
0x1df: {  	[spmem:s3] =	stream.indirect.scatter.add.f32 [tilespmem:s26], [sflag:$0x2], $0x80, s8, s20, $0xb8;
	[tilespmem:$0x1EC00] =	vst v63  }
0x1e0: {  	_ =	swait.ge [sflag:s25], $0x2000  }
0x1e1: {  	[sflag:s25] =	ssyncset.done $0x0  }
0x1e2: {  	s8 =	sor.u32 $0xA80, s31;
	[sflag:s25] =	ssyncadd.s32 $0xFFFFE000  }
0x1e3: {  	[spmem:s3] =	stream.indirect.scatter.add.f32 [tilespmem:s21], [sflag:$0x2], $0x80, s8, s20, $0xb8;
	[tilespmem:$0x1EC00] =	vst v63  }
0x1e4: {  	_ =	swait.ge [sflag:s25], $0x2000  }
0x1e5: {  	[sflag:s25] =	ssyncset.done $0x0  }
0x1e6: {  	s8 =	sor.u32 $0xB00, s31;
	[sflag:s25] =	ssyncadd.s32 $0xFFFFE000  }
0x1e7: {  	[spmem:s3] =	stream.indirect.scatter.add.f32 [tilespmem:s22], [sflag:$0x2], $0x80, s8, s20, $0xb8;
	[tilespmem:$0x1EC00] =	vst v63  }
0x1e8: {  	_ =	swait.ge [sflag:s25], $0x2000  }
0x1e9: {  	[sflag:s25] =	ssyncset.done $0x0  }
0x1ea: {  	s8 =	sor.u32 $0xB80, s31;
	[sflag:s25] =	ssyncadd.s32 $0xFFFFE000  }
0x1eb: {  	[spmem:s3] =	stream.indirect.scatter.add.f32 [tilespmem:s23], [sflag:$0x2], $0x80, s8, s20, $0xb8;
	[tilespmem:$0x1EC00] =	vst v63  }
0x1ec: {  	_ =	swait.ge [sflag:s28], $0x2000  }
0x1ed: {  	[sflag:s28] =	ssyncset.done $0x0  }
0x1ee: {  	[sflag:s28] =	ssyncadd.s32 $0xFFFFE000  }
0x1ef: {  	_ =	swait.ge [sflag:s28], $0x2000  }
0x1f0: {  	[sflag:s28] =	ssyncset.done $0x0  }
0x1f1: {  	[sflag:s28] =	ssyncadd.s32 $0xFFFFE000  }
0x1f2: {  	_ =	swait.ge [sflag:s28], $0x2000  }
0x1f3: {  	[sflag:s28] =	ssyncset.done $0x0  }
0x1f4: {  	[sflag:s28] =	ssyncadd.s32 $0xFFFFE000  }
0x1f5: {  	_ =	swait.ge [sflag:s28], $0x2000  }
0x1f6: {  	[sflag:s28] =	ssyncset.done $0x0  }
0x1f7: {  	[sflag:s28] =	ssyncadd.s32 $0xFFFFE000  }
0x1f8: {  	_ =	swait.ge [sflag:s28], $0x2000  }
0x1f9: {  	[sflag:s28] =	ssyncset.done $0x0  }
0x1fa: {  	[sflag:s28] =	ssyncadd.s32 $0xFFFFE000  }
.Ltmp5:
0x1fb: {  	_ =	swait.ge [sflag:s29], $0x400;
	(pc) =	sbr.rel @p1 .LBB2_6-.Ltmp5, $4  }
0x1fc: {  	[sflag:s29] =	ssyncset.done $0x0  }
0x1fd: {  	s0 =	sadd.s32 $0x400, s0;
	s8 =	smin.u32 s19, $0x27;
	[sflag:s29] =	ssyncadd.s32 $0xFFFFFC00  }
0x1fe: {  	s9 =	smov.u32 s5;
	s8 =	sadd.s32 s12, s8;
	_ =	swait.ge [sflag:s29], $0x400  }
0x1ff: {  	s31 =	sand.u32 $0x400, s0;
	s10 =	sshll.u32 s8, $0x7;
	[sflag:s29] =	ssyncset.done $0x0  }
.Ltmp6:
0x200: {  	_ = 	snop;
	(pc) =	sbr.rel .LBB2_7-.Ltmp6, $1  }
0x201: {  	_ =	sdelay $0x3  }
.LBB2_9:
0x202: {  	_ =	sfence.sel $0x180000  }
0x203: {  	[bflag:$0x0] =	sbarrier.arrive $0xFFFF  }
0x204: {  	_ =	strace $0x90000047  }
0x205: {  	s0 =	stileid.u32;
	[bflag:$0x2] =	sbarrier.arrive $0xFFFF  }
0x206: {  	p0 =	sne.s32 s0, $0x0;
	s0 =	rddreg [dreg:$0x4]  }
0x207: {  	s0 =	sadd.s32 @!p0 $0x100000, s0  }
0x208: {  	[sflag:s0] =	ssyncadd.tile.s32 @!p0 $0x1;
	_ =	shalt  }
.Lfunc_end2:
_tile_overlayer_lowered:
.L_overlay_start_2:
0x209: {  	(tag) =	ssettag $0x2  }
0x20a: {  	s0 =	rddreg [dreg:$0x0];
	s2 =	stileid.u32  }
0x20b: {  	s1 =	rddreg [dreg:$0x1];
	p0 =	sne.s32 s2, $0x0  }
0x20c: {  	s3 =	rddreg [dreg:$0x2];
	[bflag:$0x3] =	sbarrier.arrive $0xFFFF;
	s2 =	simm.s32 @!p0 $0x1C04  }
0x20d: {  	[timem:s3], [sflag:s2] =	dma.local @!p0 [hbm:s0], s1  }
0x20e: {  	s0 =	simm.s32 @!p0 $0x4  }
0x20f: {  	_ =	swait.ge @!p0 [sflag:s0], s1  }
0x210: {  	s1 =	ssub.s32 @!p0 $0x0, s1;
	[sflag:s0] =	ssyncset.done @!p0 $0x0  }
0x211: {  	[sflag:s0] =	ssyncadd.s32 @!p0 s1  }
0x212: {  	[bflag:$0x3] =	sbarrier.arrive $0xFFFF  }
0x213: {  	_ =	shalt  }

// kernel: kernel.9.cloned.1.call-start
scs
__scs_entry_jumppad:
0x0: {  	(pc) =	sbr.rel $0x88, $3  }
0x1: {  	(tag) =	ssettag $0x0;
	lr =	simm.s32 $0x1  }
0x2: {  	[smem:$0x3F95] =	sst lr;
	_ =	strace $0xD0000000  }
0x3: {  	_ = 	snop  }
0x4: {  	_ = 	snop  }
0x5: {  	_ = 	snop  }
0x6: {  	_ = 	snop  }
0x7: {  	_ = 	snop  }
__scs_overlays_trampoline_lowered:
0x8: {  	[smem:$0x3FA4] =	sst s0  }
0x9: {  	[smem:$0x3FA5] =	sst s1  }
0xa: {  	[smem:$0x3FA6] =	sst s2  }
0xb: {  	[smem:$0x3FA7] =	sst s3  }
0xc: {  	[smem:$0x3FA8] =	sst s4  }
0xd: {  	[smem:$0x3FA9] =	sst s5  }
0xe: {  	[smem:$0x3FAA] =	sst s6  }
0xf: {  	[smem:$0x3FAB] =	sst s7  }
0x10: {  	[smem:$0x3FAC] =	sst s8  }
0x11: {  	[smem:$0x3FAD] =	sst s9;
	s0 =	simm.s32 @!p0 $0x0  }
0x12: {  	s1 =	sld [smem:$0x3F93];
	s0 =	simm.s32 @p0 $0x1  }
0x13: {  	[smem:$0x3FAE] =	sst s0;
	s0 =	simm.s32 @!p1 $0x0  }
0x14: {  	s2 =	sld [smem:$0x3F92];
	s0 =	simm.s32 @p1 $0x1  }
0x15: {  	[smem:$0x3FAF] =	sst s0;
	s0 =	simm.s32 @!p2 $0x0  }
0x16: {  	s3 =	sld [smem:$0x3FDB];
	s0 =	simm.s32 @p2 $0x1  }
0x17: {  	s4 =	simm.s32 $0x1BF5;
	[smem:$0x3FB1] =	sst s0  }
0x18: {  	s0 =	sld [smem:$0x3F94];
	_ =	swait.ge [sflag:s4], $0x0  }
0x19: {  	s7 =	sld [smem:$0x3F95]  }
0x1a: {  	s8 =	sadd.s32 $0xFFFFE003, lr  }
0x1b: {  	s9 =	sadd.s32 $0xFFFFFEF7, lr;
	s5 =	simm.s32 $0xFFFFFFFF;
	p2 =	slt.u32 s8, $0xFFFFF086  }
0x1c: {  	p1 =	slt.u32 s9, $0xF7A;
	s5 =	simm.s32 @!p2 $0x0  }
0x1d: {  	s5 =	simm.s32 @p1 $0x1;
	p0 =	seq.s32 s7, s2  }
0x1e: {  	s7 =	smul.u32 @!p0 $0xF7A, s2;
	p2 =	seq.s32 @!p0 s5, $0x0  }
0x1f: {  	s9 =	smul.u32 $0xF7A, s1;
	s8 =	simm.s32 @!p0 $0x1BF5;
	p2 =	por !p2, p0  }
0x20: {  	[sflag:s8] =	ssyncset.s32 @!p0 $0xFFFFF086;
	s6 =	sadd.s32 @!p0 s3, s7;
	s7 =	simm.s32 @!p0 $0x108  }
0x21: {  	s3 =	sadd.s32 s3, s9;
	s6 =	sadd.s32 @!p0 $0x88, s6;
	s7 =	simm.s32 @p2 $0x1082  }
0x22: {  	[simem:s7], [sflag:s8] =	dma.local @!p0 [hbm:s6], $0xF7A  }
0x23: {  	s9 =	sor.u32 $0xD0000000, s2;
	s6 =	simm.s32 $0x108;
	_ =	swait.ge @!p0 [sflag:s8], $0x0  }
0x24: {  	s3 =	sadd.s32 $0x88, s3;
	s6 =	simm.s32 @!p1 $0x1082;
	[sflag:s4] =	ssyncset.s32 $0xFFFFF086  }
0x25: {  	[simem:s6], [sflag:s4] =	dma.local [hbm:s3], $0xF7A  }
0x26: {  	[smem:$0x3F95] =	sst s1;
	(tag) =	ssettag s2;
	_ =	strace s9  }
0x27: {  	s1 =	sld [smem:$0x3FA5]  }
0x28: {  	s2 =	sld [smem:$0x3FA6]  }
0x29: {  	s4 =	sld [smem:$0x3FA8]  }
0x2a: {  	p0 =	seq.s32 s5, $0x0;
	s5 =	sld [smem:$0x3FA9]  }
0x2b: {  	s6 =	sld [smem:$0x3FAA]  }
0x2c: {  	s7 =	sld [smem:$0x3FAB]  }
0x2d: {  	s3 =	simm.s32 $0x108;
	s8 =	sld [smem:$0x3FAC]  }
0x2e: {  	s3 =	simm.s32 @!p0 $0x1082;
	s9 =	sld [smem:$0x3FAD]  }
0x2f: {  	lr =	sadd.s32 s0, s3;
	s0 =	sld [smem:$0x3FA4]  }
0x30: {  	s3 =	sld [smem:$0x3FA7]  }
0x31: {  	[smem:$0x3FB0] =	sst s10  }
0x32: {  	s10 =	sld [smem:$0x3FAE];
	_ =	sdelay $0x3  }
0x33: {  	p0 =	seq.s32 s10, $0x1;
	s10 =	sld [smem:$0x3FB0];
	_ =	sdelay $0x3  }
0x34: {  	[smem:$0x3FB0] =	sst s10  }
0x35: {  	s10 =	sld [smem:$0x3FAF];
	_ =	sdelay $0x3  }
0x36: {  	p1 =	seq.s32 s10, $0x1;
	s10 =	sld [smem:$0x3FB0];
	_ =	sdelay $0x3  }
0x37: {  	[smem:$0x3FB0] =	sst s10  }
0x38: {  	s10 =	sld [smem:$0x3FB1]  }
0x39: {  	_ = 	snop;
	(pc) =	sbr.ind lr, $3  }
0x3a: {  	_ = 	snop  }
0x3b: {  	_ = 	snop  }
0x3c: {  	p2 =	seq.s32 s10, $0x1;
	s10 =	sld [smem:$0x3FB0]  }
0x3d: {  	_ =	shalt  }
0x3e: {  	_ =	shalt  }
0x3f: {  	_ =	shalt  }
0x40: {  	_ =	shalt  }
0x41: {  	_ =	shalt  }
0x42: {  	_ =	shalt  }
0x43: {  	_ =	shalt  }
0x44: {  	_ =	shalt  }
0x45: {  	_ =	shalt  }
0x46: {  	_ =	shalt  }
0x47: {  	_ =	shalt  }
0x48: {  	_ =	shalt  }
0x49: {  	_ =	shalt  }
0x4a: {  	_ =	shalt  }
0x4b: {  	_ =	shalt  }
0x4c: {  	_ =	shalt  }
0x4d: {  	_ =	shalt  }
0x4e: {  	_ =	shalt  }
0x4f: {  	_ =	shalt  }
0x50: {  	_ =	shalt  }
0x51: {  	_ =	shalt  }
0x52: {  	_ =	shalt  }
0x53: {  	_ =	shalt  }
0x54: {  	_ =	shalt  }
0x55: {  	_ =	shalt  }
0x56: {  	_ =	shalt  }
0x57: {  	_ =	shalt  }
0x58: {  	_ =	shalt  }
0x59: {  	_ =	shalt  }
0x5a: {  	_ =	shalt  }
0x5b: {  	_ =	shalt  }
0x5c: {  	_ =	shalt  }
0x5d: {  	_ =	shalt  }
0x5e: {  	_ =	shalt  }
0x5f: {  	_ =	shalt  }
0x60: {  	_ =	shalt  }
0x61: {  	_ =	shalt  }
0x62: {  	_ =	shalt  }
0x63: {  	_ =	shalt  }
0x64: {  	_ =	shalt  }
0x65: {  	_ =	shalt  }
0x66: {  	_ =	shalt  }
0x67: {  	_ =	shalt  }
0x68: {  	_ =	shalt  }
0x69: {  	_ =	shalt  }
0x6a: {  	_ =	shalt  }
0x6b: {  	_ =	shalt  }
0x6c: {  	_ =	shalt  }
0x6d: {  	_ =	shalt  }
0x6e: {  	_ =	shalt  }
0x6f: {  	_ =	shalt  }
0x70: {  	_ =	shalt  }
0x71: {  	_ =	shalt  }
0x72: {  	_ =	shalt  }
0x73: {  	_ =	shalt  }
0x74: {  	_ =	shalt  }
0x75: {  	_ =	shalt  }
0x76: {  	_ =	shalt  }
0x77: {  	_ =	shalt  }
0x78: {  	_ =	shalt  }
0x79: {  	_ =	shalt  }
0x7a: {  	_ =	shalt  }
0x7b: {  	_ =	shalt  }
0x7c: {  	_ =	shalt  }
0x7d: {  	_ =	shalt  }
0x7e: {  	_ =	shalt  }
0x7f: {  	_ =	shalt  }
0x80: {  	_ =	shalt  }
0x81: {  	_ =	shalt  }
0x82: {  	_ =	shalt  }
0x83: {  	_ =	shalt  }
0x84: {  	_ =	shalt  }
0x85: {  	_ =	shalt  }
0x86: {  	_ =	shalt  }
0x87: {  	_ =	shalt  }
.Lfunc_end0:
.L_simem_size_0:
called_computation.1_lowered:
.L_overlay_start_0:
0x88: {  	s2 =	sld [smem:$0x3FD9]  }
0x89: {  	s3 =	sld [smem:$0x3FFE];
	_ =	sdelay $0x1  }
0x8a: {  	s1 =	srdreg.scid  }
0x8b: {  	s0 =	sand.u32 $0x1, s1  }
0x8c: {  	s17 =	sshll.u32 s0, $0xA;
	s2 =	sadd.s32 s3, s2  }
0x8d: {  	s2 =	sadd.s32 s2, s17  }
0x8e: {  	[smem:$0x3FBC] =	sst s2  }
0x8f: {  	_ = 	snop  }
0x90: {  	s2 =	sld [smem:$0x3FD0];
	(tm) =	ssettm $0x1  }
0x91: {  	s18 =	sld [smem:$0x3FFB];
	_ =	sdelay $0x3  }
0x92: {  	_ =	strace s18  }
0x93: {  	s3 =	sld [smem:$0x3FFC];
	_ =	sdelay $0x3  }
0x94: {  	_ =	strace s3  }
0x95: {  	s3 =	sld [smem:$0x3FFD];
	_ =	sdelay $0x3  }
0x96: {  	_ =	strace s3  }
0x97: {  	_ =	strace $0x8FFFFFFF  }
0x98: {  	s19 =	sld [smem:$0x3FDB];
	_ =	sdelay $0x1  }
0x99: {  	s4 =	simm.s32 $_scs_section_size  }
0x9a: {  	s5 =	simm.s32 $_size__tile_overlayer_lowered;
	s6 =	simm.s32 $_tile_overlayer_lowered  }
0x9b: {  	s22 =	simm.s32 $0x1BFF;
	s21 =	sshll.u32 s6, $0x1;
	s3 =	sadd.s32 s4, s19  }
0x9c: {  	s7 =	simm.s32 $0x0;
	s20 =	sshll.u32 s5, $0x1;
	s5 =	sadd.s32 s21, s3  }
0x9d: {  	[timem:s7], [sflag:s22] =	dma.local [hbm:s5], s20  }
0x9e: {  	_ =	swait.ge [sflag:s22], s20  }
0x9f: {  	s4 =	ssub.s32 $0x0, s20;
	[sflag:s22] =	ssyncset.done $0x0  }
0xa0: {  	[sflag:s22] =	ssyncadd.s32 s4;
	_ =	sdelay $0x1  }
0xa1: {  	s23 =	simm.s32 $0x1B8B  }
0xa2: {  	_ =	swait.ge [sflag:s23], $0x1  }
0xa3: {  	[sflag:s23] =	ssyncset.done $0x0  }
0xa4: {  	s25 =	simm.s32 $0x1B8E;
	s24 =	sld [smem:$0x3FFE];
	[sflag:s23] =	ssyncadd.s32 $0xFFFFFFFF  }
0xa5: {  	s26 =	simm.s32 $execute0_lowered;
	[smem:$0x3FD2] =	sst s25  }
0xa6: {  	s5 =	sshll.u32 s26, $0x1;
	_ =	strace $0x80000049;
	[dreg:$0x1] =	wrdreg $0xFFFFFFFF  }
0xa7: {  	s28 =	simm.s32 $_size_execute0_lowered;
	s3 =	sadd.s32 s3, s5;
	[dreg:$0x0] =	wrdreg $0x0  }
0xa8: {  	s5 =	sshll.u32 s28, $0x1;
	[dreg:$0x2] =	wrdreg s3  }
0xa9: {  	[dreg:$0x3] =	wrdreg s5  }
0xaa: {  	[dreg:$0x4] =	wrdreg $0xC0  }
0xab: {  	_ =	task [dreg:s7], $0x5FFFF  }
0xac: {  	[dreg:$0x1] =	wrdreg $0xFFFFFFFF  }
0xad: {  	[dreg:$0x0] =	wrdreg $0x60  }
0xae: {  	[dreg:$0x2] =	wrdreg s2  }
0xaf: {  	[dreg:$0x3] =	wrdreg s24  }
0xb0: {  	[dreg:$0x4] =	wrdreg $0xB0000  }
0xb1: {  	[dreg:$0x5] =	wrdreg $0x9  }
0xb2: {  	_ =	task.clear_ibuf [dreg:s7], $0x6FFFF;
	_ =	strace $0x90000049  }
0xb3: {  	s29 =	simm.s32 $0x9;
	_ =	strace $0x8000004B  }
0xb4: {  	_ =	swait.ge [sflag:s29], $0x1  }
0xb5: {  	[sflag:s29] =	ssyncadd.s32 $0xFFFFFFFF  }
0xb6: {  	_ =	strace $0x9000004B  }
0xb7: {  	_ =	sfence  }
0xb8: {  	s30 =	sld [smem:$0x0];
	_ =	sdelay $0x2  }
0xb9: {  	s31 =	sshll.u32 s1, $0xD;
	s1 =	sshrl.u32 s1, $0x2  }
0xba: {  	s3 =	sand.u32 $0x4000, s31;
	s1 =	sadd.s32 s1, s30  }
0xbb: {  	s0 =	sor.u32 s3, s0;
	s1 =	sshll.u32 s1, $0x11  }
0xbc: {  	s0 =	sor.u32 s1, s0  }
0xbd: {  	s0 =	sadd.s32 $0x8F2B, s0  }
0xbe: {  	[sflag:s0] =	ssyncadd.remote.s32 $0x1  }
0xbf: {  	_ =	sfence.sel $0xFFFF  }
0xc0: {  	[dreg:$0x0] =	wrdreg $0xFFFFFFFF;
	(pc) =	sbr.abs _section_cstart, $3  }
0xc1: {  	[dreg:$0x1] =	wrdreg $0xFFFFFFFF  }
0xc2: {  	_ =	task.clear_ibuf [dreg:s7], $0x2FFFF;
	_ =	strace $0x9FFFFFFF  }
0xc3: {  	(tm) =	ssettm $0x7FFFFFFF  }
tec
execute0_lowered:
.L_overlay_start_1:
0x0: {  	(tag) =	ssettag $0x1  }
0x1: {  	s1 =	rddreg [dreg:$0x0]  }
0x2: {  	s0 =	rddreg [dreg:$0x1]  }
0x3: {  	s2 =	rddreg [dreg:$0x2]  }
0x4: {  	s3 =	simm.s32 $0x0;
	s5 =	srdreg.scid;
	s12 =	stileid.u32  }
0x5: {  	s19 =	simm.s32 $0x4;
	s21 =	simm.s32 $0x40;
	s28 =	simm.s32 $0x9000  }
0x6: {  	s29 =	simm.s32 $0x2;
	s30 =	simm.s32 $0x3;
	s31 =	simm.s32 $0x0  }
0x7: {  	[smem:$0x7FF] =	sst s3;
	s4 =	sadd.s32 $0x3000, s0;
	s6 =	sadd.s32 $0x17000, s0  }
0x8: {  	s7 =	sadd.s32 $0x2B000, s0;
	s5 =	sand.u32 $0x1, s5;
	s10 =	smul.u32 $0x4F000, s12  }
0x9: {  	s8 =	sadd.s32 $0x2D800, s0;
	s0 =	sadd.s32 $0x55000, s0;
	s16 =	smul.u32 $0xA00, s12  }
0xa: {  	s26 =	sshll.u32 s12, $0x6;
	s14 =	smul.u32 $0x2780, s12;
	_ =	strace $0x8000004A  }
0xb: {  	[dreg:$0x4] =	wrdreg s8;
	s22 =	ssub.s32 $0x2, s5;
	s11 =	sshll.u32 s5, $0x4  }
0xc: {  	[dreg:$0x5] =	wrdreg s0;
	p0 =	sne.s32 s5, $0x0;
	s9 =	sshrl.u32 s22, $0x1  }
0xd: {  	s24 =	sor.u32 s12, s11;
	s25 =	sshrl.u32 s10, $0x2;
	s10 =	sor.u32 $0x1C04, s26  }
0xe: {  	s15 =	sadd.s32 s4, s16;
	s16 =	sadd.s32 s6, s16;
	s11 =	smul.u32 $0xA00, s24  }
.Ltmp0:
0xf: {  	s26 =	simm.s32 $0x1;
	s23 =	ssub.s32 s22, s9;
	(pc) =	sbr.rel .LBB2_1-.Ltmp0, $4  }
0x10: {  	s9 =	sadd.s32 s25, s2;
	s22 =	simm.s32 $0x1000;
	s25 =	simm.s32 $0x7000  }
0x11: {  	s17 =	smax.u32 s23, $0x1;
	s18 =	sshrl.u32 s9, $0x3;
	s13 =	sadd.s32 s4, s11  }
0x12: {  	s23 =	simm.s32 $0x3000;
	s11 =	sadd.s32 s6, s11;
	[dreg:$0x6] =	wrdreg s13  }
0x13: {  	[dreg:$0x7] =	wrdreg s11;
	s13 =	smul.u32 $0x14, s24;
	s24 =	simm.s32 $0x5000  }
.LBB2_7:
0x14: {  	s5 =	sxor.u32 $0x400, s0;
	s8 =	sadd.s32 s4, s11;
	[sflag:s30] =	ssyncadd.s32 $0xFFFFFC00  }
0x15: {  	[tilespmem:s5], [sflag:$0x3] =	stream.linear.gather [hbm4b:s8+s3], $0x400, $0x38;
	[tilespmem:$0x1EC00] =	vst v63  }
0x16: {  	s12 =	sxor.u32 $0xC00, s0;
	s20 =	sadd.s32 s6, s11  }
0x17: {  	[tilespmem:s12], [sflag:$0x3] =	stream.linear.gather [hbm4b:s20+s3], $0x400, $0x38;
	[tilespmem:$0x1EC00] =	vst v63  }
0x18: {  	_ = 	snop  }
0x19: {  	[tilespmem:s22], [sflag:$0x1] =	stream.indirect.gather [hbm4b:s1+s21], $0x80, s0, s21, $0xb8;
	[tilespmem:$0x1EC00] =	vst v63  }
0x1a: {  	s8 =	sor.u32 $0x80, s0  }
0x1b: {  	[tilespmem:s23], [sflag:$0x1] =	stream.indirect.gather [hbm4b:s1+s21], $0x80, s8, s21, $0xb8;
	[tilespmem:$0x1EC00] =	vst v63  }
0x1c: {  	s9 =	sor.u32 $0x100, s0  }
0x1d: {  	[tilespmem:s24], [sflag:$0x1] =	stream.indirect.gather [hbm4b:s1+s21], $0x80, s9, s21, $0xb8;
	[tilespmem:$0x1EC00] =	vst v63  }
0x1e: {  	s11 =	sor.u32 $0x180, s0  }
0x1f: {  	[tilespmem:s25], [sflag:$0x1] =	stream.indirect.gather [hbm4b:s1+s21], $0x80, s11, s21, $0xb8;
	[tilespmem:$0x1EC00] =	vst v63  }
0x20: {  	_ =	swait.ge [sflag:s26], $0x2000  }
0x21: {  	[sflag:s26] =	ssyncset.done $0x0  }
0x22: {  	s12 =	sor.u32 $0x800, s0;
	[sflag:s26] =	ssyncadd.s32 $0xFFFFE000  }
0x23: {  	[spmem:s2] =	stream.indirect.scatter.add.f32 [tilespmem:s22], [sflag:$0x2], $0x80, s12, s21, $0xb8;
	[tilespmem:$0x1EC00] =	vst v63  }
0x24: {  	s20 =	sor.u32 $0x200, s0  }
0x25: {  	[tilespmem:s28], [sflag:$0x1] =	stream.indirect.gather [hbm4b:s1+s21], $0x80, s20, s21, $0xb8;
	[tilespmem:$0x1EC00] =	vst v63  }
0x26: {  	_ =	swait.ge [sflag:s26], $0x2000  }
0x27: {  	[sflag:s26] =	ssyncset.done $0x0  }
0x28: {  	s8 =	sor.u32 $0x880, s0;
	[sflag:s26] =	ssyncadd.s32 $0xFFFFE000  }
0x29: {  	[spmem:s2] =	stream.indirect.scatter.add.f32 [tilespmem:s23], [sflag:$0x2], $0x80, s8, s21, $0xb8;
	[tilespmem:$0x1EC00] =	vst v63  }
0x2a: {  	_ =	swait.ge [sflag:s29], $0x2000  }
0x2b: {  	[sflag:s29] =	ssyncset.done $0x0  }
0x2c: {  	s9 =	sor.u32 $0x280, s0;
	[sflag:s29] =	ssyncadd.s32 $0xFFFFE000  }
0x2d: {  	[tilespmem:s22], [sflag:$0x1] =	stream.indirect.gather [hbm4b:s1+s21], $0x80, s9, s21, $0xb8;
	[tilespmem:$0x1EC00] =	vst v63  }
0x2e: {  	_ =	swait.ge [sflag:s26], $0x2000  }
0x2f: {  	[sflag:s26] =	ssyncset.done $0x0  }
0x30: {  	s11 =	sor.u32 $0x900, s0;
	[sflag:s26] =	ssyncadd.s32 $0xFFFFE000  }
0x31: {  	[spmem:s2] =	stream.indirect.scatter.add.f32 [tilespmem:s24], [sflag:$0x2], $0x80, s11, s21, $0xb8;
	[tilespmem:$0x1EC00] =	vst v63  }
0x32: {  	_ =	swait.ge [sflag:s29], $0x2000  }
0x33: {  	[sflag:s29] =	ssyncset.done $0x0  }
0x34: {  	s12 =	sor.u32 $0x300, s0;
	[sflag:s29] =	ssyncadd.s32 $0xFFFFE000  }
0x35: {  	[tilespmem:s23], [sflag:$0x1] =	stream.indirect.gather [hbm4b:s1+s21], $0x80, s12, s21, $0xb8;
	[tilespmem:$0x1EC00] =	vst v63  }
0x36: {  	_ =	swait.ge [sflag:s26], $0x2000  }
0x37: {  	[sflag:s26] =	ssyncset.done $0x0  }
0x38: {  	s20 =	sor.u32 $0x980, s0;
	[sflag:s26] =	ssyncadd.s32 $0xFFFFE000  }
0x39: {  	[spmem:s2] =	stream.indirect.scatter.add.f32 [tilespmem:s25], [sflag:$0x2], $0x80, s20, s21, $0xb8;
	[tilespmem:$0x1EC00] =	vst v63  }
0x3a: {  	_ =	swait.ge [sflag:s29], $0x2000  }
0x3b: {  	[sflag:s29] =	ssyncset.done $0x0  }
0x3c: {  	s8 =	sor.u32 $0x380, s0;
	[sflag:s29] =	ssyncadd.s32 $0xFFFFE000  }
0x3d: {  	[tilespmem:s24], [sflag:$0x1] =	stream.indirect.gather [hbm4b:s1+s21], $0x80, s8, s21, $0xb8;
	[tilespmem:$0x1EC00] =	vst v63  }
0x3e: {  	_ =	swait.ge [sflag:s26], $0x2000  }
0x3f: {  	[sflag:s26] =	ssyncset.done $0x0  }
0x40: {  	s9 =	sor.u32 $0xA00, s0;
	[sflag:s26] =	ssyncadd.s32 $0xFFFFE000  }
0x41: {  	[spmem:s2] =	stream.indirect.scatter.add.f32 [tilespmem:s28], [sflag:$0x2], $0x80, s9, s21, $0xb8;
	[tilespmem:$0x1EC00] =	vst v63  }
0x42: {  	_ =	swait.ge [sflag:s26], $0x2000  }
0x43: {  	[sflag:s26] =	ssyncset.done $0x0  }
0x44: {  	s11 =	sor.u32 $0xA80, s0;
	[sflag:s26] =	ssyncadd.s32 $0xFFFFE000  }
0x45: {  	[spmem:s2] =	stream.indirect.scatter.add.f32 [tilespmem:s22], [sflag:$0x2], $0x80, s11, s21, $0xb8;
	[tilespmem:$0x1EC00] =	vst v63  }
0x46: {  	_ =	swait.ge [sflag:s26], $0x2000  }
0x47: {  	[sflag:s26] =	ssyncset.done $0x0  }
0x48: {  	s12 =	sor.u32 $0xB00, s0;
	[sflag:s26] =	ssyncadd.s32 $0xFFFFE000  }
0x49: {  	[spmem:s2] =	stream.indirect.scatter.add.f32 [tilespmem:s23], [sflag:$0x2], $0x80, s12, s21, $0xb8;
	[tilespmem:$0x1EC00] =	vst v63  }
0x4a: {  	_ =	swait.ge [sflag:s26], $0x2000  }
0x4b: {  	[sflag:s26] =	ssyncset.done $0x0  }
0x4c: {  	s20 =	sor.u32 $0xB80, s0;
	[sflag:s26] =	ssyncadd.s32 $0xFFFFE000  }
0x4d: {  	[spmem:s2] =	stream.indirect.scatter.add.f32 [tilespmem:s24], [sflag:$0x2], $0x80, s20, s21, $0xb8;
	[tilespmem:$0x1EC00] =	vst v63  }
0x4e: {  	_ =	swait.ge [sflag:s29], $0x2000  }
0x4f: {  	[sflag:s29] =	ssyncset.done $0x0  }
0x50: {  	[sflag:s29] =	ssyncadd.s32 $0xFFFFE000  }
0x51: {  	_ =	swait.ge [sflag:s29], $0x2000  }
0x52: {  	[sflag:s29] =	ssyncset.done $0x0  }
0x53: {  	[sflag:s29] =	ssyncadd.s32 $0xFFFFE000  }
0x54: {  	_ =	swait.ge [sflag:s29], $0x2000  }
0x55: {  	[sflag:s29] =	ssyncset.done $0x0  }
0x56: {  	[sflag:s29] =	ssyncadd.s32 $0xFFFFE000  }
0x57: {  	_ =	swait.ge [sflag:s29], $0x2000  }
0x58: {  	[sflag:s29] =	ssyncset.done $0x0  }
0x59: {  	[sflag:s29] =	ssyncadd.s32 $0xFFFFE000  }
0x5a: {  	_ =	swait.ge [sflag:s29], $0x2000  }
0x5b: {  	[sflag:s29] =	ssyncset.done $0x0  }
0x5c: {  	[sflag:s29] =	ssyncadd.s32 $0xFFFFE000  }
0x5d: {  	_ =	swait.ge [sflag:s30], $0x400  }
0x5e: {  	[sflag:s30] =	ssyncset.done $0x0  }
0x5f: {  	[sflag:s30] =	ssyncadd.s32 $0xFFFFFC00  }
0x60: {  	_ =	swait.ge [sflag:s30], $0x400  }
0x61: {  	[sflag:s30] =	ssyncset.done $0x0  }
0x62: {  	s0 =	rddreg [dreg:$0x5];
	[sflag:s30] =	ssyncadd.s32 $0xFFFFFC00  }
.LBB2_8:
0x63: {  	s31 =	sadd.s32 $0x1, s31  }
0x64: {  	p1 =	sne.s32 s31, s17  }
.Ltmp1:
0x65: {  	s0 =	sadd.s32 s0, s14;
	[bflag:$0x0] =	sbarrier.arrive $0xFFFF;
	(pc) =	sbr.rel @!p1 .LBB2_9-.Ltmp1, $4  }
0x66: {  	[hbm:s0], [sflag:s10] =	dma.local [spmem:s18], $0x2780  }
0x67: {  	_ =	swait.ge [sflag:s19], $0x2780  }
0x68: {  	[sflag:s19] =	ssyncset.done $0x0  }
0x69: {  	[sflag:s19] =	ssyncadd.s32 $0xFFFFD880  }
.LBB2_1:
0x6a: {  	[spmem:s18], [sflag:s10] =	dma.local [hbm:s7], $0x2780  }
.Ltmp2:
0x6b: {  	_ =	swait.ge [sflag:s19], $0x2780;
	(pc) =	sbr.rel @p0 .LBB2_5-.Ltmp2, $4  }
0x6c: {  	[sflag:s19] =	ssyncset.done $0x0  }
0x6d: {  	[sflag:s19] =	ssyncadd.s32 $0xFFFFD880  }
0x6e: {  	[bflag:$0x0] =	sbarrier.arrive $0xFFFF  }
0x6f: {  	s0 =	simm.s32 $0x0  }
0x70: {  	[tilespmem:s0], [sflag:$0x4] =	stream.linear.gather [hbm4b:s15+s0], $0x400, $0x38;
	[tilespmem:$0x1EC00] =	vst v63  }
0x71: {  	_ =	swait.ge [sflag:s19], $0x400  }
0x72: {  	[sflag:s19] =	ssyncset.done $0x0  }
0x73: {  	s5 =	simm.s32 $0x800;
	s9 =	simm.s32 $0x1;
	[sflag:s19] =	ssyncadd.s32 $0xFFFFFC00  }
0x74: {  	[tilespmem:s5], [sflag:$0x4] =	stream.linear.gather [hbm4b:s16+s0], $0x400, $0x38;
	[tilespmem:$0x1EC00] =	vst v63  }
0x75: {  	s5 =	smin.u32 s9, $0x13  }
0x76: {  	_ =	swait.ge [sflag:s19], $0x400;
	s5 =	sadd.s32 s13, s5  }
0x77: {  	s0 =	sand.u32 $0x400, s0;
	[sflag:s19] =	ssyncset.done $0x0;
	s5 =	sshll.u32 s5, $0x7  }
0x78: {  	s8 =	sxor.u32 $0x400, s0;
	[sflag:s19] =	ssyncadd.s32 $0xFFFFFC00;
	s9 =	sadd.s32 s4, s5  }
0x79: {  	[tilespmem:s8], [sflag:$0x3] =	stream.linear.gather [hbm4b:s9+s3], $0x400, $0x38;
	[tilespmem:$0x1EC00] =	vst v63  }
0x7a: {  	s11 =	sxor.u32 $0xC00, s0;
	s5 =	sadd.s32 s6, s5  }
0x7b: {  	[tilespmem:s11], [sflag:$0x3] =	stream.linear.gather [hbm4b:s5+s3], $0x400, $0x38;
	[tilespmem:$0x1EC00] =	vst v63  }
0x7c: {  	_ = 	snop  }
0x7d: {  	[tilespmem:s22], [sflag:$0x1] =	stream.indirect.gather [hbm4b:s1+s21], $0x80, s0, s21, $0xb8;
	[tilespmem:$0x1EC00] =	vst v63  }
0x7e: {  	s12 =	sor.u32 $0x80, s0  }
0x7f: {  	[tilespmem:s23], [sflag:$0x1] =	stream.indirect.gather [hbm4b:s1+s21], $0x80, s12, s21, $0xb8;
	[tilespmem:$0x1EC00] =	vst v63  }
0x80: {  	s20 =	sor.u32 $0x100, s0  }
0x81: {  	[tilespmem:s24], [sflag:$0x1] =	stream.indirect.gather [hbm4b:s1+s21], $0x80, s20, s21, $0xb8;
	[tilespmem:$0x1EC00] =	vst v63  }
0x82: {  	s8 =	sor.u32 $0x180, s0  }
0x83: {  	[tilespmem:s25], [sflag:$0x1] =	stream.indirect.gather [hbm4b:s1+s21], $0x80, s8, s21, $0xb8;
	[tilespmem:$0x1EC00] =	vst v63  }
0x84: {  	_ =	swait.ge [sflag:s26], $0x2000  }
0x85: {  	[sflag:s26] =	ssyncset.done $0x0  }
0x86: {  	s9 =	sor.u32 $0x800, s0;
	[sflag:s26] =	ssyncadd.s32 $0xFFFFE000  }
0x87: {  	[spmem:s2] =	stream.indirect.scatter.add.f32 [tilespmem:s22], [sflag:$0x2], $0x80, s9, s21, $0xb8;
	[tilespmem:$0x1EC00] =	vst v63  }
0x88: {  	s11 =	sor.u32 $0x200, s0  }
0x89: {  	[tilespmem:s28], [sflag:$0x1] =	stream.indirect.gather [hbm4b:s1+s21], $0x80, s11, s21, $0xb8;
	[tilespmem:$0x1EC00] =	vst v63  }
0x8a: {  	_ =	swait.ge [sflag:s26], $0x2000  }
0x8b: {  	[sflag:s26] =	ssyncset.done $0x0  }
0x8c: {  	s12 =	sor.u32 $0x880, s0;
	[sflag:s26] =	ssyncadd.s32 $0xFFFFE000  }
0x8d: {  	[spmem:s2] =	stream.indirect.scatter.add.f32 [tilespmem:s23], [sflag:$0x2], $0x80, s12, s21, $0xb8;
	[tilespmem:$0x1EC00] =	vst v63  }
0x8e: {  	_ =	swait.ge [sflag:s29], $0x2000  }
0x8f: {  	[sflag:s29] =	ssyncset.done $0x0  }
0x90: {  	s20 =	sor.u32 $0x280, s0;
	[sflag:s29] =	ssyncadd.s32 $0xFFFFE000  }
0x91: {  	[tilespmem:s22], [sflag:$0x1] =	stream.indirect.gather [hbm4b:s1+s21], $0x80, s20, s21, $0xb8;
	[tilespmem:$0x1EC00] =	vst v63  }
0x92: {  	_ =	swait.ge [sflag:s26], $0x2000  }
0x93: {  	[sflag:s26] =	ssyncset.done $0x0  }
0x94: {  	s8 =	sor.u32 $0x900, s0;
	[sflag:s26] =	ssyncadd.s32 $0xFFFFE000  }
0x95: {  	[spmem:s2] =	stream.indirect.scatter.add.f32 [tilespmem:s24], [sflag:$0x2], $0x80, s8, s21, $0xb8;
	[tilespmem:$0x1EC00] =	vst v63  }
0x96: {  	_ =	swait.ge [sflag:s29], $0x2000  }
0x97: {  	[sflag:s29] =	ssyncset.done $0x0  }
0x98: {  	s9 =	sor.u32 $0x300, s0;
	[sflag:s29] =	ssyncadd.s32 $0xFFFFE000  }
0x99: {  	[tilespmem:s23], [sflag:$0x1] =	stream.indirect.gather [hbm4b:s1+s21], $0x80, s9, s21, $0xb8;
	[tilespmem:$0x1EC00] =	vst v63  }
0x9a: {  	_ =	swait.ge [sflag:s26], $0x2000  }
0x9b: {  	[sflag:s26] =	ssyncset.done $0x0  }
0x9c: {  	s11 =	sor.u32 $0x980, s0;
	[sflag:s26] =	ssyncadd.s32 $0xFFFFE000  }
0x9d: {  	[spmem:s2] =	stream.indirect.scatter.add.f32 [tilespmem:s25], [sflag:$0x2], $0x80, s11, s21, $0xb8;
	[tilespmem:$0x1EC00] =	vst v63  }
0x9e: {  	_ =	swait.ge [sflag:s29], $0x2000  }
0x9f: {  	[sflag:s29] =	ssyncset.done $0x0  }
0xa0: {  	s12 =	sor.u32 $0x380, s0;
	[sflag:s29] =	ssyncadd.s32 $0xFFFFE000  }
0xa1: {  	[tilespmem:s24], [sflag:$0x1] =	stream.indirect.gather [hbm4b:s1+s21], $0x80, s12, s21, $0xb8;
	[tilespmem:$0x1EC00] =	vst v63  }
0xa2: {  	_ =	swait.ge [sflag:s26], $0x2000  }
0xa3: {  	[sflag:s26] =	ssyncset.done $0x0  }
0xa4: {  	s20 =	sor.u32 $0xA00, s0;
	[sflag:s26] =	ssyncadd.s32 $0xFFFFE000  }
0xa5: {  	[spmem:s2] =	stream.indirect.scatter.add.f32 [tilespmem:s28], [sflag:$0x2], $0x80, s20, s21, $0xb8;
	[tilespmem:$0x1EC00] =	vst v63  }
0xa6: {  	_ =	swait.ge [sflag:s26], $0x2000  }
0xa7: {  	[sflag:s26] =	ssyncset.done $0x0  }
0xa8: {  	s8 =	sor.u32 $0xA80, s0;
	[sflag:s26] =	ssyncadd.s32 $0xFFFFE000  }
0xa9: {  	[spmem:s2] =	stream.indirect.scatter.add.f32 [tilespmem:s22], [sflag:$0x2], $0x80, s8, s21, $0xb8;
	[tilespmem:$0x1EC00] =	vst v63  }
0xaa: {  	_ =	swait.ge [sflag:s26], $0x2000  }
0xab: {  	[sflag:s26] =	ssyncset.done $0x0  }
0xac: {  	s9 =	sor.u32 $0xB00, s0;
	[sflag:s26] =	ssyncadd.s32 $0xFFFFE000  }
0xad: {  	[spmem:s2] =	stream.indirect.scatter.add.f32 [tilespmem:s23], [sflag:$0x2], $0x80, s9, s21, $0xb8;
	[tilespmem:$0x1EC00] =	vst v63  }
0xae: {  	_ =	swait.ge [sflag:s26], $0x2000  }
0xaf: {  	[sflag:s26] =	ssyncset.done $0x0  }
0xb0: {  	s0 =	sor.u32 $0xB80, s0;
	[sflag:s26] =	ssyncadd.s32 $0xFFFFE000  }
0xb1: {  	[spmem:s2] =	stream.indirect.scatter.add.f32 [tilespmem:s24], [sflag:$0x2], $0x80, s0, s21, $0xb8;
	[tilespmem:$0x1EC00] =	vst v63  }
0xb2: {  	_ =	swait.ge [sflag:s29], $0x2000  }
0xb3: {  	[sflag:s29] =	ssyncset.done $0x0  }
0xb4: {  	[sflag:s29] =	ssyncadd.s32 $0xFFFFE000  }
0xb5: {  	_ =	swait.ge [sflag:s29], $0x2000  }
0xb6: {  	[sflag:s29] =	ssyncset.done $0x0  }
0xb7: {  	[sflag:s29] =	ssyncadd.s32 $0xFFFFE000  }
0xb8: {  	_ =	swait.ge [sflag:s29], $0x2000  }
0xb9: {  	[sflag:s29] =	ssyncset.done $0x0  }
0xba: {  	[sflag:s29] =	ssyncadd.s32 $0xFFFFE000  }
0xbb: {  	_ =	swait.ge [sflag:s29], $0x2000  }
0xbc: {  	[sflag:s29] =	ssyncset.done $0x0  }
0xbd: {  	[sflag:s29] =	ssyncadd.s32 $0xFFFFE000  }
0xbe: {  	_ =	swait.ge [sflag:s29], $0x2000  }
0xbf: {  	[sflag:s29] =	ssyncset.done $0x0  }
0xc0: {  	[sflag:s29] =	ssyncadd.s32 $0xFFFFE000  }
0xc1: {  	_ =	swait.ge [sflag:s30], $0x400  }
0xc2: {  	s11 =	simm.s32 $0x2;
	[sflag:s30] =	ssyncset.done $0x0  }
0xc3: {  	s5 =	simm.s32 $0x400;
	s0 =	smin.u32 s11, $0x13;
	[sflag:s30] =	ssyncadd.s32 $0xFFFFFC00  }
0xc4: {  	s20 =	simm.s32 $0x3;
	s12 =	sadd.s32 s13, s0;
	_ =	swait.ge [sflag:s30], $0x400  }
0xc5: {  	s0 =	sand.u32 $0x400, s5;
	s11 =	sshll.u32 s12, $0x7;
	[sflag:s30] =	ssyncset.done $0x0  }
.LBB2_3:
0xc6: {  	s9 =	sxor.u32 $0x400, s0  }
0xc7: {  	s12 =	sadd.s32 s4, s11;
	[sflag:s30] =	ssyncadd.s32 $0xFFFFFC00;
	s8 =	smov.u32 s20  }
0xc8: {  	[tilespmem:s9], [sflag:$0x3] =	stream.linear.gather [hbm4b:s12+s3], $0x400, $0x38;
	[tilespmem:$0x1EC00] =	vst v63  }
0xc9: {  	s11 =	sadd.s32 s6, s11;
	s9 =	sadd.s32 $0x1, s20;
	s12 =	sxor.u32 $0xC00, s0  }
0xca: {  	[tilespmem:s12], [sflag:$0x3] =	stream.linear.gather [hbm4b:s11+s3], $0x400, $0x38;
	[tilespmem:$0x1EC00] =	vst v63  }
0xcb: {  	p1 =	seq.s32 s20, $0x14  }
0xcc: {  	[tilespmem:s22], [sflag:$0x1] =	stream.indirect.gather [hbm4b:s1+s21], $0x80, s0, s21, $0xb8;
	[tilespmem:$0x1EC00] =	vst v63  }
0xcd: {  	s11 =	sor.u32 $0x80, s0  }
0xce: {  	[tilespmem:s23], [sflag:$0x1] =	stream.indirect.gather [hbm4b:s1+s21], $0x80, s11, s21, $0xb8;
	[tilespmem:$0x1EC00] =	vst v63  }
0xcf: {  	s11 =	sor.u32 $0x100, s0  }
0xd0: {  	[tilespmem:s24], [sflag:$0x1] =	stream.indirect.gather [hbm4b:s1+s21], $0x80, s11, s21, $0xb8;
	[tilespmem:$0x1EC00] =	vst v63  }
0xd1: {  	s11 =	sor.u32 $0x180, s0  }
0xd2: {  	[tilespmem:s25], [sflag:$0x1] =	stream.indirect.gather [hbm4b:s1+s21], $0x80, s11, s21, $0xb8;
	[tilespmem:$0x1EC00] =	vst v63  }
0xd3: {  	_ =	swait.ge [sflag:s26], $0x2000  }
0xd4: {  	[sflag:s26] =	ssyncset.done $0x0  }
0xd5: {  	s11 =	sor.u32 $0x800, s0;
	[sflag:s26] =	ssyncadd.s32 $0xFFFFE000  }
0xd6: {  	[spmem:s2] =	stream.indirect.scatter.add.f32 [tilespmem:s22], [sflag:$0x2], $0x80, s11, s21, $0xb8;
	[tilespmem:$0x1EC00] =	vst v63  }
0xd7: {  	s11 =	sor.u32 $0x200, s0  }
0xd8: {  	[tilespmem:s28], [sflag:$0x1] =	stream.indirect.gather [hbm4b:s1+s21], $0x80, s11, s21, $0xb8;
	[tilespmem:$0x1EC00] =	vst v63  }
0xd9: {  	_ =	swait.ge [sflag:s26], $0x2000  }
0xda: {  	[sflag:s26] =	ssyncset.done $0x0  }
0xdb: {  	s11 =	sor.u32 $0x880, s0;
	[sflag:s26] =	ssyncadd.s32 $0xFFFFE000  }
0xdc: {  	[spmem:s2] =	stream.indirect.scatter.add.f32 [tilespmem:s23], [sflag:$0x2], $0x80, s11, s21, $0xb8;
	[tilespmem:$0x1EC00] =	vst v63  }
0xdd: {  	_ =	swait.ge [sflag:s29], $0x2000  }
0xde: {  	[sflag:s29] =	ssyncset.done $0x0  }
0xdf: {  	s11 =	sor.u32 $0x280, s0;
	[sflag:s29] =	ssyncadd.s32 $0xFFFFE000  }
0xe0: {  	[tilespmem:s22], [sflag:$0x1] =	stream.indirect.gather [hbm4b:s1+s21], $0x80, s11, s21, $0xb8;
	[tilespmem:$0x1EC00] =	vst v63  }
0xe1: {  	_ =	swait.ge [sflag:s26], $0x2000  }
0xe2: {  	[sflag:s26] =	ssyncset.done $0x0  }
0xe3: {  	s11 =	sor.u32 $0x900, s0;
	[sflag:s26] =	ssyncadd.s32 $0xFFFFE000  }
0xe4: {  	[spmem:s2] =	stream.indirect.scatter.add.f32 [tilespmem:s24], [sflag:$0x2], $0x80, s11, s21, $0xb8;
	[tilespmem:$0x1EC00] =	vst v63  }
0xe5: {  	_ =	swait.ge [sflag:s29], $0x2000  }
0xe6: {  	[sflag:s29] =	ssyncset.done $0x0  }
0xe7: {  	s11 =	sor.u32 $0x300, s0;
	[sflag:s29] =	ssyncadd.s32 $0xFFFFE000  }
0xe8: {  	[tilespmem:s23], [sflag:$0x1] =	stream.indirect.gather [hbm4b:s1+s21], $0x80, s11, s21, $0xb8;
	[tilespmem:$0x1EC00] =	vst v63  }
0xe9: {  	_ =	swait.ge [sflag:s26], $0x2000  }
0xea: {  	[sflag:s26] =	ssyncset.done $0x0  }
0xeb: {  	s11 =	sor.u32 $0x980, s0;
	[sflag:s26] =	ssyncadd.s32 $0xFFFFE000  }
0xec: {  	[spmem:s2] =	stream.indirect.scatter.add.f32 [tilespmem:s25], [sflag:$0x2], $0x80, s11, s21, $0xb8;
	[tilespmem:$0x1EC00] =	vst v63  }
0xed: {  	_ =	swait.ge [sflag:s29], $0x2000  }
0xee: {  	[sflag:s29] =	ssyncset.done $0x0  }
0xef: {  	s11 =	sor.u32 $0x380, s0;
	[sflag:s29] =	ssyncadd.s32 $0xFFFFE000  }
0xf0: {  	[tilespmem:s24], [sflag:$0x1] =	stream.indirect.gather [hbm4b:s1+s21], $0x80, s11, s21, $0xb8;
	[tilespmem:$0x1EC00] =	vst v63  }
0xf1: {  	_ =	swait.ge [sflag:s26], $0x2000  }
0xf2: {  	[sflag:s26] =	ssyncset.done $0x0  }
0xf3: {  	s11 =	sor.u32 $0xA00, s0;
	[sflag:s26] =	ssyncadd.s32 $0xFFFFE000  }
0xf4: {  	[spmem:s2] =	stream.indirect.scatter.add.f32 [tilespmem:s28], [sflag:$0x2], $0x80, s11, s21, $0xb8;
	[tilespmem:$0x1EC00] =	vst v63  }
0xf5: {  	_ =	swait.ge [sflag:s26], $0x2000  }
0xf6: {  	[sflag:s26] =	ssyncset.done $0x0  }
0xf7: {  	s11 =	sor.u32 $0xA80, s0;
	[sflag:s26] =	ssyncadd.s32 $0xFFFFE000  }
0xf8: {  	[spmem:s2] =	stream.indirect.scatter.add.f32 [tilespmem:s22], [sflag:$0x2], $0x80, s11, s21, $0xb8;
	[tilespmem:$0x1EC00] =	vst v63  }
0xf9: {  	_ =	swait.ge [sflag:s26], $0x2000  }
0xfa: {  	[sflag:s26] =	ssyncset.done $0x0  }
0xfb: {  	s11 =	sor.u32 $0xB00, s0;
	[sflag:s26] =	ssyncadd.s32 $0xFFFFE000  }
0xfc: {  	[spmem:s2] =	stream.indirect.scatter.add.f32 [tilespmem:s23], [sflag:$0x2], $0x80, s11, s21, $0xb8;
	[tilespmem:$0x1EC00] =	vst v63  }
0xfd: {  	_ =	swait.ge [sflag:s26], $0x2000  }
0xfe: {  	[sflag:s26] =	ssyncset.done $0x0  }
0xff: {  	s0 =	sor.u32 $0xB80, s0;
	[sflag:s26] =	ssyncadd.s32 $0xFFFFE000  }
0x100: {  	[spmem:s2] =	stream.indirect.scatter.add.f32 [tilespmem:s24], [sflag:$0x2], $0x80, s0, s21, $0xb8;
	[tilespmem:$0x1EC00] =	vst v63  }
0x101: {  	_ =	swait.ge [sflag:s29], $0x2000  }
0x102: {  	[sflag:s29] =	ssyncset.done $0x0  }
0x103: {  	[sflag:s29] =	ssyncadd.s32 $0xFFFFE000  }
0x104: {  	_ =	swait.ge [sflag:s29], $0x2000  }
0x105: {  	[sflag:s29] =	ssyncset.done $0x0  }
0x106: {  	[sflag:s29] =	ssyncadd.s32 $0xFFFFE000  }
0x107: {  	_ =	swait.ge [sflag:s29], $0x2000  }
0x108: {  	[sflag:s29] =	ssyncset.done $0x0  }
0x109: {  	[sflag:s29] =	ssyncadd.s32 $0xFFFFE000  }
0x10a: {  	_ =	swait.ge [sflag:s29], $0x2000  }
0x10b: {  	[sflag:s29] =	ssyncset.done $0x0  }
0x10c: {  	[sflag:s29] =	ssyncadd.s32 $0xFFFFE000  }
0x10d: {  	_ =	swait.ge [sflag:s29], $0x2000  }
0x10e: {  	[sflag:s29] =	ssyncset.done $0x0  }
0x10f: {  	[sflag:s29] =	ssyncadd.s32 $0xFFFFE000  }
.Ltmp3:
0x110: {  	_ =	swait.ge [sflag:s30], $0x400;
	(pc) =	sbr.rel @!p1 .LBB2_3-.Ltmp3, $4  }
0x111: {  	[sflag:s30] =	ssyncset.done $0x0  }
0x112: {  	s5 =	sadd.s32 $0x400, s5;
	s0 =	smin.u32 s8, $0x13;
	[sflag:s30] =	ssyncadd.s32 $0xFFFFFC00  }
0x113: {  	s20 =	smov.u32 s9;
	s8 =	sadd.s32 s13, s0;
	_ =	swait.ge [sflag:s30], $0x400  }
0x114: {  	s0 =	sand.u32 $0x400, s5;
	s11 =	sshll.u32 s8, $0x7;
	[sflag:s30] =	ssyncset.done $0x0  }
0x115: {  	s5 =	sxor.u32 $0x400, s0;
	s8 =	sadd.s32 s4, s11;
	[sflag:s30] =	ssyncadd.s32 $0xFFFFFC00  }
0x116: {  	[tilespmem:s5], [sflag:$0x3] =	stream.linear.gather [hbm4b:s8+s3], $0x400, $0x38;
	[tilespmem:$0x1EC00] =	vst v63  }
0x117: {  	s12 =	sxor.u32 $0xC00, s0;
	s20 =	sadd.s32 s6, s11  }
0x118: {  	[tilespmem:s12], [sflag:$0x3] =	stream.linear.gather [hbm4b:s20+s3], $0x400, $0x38;
	[tilespmem:$0x1EC00] =	vst v63  }
0x119: {  	_ = 	snop  }
0x11a: {  	[tilespmem:s22], [sflag:$0x1] =	stream.indirect.gather [hbm4b:s1+s21], $0x80, s0, s21, $0xb8;
	[tilespmem:$0x1EC00] =	vst v63  }
0x11b: {  	s8 =	sor.u32 $0x80, s0  }
0x11c: {  	[tilespmem:s23], [sflag:$0x1] =	stream.indirect.gather [hbm4b:s1+s21], $0x80, s8, s21, $0xb8;
	[tilespmem:$0x1EC00] =	vst v63  }
0x11d: {  	s9 =	sor.u32 $0x100, s0  }
0x11e: {  	[tilespmem:s24], [sflag:$0x1] =	stream.indirect.gather [hbm4b:s1+s21], $0x80, s9, s21, $0xb8;
	[tilespmem:$0x1EC00] =	vst v63  }
0x11f: {  	s11 =	sor.u32 $0x180, s0  }
0x120: {  	[tilespmem:s25], [sflag:$0x1] =	stream.indirect.gather [hbm4b:s1+s21], $0x80, s11, s21, $0xb8;
	[tilespmem:$0x1EC00] =	vst v63  }
0x121: {  	_ =	swait.ge [sflag:s26], $0x2000  }
0x122: {  	[sflag:s26] =	ssyncset.done $0x0  }
0x123: {  	s12 =	sor.u32 $0x800, s0;
	[sflag:s26] =	ssyncadd.s32 $0xFFFFE000  }
0x124: {  	[spmem:s2] =	stream.indirect.scatter.add.f32 [tilespmem:s22], [sflag:$0x2], $0x80, s12, s21, $0xb8;
	[tilespmem:$0x1EC00] =	vst v63  }
0x125: {  	s20 =	sor.u32 $0x200, s0  }
0x126: {  	[tilespmem:s28], [sflag:$0x1] =	stream.indirect.gather [hbm4b:s1+s21], $0x80, s20, s21, $0xb8;
	[tilespmem:$0x1EC00] =	vst v63  }
0x127: {  	_ =	swait.ge [sflag:s26], $0x2000  }
0x128: {  	[sflag:s26] =	ssyncset.done $0x0  }
0x129: {  	s8 =	sor.u32 $0x880, s0;
	[sflag:s26] =	ssyncadd.s32 $0xFFFFE000  }
0x12a: {  	[spmem:s2] =	stream.indirect.scatter.add.f32 [tilespmem:s23], [sflag:$0x2], $0x80, s8, s21, $0xb8;
	[tilespmem:$0x1EC00] =	vst v63  }
0x12b: {  	_ =	swait.ge [sflag:s29], $0x2000  }
0x12c: {  	[sflag:s29] =	ssyncset.done $0x0  }
0x12d: {  	s9 =	sor.u32 $0x280, s0;
	[sflag:s29] =	ssyncadd.s32 $0xFFFFE000  }
0x12e: {  	[tilespmem:s22], [sflag:$0x1] =	stream.indirect.gather [hbm4b:s1+s21], $0x80, s9, s21, $0xb8;
	[tilespmem:$0x1EC00] =	vst v63  }
0x12f: {  	_ =	swait.ge [sflag:s26], $0x2000  }
0x130: {  	[sflag:s26] =	ssyncset.done $0x0  }
0x131: {  	s11 =	sor.u32 $0x900, s0;
	[sflag:s26] =	ssyncadd.s32 $0xFFFFE000  }
0x132: {  	[spmem:s2] =	stream.indirect.scatter.add.f32 [tilespmem:s24], [sflag:$0x2], $0x80, s11, s21, $0xb8;
	[tilespmem:$0x1EC00] =	vst v63  }
0x133: {  	_ =	swait.ge [sflag:s29], $0x2000  }
0x134: {  	[sflag:s29] =	ssyncset.done $0x0  }
0x135: {  	s12 =	sor.u32 $0x300, s0;
	[sflag:s29] =	ssyncadd.s32 $0xFFFFE000  }
0x136: {  	[tilespmem:s23], [sflag:$0x1] =	stream.indirect.gather [hbm4b:s1+s21], $0x80, s12, s21, $0xb8;
	[tilespmem:$0x1EC00] =	vst v63  }
0x137: {  	_ =	swait.ge [sflag:s26], $0x2000  }
0x138: {  	[sflag:s26] =	ssyncset.done $0x0  }
0x139: {  	s20 =	sor.u32 $0x980, s0;
	[sflag:s26] =	ssyncadd.s32 $0xFFFFE000  }
0x13a: {  	[spmem:s2] =	stream.indirect.scatter.add.f32 [tilespmem:s25], [sflag:$0x2], $0x80, s20, s21, $0xb8;
	[tilespmem:$0x1EC00] =	vst v63  }
0x13b: {  	_ =	swait.ge [sflag:s29], $0x2000  }
0x13c: {  	[sflag:s29] =	ssyncset.done $0x0  }
0x13d: {  	s8 =	sor.u32 $0x380, s0;
	[sflag:s29] =	ssyncadd.s32 $0xFFFFE000  }
0x13e: {  	[tilespmem:s24], [sflag:$0x1] =	stream.indirect.gather [hbm4b:s1+s21], $0x80, s8, s21, $0xb8;
	[tilespmem:$0x1EC00] =	vst v63  }
0x13f: {  	_ =	swait.ge [sflag:s26], $0x2000  }
0x140: {  	[sflag:s26] =	ssyncset.done $0x0  }
0x141: {  	s9 =	sor.u32 $0xA00, s0;
	[sflag:s26] =	ssyncadd.s32 $0xFFFFE000  }
0x142: {  	[spmem:s2] =	stream.indirect.scatter.add.f32 [tilespmem:s28], [sflag:$0x2], $0x80, s9, s21, $0xb8;
	[tilespmem:$0x1EC00] =	vst v63  }
0x143: {  	_ =	swait.ge [sflag:s26], $0x2000  }
0x144: {  	[sflag:s26] =	ssyncset.done $0x0  }
0x145: {  	s11 =	sor.u32 $0xA80, s0;
	[sflag:s26] =	ssyncadd.s32 $0xFFFFE000  }
0x146: {  	[spmem:s2] =	stream.indirect.scatter.add.f32 [tilespmem:s22], [sflag:$0x2], $0x80, s11, s21, $0xb8;
	[tilespmem:$0x1EC00] =	vst v63  }
0x147: {  	_ =	swait.ge [sflag:s26], $0x2000  }
0x148: {  	[sflag:s26] =	ssyncset.done $0x0  }
0x149: {  	s12 =	sor.u32 $0xB00, s0;
	[sflag:s26] =	ssyncadd.s32 $0xFFFFE000  }
0x14a: {  	[spmem:s2] =	stream.indirect.scatter.add.f32 [tilespmem:s23], [sflag:$0x2], $0x80, s12, s21, $0xb8;
	[tilespmem:$0x1EC00] =	vst v63  }
0x14b: {  	_ =	swait.ge [sflag:s26], $0x2000  }
0x14c: {  	[sflag:s26] =	ssyncset.done $0x0  }
0x14d: {  	s20 =	sor.u32 $0xB80, s0;
	[sflag:s26] =	ssyncadd.s32 $0xFFFFE000  }
0x14e: {  	[spmem:s2] =	stream.indirect.scatter.add.f32 [tilespmem:s24], [sflag:$0x2], $0x80, s20, s21, $0xb8;
	[tilespmem:$0x1EC00] =	vst v63  }
0x14f: {  	_ =	swait.ge [sflag:s29], $0x2000  }
0x150: {  	[sflag:s29] =	ssyncset.done $0x0  }
0x151: {  	[sflag:s29] =	ssyncadd.s32 $0xFFFFE000  }
0x152: {  	_ =	swait.ge [sflag:s29], $0x2000  }
0x153: {  	[sflag:s29] =	ssyncset.done $0x0  }
0x154: {  	[sflag:s29] =	ssyncadd.s32 $0xFFFFE000  }
0x155: {  	_ =	swait.ge [sflag:s29], $0x2000  }
0x156: {  	[sflag:s29] =	ssyncset.done $0x0  }
0x157: {  	[sflag:s29] =	ssyncadd.s32 $0xFFFFE000  }
0x158: {  	_ =	swait.ge [sflag:s29], $0x2000  }
0x159: {  	[sflag:s29] =	ssyncset.done $0x0  }
0x15a: {  	[sflag:s29] =	ssyncadd.s32 $0xFFFFE000  }
0x15b: {  	_ =	swait.ge [sflag:s29], $0x2000  }
0x15c: {  	[sflag:s29] =	ssyncset.done $0x0  }
0x15d: {  	[sflag:s29] =	ssyncadd.s32 $0xFFFFE000  }
0x15e: {  	_ =	swait.ge [sflag:s30], $0x400  }
.Ltmp4:
0x15f: {  	[sflag:s30] =	ssyncset.done $0x0;
	(pc) =	sbr.rel .LBB2_8-.Ltmp4, $4  }
0x160: {  	[sflag:s30] =	ssyncadd.s32 $0xFFFFFC00  }
0x161: {  	_ =	swait.ge [sflag:s30], $0x400  }
0x162: {  	[sflag:s30] =	ssyncset.done $0x0  }
0x163: {  	s0 =	rddreg [dreg:$0x4];
	[sflag:s30] =	ssyncadd.s32 $0xFFFFFC00  }
.LBB2_5:
0x164: {  	s5 =	rddreg [dreg:$0x6]  }
0x165: {  	[tilespmem:s0], [sflag:$0x4] =	stream.linear.gather [hbm4b:s5+s0], $0x400, $0x38;
	[tilespmem:$0x1EC00] =	vst v63  }
0x166: {  	_ =	swait.ge [sflag:s19], $0x400  }
0x167: {  	s8 =	simm.s32 $0x800;
	s9 =	simm.s32 $0x1;
	[sflag:s19] =	ssyncset.done $0x0  }
0x168: {  	s5 =	smin.u32 s9, $0x13;
	s20 =	rddreg [dreg:$0x7];
	[sflag:s19] =	ssyncadd.s32 $0xFFFFFC00  }
0x169: {  	[tilespmem:s8], [sflag:$0x4] =	stream.linear.gather [hbm4b:s20+s0], $0x400, $0x38;
	[tilespmem:$0x1EC00] =	vst v63  }
0x16a: {  	s5 =	sadd.s32 s13, s5;
	_ =	swait.ge [sflag:s19], $0x400  }
0x16b: {  	s5 =	sshll.u32 s5, $0x7;
	s0 =	sand.u32 $0x400, s0;
	[sflag:s19] =	ssyncset.done $0x0  }
0x16c: {  	s9 =	sadd.s32 s4, s5;
	s11 =	sxor.u32 $0x400, s0;
	[sflag:s19] =	ssyncadd.s32 $0xFFFFFC00  }
0x16d: {  	[tilespmem:s11], [sflag:$0x3] =	stream.linear.gather [hbm4b:s9+s3], $0x400, $0x38;
	[tilespmem:$0x1EC00] =	vst v63  }
0x16e: {  	s5 =	sadd.s32 s6, s5;
	s12 =	sxor.u32 $0xC00, s0  }
0x16f: {  	[tilespmem:s12], [sflag:$0x3] =	stream.linear.gather [hbm4b:s5+s3], $0x400, $0x38;
	[tilespmem:$0x1EC00] =	vst v63  }
0x170: {  	_ = 	snop  }
0x171: {  	[tilespmem:s22], [sflag:$0x1] =	stream.indirect.gather [hbm4b:s1+s21], $0x80, s0, s21, $0xb8;
	[tilespmem:$0x1EC00] =	vst v63  }
0x172: {  	s20 =	sor.u32 $0x80, s0  }
0x173: {  	[tilespmem:s23], [sflag:$0x1] =	stream.indirect.gather [hbm4b:s1+s21], $0x80, s20, s21, $0xb8;
	[tilespmem:$0x1EC00] =	vst v63  }
0x174: {  	s8 =	sor.u32 $0x100, s0  }
0x175: {  	[tilespmem:s24], [sflag:$0x1] =	stream.indirect.gather [hbm4b:s1+s21], $0x80, s8, s21, $0xb8;
	[tilespmem:$0x1EC00] =	vst v63  }
0x176: {  	s9 =	sor.u32 $0x180, s0  }
0x177: {  	[tilespmem:s25], [sflag:$0x1] =	stream.indirect.gather [hbm4b:s1+s21], $0x80, s9, s21, $0xb8;
	[tilespmem:$0x1EC00] =	vst v63  }
0x178: {  	_ =	swait.ge [sflag:s26], $0x2000  }
0x179: {  	[sflag:s26] =	ssyncset.done $0x0  }
0x17a: {  	s11 =	sor.u32 $0x800, s0;
	[sflag:s26] =	ssyncadd.s32 $0xFFFFE000  }
0x17b: {  	[spmem:s2] =	stream.indirect.scatter.add.f32 [tilespmem:s22], [sflag:$0x2], $0x80, s11, s21, $0xb8;
	[tilespmem:$0x1EC00] =	vst v63  }
0x17c: {  	s12 =	sor.u32 $0x200, s0  }
0x17d: {  	[tilespmem:s28], [sflag:$0x1] =	stream.indirect.gather [hbm4b:s1+s21], $0x80, s12, s21, $0xb8;
	[tilespmem:$0x1EC00] =	vst v63  }
0x17e: {  	_ =	swait.ge [sflag:s26], $0x2000  }
0x17f: {  	[sflag:s26] =	ssyncset.done $0x0  }
0x180: {  	s20 =	sor.u32 $0x880, s0;
	[sflag:s26] =	ssyncadd.s32 $0xFFFFE000  }
0x181: {  	[spmem:s2] =	stream.indirect.scatter.add.f32 [tilespmem:s23], [sflag:$0x2], $0x80, s20, s21, $0xb8;
	[tilespmem:$0x1EC00] =	vst v63  }
0x182: {  	_ =	swait.ge [sflag:s29], $0x2000  }
0x183: {  	[sflag:s29] =	ssyncset.done $0x0  }
0x184: {  	s8 =	sor.u32 $0x280, s0;
	[sflag:s29] =	ssyncadd.s32 $0xFFFFE000  }
0x185: {  	[tilespmem:s22], [sflag:$0x1] =	stream.indirect.gather [hbm4b:s1+s21], $0x80, s8, s21, $0xb8;
	[tilespmem:$0x1EC00] =	vst v63  }
0x186: {  	_ =	swait.ge [sflag:s26], $0x2000  }
0x187: {  	[sflag:s26] =	ssyncset.done $0x0  }
0x188: {  	s9 =	sor.u32 $0x900, s0;
	[sflag:s26] =	ssyncadd.s32 $0xFFFFE000  }
0x189: {  	[spmem:s2] =	stream.indirect.scatter.add.f32 [tilespmem:s24], [sflag:$0x2], $0x80, s9, s21, $0xb8;
	[tilespmem:$0x1EC00] =	vst v63  }
0x18a: {  	_ =	swait.ge [sflag:s29], $0x2000  }
0x18b: {  	[sflag:s29] =	ssyncset.done $0x0  }
0x18c: {  	s11 =	sor.u32 $0x300, s0;
	[sflag:s29] =	ssyncadd.s32 $0xFFFFE000  }
0x18d: {  	[tilespmem:s23], [sflag:$0x1] =	stream.indirect.gather [hbm4b:s1+s21], $0x80, s11, s21, $0xb8;
	[tilespmem:$0x1EC00] =	vst v63  }
0x18e: {  	_ =	swait.ge [sflag:s26], $0x2000  }
0x18f: {  	[sflag:s26] =	ssyncset.done $0x0  }
0x190: {  	s12 =	sor.u32 $0x980, s0;
	[sflag:s26] =	ssyncadd.s32 $0xFFFFE000  }
0x191: {  	[spmem:s2] =	stream.indirect.scatter.add.f32 [tilespmem:s25], [sflag:$0x2], $0x80, s12, s21, $0xb8;
	[tilespmem:$0x1EC00] =	vst v63  }
0x192: {  	_ =	swait.ge [sflag:s29], $0x2000  }
0x193: {  	[sflag:s29] =	ssyncset.done $0x0  }
0x194: {  	s20 =	sor.u32 $0x380, s0;
	[sflag:s29] =	ssyncadd.s32 $0xFFFFE000  }
0x195: {  	[tilespmem:s24], [sflag:$0x1] =	stream.indirect.gather [hbm4b:s1+s21], $0x80, s20, s21, $0xb8;
	[tilespmem:$0x1EC00] =	vst v63  }
0x196: {  	_ =	swait.ge [sflag:s26], $0x2000  }
0x197: {  	[sflag:s26] =	ssyncset.done $0x0  }
0x198: {  	s8 =	sor.u32 $0xA00, s0;
	[sflag:s26] =	ssyncadd.s32 $0xFFFFE000  }
0x199: {  	[spmem:s2] =	stream.indirect.scatter.add.f32 [tilespmem:s28], [sflag:$0x2], $0x80, s8, s21, $0xb8;
	[tilespmem:$0x1EC00] =	vst v63  }
0x19a: {  	_ =	swait.ge [sflag:s26], $0x2000  }
0x19b: {  	[sflag:s26] =	ssyncset.done $0x0  }
0x19c: {  	s9 =	sor.u32 $0xA80, s0;
	[sflag:s26] =	ssyncadd.s32 $0xFFFFE000  }
0x19d: {  	[spmem:s2] =	stream.indirect.scatter.add.f32 [tilespmem:s22], [sflag:$0x2], $0x80, s9, s21, $0xb8;
	[tilespmem:$0x1EC00] =	vst v63  }
0x19e: {  	_ =	swait.ge [sflag:s26], $0x2000  }
0x19f: {  	[sflag:s26] =	ssyncset.done $0x0  }
0x1a0: {  	s11 =	sor.u32 $0xB00, s0;
	[sflag:s26] =	ssyncadd.s32 $0xFFFFE000  }
0x1a1: {  	[spmem:s2] =	stream.indirect.scatter.add.f32 [tilespmem:s23], [sflag:$0x2], $0x80, s11, s21, $0xb8;
	[tilespmem:$0x1EC00] =	vst v63  }
0x1a2: {  	_ =	swait.ge [sflag:s26], $0x2000  }
0x1a3: {  	[sflag:s26] =	ssyncset.done $0x0  }
0x1a4: {  	s0 =	sor.u32 $0xB80, s0;
	[sflag:s26] =	ssyncadd.s32 $0xFFFFE000  }
0x1a5: {  	[spmem:s2] =	stream.indirect.scatter.add.f32 [tilespmem:s24], [sflag:$0x2], $0x80, s0, s21, $0xb8;
	[tilespmem:$0x1EC00] =	vst v63  }
0x1a6: {  	_ =	swait.ge [sflag:s29], $0x2000  }
0x1a7: {  	[sflag:s29] =	ssyncset.done $0x0  }
0x1a8: {  	[sflag:s29] =	ssyncadd.s32 $0xFFFFE000  }
0x1a9: {  	_ =	swait.ge [sflag:s29], $0x2000  }
0x1aa: {  	[sflag:s29] =	ssyncset.done $0x0  }
0x1ab: {  	[sflag:s29] =	ssyncadd.s32 $0xFFFFE000  }
0x1ac: {  	_ =	swait.ge [sflag:s29], $0x2000  }
0x1ad: {  	[sflag:s29] =	ssyncset.done $0x0  }
0x1ae: {  	[sflag:s29] =	ssyncadd.s32 $0xFFFFE000  }
0x1af: {  	_ =	swait.ge [sflag:s29], $0x2000  }
0x1b0: {  	[sflag:s29] =	ssyncset.done $0x0  }
0x1b1: {  	[sflag:s29] =	ssyncadd.s32 $0xFFFFE000  }
0x1b2: {  	_ =	swait.ge [sflag:s29], $0x2000  }
0x1b3: {  	[sflag:s29] =	ssyncset.done $0x0  }
0x1b4: {  	[sflag:s29] =	ssyncadd.s32 $0xFFFFE000  }
0x1b5: {  	_ =	swait.ge [sflag:s30], $0x400  }
0x1b6: {  	s12 =	simm.s32 $0x2;
	[sflag:s30] =	ssyncset.done $0x0  }
0x1b7: {  	s5 =	simm.s32 $0x400;
	s0 =	smin.u32 s12, $0x13;
	[sflag:s30] =	ssyncadd.s32 $0xFFFFFC00  }
0x1b8: {  	s9 =	simm.s32 $0x3;
	s20 =	sadd.s32 s13, s0;
	_ =	swait.ge [sflag:s30], $0x400  }
0x1b9: {  	s0 =	sand.u32 $0x400, s5;
	s11 =	sshll.u32 s20, $0x7;
	[sflag:s30] =	ssyncset.done $0x0  }
.LBB2_6:
0x1ba: {  	s12 =	sxor.u32 $0x400, s0  }
0x1bb: {  	s20 =	sadd.s32 s4, s11;
	[sflag:s30] =	ssyncadd.s32 $0xFFFFFC00;
	s8 =	smov.u32 s9  }
0x1bc: {  	[tilespmem:s12], [sflag:$0x3] =	stream.linear.gather [hbm4b:s20+s3], $0x400, $0x38;
	[tilespmem:$0x1EC00] =	vst v63  }
0x1bd: {  	s11 =	sadd.s32 s6, s11;
	s20 =	sadd.s32 $0x1, s9;
	s12 =	sxor.u32 $0xC00, s0  }
0x1be: {  	[tilespmem:s12], [sflag:$0x3] =	stream.linear.gather [hbm4b:s11+s3], $0x400, $0x38;
	[tilespmem:$0x1EC00] =	vst v63  }
0x1bf: {  	p1 =	sne.s32 s9, $0x14  }
0x1c0: {  	[tilespmem:s22], [sflag:$0x1] =	stream.indirect.gather [hbm4b:s1+s21], $0x80, s0, s21, $0xb8;
	[tilespmem:$0x1EC00] =	vst v63  }
0x1c1: {  	s9 =	sor.u32 $0x80, s0  }
0x1c2: {  	[tilespmem:s23], [sflag:$0x1] =	stream.indirect.gather [hbm4b:s1+s21], $0x80, s9, s21, $0xb8;
	[tilespmem:$0x1EC00] =	vst v63  }
0x1c3: {  	s9 =	sor.u32 $0x100, s0  }
0x1c4: {  	[tilespmem:s24], [sflag:$0x1] =	stream.indirect.gather [hbm4b:s1+s21], $0x80, s9, s21, $0xb8;
	[tilespmem:$0x1EC00] =	vst v63  }
0x1c5: {  	s9 =	sor.u32 $0x180, s0  }
0x1c6: {  	[tilespmem:s25], [sflag:$0x1] =	stream.indirect.gather [hbm4b:s1+s21], $0x80, s9, s21, $0xb8;
	[tilespmem:$0x1EC00] =	vst v63  }
0x1c7: {  	_ =	swait.ge [sflag:s26], $0x2000  }
0x1c8: {  	[sflag:s26] =	ssyncset.done $0x0  }
0x1c9: {  	s9 =	sor.u32 $0x800, s0;
	[sflag:s26] =	ssyncadd.s32 $0xFFFFE000  }
0x1ca: {  	[spmem:s2] =	stream.indirect.scatter.add.f32 [tilespmem:s22], [sflag:$0x2], $0x80, s9, s21, $0xb8;
	[tilespmem:$0x1EC00] =	vst v63  }
0x1cb: {  	s9 =	sor.u32 $0x200, s0  }
0x1cc: {  	[tilespmem:s28], [sflag:$0x1] =	stream.indirect.gather [hbm4b:s1+s21], $0x80, s9, s21, $0xb8;
	[tilespmem:$0x1EC00] =	vst v63  }
0x1cd: {  	_ =	swait.ge [sflag:s26], $0x2000  }
0x1ce: {  	[sflag:s26] =	ssyncset.done $0x0  }
0x1cf: {  	s9 =	sor.u32 $0x880, s0;
	[sflag:s26] =	ssyncadd.s32 $0xFFFFE000  }
0x1d0: {  	[spmem:s2] =	stream.indirect.scatter.add.f32 [tilespmem:s23], [sflag:$0x2], $0x80, s9, s21, $0xb8;
	[tilespmem:$0x1EC00] =	vst v63  }
0x1d1: {  	_ =	swait.ge [sflag:s29], $0x2000  }
0x1d2: {  	[sflag:s29] =	ssyncset.done $0x0  }
0x1d3: {  	s9 =	sor.u32 $0x280, s0;
	[sflag:s29] =	ssyncadd.s32 $0xFFFFE000  }
0x1d4: {  	[tilespmem:s22], [sflag:$0x1] =	stream.indirect.gather [hbm4b:s1+s21], $0x80, s9, s21, $0xb8;
	[tilespmem:$0x1EC00] =	vst v63  }
0x1d5: {  	_ =	swait.ge [sflag:s26], $0x2000  }
0x1d6: {  	[sflag:s26] =	ssyncset.done $0x0  }
0x1d7: {  	s9 =	sor.u32 $0x900, s0;
	[sflag:s26] =	ssyncadd.s32 $0xFFFFE000  }
0x1d8: {  	[spmem:s2] =	stream.indirect.scatter.add.f32 [tilespmem:s24], [sflag:$0x2], $0x80, s9, s21, $0xb8;
	[tilespmem:$0x1EC00] =	vst v63  }
0x1d9: {  	_ =	swait.ge [sflag:s29], $0x2000  }
0x1da: {  	[sflag:s29] =	ssyncset.done $0x0  }
0x1db: {  	s9 =	sor.u32 $0x300, s0;
	[sflag:s29] =	ssyncadd.s32 $0xFFFFE000  }
0x1dc: {  	[tilespmem:s23], [sflag:$0x1] =	stream.indirect.gather [hbm4b:s1+s21], $0x80, s9, s21, $0xb8;
	[tilespmem:$0x1EC00] =	vst v63  }
0x1dd: {  	_ =	swait.ge [sflag:s26], $0x2000  }
0x1de: {  	[sflag:s26] =	ssyncset.done $0x0  }
0x1df: {  	s9 =	sor.u32 $0x980, s0;
	[sflag:s26] =	ssyncadd.s32 $0xFFFFE000  }
0x1e0: {  	[spmem:s2] =	stream.indirect.scatter.add.f32 [tilespmem:s25], [sflag:$0x2], $0x80, s9, s21, $0xb8;
	[tilespmem:$0x1EC00] =	vst v63  }
0x1e1: {  	_ =	swait.ge [sflag:s29], $0x2000  }
0x1e2: {  	[sflag:s29] =	ssyncset.done $0x0  }
0x1e3: {  	s9 =	sor.u32 $0x380, s0;
	[sflag:s29] =	ssyncadd.s32 $0xFFFFE000  }
0x1e4: {  	[tilespmem:s24], [sflag:$0x1] =	stream.indirect.gather [hbm4b:s1+s21], $0x80, s9, s21, $0xb8;
	[tilespmem:$0x1EC00] =	vst v63  }
0x1e5: {  	_ =	swait.ge [sflag:s26], $0x2000  }
0x1e6: {  	[sflag:s26] =	ssyncset.done $0x0  }
0x1e7: {  	s9 =	sor.u32 $0xA00, s0;
	[sflag:s26] =	ssyncadd.s32 $0xFFFFE000  }
0x1e8: {  	[spmem:s2] =	stream.indirect.scatter.add.f32 [tilespmem:s28], [sflag:$0x2], $0x80, s9, s21, $0xb8;
	[tilespmem:$0x1EC00] =	vst v63  }
0x1e9: {  	_ =	swait.ge [sflag:s26], $0x2000  }
0x1ea: {  	[sflag:s26] =	ssyncset.done $0x0  }
0x1eb: {  	s9 =	sor.u32 $0xA80, s0;
	[sflag:s26] =	ssyncadd.s32 $0xFFFFE000  }
0x1ec: {  	[spmem:s2] =	stream.indirect.scatter.add.f32 [tilespmem:s22], [sflag:$0x2], $0x80, s9, s21, $0xb8;
	[tilespmem:$0x1EC00] =	vst v63  }
0x1ed: {  	_ =	swait.ge [sflag:s26], $0x2000  }
0x1ee: {  	[sflag:s26] =	ssyncset.done $0x0  }
0x1ef: {  	s9 =	sor.u32 $0xB00, s0;
	[sflag:s26] =	ssyncadd.s32 $0xFFFFE000  }
0x1f0: {  	[spmem:s2] =	stream.indirect.scatter.add.f32 [tilespmem:s23], [sflag:$0x2], $0x80, s9, s21, $0xb8;
	[tilespmem:$0x1EC00] =	vst v63  }
0x1f1: {  	_ =	swait.ge [sflag:s26], $0x2000  }
0x1f2: {  	[sflag:s26] =	ssyncset.done $0x0  }
0x1f3: {  	s0 =	sor.u32 $0xB80, s0;
	[sflag:s26] =	ssyncadd.s32 $0xFFFFE000  }
0x1f4: {  	[spmem:s2] =	stream.indirect.scatter.add.f32 [tilespmem:s24], [sflag:$0x2], $0x80, s0, s21, $0xb8;
	[tilespmem:$0x1EC00] =	vst v63  }
0x1f5: {  	_ =	swait.ge [sflag:s29], $0x2000  }
0x1f6: {  	[sflag:s29] =	ssyncset.done $0x0  }
0x1f7: {  	[sflag:s29] =	ssyncadd.s32 $0xFFFFE000  }
0x1f8: {  	_ =	swait.ge [sflag:s29], $0x2000  }
0x1f9: {  	[sflag:s29] =	ssyncset.done $0x0  }
0x1fa: {  	[sflag:s29] =	ssyncadd.s32 $0xFFFFE000  }
0x1fb: {  	_ =	swait.ge [sflag:s29], $0x2000  }
0x1fc: {  	[sflag:s29] =	ssyncset.done $0x0  }
0x1fd: {  	[sflag:s29] =	ssyncadd.s32 $0xFFFFE000  }
0x1fe: {  	_ =	swait.ge [sflag:s29], $0x2000  }
0x1ff: {  	[sflag:s29] =	ssyncset.done $0x0  }
0x200: {  	[sflag:s29] =	ssyncadd.s32 $0xFFFFE000  }
0x201: {  	_ =	swait.ge [sflag:s29], $0x2000  }
0x202: {  	[sflag:s29] =	ssyncset.done $0x0  }
0x203: {  	[sflag:s29] =	ssyncadd.s32 $0xFFFFE000  }
.Ltmp5:
0x204: {  	_ =	swait.ge [sflag:s30], $0x400;
	(pc) =	sbr.rel @p1 .LBB2_6-.Ltmp5, $4  }
0x205: {  	[sflag:s30] =	ssyncset.done $0x0  }
0x206: {  	s5 =	sadd.s32 $0x400, s5;
	s0 =	smin.u32 s8, $0x13;
	[sflag:s30] =	ssyncadd.s32 $0xFFFFFC00  }
0x207: {  	s9 =	smov.u32 s20;
	s8 =	sadd.s32 s13, s0;
	_ =	swait.ge [sflag:s30], $0x400  }
0x208: {  	s0 =	sand.u32 $0x400, s5;
	s11 =	sshll.u32 s8, $0x7;
	[sflag:s30] =	ssyncset.done $0x0  }
.Ltmp6:
0x209: {  	_ = 	snop;
	(pc) =	sbr.rel .LBB2_7-.Ltmp6, $1  }
0x20a: {  	_ =	sdelay $0x3  }
.LBB2_9:
0x20b: {  	_ =	sfence.sel $0x180000  }
0x20c: {  	[bflag:$0x0] =	sbarrier.arrive $0xFFFF  }
0x20d: {  	_ =	strace $0x9000004A  }
0x20e: {  	s0 =	stileid.u32;
	[bflag:$0x2] =	sbarrier.arrive $0xFFFF  }
0x20f: {  	p0 =	sne.s32 s0, $0x0;
	s0 =	rddreg [dreg:$0x3]  }
0x210: {  	s0 =	sadd.s32 @!p0 $0x100000, s0  }
0x211: {  	[sflag:s0] =	ssyncadd.tile.s32 @!p0 $0x1;
	_ =	shalt  }
.Lfunc_end2:
_tile_overlayer_lowered:
.L_overlay_start_2:
0x212: {  	(tag) =	ssettag $0x2  }
0x213: {  	s0 =	rddreg [dreg:$0x0];
	s2 =	stileid.u32  }
0x214: {  	s1 =	rddreg [dreg:$0x1];
	p0 =	sne.s32 s2, $0x0  }
0x215: {  	s3 =	rddreg [dreg:$0x2];
	[bflag:$0x3] =	sbarrier.arrive $0xFFFF;
	s2 =	simm.s32 @!p0 $0x1C04  }
0x216: {  	[timem:s3], [sflag:s2] =	dma.local @!p0 [hbm:s0], s1  }
0x217: {  	s0 =	simm.s32 @!p0 $0x4  }
0x218: {  	_ =	swait.ge @!p0 [sflag:s0], s1  }
0x219: {  	s1 =	ssub.s32 @!p0 $0x0, s1;
	[sflag:s0] =	ssyncset.done @!p0 $0x0  }
0x21a: {  	[sflag:s0] =	ssyncadd.s32 @!p0 s1  }
0x21b: {  	[bflag:$0x3] =	sbarrier.arrive $0xFFFF  }
0x21c: {  	_ =	shalt  }

</sc_bundles>
